<compile_context>
chip_gen: v7x
topology: tpu7x:2x2x1
jax: 0.10.2.dev20260603
libtpu: 0.0.44.dev20260713+nightly
codegen_flags: <defaults>
</compile_context>

<pallas_src>
import functools

import jax
import jax.numpy as jnp
import numpy as np
from jax import lax
from jax.experimental import pallas as pl
from jax.experimental.pallas import tpu as pltpu
from jax.experimental.pallas import tpu_sc as plsc

_N_EXPERTS = 8
_N_ACTIVE = 5
_TEMPERATURE = float(np.e)
_N_TOKENS = 2048
_BC = 1024


def _scores_body(x_ref, gw_ref, gb_ref, s_ref):
    s = jnp.dot(x_ref[...], gw_ref[...], preferred_element_type=jnp.float32)
    s = (s + gb_ref[...]) / _TEMPERATURE
    s_ref[...] = s.T


def _gate_scores(x, gate_W, gate_b):
    n, d = x.shape
    return pl.pallas_call(
        _scores_body,
        out_shape=jax.ShapeDtypeStruct((_N_EXPERTS, n), jnp.float32),
    )(x, gate_W, gate_b.reshape(1, -1))


def _sc_gate_weights(scores_t):
    nc, ns = 2, 16
    nw = nc * ns
    toks = _N_TOKENS // nw
    groups = toks // 16
    mesh = plsc.VectorSubcoreMesh(core_axis_name="c", subcore_axis_name="s",
                                  num_cores=nc)

    @functools.partial(
        pl.kernel, mesh=mesh,
        out_type=jax.ShapeDtypeStruct((_N_EXPERTS * _N_TOKENS,), jnp.float32),
        scratch_types=[pltpu.VMEM((_N_EXPERTS * toks,), jnp.float32),
                       pltpu.VMEM((_N_EXPERTS * toks,), jnp.float32),
                       pltpu.SemaphoreType.DMA,
                       pltpu.SemaphoreType.DMA],
    )
    def k(s_hbm, w_hbm, sin, sout, sem_in, sem_out):
        wid = lax.axis_index("s") * nc + lax.axis_index("c")
        base = wid * toks
        copies = [pltpu.async_copy(
            s_hbm.at[pl.ds(e * _N_TOKENS + base, toks)],
            sin.at[pl.ds(e * toks, toks)], sem_in)
            for e in range(_N_EXPERTS)]
        for c in copies:
            c.wait()
        for g in range(groups):
            s = [sin[pl.ds(e * toks + g * 16, 16)]
                 for e in range(_N_EXPERTS)]
            m = s[0]
            for e in range(1, _N_EXPERTS):
                m = jnp.maximum(m, s[e])
            p = [jnp.exp(s[e] - m) for e in range(_N_EXPERTS)]
            tot = p[0]
            for e in range(1, _N_EXPERTS):
                tot = tot + p[e]
            p = [p[e] / tot for e in range(_N_EXPERTS)]
            one = jnp.full((16,), 1.0, jnp.float32)
            zero = jnp.full((16,), 0.0, jnp.float32)
            sel = [zero for _ in range(_N_EXPERTS)]
            pw = list(p)
            for _ in range(_N_ACTIVE):
                mx = pw[0]
                for e in range(1, _N_EXPERTS):
                    mx = jnp.maximum(mx, pw[e])
                taken = zero
                for e in range(_N_EXPERTS):
                    eq = jnp.where(pw[e] == mx, one, zero)
                    take = eq * (one - taken)
                    taken = taken + take
                    sel[e] = sel[e] + take
                    pw[e] = pw[e] * (one - take) - take
            w = [p[e] * sel[e] for e in range(_N_EXPERTS)]
            norm = w[0]
            for e in range(1, _N_EXPERTS):
                norm = norm + w[e]
            norm = norm + 1e-8
            for e in range(_N_EXPERTS):
                sout[pl.ds(e * toks + g * 16, 16)] = w[e] / norm
        out_copies = [pltpu.async_copy(
            sout.at[pl.ds(e * toks, toks)],
            w_hbm.at[pl.ds(e * _N_TOKENS + base, toks)], sem_out)
            for e in range(_N_EXPERTS)]
        for c in out_copies:
            c.wait()

    return k(scores_t.reshape(-1)).reshape(_N_EXPERTS, _N_TOKENS)


def _moe_body(x_ref, wts_t_ref, w1_ref, b1_ref, w2_ref, b2_ref,
              w3_ref, b3_ref, out_ref, wts_ref):
    e = pl.program_id(0)

    @pl.when(e == 0)
    def _detranspose():
        wts_ref[...] = wts_t_ref[...].T

    wfull = wts_ref[...]
    lane = jax.lax.broadcasted_iota(jnp.int32, wfull.shape, 1)
    w_all = jnp.sum(jnp.where(lane == e, wfull, 0.0), axis=-1,
                    keepdims=True)

    for c in range(_N_TOKENS // _BC):
        lo = c * _BC
        tok = slice(lo, lo + _BC)
        xb = x_ref[tok, :]
        h1 = jnp.dot(xb, w1_ref[0], preferred_element_type=jnp.float32)
        h1 = jnp.maximum(h1 + b1_ref[0], 0.0)
        h2 = jnp.dot(h1, w2_ref[0], preferred_element_type=jnp.float32)
        h2 = jnp.maximum(h2 + b2_ref[0], 0.0)
        o = jnp.dot(h2, w3_ref[0], preferred_element_type=jnp.float32)
        o = o + b3_ref[0]
        contrib = o * w_all[lo:lo + _BC, :]

        @pl.when(e == 0)
        def _init():
            out_ref[tok, :] = contrib

        @pl.when(e > 0)
        def _acc():
            out_ref[tok, :] += contrib


def _moe_mlp(x, wts_t, W1, b1, W2, b2, W3, b3):
    n, d = x.shape
    e, _, h = W1.shape
    o_dim = W3.shape[-1]
    return pl.pallas_call(
        _moe_body,
        grid=(e,),
        in_specs=[
            pl.BlockSpec((n, d), lambda ei: (0, 0)),
            pl.BlockSpec((_N_EXPERTS, n), lambda ei: (0, 0)),
            pl.BlockSpec((1, d, h), lambda ei: (ei, 0, 0)),
            pl.BlockSpec((1, 1, h), lambda ei: (ei, 0, 0)),
            pl.BlockSpec((1, h, h), lambda ei: (ei, 0, 0)),
            pl.BlockSpec((1, 1, h), lambda ei: (ei, 0, 0)),
            pl.BlockSpec((1, h, o_dim), lambda ei: (ei, 0, 0)),
            pl.BlockSpec((1, 1, o_dim), lambda ei: (ei, 0, 0)),
        ],
        out_specs=pl.BlockSpec((n, o_dim), lambda ei: (0, 0)),
        out_shape=jax.ShapeDtypeStruct((n, o_dim), jnp.float32),
        scratch_shapes=[pltpu.VMEM((n, _N_EXPERTS), jnp.float32)],
        compiler_params=pltpu.CompilerParams(
            dimension_semantics=("arbitrary",),
            vmem_limit_bytes=100 * 1024 * 1024),
    )(x, wts_t, W1, b1.reshape(e, 1, h), W2, b2.reshape(e, 1, h),
      W3, b3.reshape(e, 1, o_dim))


@jax.jit
def kernel(x, gate_W, gate_b, W1, b1, W2, b2, W3, b3):
    scores_t = _gate_scores(x, gate_W, gate_b)
    wts_t = _sc_gate_weights(scores_t)
    return _moe_mlp(x, wts_t, W1, b1, W2, b2, W3, b3)

# --- scband reference (transcript-rebuilt; emitter-appended) ---
"""Pipeline reference for scband-mo-e-25005299597538 (READ-ONLY COPY).

The authoritative reference and input builder live on the scoring server;
editing this copy changes nothing except your own understanding.
"""

import jax, jax.numpy as jnp
import numpy as np

INPUT_DIM = 1024
HIDDEN_DIM = 1024
OUTPUT_DIM = 1024
N_EXPERTS = 8
TEMPERATURE = float(np.e)
ACTIVE_RATIO = 0.7
N_ACTIVE = max(1, int(N_EXPERTS * ACTIVE_RATIO))  # 5
N_TOKENS = 2048


def setup_inputs(seed: int = 0) -> dict:
    key = jax.random.key(seed)
    ks = jax.random.split(key, 10)
    x = jax.random.normal(ks[0], (N_TOKENS, INPUT_DIM), dtype=jnp.float32)
    s_in = 1.0 / np.sqrt(INPUT_DIM)
    s_h = 1.0 / np.sqrt(HIDDEN_DIM)
    gate_W = jax.random.normal(ks[1], (INPUT_DIM, N_EXPERTS), dtype=jnp.float32) * s_in
    gate_b = jnp.zeros((N_EXPERTS,), dtype=jnp.float32)
    W1 = jax.random.normal(ks[2], (N_EXPERTS, INPUT_DIM, HIDDEN_DIM), dtype=jnp.float32) * s_in
    b1 = jnp.zeros((N_EXPERTS, HIDDEN_DIM), dtype=jnp.float32)
    W2 = jax.random.normal(ks[3], (N_EXPERTS, HIDDEN_DIM, HIDDEN_DIM), dtype=jnp.float32) * s_h
    b2 = jnp.zeros((N_EXPERTS, HIDDEN_DIM), dtype=jnp.float32)
    W3 = jax.random.normal(ks[4], (N_EXPERTS, HIDDEN_DIM, OUTPUT_DIM), dtype=jnp.float32) * s_h
    b3 = jnp.zeros((N_EXPERTS, OUTPUT_DIM), dtype=jnp.float32)
    return {"x": x, "gate_W": gate_W, "gate_b": gate_b,
            "W1": W1, "b1": b1, "W2": W2, "b2": b2, "W3": W3, "b3": b3}


def reference(x, gate_W, gate_b, W1, b1, W2, b2, W3, b3):
    # BoltzmannGate
    scores = (x @ gate_W + gate_b) / TEMPERATURE
    probs = jax.nn.softmax(scores, axis=-1)
    _, topk_idx = jax.lax.top_k(probs, N_ACTIVE)
    rows = jnp.arange(probs.shape[0])[:, None]
    mask = jnp.zeros_like(probs).at[rows, topk_idx].set(1.0)
    weights = probs * mask
    weights = weights / (weights.sum(axis=-1, keepdims=True) + 1e-08)
    # Experts (dropout is identity in eval mode)
    h1 = jax.nn.relu(jnp.einsum('nd,edh->enh', x, W1) + b1[:, None, :])
    h2 = jax.nn.relu(jnp.einsum('enh,ehg->eng', h1, W2) + b2[:, None, :])
    out = jnp.einsum('eng,ego->eno', h2, W3) + b3[:, None, :]  # [E, N, O]
    out = jnp.transpose(out, (1, 0, 2))  # [N, E, O]
    return (weights[..., None] * out).sum(axis=1)

if __name__ == "__main__":
    import jax
    _d = setup_inputs()
    print(jax.jit(kernel)(*tuple(_d.values())))

</pallas_src>

<mosaic_0001>
#map = affine_map<(d0, d1) -> (0)>
module attributes {stable_mosaic.version = 14 : i64} {
  func.func @k(%arg0: i32, %arg1: i32, %arg2: memref<16384xf32, #tpu.memory_space<hbm>>, %arg3: memref<16384xf32, #tpu.memory_space<hbm>>, %arg4: memref<512xf32, #tpu.memory_space<vmem>>, %arg5: memref<512xf32, #tpu.memory_space<vmem>>, %arg6: memref<!tpu.dma_semaphore, #tpu.memory_space<semaphore_mem>>, %arg7: memref<!tpu.dma_semaphore, #tpu.memory_space<semaphore_mem>>) attributes {dimension_semantics = [#tpu.dimension_semantics<core_parallel>, #tpu.dimension_semantics<subcore_parallel>], iteration_bounds = array<i64: 2, 16>, scalar_prefetch = 0 : i64, scratch_operands = 4 : i64, tpu.core_type = #tpu.core_type<sc_vector_subcore>, window_params = [{transform_indices = #map}, {transform_indices = #map}]} {
    %mul3A = arith.constant 2 : i32
    %mul3A_0 = arith.muli %arg1, %mul3A : i32
    %add3A = arith.addi %mul3A_0, %arg0 : i32
    %mul3A_1 = arith.constant 64 : i32
    %mul3A_2 = arith.muli %add3A, %mul3A_1 : i32
    %add3A_3 = arith.constant 0 : i32
    %add3A_4 = arith.addi %add3A_3, %mul3A_2 : i32
    %dma_start3A = arith.constant 0 : i32
    %dma_start3A_5 = tpu.memref_slice %arg4[%dma_start3A] : memref<512xf32, #tpu.memory_space<vmem>> -> memref<64xf32, #tpu.memory_space<vmem>>
    %dma_start3A_6 = tpu.memref_slice %arg2[%add3A_4] : memref<16384xf32, #tpu.memory_space<hbm>> -> memref<64xf32, #tpu.memory_space<hbm>>
    %dma_start3A_7 = arith.constant 0 : i32
    %dma_start3A_8 = tpu.memref_slice %arg4[%dma_start3A_7] : memref<512xf32, #tpu.memory_space<vmem>> -> memref<64xf32, #tpu.memory_space<vmem>>
    %dma_start3A_9 = tpu.memref_slice %arg2[%add3A_4] : memref<16384xf32, #tpu.memory_space<hbm>> -> memref<64xf32, #tpu.memory_space<hbm>>
    tpu.enqueue_dma source(%dma_start3A_9 : memref<64xf32, #tpu.memory_space<hbm>>) target(%dma_start3A_8 : memref<64xf32, #tpu.memory_space<vmem>>) target_semaphore(%arg6 : memref<!tpu.dma_semaphore, #tpu.memory_space<semaphore_mem>>)
    %add3A_10 = arith.constant 2048 : i32
    %add3A_11 = arith.addi %add3A_10, %mul3A_2 : i32
    %dma_start3A_12 = arith.constant 64 : i32
    %dma_start3A_13 = tpu.memref_slice %arg4[%dma_start3A_12] : memref<512xf32, #tpu.memory_space<vmem>> -> memref<64xf32, #tpu.memory_space<vmem>>
    %dma_start3A_14 = tpu.memref_slice %arg2[%add3A_11] : memref<16384xf32, #tpu.memory_space<hbm>> -> memref<64xf32, #tpu.memory_space<hbm>>
    %dma_start3A_15 = arith.constant 64 : i32
    %dma_start3A_16 = tpu.memref_slice %arg4[%dma_start3A_15] : memref<512xf32, #tpu.memory_space<vmem>> -> memref<64xf32, #tpu.memory_space<vmem>>
    %dma_start3A_17 = tpu.memref_slice %arg2[%add3A_11] : memref<16384xf32, #tpu.memory_space<hbm>> -> memref<64xf32, #tpu.memory_space<hbm>>
    tpu.enqueue_dma source(%dma_start3A_17 : memref<64xf32, #tpu.memory_space<hbm>>) target(%dma_start3A_16 : memref<64xf32, #tpu.memory_space<vmem>>) target_semaphore(%arg6 : memref<!tpu.dma_semaphore, #tpu.memory_space<semaphore_mem>>)
    %add3A_18 = arith.constant 4096 : i32
    %add3A_19 = arith.addi %add3A_18, %mul3A_2 : i32
    %dma_start3A_20 = arith.constant 128 : i32
    %dma_start3A_21 = tpu.memref_slice %arg4[%dma_start3A_20] : memref<512xf32, #tpu.memory_space<vmem>> -> memref<64xf32, #tpu.memory_space<vmem>>
    %dma_start3A_22 = tpu.memref_slice %arg2[%add3A_19] : memref<16384xf32, #tpu.memory_space<hbm>> -> memref<64xf32, #tpu.memory_space<hbm>>
    %dma_start3A_23 = arith.constant 128 : i32
    %dma_start3A_24 = tpu.memref_slice %arg4[%dma_start3A_23] : memref<512xf32, #tpu.memory_space<vmem>> -> memref<64xf32, #tpu.memory_space<vmem>>
    %dma_start3A_25 = tpu.memref_slice %arg2[%add3A_19] : memref<16384xf32, #tpu.memory_space<hbm>> -> memref<64xf32, #tpu.memory_space<hbm>>
    tpu.enqueue_dma source(%dma_start3A_25 : memref<64xf32, #tpu.memory_space<hbm>>) target(%dma_start3A_24 : memref<64xf32, #tpu.memory_space<vmem>>) target_semaphore(%arg6 : memref<!tpu.dma_semaphore, #tpu.memory_space<semaphore_mem>>)
    %add3A_26 = arith.constant 6144 : i32
    %add3A_27 = arith.addi %add3A_26, %mul3A_2 : i32
    %dma_start3A_28 = arith.constant 192 : i32
    %dma_start3A_29 = tpu.memref_slice %arg4[%dma_start3A_28] : memref<512xf32, #tpu.memory_space<vmem>> -> memref<64xf32, #tpu.memory_space<vmem>>
    %dma_start3A_30 = tpu.memref_slice %arg2[%add3A_27] : memref<16384xf32, #tpu.memory_space<hbm>> -> memref<64xf32, #tpu.memory_space<hbm>>
    %dma_start3A_31 = arith.constant 192 : i32
    %dma_start3A_32 = tpu.memref_slice %arg4[%dma_start3A_31] : memref<512xf32, #tpu.memory_space<vmem>> -> memref<64xf32, #tpu.memory_space<vmem>>
    %dma_start3A_33 = tpu.memref_slice %arg2[%add3A_27] : memref<16384xf32, #tpu.memory_space<hbm>> -> memref<64xf32, #tpu.memory_space<hbm>>
    tpu.enqueue_dma source(%dma_start3A_33 : memref<64xf32, #tpu.memory_space<hbm>>) target(%dma_start3A_32 : memref<64xf32, #tpu.memory_space<vmem>>) target_semaphore(%arg6 : memref<!tpu.dma_semaphore, #tpu.memory_space<semaphore_mem>>)
    %add3A_34 = arith.constant 8192 : i32
    %add3A_35 = arith.addi %add3A_34, %mul3A_2 : i32
    %dma_start3A_36 = arith.constant 256 : i32
    %dma_start3A_37 = tpu.memref_slice %arg4[%dma_start3A_36] : memref<512xf32, #tpu.memory_space<vmem>> -> memref<64xf32, #tpu.memory_space<vmem>>
    %dma_start3A_38 = tpu.memref_slice %arg2[%add3A_35] : memref<16384xf32, #tpu.memory_space<hbm>> -> memref<64xf32, #tpu.memory_space<hbm>>
    %dma_start3A_39 = arith.constant 256 : i32
    %dma_start3A_40 = tpu.memref_slice %arg4[%dma_start3A_39] : memref<512xf32, #tpu.memory_space<vmem>> -> memref<64xf32, #tpu.memory_space<vmem>>
    %dma_start3A_41 = tpu.memref_slice %arg2[%add3A_35] : memref<16384xf32, #tpu.memory_space<hbm>> -> memref<64xf32, #tpu.memory_space<hbm>>
    tpu.enqueue_dma source(%dma_start3A_41 : memref<64xf32, #tpu.memory_space<hbm>>) target(%dma_start3A_40 : memref<64xf32, #tpu.memory_space<vmem>>) target_semaphore(%arg6 : memref<!tpu.dma_semaphore, #tpu.memory_space<semaphore_mem>>)
    %add3A_42 = arith.constant 10240 : i32
    %add3A_43 = arith.addi %add3A_42, %mul3A_2 : i32
    %dma_start3A_44 = arith.constant 320 : i32
    %dma_start3A_45 = tpu.memref_slice %arg4[%dma_start3A_44] : memref<512xf32, #tpu.memory_space<vmem>> -> memref<64xf32, #tpu.memory_space<vmem>>
    %dma_start3A_46 = tpu.memref_slice %arg2[%add3A_43] : memref<16384xf32, #tpu.memory_space<hbm>> -> memref<64xf32, #tpu.memory_space<hbm>>
    %dma_start3A_47 = arith.constant 320 : i32
    %dma_start3A_48 = tpu.memref_slice %arg4[%dma_start3A_47] : memref<512xf32, #tpu.memory_space<vmem>> -> memref<64xf32, #tpu.memory_space<vmem>>
    %dma_start3A_49 = tpu.memref_slice %arg2[%add3A_43] : memref<16384xf32, #tpu.memory_space<hbm>> -> memref<64xf32, #tpu.memory_space<hbm>>
    tpu.enqueue_dma source(%dma_start3A_49 : memref<64xf32, #tpu.memory_space<hbm>>) target(%dma_start3A_48 : memref<64xf32, #tpu.memory_space<vmem>>) target_semaphore(%arg6 : memref<!tpu.dma_semaphore, #tpu.memory_space<semaphore_mem>>)
    %add3A_50 = arith.constant 12288 : i32
    %add3A_51 = arith.addi %add3A_50, %mul3A_2 : i32
    %dma_start3A_52 = arith.constant 384 : i32
    %dma_start3A_53 = tpu.memref_slice %arg4[%dma_start3A_52] : memref<512xf32, #tpu.memory_space<vmem>> -> memref<64xf32, #tpu.memory_space<vmem>>
    %dma_start3A_54 = tpu.memref_slice %arg2[%add3A_51] : memref<16384xf32, #tpu.memory_space<hbm>> -> memref<64xf32, #tpu.memory_space<hbm>>
    %dma_start3A_55 = arith.constant 384 : i32
    %dma_start3A_56 = tpu.memref_slice %arg4[%dma_start3A_55] : memref<512xf32, #tpu.memory_space<vmem>> -> memref<64xf32, #tpu.memory_space<vmem>>
    %dma_start3A_57 = tpu.memref_slice %arg2[%add3A_51] : memref<16384xf32, #tpu.memory_space<hbm>> -> memref<64xf32, #tpu.memory_space<hbm>>
    tpu.enqueue_dma source(%dma_start3A_57 : memref<64xf32, #tpu.memory_space<hbm>>) target(%dma_start3A_56 : memref<64xf32, #tpu.memory_space<vmem>>) target_semaphore(%arg6 : memref<!tpu.dma_semaphore, #tpu.memory_space<semaphore_mem>>)
    %add3A_58 = arith.constant 14336 : i32
    %add3A_59 = arith.addi %add3A_58, %mul3A_2 : i32
    %dma_start3A_60 = arith.constant 448 : i32
    %dma_start3A_61 = tpu.memref_slice %arg4[%dma_start3A_60] : memref<512xf32, #tpu.memory_space<vmem>> -> memref<64xf32, #tpu.memory_space<vmem>>
    %dma_start3A_62 = tpu.memref_slice %arg2[%add3A_59] : memref<16384xf32, #tpu.memory_space<hbm>> -> memref<64xf32, #tpu.memory_space<hbm>>
    %dma_start3A_63 = arith.constant 448 : i32
    %dma_start3A_64 = tpu.memref_slice %arg4[%dma_start3A_63] : memref<512xf32, #tpu.memory_space<vmem>> -> memref<64xf32, #tpu.memory_space<vmem>>
    %dma_start3A_65 = tpu.memref_slice %arg2[%add3A_59] : memref<16384xf32, #tpu.memory_space<hbm>> -> memref<64xf32, #tpu.memory_space<hbm>>
    tpu.enqueue_dma source(%dma_start3A_65 : memref<64xf32, #tpu.memory_space<hbm>>) target(%dma_start3A_64 : memref<64xf32, #tpu.memory_space<vmem>>) target_semaphore(%arg6 : memref<!tpu.dma_semaphore, #tpu.memory_space<semaphore_mem>>)
    %dma_wait3A = arith.constant 0 : i32
    %dma_wait3A_66 = tpu.memref_slice %arg4[%dma_wait3A] : memref<512xf32, #tpu.memory_space<vmem>> -> memref<64xf32, #tpu.memory_space<vmem>>
    %dma_wait3A_67 = tpu.memref_slice %arg2[%add3A_4] : memref<16384xf32, #tpu.memory_space<hbm>> -> memref<64xf32, #tpu.memory_space<hbm>>
    %dma_wait3A_68 = arith.constant 0 : i32
    %dma_wait3A_69 = tpu.memref_slice %arg4[%dma_wait3A_68] : memref<512xf32, #tpu.memory_space<vmem>> -> memref<64xf32, #tpu.memory_space<vmem>>
    %dma_wait3A_70 = tpu.memref_slice %arg2[%add3A_4] : memref<16384xf32, #tpu.memory_space<hbm>> -> memref<64xf32, #tpu.memory_space<hbm>>
    tpu.wait_dma2 semaphore(%arg6 : memref<!tpu.dma_semaphore, #tpu.memory_space<semaphore_mem>>) src(%dma_wait3A_70 : memref<64xf32, #tpu.memory_space<hbm>>) dst(%dma_wait3A_69 : memref<64xf32, #tpu.memory_space<vmem>>)
    %dma_wait3A_71 = arith.constant 64 : i32
    %dma_wait3A_72 = tpu.memref_slice %arg4[%dma_wait3A_71] : memref<512xf32, #tpu.memory_space<vmem>> -> memref<64xf32, #tpu.memory_space<vmem>>
    %dma_wait3A_73 = tpu.memref_slice %arg2[%add3A_11] : memref<16384xf32, #tpu.memory_space<hbm>> -> memref<64xf32, #tpu.memory_space<hbm>>
    %dma_wait3A_74 = arith.constant 64 : i32
    %dma_wait3A_75 = tpu.memref_slice %arg4[%dma_wait3A_74] : memref<512xf32, #tpu.memory_space<vmem>> -> memref<64xf32, #tpu.memory_space<vmem>>
    %dma_wait3A_76 = tpu.memref_slice %arg2[%add3A_11] : memref<16384xf32, #tpu.memory_space<hbm>> -> memref<64xf32, #tpu.memory_space<hbm>>
    tpu.wait_dma2 semaphore(%arg6 : memref<!tpu.dma_semaphore, #tpu.memory_space<semaphore_mem>>) src(%dma_wait3A_76 : memref<64xf32, #tpu.memory_space<hbm>>) dst(%dma_wait3A_75 : memref<64xf32, #tpu.memory_space<vmem>>)
    %dma_wait3A_77 = arith.constant 128 : i32
    %dma_wait3A_78 = tpu.memref_slice %arg4[%dma_wait3A_77] : memref<512xf32, #tpu.memory_space<vmem>> -> memref<64xf32, #tpu.memory_space<vmem>>
    %dma_wait3A_79 = tpu.memref_slice %arg2[%add3A_19] : memref<16384xf32, #tpu.memory_space<hbm>> -> memref<64xf32, #tpu.memory_space<hbm>>
    %dma_wait3A_80 = arith.constant 128 : i32
    %dma_wait3A_81 = tpu.memref_slice %arg4[%dma_wait3A_80] : memref<512xf32, #tpu.memory_space<vmem>> -> memref<64xf32, #tpu.memory_space<vmem>>
    %dma_wait3A_82 = tpu.memref_slice %arg2[%add3A_19] : memref<16384xf32, #tpu.memory_space<hbm>> -> memref<64xf32, #tpu.memory_space<hbm>>
    tpu.wait_dma2 semaphore(%arg6 : memref<!tpu.dma_semaphore, #tpu.memory_space<semaphore_mem>>) src(%dma_wait3A_82 : memref<64xf32, #tpu.memory_space<hbm>>) dst(%dma_wait3A_81 : memref<64xf32, #tpu.memory_space<vmem>>)
    %dma_wait3A_83 = arith.constant 192 : i32
    %dma_wait3A_84 = tpu.memref_slice %arg4[%dma_wait3A_83] : memref<512xf32, #tpu.memory_space<vmem>> -> memref<64xf32, #tpu.memory_space<vmem>>
    %dma_wait3A_85 = tpu.memref_slice %arg2[%add3A_27] : memref<16384xf32, #tpu.memory_space<hbm>> -> memref<64xf32, #tpu.memory_space<hbm>>
    %dma_wait3A_86 = arith.constant 192 : i32
    %dma_wait3A_87 = tpu.memref_slice %arg4[%dma_wait3A_86] : memref<512xf32, #tpu.memory_space<vmem>> -> memref<64xf32, #tpu.memory_space<vmem>>
    %dma_wait3A_88 = tpu.memref_slice %arg2[%add3A_27] : memref<16384xf32, #tpu.memory_space<hbm>> -> memref<64xf32, #tpu.memory_space<hbm>>
    tpu.wait_dma2 semaphore(%arg6 : memref<!tpu.dma_semaphore, #tpu.memory_space<semaphore_mem>>) src(%dma_wait3A_88 : memref<64xf32, #tpu.memory_space<hbm>>) dst(%dma_wait3A_87 : memref<64xf32, #tpu.memory_space<vmem>>)
    %dma_wait3A_89 = arith.constant 256 : i32
    %dma_wait3A_90 = tpu.memref_slice %arg4[%dma_wait3A_89] : memref<512xf32, #tpu.memory_space<vmem>> -> memref<64xf32, #tpu.memory_space<vmem>>
    %dma_wait3A_91 = tpu.memref_slice %arg2[%add3A_35] : memref<16384xf32, #tpu.memory_space<hbm>> -> memref<64xf32, #tpu.memory_space<hbm>>
    %dma_wait3A_92 = arith.constant 256 : i32
    %dma_wait3A_93 = tpu.memref_slice %arg4[%dma_wait3A_92] : memref<512xf32, #tpu.memory_space<vmem>> -> memref<64xf32, #tpu.memory_space<vmem>>
    %dma_wait3A_94 = tpu.memref_slice %arg2[%add3A_35] : memref<16384xf32, #tpu.memory_space<hbm>> -> memref<64xf32, #tpu.memory_space<hbm>>
    tpu.wait_dma2 semaphore(%arg6 : memref<!tpu.dma_semaphore, #tpu.memory_space<semaphore_mem>>) src(%dma_wait3A_94 : memref<64xf32, #tpu.memory_space<hbm>>) dst(%dma_wait3A_93 : memref<64xf32, #tpu.memory_space<vmem>>)
    %dma_wait3A_95 = arith.constant 320 : i32
    %dma_wait3A_96 = tpu.memref_slice %arg4[%dma_wait3A_95] : memref<512xf32, #tpu.memory_space<vmem>> -> memref<64xf32, #tpu.memory_space<vmem>>
    %dma_wait3A_97 = tpu.memref_slice %arg2[%add3A_43] : memref<16384xf32, #tpu.memory_space<hbm>> -> memref<64xf32, #tpu.memory_space<hbm>>
    %dma_wait3A_98 = arith.constant 320 : i32
    %dma_wait3A_99 = tpu.memref_slice %arg4[%dma_wait3A_98] : memref<512xf32, #tpu.memory_space<vmem>> -> memref<64xf32, #tpu.memory_space<vmem>>
    %dma_wait3A_100 = tpu.memref_slice %arg2[%add3A_43] : memref<16384xf32, #tpu.memory_space<hbm>> -> memref<64xf32, #tpu.memory_space<hbm>>
    tpu.wait_dma2 semaphore(%arg6 : memref<!tpu.dma_semaphore, #tpu.memory_space<semaphore_mem>>) src(%dma_wait3A_100 : memref<64xf32, #tpu.memory_space<hbm>>) dst(%dma_wait3A_99 : memref<64xf32, #tpu.memory_space<vmem>>)
    %dma_wait3A_101 = arith.constant 384 : i32
    %dma_wait3A_102 = tpu.memref_slice %arg4[%dma_wait3A_101] : memref<512xf32, #tpu.memory_space<vmem>> -> memref<64xf32, #tpu.memory_space<vmem>>
    %dma_wait3A_103 = tpu.memref_slice %arg2[%add3A_51] : memref<16384xf32, #tpu.memory_space<hbm>> -> memref<64xf32, #tpu.memory_space<hbm>>
    %dma_wait3A_104 = arith.constant 384 : i32
    %dma_wait3A_105 = tpu.memref_slice %arg4[%dma_wait3A_104] : memref<512xf32, #tpu.memory_space<vmem>> -> memref<64xf32, #tpu.memory_space<vmem>>
    %dma_wait3A_106 = tpu.memref_slice %arg2[%add3A_51] : memref<16384xf32, #tpu.memory_space<hbm>> -> memref<64xf32, #tpu.memory_space<hbm>>
    tpu.wait_dma2 semaphore(%arg6 : memref<!tpu.dma_semaphore, #tpu.memory_space<semaphore_mem>>) src(%dma_wait3A_106 : memref<64xf32, #tpu.memory_space<hbm>>) dst(%dma_wait3A_105 : memref<64xf32, #tpu.memory_space<vmem>>)
    %dma_wait3A_107 = arith.constant 448 : i32
    %dma_wait3A_108 = tpu.memref_slice %arg4[%dma_wait3A_107] : memref<512xf32, #tpu.memory_space<vmem>> -> memref<64xf32, #tpu.memory_space<vmem>>
    %dma_wait3A_109 = tpu.memref_slice %arg2[%add3A_59] : memref<16384xf32, #tpu.memory_space<hbm>> -> memref<64xf32, #tpu.memory_space<hbm>>
    %dma_wait3A_110 = arith.constant 448 : i32
    %dma_wait3A_111 = tpu.memref_slice %arg4[%dma_wait3A_110] : memref<512xf32, #tpu.memory_space<vmem>> -> memref<64xf32, #tpu.memory_space<vmem>>
    %dma_wait3A_112 = tpu.memref_slice %arg2[%add3A_59] : memref<16384xf32, #tpu.memory_space<hbm>> -> memref<64xf32, #tpu.memory_space<hbm>>
    tpu.wait_dma2 semaphore(%arg6 : memref<!tpu.dma_semaphore, #tpu.memory_space<semaphore_mem>>) src(%dma_wait3A_112 : memref<64xf32, #tpu.memory_space<hbm>>) dst(%dma_wait3A_111 : memref<64xf32, #tpu.memory_space<vmem>>)
    %get3A = arith.constant 0 : index
    %get3A_113 = tpu.vector_load %arg4[%get3A] {strides = array<i32>} : memref<512xf32, #tpu.memory_space<vmem>>, vector<16xf32>,
    %get3A_114 = vector.shape_cast %get3A_113 : vector<16xf32> to vector<16xf32>
    %get3A_115 = arith.constant 64 : index
    %get3A_116 = tpu.vector_load %arg4[%get3A_115] {strides = array<i32>} : memref<512xf32, #tpu.memory_space<vmem>>, vector<16xf32>,
    %get3A_117 = vector.shape_cast %get3A_116 : vector<16xf32> to vector<16xf32>
    %get3A_118 = arith.constant 128 : index
    %get3A_119 = tpu.vector_load %arg4[%get3A_118] {strides = array<i32>} : memref<512xf32, #tpu.memory_space<vmem>>, vector<16xf32>,
    %get3A_120 = vector.shape_cast %get3A_119 : vector<16xf32> to vector<16xf32>
    %get3A_121 = arith.constant 192 : index
    %get3A_122 = tpu.vector_load %arg4[%get3A_121] {strides = array<i32>} : memref<512xf32, #tpu.memory_space<vmem>>, vector<16xf32>,
    %get3A_123 = vector.shape_cast %get3A_122 : vector<16xf32> to vector<16xf32>
    %get3A_124 = arith.constant 256 : index
    %get3A_125 = tpu.vector_load %arg4[%get3A_124] {strides = array<i32>} : memref<512xf32, #tpu.memory_space<vmem>>, vector<16xf32>,
    %get3A_126 = vector.shape_cast %get3A_125 : vector<16xf32> to vector<16xf32>
    %get3A_127 = arith.constant 320 : index
    %get3A_128 = tpu.vector_load %arg4[%get3A_127] {strides = array<i32>} : memref<512xf32, #tpu.memory_space<vmem>>, vector<16xf32>,
    %get3A_129 = vector.shape_cast %get3A_128 : vector<16xf32> to vector<16xf32>
    %get3A_130 = arith.constant 384 : index
    %get3A_131 = tpu.vector_load %arg4[%get3A_130] {strides = array<i32>} : memref<512xf32, #tpu.memory_space<vmem>>, vector<16xf32>,
    %get3A_132 = vector.shape_cast %get3A_131 : vector<16xf32> to vector<16xf32>
    %get3A_133 = arith.constant 448 : index
    %get3A_134 = tpu.vector_load %arg4[%get3A_133] {strides = array<i32>} : memref<512xf32, #tpu.memory_space<vmem>>, vector<16xf32>,
    %get3A_135 = vector.shape_cast %get3A_134 : vector<16xf32> to vector<16xf32>
    %max3A = arith.maximumf %get3A_114, %get3A_117 : vector<16xf32>
    %max3A_136 = arith.maximumf %max3A, %get3A_120 : vector<16xf32>
    %max3A_137 = arith.maximumf %max3A_136, %get3A_123 : vector<16xf32>
    %max3A_138 = arith.maximumf %max3A_137, %get3A_126 : vector<16xf32>
    %max3A_139 = arith.maximumf %max3A_138, %get3A_129 : vector<16xf32>
    %max3A_140 = arith.maximumf %max3A_139, %get3A_132 : vector<16xf32>
    %max3A_141 = arith.maximumf %max3A_140, %get3A_135 : vector<16xf32>
    %sub3A = arith.subf %get3A_114, %max3A_141 : vector<16xf32>
    %exp3A = math.exp %sub3A : vector<16xf32>
    %sub3A_142 = arith.subf %get3A_117, %max3A_141 : vector<16xf32>
    %exp3A_143 = math.exp %sub3A_142 : vector<16xf32>
    %sub3A_144 = arith.subf %get3A_120, %max3A_141 : vector<16xf32>
    %exp3A_145 = math.exp %sub3A_144 : vector<16xf32>
    %sub3A_146 = arith.subf %get3A_123, %max3A_141 : vector<16xf32>
    %exp3A_147 = math.exp %sub3A_146 : vector<16xf32>
    %sub3A_148 = arith.subf %get3A_126, %max3A_141 : vector<16xf32>
    %exp3A_149 = math.exp %sub3A_148 : vector<16xf32>
    %sub3A_150 = arith.subf %get3A_129, %max3A_141 : vector<16xf32>
    %exp3A_151 = math.exp %sub3A_150 : vector<16xf32>
    %sub3A_152 = arith.subf %get3A_132, %max3A_141 : vector<16xf32>
    %exp3A_153 = math.exp %sub3A_152 : vector<16xf32>
    %sub3A_154 = arith.subf %get3A_135, %max3A_141 : vector<16xf32>
    %exp3A_155 = math.exp %sub3A_154 : vector<16xf32>
    %add3A_156 = arith.addf %exp3A, %exp3A_143 : vector<16xf32>
    %add3A_157 = arith.addf %add3A_156, %exp3A_145 : vector<16xf32>
    %add3A_158 = arith.addf %add3A_157, %exp3A_147 : vector<16xf32>
    %add3A_159 = arith.addf %add3A_158, %exp3A_149 : vector<16xf32>
    %add3A_160 = arith.addf %add3A_159, %exp3A_151 : vector<16xf32>
    %add3A_161 = arith.addf %add3A_160, %exp3A_153 : vector<16xf32>
    %add3A_162 = arith.addf %add3A_161, %exp3A_155 : vector<16xf32>
    %div3A = arith.divf %exp3A, %add3A_162 : vector<16xf32>
    %div3A_163 = arith.divf %exp3A_143, %add3A_162 : vector<16xf32>
    %div3A_164 = arith.divf %exp3A_145, %add3A_162 : vector<16xf32>
    %div3A_165 = arith.divf %exp3A_147, %add3A_162 : vector<16xf32>
    %div3A_166 = arith.divf %exp3A_149, %add3A_162 : vector<16xf32>
    %div3A_167 = arith.divf %exp3A_151, %add3A_162 : vector<16xf32>
    %div3A_168 = arith.divf %exp3A_153, %add3A_162 : vector<16xf32>
    %div3A_169 = arith.divf %exp3A_155, %add3A_162 : vector<16xf32>
    %broadcast_in_dim3A = arith.constant 1.000000e+00 : f32
    %broadcast_in_dim3A_170 = vector.broadcast %broadcast_in_dim3A : f32 to vector<16xf32>
    %broadcast_in_dim3A_171 = arith.constant 0.000000e+00 : f32
    %broadcast_in_dim3A_172 = vector.broadcast %broadcast_in_dim3A_171 : f32 to vector<16xf32>
    %max3A_173 = arith.maximumf %div3A, %div3A_163 : vector<16xf32>
    %max3A_174 = arith.maximumf %max3A_173, %div3A_164 : vector<16xf32>
    %max3A_175 = arith.maximumf %max3A_174, %div3A_165 : vector<16xf32>
    %max3A_176 = arith.maximumf %max3A_175, %div3A_166 : vector<16xf32>
    %max3A_177 = arith.maximumf %max3A_176, %div3A_167 : vector<16xf32>
    %max3A_178 = arith.maximumf %max3A_177, %div3A_168 : vector<16xf32>
    %max3A_179 = arith.maximumf %max3A_178, %div3A_169 : vector<16xf32>
    %eq3A = arith.cmpf oeq, %div3A, %max3A_179 : vector<16xf32>
    %select_n3A = arith.select %eq3A, %broadcast_in_dim3A_170, %broadcast_in_dim3A_172 : vector<16xi1>, vector<16xf32>
    %sub3A_180 = arith.subf %broadcast_in_dim3A_170, %broadcast_in_dim3A_172 : vector<16xf32>
    %mul3A_181 = arith.mulf %select_n3A, %sub3A_180 : vector<16xf32>
    %add3A_182 = arith.addf %broadcast_in_dim3A_172, %mul3A_181 : vector<16xf32>
    %add3A_183 = arith.addf %broadcast_in_dim3A_172, %mul3A_181 : vector<16xf32>
    %sub3A_184 = arith.subf %broadcast_in_dim3A_170, %mul3A_181 : vector<16xf32>
    %mul3A_185 = arith.mulf %div3A, %sub3A_184 : vector<16xf32>
    %sub3A_186 = arith.subf %mul3A_185, %mul3A_181 : vector<16xf32>
    %eq3A_187 = arith.cmpf oeq, %div3A_163, %max3A_179 : vector<16xf32>
    %select_n3A_188 = arith.select %eq3A_187, %broadcast_in_dim3A_170, %broadcast_in_dim3A_172 : vector<16xi1>, vector<16xf32>
    %sub3A_189 = arith.subf %broadcast_in_dim3A_170, %add3A_182 : vector<16xf32>
    %mul3A_190 = arith.mulf %select_n3A_188, %sub3A_189 : vector<16xf32>
    %add3A_191 = arith.addf %add3A_182, %mul3A_190 : vector<16xf32>
    %add3A_192 = arith.addf %broadcast_in_dim3A_172, %mul3A_190 : vector<16xf32>
    %sub3A_193 = arith.subf %broadcast_in_dim3A_170, %mul3A_190 : vector<16xf32>
    %mul3A_194 = arith.mulf %div3A_163, %sub3A_193 : vector<16xf32>
    %sub3A_195 = arith.subf %mul3A_194, %mul3A_190 : vector<16xf32>
    %eq3A_196 = arith.cmpf oeq, %div3A_164, %max3A_179 : vector<16xf32>
    %select_n3A_197 = arith.select %eq3A_196, %broadcast_in_dim3A_170, %broadcast_in_dim3A_172 : vector<16xi1>, vector<16xf32>
    %sub3A_198 = arith.subf %broadcast_in_dim3A_170, %add3A_191 : vector<16xf32>
    %mul3A_199 = arith.mulf %select_n3A_197, %sub3A_198 : vector<16xf32>
    %add3A_200 = arith.addf %add3A_191, %mul3A_199 : vector<16xf32>
    %add3A_201 = arith.addf %broadcast_in_dim3A_172, %mul3A_199 : vector<16xf32>
    %sub3A_202 = arith.subf %broadcast_in_dim3A_170, %mul3A_199 : vector<16xf32>
    %mul3A_203 = arith.mulf %div3A_164, %sub3A_202 : vector<16xf32>
    %sub3A_204 = arith.subf %mul3A_203, %mul3A_199 : vector<16xf32>
    %eq3A_205 = arith.cmpf oeq, %div3A_165, %max3A_179 : vector<16xf32>
    %select_n3A_206 = arith.select %eq3A_205, %broadcast_in_dim3A_170, %broadcast_in_dim3A_172 : vector<16xi1>, vector<16xf32>
    %sub3A_207 = arith.subf %broadcast_in_dim3A_170, %add3A_200 : vector<16xf32>
    %mul3A_208 = arith.mulf %select_n3A_206, %sub3A_207 : vector<16xf32>
    %add3A_209 = arith.addf %add3A_200, %mul3A_208 : vector<16xf32>
    %add3A_210 = arith.addf %broadcast_in_dim3A_172, %mul3A_208 : vector<16xf32>
    %sub3A_211 = arith.subf %broadcast_in_dim3A_170, %mul3A_208 : vector<16xf32>
    %mul3A_212 = arith.mulf %div3A_165, %sub3A_211 : vector<16xf32>
    %sub3A_213 = arith.subf %mul3A_212, %mul3A_208 : vector<16xf32>
    %eq3A_214 = arith.cmpf oeq, %div3A_166, %max3A_179 : vector<16xf32>
    %select_n3A_215 = arith.select %eq3A_214, %broadcast_in_dim3A_170, %broadcast_in_dim3A_172 : vector<16xi1>, vector<16xf32>
    %sub3A_216 = arith.subf %broadcast_in_dim3A_170, %add3A_209 : vector<16xf32>
    %mul3A_217 = arith.mulf %select_n3A_215, %sub3A_216 : vector<16xf32>
    %add3A_218 = arith.addf %add3A_209, %mul3A_217 : vector<16xf32>
    %add3A_219 = arith.addf %broadcast_in_dim3A_172, %mul3A_217 : vector<16xf32>
    %sub3A_220 = arith.subf %broadcast_in_dim3A_170, %mul3A_217 : vector<16xf32>
    %mul3A_221 = arith.mulf %div3A_166, %sub3A_220 : vector<16xf32>
    %sub3A_222 = arith.subf %mul3A_221, %mul3A_217 : vector<16xf32>
    %eq3A_223 = arith.cmpf oeq, %div3A_167, %max3A_179 : vector<16xf32>
    %select_n3A_224 = arith.select %eq3A_223, %broadcast_in_dim3A_170, %broadcast_in_dim3A_172 : vector<16xi1>, vector<16xf32>
    %sub3A_225 = arith.subf %broadcast_in_dim3A_170, %add3A_218 : vector<16xf32>
    %mul3A_226 = arith.mulf %select_n3A_224, %sub3A_225 : vector<16xf32>
    %add3A_227 = arith.addf %add3A_218, %mul3A_226 : vector<16xf32>
    %add3A_228 = arith.addf %broadcast_in_dim3A_172, %mul3A_226 : vector<16xf32>
    %sub3A_229 = arith.subf %broadcast_in_dim3A_170, %mul3A_226 : vector<16xf32>
    %mul3A_230 = arith.mulf %div3A_167, %sub3A_229 : vector<16xf32>
    %sub3A_231 = arith.subf %mul3A_230, %mul3A_226 : vector<16xf32>
    %eq3A_232 = arith.cmpf oeq, %div3A_168, %max3A_179 : vector<16xf32>
    %select_n3A_233 = arith.select %eq3A_232, %broadcast_in_dim3A_170, %broadcast_in_dim3A_172 : vector<16xi1>, vector<16xf32>
    %sub3A_234 = arith.subf %broadcast_in_dim3A_170, %add3A_227 : vector<16xf32>
    %mul3A_235 = arith.mulf %select_n3A_233, %sub3A_234 : vector<16xf32>
    %add3A_236 = arith.addf %add3A_227, %mul3A_235 : vector<16xf32>
    %add3A_237 = arith.addf %broadcast_in_dim3A_172, %mul3A_235 : vector<16xf32>
    %sub3A_238 = arith.subf %broadcast_in_dim3A_170, %mul3A_235 : vector<16xf32>
    %mul3A_239 = arith.mulf %div3A_168, %sub3A_238 : vector<16xf32>
    %sub3A_240 = arith.subf %mul3A_239, %mul3A_235 : vector<16xf32>
    %eq3A_241 = arith.cmpf oeq, %div3A_169, %max3A_179 : vector<16xf32>
    %select_n3A_242 = arith.select %eq3A_241, %broadcast_in_dim3A_170, %broadcast_in_dim3A_172 : vector<16xi1>, vector<16xf32>
    %sub3A_243 = arith.subf %broadcast_in_dim3A_170, %add3A_236 : vector<16xf32>
    %mul3A_244 = arith.mulf %select_n3A_242, %sub3A_243 : vector<16xf32>
    %add3A_245 = arith.addf %add3A_236, %mul3A_244 : vector<16xf32>
    %add3A_246 = arith.addf %broadcast_in_dim3A_172, %mul3A_244 : vector<16xf32>
    %sub3A_247 = arith.subf %broadcast_in_dim3A_170, %mul3A_244 : vector<16xf32>
    %mul3A_248 = arith.mulf %div3A_169, %sub3A_247 : vector<16xf32>
    %sub3A_249 = arith.subf %mul3A_248, %mul3A_244 : vector<16xf32>
    %max3A_250 = arith.maximumf %sub3A_186, %sub3A_195 : vector<16xf32>
    %max3A_251 = arith.maximumf %max3A_250, %sub3A_204 : vector<16xf32>
    %max3A_252 = arith.maximumf %max3A_251, %sub3A_213 : vector<16xf32>
    %max3A_253 = arith.maximumf %max3A_252, %sub3A_222 : vector<16xf32>
    %max3A_254 = arith.maximumf %max3A_253, %sub3A_231 : vector<16xf32>
    %max3A_255 = arith.maximumf %max3A_254, %sub3A_240 : vector<16xf32>
    %max3A_256 = arith.maximumf %max3A_255, %sub3A_249 : vector<16xf32>
    %eq3A_257 = arith.cmpf oeq, %sub3A_186, %max3A_256 : vector<16xf32>
    %select_n3A_258 = arith.select %eq3A_257, %broadcast_in_dim3A_170, %broadcast_in_dim3A_172 : vector<16xi1>, vector<16xf32>
    %sub3A_259 = arith.subf %broadcast_in_dim3A_170, %broadcast_in_dim3A_172 : vector<16xf32>
    %mul3A_260 = arith.mulf %select_n3A_258, %sub3A_259 : vector<16xf32>
    %add3A_261 = arith.addf %broadcast_in_dim3A_172, %mul3A_260 : vector<16xf32>
    %add3A_262 = arith.addf %add3A_183, %mul3A_260 : vector<16xf32>
    %sub3A_263 = arith.subf %broadcast_in_dim3A_170, %mul3A_260 : vector<16xf32>
    %mul3A_264 = arith.mulf %sub3A_186, %sub3A_263 : vector<16xf32>
    %sub3A_265 = arith.subf %mul3A_264, %mul3A_260 : vector<16xf32>
    %eq3A_266 = arith.cmpf oeq, %sub3A_195, %max3A_256 : vector<16xf32>
    %select_n3A_267 = arith.select %eq3A_266, %broadcast_in_dim3A_170, %broadcast_in_dim3A_172 : vector<16xi1>, vector<16xf32>
    %sub3A_268 = arith.subf %broadcast_in_dim3A_170, %add3A_261 : vector<16xf32>
    %mul3A_269 = arith.mulf %select_n3A_267, %sub3A_268 : vector<16xf32>
    %add3A_270 = arith.addf %add3A_261, %mul3A_269 : vector<16xf32>
    %add3A_271 = arith.addf %add3A_192, %mul3A_269 : vector<16xf32>
    %sub3A_272 = arith.subf %broadcast_in_dim3A_170, %mul3A_269 : vector<16xf32>
    %mul3A_273 = arith.mulf %sub3A_195, %sub3A_272 : vector<16xf32>
    %sub3A_274 = arith.subf %mul3A_273, %mul3A_269 : vector<16xf32>
    %eq3A_275 = arith.cmpf oeq, %sub3A_204, %max3A_256 : vector<16xf32>
    %select_n3A_276 = arith.select %eq3A_275, %broadcast_in_dim3A_170, %broadcast_in_dim3A_172 : vector<16xi1>, vector<16xf32>
    %sub3A_277 = arith.subf %broadcast_in_dim3A_170, %add3A_270 : vector<16xf32>
    %mul3A_278 = arith.mulf %select_n3A_276, %sub3A_277 : vector<16xf32>
    %add3A_279 = arith.addf %add3A_270, %mul3A_278 : vector<16xf32>
    %add3A_280 = arith.addf %add3A_201, %mul3A_278 : vector<16xf32>
    %sub3A_281 = arith.subf %broadcast_in_dim3A_170, %mul3A_278 : vector<16xf32>
    %mul3A_282 = arith.mulf %sub3A_204, %sub3A_281 : vector<16xf32>
    %sub3A_283 = arith.subf %mul3A_282, %mul3A_278 : vector<16xf32>
    %eq3A_284 = arith.cmpf oeq, %sub3A_213, %max3A_256 : vector<16xf32>
    %select_n3A_285 = arith.select %eq3A_284, %broadcast_in_dim3A_170, %broadcast_in_dim3A_172 : vector<16xi1>, vector<16xf32>
    %sub3A_286 = arith.subf %broadcast_in_dim3A_170, %add3A_279 : vector<16xf32>
    %mul3A_287 = arith.mulf %select_n3A_285, %sub3A_286 : vector<16xf32>
    %add3A_288 = arith.addf %add3A_279, %mul3A_287 : vector<16xf32>
    %add3A_289 = arith.addf %add3A_210, %mul3A_287 : vector<16xf32>
    %sub3A_290 = arith.subf %broadcast_in_dim3A_170, %mul3A_287 : vector<16xf32>
    %mul3A_291 = arith.mulf %sub3A_213, %sub3A_290 : vector<16xf32>
    %sub3A_292 = arith.subf %mul3A_291, %mul3A_287 : vector<16xf32>
    %eq3A_293 = arith.cmpf oeq, %sub3A_222, %max3A_256 : vector<16xf32>
    %select_n3A_294 = arith.select %eq3A_293, %broadcast_in_dim3A_170, %broadcast_in_dim3A_172 : vector<16xi1>, vector<16xf32>
    %sub3A_295 = arith.subf %broadcast_in_dim3A_170, %add3A_288 : vector<16xf32>
    %mul3A_296 = arith.mulf %select_n3A_294, %sub3A_295 : vector<16xf32>
    %add3A_297 = arith.addf %add3A_288, %mul3A_296 : vector<16xf32>
    %add3A_298 = arith.addf %add3A_219, %mul3A_296 : vector<16xf32>
    %sub3A_299 = arith.subf %broadcast_in_dim3A_170, %mul3A_296 : vector<16xf32>
    %mul3A_300 = arith.mulf %sub3A_222, %sub3A_299 : vector<16xf32>
    %sub3A_301 = arith.subf %mul3A_300, %mul3A_296 : vector<16xf32>
    %eq3A_302 = arith.cmpf oeq, %sub3A_231, %max3A_256 : vector<16xf32>
    %select_n3A_303 = arith.select %eq3A_302, %broadcast_in_dim3A_170, %broadcast_in_dim3A_172 : vector<16xi1>, vector<16xf32>
    %sub3A_304 = arith.subf %broadcast_in_dim3A_170, %add3A_297 : vector<16xf32>
    %mul3A_305 = arith.mulf %select_n3A_303, %sub3A_304 : vector<16xf32>
    %add3A_306 = arith.addf %add3A_297, %mul3A_305 : vector<16xf32>
    %add3A_307 = arith.addf %add3A_228, %mul3A_305 : vector<16xf32>
    %sub3A_308 = arith.subf %broadcast_in_dim3A_170, %mul3A_305 : vector<16xf32>
    %mul3A_309 = arith.mulf %sub3A_231, %sub3A_308 : vector<16xf32>
    %sub3A_310 = arith.subf %mul3A_309, %mul3A_305 : vector<16xf32>
    %eq3A_311 = arith.cmpf oeq, %sub3A_240, %max3A_256 : vector<16xf32>
    %select_n3A_312 = arith.select %eq3A_311, %broadcast_in_dim3A_170, %broadcast_in_dim3A_172 : vector<16xi1>, vector<16xf32>
    %sub3A_313 = arith.subf %broadcast_in_dim3A_170, %add3A_306 : vector<16xf32>
    %mul3A_314 = arith.mulf %select_n3A_312, %sub3A_313 : vector<16xf32>
    %add3A_315 = arith.addf %add3A_306, %mul3A_314 : vector<16xf32>
    %add3A_316 = arith.addf %add3A_237, %mul3A_314 : vector<16xf32>
    %sub3A_317 = arith.subf %broadcast_in_dim3A_170, %mul3A_314 : vector<16xf32>
    %mul3A_318 = arith.mulf %sub3A_240, %sub3A_317 : vector<16xf32>
    %sub3A_319 = arith.subf %mul3A_318, %mul3A_314 : vector<16xf32>
    %eq3A_320 = arith.cmpf oeq, %sub3A_249, %max3A_256 : vector<16xf32>
    %select_n3A_321 = arith.select %eq3A_320, %broadcast_in_dim3A_170, %broadcast_in_dim3A_172 : vector<16xi1>, vector<16xf32>
    %sub3A_322 = arith.subf %broadcast_in_dim3A_170, %add3A_315 : vector<16xf32>
    %mul3A_323 = arith.mulf %select_n3A_321, %sub3A_322 : vector<16xf32>
    %add3A_324 = arith.addf %add3A_315, %mul3A_323 : vector<16xf32>
    %add3A_325 = arith.addf %add3A_246, %mul3A_323 : vector<16xf32>
    %sub3A_326 = arith.subf %broadcast_in_dim3A_170, %mul3A_323 : vector<16xf32>
    %mul3A_327 = arith.mulf %sub3A_249, %sub3A_326 : vector<16xf32>
    %sub3A_328 = arith.subf %mul3A_327, %mul3A_323 : vector<16xf32>
    %max3A_329 = arith.maximumf %sub3A_265, %sub3A_274 : vector<16xf32>
    %max3A_330 = arith.maximumf %max3A_329, %sub3A_283 : vector<16xf32>
    %max3A_331 = arith.maximumf %max3A_330, %sub3A_292 : vector<16xf32>
    %max3A_332 = arith.maximumf %max3A_331, %sub3A_301 : vector<16xf32>
    %max3A_333 = arith.maximumf %max3A_332, %sub3A_310 : vector<16xf32>
    %max3A_334 = arith.maximumf %max3A_333, %sub3A_319 : vector<16xf32>
    %max3A_335 = arith.maximumf %max3A_334, %sub3A_328 : vector<16xf32>
    %eq3A_336 = arith.cmpf oeq, %sub3A_265, %max3A_335 : vector<16xf32>
    %select_n3A_337 = arith.select %eq3A_336, %broadcast_in_dim3A_170, %broadcast_in_dim3A_172 : vector<16xi1>, vector<16xf32>
    %sub3A_338 = arith.subf %broadcast_in_dim3A_170, %broadcast_in_dim3A_172 : vector<16xf32>
    %mul3A_339 = arith.mulf %select_n3A_337, %sub3A_338 : vector<16xf32>
    %add3A_340 = arith.addf %broadcast_in_dim3A_172, %mul3A_339 : vector<16xf32>
    %add3A_341 = arith.addf %add3A_262, %mul3A_339 : vector<16xf32>
    %sub3A_342 = arith.subf %broadcast_in_dim3A_170, %mul3A_339 : vector<16xf32>
    %mul3A_343 = arith.mulf %sub3A_265, %sub3A_342 : vector<16xf32>
    %sub3A_344 = arith.subf %mul3A_343, %mul3A_339 : vector<16xf32>
    %eq3A_345 = arith.cmpf oeq, %sub3A_274, %max3A_335 : vector<16xf32>
    %select_n3A_346 = arith.select %eq3A_345, %broadcast_in_dim3A_170, %broadcast_in_dim3A_172 : vector<16xi1>, vector<16xf32>
    %sub3A_347 = arith.subf %broadcast_in_dim3A_170, %add3A_340 : vector<16xf32>
    %mul3A_348 = arith.mulf %select_n3A_346, %sub3A_347 : vector<16xf32>
    %add3A_349 = arith.addf %add3A_340, %mul3A_348 : vector<16xf32>
    %add3A_350 = arith.addf %add3A_271, %mul3A_348 : vector<16xf32>
    %sub3A_351 = arith.subf %broadcast_in_dim3A_170, %mul3A_348 : vector<16xf32>
    %mul3A_352 = arith.mulf %sub3A_274, %sub3A_351 : vector<16xf32>
    %sub3A_353 = arith.subf %mul3A_352, %mul3A_348 : vector<16xf32>
    %eq3A_354 = arith.cmpf oeq, %sub3A_283, %max3A_335 : vector<16xf32>
    %select_n3A_355 = arith.select %eq3A_354, %broadcast_in_dim3A_170, %broadcast_in_dim3A_172 : vector<16xi1>, vector<16xf32>
    %sub3A_356 = arith.subf %broadcast_in_dim3A_170, %add3A_349 : vector<16xf32>
    %mul3A_357 = arith.mulf %select_n3A_355, %sub3A_356 : vector<16xf32>
    %add3A_358 = arith.addf %add3A_349, %mul3A_357 : vector<16xf32>
    %add3A_359 = arith.addf %add3A_280, %mul3A_357 : vector<16xf32>
    %sub3A_360 = arith.subf %broadcast_in_dim3A_170, %mul3A_357 : vector<16xf32>
    %mul3A_361 = arith.mulf %sub3A_283, %sub3A_360 : vector<16xf32>
    %sub3A_362 = arith.subf %mul3A_361, %mul3A_357 : vector<16xf32>
    %eq3A_363 = arith.cmpf oeq, %sub3A_292, %max3A_335 : vector<16xf32>
    %select_n3A_364 = arith.select %eq3A_363, %broadcast_in_dim3A_170, %broadcast_in_dim3A_172 : vector<16xi1>, vector<16xf32>
    %sub3A_365 = arith.subf %broadcast_in_dim3A_170, %add3A_358 : vector<16xf32>
    %mul3A_366 = arith.mulf %select_n3A_364, %sub3A_365 : vector<16xf32>
    %add3A_367 = arith.addf %add3A_358, %mul3A_366 : vector<16xf32>
    %add3A_368 = arith.addf %add3A_289, %mul3A_366 : vector<16xf32>
    %sub3A_369 = arith.subf %broadcast_in_dim3A_170, %mul3A_366 : vector<16xf32>
    %mul3A_370 = arith.mulf %sub3A_292, %sub3A_369 : vector<16xf32>
    %sub3A_371 = arith.subf %mul3A_370, %mul3A_366 : vector<16xf32>
    %eq3A_372 = arith.cmpf oeq, %sub3A_301, %max3A_335 : vector<16xf32>
    %select_n3A_373 = arith.select %eq3A_372, %broadcast_in_dim3A_170, %broadcast_in_dim3A_172 : vector<16xi1>, vector<16xf32>
    %sub3A_374 = arith.subf %broadcast_in_dim3A_170, %add3A_367 : vector<16xf32>
    %mul3A_375 = arith.mulf %select_n3A_373, %sub3A_374 : vector<16xf32>
    %add3A_376 = arith.addf %add3A_367, %mul3A_375 : vector<16xf32>
    %add3A_377 = arith.addf %add3A_298, %mul3A_375 : vector<16xf32>
    %sub3A_378 = arith.subf %broadcast_in_dim3A_170, %mul3A_375 : vector<16xf32>
    %mul3A_379 = arith.mulf %sub3A_301, %sub3A_378 : vector<16xf32>
    %sub3A_380 = arith.subf %mul3A_379, %mul3A_375 : vector<16xf32>
    %eq3A_381 = arith.cmpf oeq, %sub3A_310, %max3A_335 : vector<16xf32>
    %select_n3A_382 = arith.select %eq3A_381, %broadcast_in_dim3A_170, %broadcast_in_dim3A_172 : vector<16xi1>, vector<16xf32>
    %sub3A_383 = arith.subf %broadcast_in_dim3A_170, %add3A_376 : vector<16xf32>
    %mul3A_384 = arith.mulf %select_n3A_382, %sub3A_383 : vector<16xf32>
    %add3A_385 = arith.addf %add3A_376, %mul3A_384 : vector<16xf32>
    %add3A_386 = arith.addf %add3A_307, %mul3A_384 : vector<16xf32>
    %sub3A_387 = arith.subf %broadcast_in_dim3A_170, %mul3A_384 : vector<16xf32>
    %mul3A_388 = arith.mulf %sub3A_310, %sub3A_387 : vector<16xf32>
    %sub3A_389 = arith.subf %mul3A_388, %mul3A_384 : vector<16xf32>
    %eq3A_390 = arith.cmpf oeq, %sub3A_319, %max3A_335 : vector<16xf32>
    %select_n3A_391 = arith.select %eq3A_390, %broadcast_in_dim3A_170, %broadcast_in_dim3A_172 : vector<16xi1>, vector<16xf32>
    %sub3A_392 = arith.subf %broadcast_in_dim3A_170, %add3A_385 : vector<16xf32>
    %mul3A_393 = arith.mulf %select_n3A_391, %sub3A_392 : vector<16xf32>
    %add3A_394 = arith.addf %add3A_385, %mul3A_393 : vector<16xf32>
    %add3A_395 = arith.addf %add3A_316, %mul3A_393 : vector<16xf32>
    %sub3A_396 = arith.subf %broadcast_in_dim3A_170, %mul3A_393 : vector<16xf32>
    %mul3A_397 = arith.mulf %sub3A_319, %sub3A_396 : vector<16xf32>
    %sub3A_398 = arith.subf %mul3A_397, %mul3A_393 : vector<16xf32>
    %eq3A_399 = arith.cmpf oeq, %sub3A_328, %max3A_335 : vector<16xf32>
    %select_n3A_400 = arith.select %eq3A_399, %broadcast_in_dim3A_170, %broadcast_in_dim3A_172 : vector<16xi1>, vector<16xf32>
    %sub3A_401 = arith.subf %broadcast_in_dim3A_170, %add3A_394 : vector<16xf32>
    %mul3A_402 = arith.mulf %select_n3A_400, %sub3A_401 : vector<16xf32>
    %add3A_403 = arith.addf %add3A_394, %mul3A_402 : vector<16xf32>
    %add3A_404 = arith.addf %add3A_325, %mul3A_402 : vector<16xf32>
    %sub3A_405 = arith.subf %broadcast_in_dim3A_170, %mul3A_402 : vector<16xf32>
    %mul3A_406 = arith.mulf %sub3A_328, %sub3A_405 : vector<16xf32>
    %sub3A_407 = arith.subf %mul3A_406, %mul3A_402 : vector<16xf32>
    %max3A_408 = arith.maximumf %sub3A_344, %sub3A_353 : vector<16xf32>
    %max3A_409 = arith.maximumf %max3A_408, %sub3A_362 : vector<16xf32>
    %max3A_410 = arith.maximumf %max3A_409, %sub3A_371 : vector<16xf32>
    %max3A_411 = arith.maximumf %max3A_410, %sub3A_380 : vector<16xf32>
    %max3A_412 = arith.maximumf %max3A_411, %sub3A_389 : vector<16xf32>
    %max3A_413 = arith.maximumf %max3A_412, %sub3A_398 : vector<16xf32>
    %max3A_414 = arith.maximumf %max3A_413, %sub3A_407 : vector<16xf32>
    %eq3A_415 = arith.cmpf oeq, %sub3A_344, %max3A_414 : vector<16xf32>
    %select_n3A_416 = arith.select %eq3A_415, %broadcast_in_dim3A_170, %broadcast_in_dim3A_172 : vector<16xi1>, vector<16xf32>
    %sub3A_417 = arith.subf %broadcast_in_dim3A_170, %broadcast_in_dim3A_172 : vector<16xf32>
    %mul3A_418 = arith.mulf %select_n3A_416, %sub3A_417 : vector<16xf32>
    %add3A_419 = arith.addf %broadcast_in_dim3A_172, %mul3A_418 : vector<16xf32>
    %add3A_420 = arith.addf %add3A_341, %mul3A_418 : vector<16xf32>
    %sub3A_421 = arith.subf %broadcast_in_dim3A_170, %mul3A_418 : vector<16xf32>
    %mul3A_422 = arith.mulf %sub3A_344, %sub3A_421 : vector<16xf32>
    %sub3A_423 = arith.subf %mul3A_422, %mul3A_418 : vector<16xf32>
    %eq3A_424 = arith.cmpf oeq, %sub3A_353, %max3A_414 : vector<16xf32>
    %select_n3A_425 = arith.select %eq3A_424, %broadcast_in_dim3A_170, %broadcast_in_dim3A_172 : vector<16xi1>, vector<16xf32>
    %sub3A_426 = arith.subf %broadcast_in_dim3A_170, %add3A_419 : vector<16xf32>
    %mul3A_427 = arith.mulf %select_n3A_425, %sub3A_426 : vector<16xf32>
    %add3A_428 = arith.addf %add3A_419, %mul3A_427 : vector<16xf32>
    %add3A_429 = arith.addf %add3A_350, %mul3A_427 : vector<16xf32>
    %sub3A_430 = arith.subf %broadcast_in_dim3A_170, %mul3A_427 : vector<16xf32>
    %mul3A_431 = arith.mulf %sub3A_353, %sub3A_430 : vector<16xf32>
    %sub3A_432 = arith.subf %mul3A_431, %mul3A_427 : vector<16xf32>
    %eq3A_433 = arith.cmpf oeq, %sub3A_362, %max3A_414 : vector<16xf32>
    %select_n3A_434 = arith.select %eq3A_433, %broadcast_in_dim3A_170, %broadcast_in_dim3A_172 : vector<16xi1>, vector<16xf32>
    %sub3A_435 = arith.subf %broadcast_in_dim3A_170, %add3A_428 : vector<16xf32>
    %mul3A_436 = arith.mulf %select_n3A_434, %sub3A_435 : vector<16xf32>
    %add3A_437 = arith.addf %add3A_428, %mul3A_436 : vector<16xf32>
    %add3A_438 = arith.addf %add3A_359, %mul3A_436 : vector<16xf32>
    %sub3A_439 = arith.subf %broadcast_in_dim3A_170, %mul3A_436 : vector<16xf32>
    %mul3A_440 = arith.mulf %sub3A_362, %sub3A_439 : vector<16xf32>
    %sub3A_441 = arith.subf %mul3A_440, %mul3A_436 : vector<16xf32>
    %eq3A_442 = arith.cmpf oeq, %sub3A_371, %max3A_414 : vector<16xf32>
    %select_n3A_443 = arith.select %eq3A_442, %broadcast_in_dim3A_170, %broadcast_in_dim3A_172 : vector<16xi1>, vector<16xf32>
    %sub3A_444 = arith.subf %broadcast_in_dim3A_170, %add3A_437 : vector<16xf32>
    %mul3A_445 = arith.mulf %select_n3A_443, %sub3A_444 : vector<16xf32>
    %add3A_446 = arith.addf %add3A_437, %mul3A_445 : vector<16xf32>
    %add3A_447 = arith.addf %add3A_368, %mul3A_445 : vector<16xf32>
    %sub3A_448 = arith.subf %broadcast_in_dim3A_170, %mul3A_445 : vector<16xf32>
    %mul3A_449 = arith.mulf %sub3A_371, %sub3A_448 : vector<16xf32>
    %sub3A_450 = arith.subf %mul3A_449, %mul3A_445 : vector<16xf32>
    %eq3A_451 = arith.cmpf oeq, %sub3A_380, %max3A_414 : vector<16xf32>
    %select_n3A_452 = arith.select %eq3A_451, %broadcast_in_dim3A_170, %broadcast_in_dim3A_172 : vector<16xi1>, vector<16xf32>
    %sub3A_453 = arith.subf %broadcast_in_dim3A_170, %add3A_446 : vector<16xf32>
    %mul3A_454 = arith.mulf %select_n3A_452, %sub3A_453 : vector<16xf32>
    %add3A_455 = arith.addf %add3A_446, %mul3A_454 : vector<16xf32>
    %add3A_456 = arith.addf %add3A_377, %mul3A_454 : vector<16xf32>
    %sub3A_457 = arith.subf %broadcast_in_dim3A_170, %mul3A_454 : vector<16xf32>
    %mul3A_458 = arith.mulf %sub3A_380, %sub3A_457 : vector<16xf32>
    %sub3A_459 = arith.subf %mul3A_458, %mul3A_454 : vector<16xf32>
    %eq3A_460 = arith.cmpf oeq, %sub3A_389, %max3A_414 : vector<16xf32>
    %select_n3A_461 = arith.select %eq3A_460, %broadcast_in_dim3A_170, %broadcast_in_dim3A_172 : vector<16xi1>, vector<16xf32>
    %sub3A_462 = arith.subf %broadcast_in_dim3A_170, %add3A_455 : vector<16xf32>
    %mul3A_463 = arith.mulf %select_n3A_461, %sub3A_462 : vector<16xf32>
    %add3A_464 = arith.addf %add3A_455, %mul3A_463 : vector<16xf32>
    %add3A_465 = arith.addf %add3A_386, %mul3A_463 : vector<16xf32>
    %sub3A_466 = arith.subf %broadcast_in_dim3A_170, %mul3A_463 : vector<16xf32>
    %mul3A_467 = arith.mulf %sub3A_389, %sub3A_466 : vector<16xf32>
    %sub3A_468 = arith.subf %mul3A_467, %mul3A_463 : vector<16xf32>
    %eq3A_469 = arith.cmpf oeq, %sub3A_398, %max3A_414 : vector<16xf32>
    %select_n3A_470 = arith.select %eq3A_469, %broadcast_in_dim3A_170, %broadcast_in_dim3A_172 : vector<16xi1>, vector<16xf32>
    %sub3A_471 = arith.subf %broadcast_in_dim3A_170, %add3A_464 : vector<16xf32>
    %mul3A_472 = arith.mulf %select_n3A_470, %sub3A_471 : vector<16xf32>
    %add3A_473 = arith.addf %add3A_464, %mul3A_472 : vector<16xf32>
    %add3A_474 = arith.addf %add3A_395, %mul3A_472 : vector<16xf32>
    %sub3A_475 = arith.subf %broadcast_in_dim3A_170, %mul3A_472 : vector<16xf32>
    %mul3A_476 = arith.mulf %sub3A_398, %sub3A_475 : vector<16xf32>
    %sub3A_477 = arith.subf %mul3A_476, %mul3A_472 : vector<16xf32>
    %eq3A_478 = arith.cmpf oeq, %sub3A_407, %max3A_414 : vector<16xf32>
    %select_n3A_479 = arith.select %eq3A_478, %broadcast_in_dim3A_170, %broadcast_in_dim3A_172 : vector<16xi1>, vector<16xf32>
    %sub3A_480 = arith.subf %broadcast_in_dim3A_170, %add3A_473 : vector<16xf32>
    %mul3A_481 = arith.mulf %select_n3A_479, %sub3A_480 : vector<16xf32>
    %add3A_482 = arith.addf %add3A_473, %mul3A_481 : vector<16xf32>
    %add3A_483 = arith.addf %add3A_404, %mul3A_481 : vector<16xf32>
    %sub3A_484 = arith.subf %broadcast_in_dim3A_170, %mul3A_481 : vector<16xf32>
    %mul3A_485 = arith.mulf %sub3A_407, %sub3A_484 : vector<16xf32>
    %sub3A_486 = arith.subf %mul3A_485, %mul3A_481 : vector<16xf32>
    %max3A_487 = arith.maximumf %sub3A_423, %sub3A_432 : vector<16xf32>
    %max3A_488 = arith.maximumf %max3A_487, %sub3A_441 : vector<16xf32>
    %max3A_489 = arith.maximumf %max3A_488, %sub3A_450 : vector<16xf32>
    %max3A_490 = arith.maximumf %max3A_489, %sub3A_459 : vector<16xf32>
    %max3A_491 = arith.maximumf %max3A_490, %sub3A_468 : vector<16xf32>
    %max3A_492 = arith.maximumf %max3A_491, %sub3A_477 : vector<16xf32>
    %max3A_493 = arith.maximumf %max3A_492, %sub3A_486 : vector<16xf32>
    %eq3A_494 = arith.cmpf oeq, %sub3A_423, %max3A_493 : vector<16xf32>
    %select_n3A_495 = arith.select %eq3A_494, %broadcast_in_dim3A_170, %broadcast_in_dim3A_172 : vector<16xi1>, vector<16xf32>
    %sub3A_496 = arith.subf %broadcast_in_dim3A_170, %broadcast_in_dim3A_172 : vector<16xf32>
    %mul3A_497 = arith.mulf %select_n3A_495, %sub3A_496 : vector<16xf32>
    %add3A_498 = arith.addf %broadcast_in_dim3A_172, %mul3A_497 : vector<16xf32>
    %add3A_499 = arith.addf %add3A_420, %mul3A_497 : vector<16xf32>
    %sub3A_500 = arith.subf %broadcast_in_dim3A_170, %mul3A_497 : vector<16xf32>
    %mul3A_501 = arith.mulf %sub3A_423, %sub3A_500 : vector<16xf32>
    %sub3A_502 = arith.subf %mul3A_501, %mul3A_497 : vector<16xf32>
    %eq3A_503 = arith.cmpf oeq, %sub3A_432, %max3A_493 : vector<16xf32>
    %select_n3A_504 = arith.select %eq3A_503, %broadcast_in_dim3A_170, %broadcast_in_dim3A_172 : vector<16xi1>, vector<16xf32>
    %sub3A_505 = arith.subf %broadcast_in_dim3A_170, %add3A_498 : vector<16xf32>
    %mul3A_506 = arith.mulf %select_n3A_504, %sub3A_505 : vector<16xf32>
    %add3A_507 = arith.addf %add3A_498, %mul3A_506 : vector<16xf32>
    %add3A_508 = arith.addf %add3A_429, %mul3A_506 : vector<16xf32>
    %sub3A_509 = arith.subf %broadcast_in_dim3A_170, %mul3A_506 : vector<16xf32>
    %mul3A_510 = arith.mulf %sub3A_432, %sub3A_509 : vector<16xf32>
    %sub3A_511 = arith.subf %mul3A_510, %mul3A_506 : vector<16xf32>
    %eq3A_512 = arith.cmpf oeq, %sub3A_441, %max3A_493 : vector<16xf32>
    %select_n3A_513 = arith.select %eq3A_512, %broadcast_in_dim3A_170, %broadcast_in_dim3A_172 : vector<16xi1>, vector<16xf32>
    %sub3A_514 = arith.subf %broadcast_in_dim3A_170, %add3A_507 : vector<16xf32>
    %mul3A_515 = arith.mulf %select_n3A_513, %sub3A_514 : vector<16xf32>
    %add3A_516 = arith.addf %add3A_507, %mul3A_515 : vector<16xf32>
    %add3A_517 = arith.addf %add3A_438, %mul3A_515 : vector<16xf32>
    %sub3A_518 = arith.subf %broadcast_in_dim3A_170, %mul3A_515 : vector<16xf32>
    %mul3A_519 = arith.mulf %sub3A_441, %sub3A_518 : vector<16xf32>
    %sub3A_520 = arith.subf %mul3A_519, %mul3A_515 : vector<16xf32>
    %eq3A_521 = arith.cmpf oeq, %sub3A_450, %max3A_493 : vector<16xf32>
    %select_n3A_522 = arith.select %eq3A_521, %broadcast_in_dim3A_170, %broadcast_in_dim3A_172 : vector<16xi1>, vector<16xf32>
    %sub3A_523 = arith.subf %broadcast_in_dim3A_170, %add3A_516 : vector<16xf32>
    %mul3A_524 = arith.mulf %select_n3A_522, %sub3A_523 : vector<16xf32>
    %add3A_525 = arith.addf %add3A_516, %mul3A_524 : vector<16xf32>
    %add3A_526 = arith.addf %add3A_447, %mul3A_524 : vector<16xf32>
    %sub3A_527 = arith.subf %broadcast_in_dim3A_170, %mul3A_524 : vector<16xf32>
    %mul3A_528 = arith.mulf %sub3A_450, %sub3A_527 : vector<16xf32>
    %sub3A_529 = arith.subf %mul3A_528, %mul3A_524 : vector<16xf32>
    %eq3A_530 = arith.cmpf oeq, %sub3A_459, %max3A_493 : vector<16xf32>
    %select_n3A_531 = arith.select %eq3A_530, %broadcast_in_dim3A_170, %broadcast_in_dim3A_172 : vector<16xi1>, vector<16xf32>
    %sub3A_532 = arith.subf %broadcast_in_dim3A_170, %add3A_525 : vector<16xf32>
    %mul3A_533 = arith.mulf %select_n3A_531, %sub3A_532 : vector<16xf32>
    %add3A_534 = arith.addf %add3A_525, %mul3A_533 : vector<16xf32>
    %add3A_535 = arith.addf %add3A_456, %mul3A_533 : vector<16xf32>
    %sub3A_536 = arith.subf %broadcast_in_dim3A_170, %mul3A_533 : vector<16xf32>
    %mul3A_537 = arith.mulf %sub3A_459, %sub3A_536 : vector<16xf32>
    %sub3A_538 = arith.subf %mul3A_537, %mul3A_533 : vector<16xf32>
    %eq3A_539 = arith.cmpf oeq, %sub3A_468, %max3A_493 : vector<16xf32>
    %select_n3A_540 = arith.select %eq3A_539, %broadcast_in_dim3A_170, %broadcast_in_dim3A_172 : vector<16xi1>, vector<16xf32>
    %sub3A_541 = arith.subf %broadcast_in_dim3A_170, %add3A_534 : vector<16xf32>
    %mul3A_542 = arith.mulf %select_n3A_540, %sub3A_541 : vector<16xf32>
    %add3A_543 = arith.addf %add3A_534, %mul3A_542 : vector<16xf32>
    %add3A_544 = arith.addf %add3A_465, %mul3A_542 : vector<16xf32>
    %sub3A_545 = arith.subf %broadcast_in_dim3A_170, %mul3A_542 : vector<16xf32>
    %mul3A_546 = arith.mulf %sub3A_468, %sub3A_545 : vector<16xf32>
    %sub3A_547 = arith.subf %mul3A_546, %mul3A_542 : vector<16xf32>
    %eq3A_548 = arith.cmpf oeq, %sub3A_477, %max3A_493 : vector<16xf32>
    %select_n3A_549 = arith.select %eq3A_548, %broadcast_in_dim3A_170, %broadcast_in_dim3A_172 : vector<16xi1>, vector<16xf32>
    %sub3A_550 = arith.subf %broadcast_in_dim3A_170, %add3A_543 : vector<16xf32>
    %mul3A_551 = arith.mulf %select_n3A_549, %sub3A_550 : vector<16xf32>
    %add3A_552 = arith.addf %add3A_543, %mul3A_551 : vector<16xf32>
    %add3A_553 = arith.addf %add3A_474, %mul3A_551 : vector<16xf32>
    %sub3A_554 = arith.subf %broadcast_in_dim3A_170, %mul3A_551 : vector<16xf32>
    %mul3A_555 = arith.mulf %sub3A_477, %sub3A_554 : vector<16xf32>
    %sub3A_556 = arith.subf %mul3A_555, %mul3A_551 : vector<16xf32>
    %eq3A_557 = arith.cmpf oeq, %sub3A_486, %max3A_493 : vector<16xf32>
    %select_n3A_558 = arith.select %eq3A_557, %broadcast_in_dim3A_170, %broadcast_in_dim3A_172 : vector<16xi1>, vector<16xf32>
    %sub3A_559 = arith.subf %broadcast_in_dim3A_170, %add3A_552 : vector<16xf32>
    %mul3A_560 = arith.mulf %select_n3A_558, %sub3A_559 : vector<16xf32>
    %add3A_561 = arith.addf %add3A_552, %mul3A_560 : vector<16xf32>
    %add3A_562 = arith.addf %add3A_483, %mul3A_560 : vector<16xf32>
    %sub3A_563 = arith.subf %broadcast_in_dim3A_170, %mul3A_560 : vector<16xf32>
    %mul3A_564 = arith.mulf %sub3A_486, %sub3A_563 : vector<16xf32>
    %sub3A_565 = arith.subf %mul3A_564, %mul3A_560 : vector<16xf32>
    %mul3A_566 = arith.mulf %div3A, %add3A_499 : vector<16xf32>
    %mul3A_567 = arith.mulf %div3A_163, %add3A_508 : vector<16xf32>
    %mul3A_568 = arith.mulf %div3A_164, %add3A_517 : vector<16xf32>
    %mul3A_569 = arith.mulf %div3A_165, %add3A_526 : vector<16xf32>
    %mul3A_570 = arith.mulf %div3A_166, %add3A_535 : vector<16xf32>
    %mul3A_571 = arith.mulf %div3A_167, %add3A_544 : vector<16xf32>
    %mul3A_572 = arith.mulf %div3A_168, %add3A_553 : vector<16xf32>
    %mul3A_573 = arith.mulf %div3A_169, %add3A_562 : vector<16xf32>
    %add3A_574 = arith.addf %mul3A_566, %mul3A_567 : vector<16xf32>
    %add3A_575 = arith.addf %add3A_574, %mul3A_568 : vector<16xf32>
    %add3A_576 = arith.addf %add3A_575, %mul3A_569 : vector<16xf32>
    %add3A_577 = arith.addf %add3A_576, %mul3A_570 : vector<16xf32>
    %add3A_578 = arith.addf %add3A_577, %mul3A_571 : vector<16xf32>
    %add3A_579 = arith.addf %add3A_578, %mul3A_572 : vector<16xf32>
    %add3A_580 = arith.addf %add3A_579, %mul3A_573 : vector<16xf32>
    %add3A_581 = arith.constant 9.99999993E-9 : f32
    %add3A_582 = vector.broadcast %add3A_581 : f32 to vector<16xf32>
    %add3A_583 = arith.addf %add3A_580, %add3A_582 : vector<16xf32>
    %div3A_584 = arith.divf %mul3A_566, %add3A_583 : vector<16xf32>
    %swap3A = arith.constant 0 : index
    %swap3A_585 = tpu.vector_load %arg5[%swap3A] {strides = array<i32>} : memref<512xf32, #tpu.memory_space<vmem>>, vector<16xf32>,
    %swap3A_586 = vector.shape_cast %swap3A_585 : vector<16xf32> to vector<16xf32>
    %swap3A_587 = vector.shape_cast %div3A_584 : vector<16xf32> to vector<16xf32>
    tpu.vector_store %arg5[%swap3A], %swap3A_587 {strides = array<i32>} : memref<512xf32, #tpu.memory_space<vmem>>, vector<16xf32>,
    %div3A_588 = arith.divf %mul3A_567, %add3A_583 : vector<16xf32>
    %swap3A_589 = arith.constant 64 : index
    %swap3A_590 = tpu.vector_load %arg5[%swap3A_589] {strides = array<i32>} : memref<512xf32, #tpu.memory_space<vmem>>, vector<16xf32>,
    %swap3A_591 = vector.shape_cast %swap3A_590 : vector<16xf32> to vector<16xf32>
    %swap3A_592 = vector.shape_cast %div3A_588 : vector<16xf32> to vector<16xf32>
    tpu.vector_store %arg5[%swap3A_589], %swap3A_592 {strides = array<i32>} : memref<512xf32, #tpu.memory_space<vmem>>, vector<16xf32>,
    %div3A_593 = arith.divf %mul3A_568, %add3A_583 : vector<16xf32>
    %swap3A_594 = arith.constant 128 : index
    %swap3A_595 = tpu.vector_load %arg5[%swap3A_594] {strides = array<i32>} : memref<512xf32, #tpu.memory_space<vmem>>, vector<16xf32>,
    %swap3A_596 = vector.shape_cast %swap3A_595 : vector<16xf32> to vector<16xf32>
    %swap3A_597 = vector.shape_cast %div3A_593 : vector<16xf32> to vector<16xf32>
    tpu.vector_store %arg5[%swap3A_594], %swap3A_597 {strides = array<i32>} : memref<512xf32, #tpu.memory_space<vmem>>, vector<16xf32>,
    %div3A_598 = arith.divf %mul3A_569, %add3A_583 : vector<16xf32>
    %swap3A_599 = arith.constant 192 : index
    %swap3A_600 = tpu.vector_load %arg5[%swap3A_599] {strides = array<i32>} : memref<512xf32, #tpu.memory_space<vmem>>, vector<16xf32>,
    %swap3A_601 = vector.shape_cast %swap3A_600 : vector<16xf32> to vector<16xf32>
    %swap3A_602 = vector.shape_cast %div3A_598 : vector<16xf32> to vector<16xf32>
    tpu.vector_store %arg5[%swap3A_599], %swap3A_602 {strides = array<i32>} : memref<512xf32, #tpu.memory_space<vmem>>, vector<16xf32>,
    %div3A_603 = arith.divf %mul3A_570, %add3A_583 : vector<16xf32>
    %swap3A_604 = arith.constant 256 : index
    %swap3A_605 = tpu.vector_load %arg5[%swap3A_604] {strides = array<i32>} : memref<512xf32, #tpu.memory_space<vmem>>, vector<16xf32>,
    %swap3A_606 = vector.shape_cast %swap3A_605 : vector<16xf32> to vector<16xf32>
    %swap3A_607 = vector.shape_cast %div3A_603 : vector<16xf32> to vector<16xf32>
    tpu.vector_store %arg5[%swap3A_604], %swap3A_607 {strides = array<i32>} : memref<512xf32, #tpu.memory_space<vmem>>, vector<16xf32>,
    %div3A_608 = arith.divf %mul3A_571, %add3A_583 : vector<16xf32>
    %swap3A_609 = arith.constant 320 : index
    %swap3A_610 = tpu.vector_load %arg5[%swap3A_609] {strides = array<i32>} : memref<512xf32, #tpu.memory_space<vmem>>, vector<16xf32>,
    %swap3A_611 = vector.shape_cast %swap3A_610 : vector<16xf32> to vector<16xf32>
    %swap3A_612 = vector.shape_cast %div3A_608 : vector<16xf32> to vector<16xf32>
    tpu.vector_store %arg5[%swap3A_609], %swap3A_612 {strides = array<i32>} : memref<512xf32, #tpu.memory_space<vmem>>, vector<16xf32>,
    %div3A_613 = arith.divf %mul3A_572, %add3A_583 : vector<16xf32>
    %swap3A_614 = arith.constant 384 : index
    %swap3A_615 = tpu.vector_load %arg5[%swap3A_614] {strides = array<i32>} : memref<512xf32, #tpu.memory_space<vmem>>, vector<16xf32>,
    %swap3A_616 = vector.shape_cast %swap3A_615 : vector<16xf32> to vector<16xf32>
    %swap3A_617 = vector.shape_cast %div3A_613 : vector<16xf32> to vector<16xf32>
    tpu.vector_store %arg5[%swap3A_614], %swap3A_617 {strides = array<i32>} : memref<512xf32, #tpu.memory_space<vmem>>, vector<16xf32>,
    %div3A_618 = arith.divf %mul3A_573, %add3A_583 : vector<16xf32>
    %swap3A_619 = arith.constant 448 : index
    %swap3A_620 = tpu.vector_load %arg5[%swap3A_619] {strides = array<i32>} : memref<512xf32, #tpu.memory_space<vmem>>, vector<16xf32>,
    %swap3A_621 = vector.shape_cast %swap3A_620 : vector<16xf32> to vector<16xf32>
    %swap3A_622 = vector.shape_cast %div3A_618 : vector<16xf32> to vector<16xf32>
    tpu.vector_store %arg5[%swap3A_619], %swap3A_622 {strides = array<i32>} : memref<512xf32, #tpu.memory_space<vmem>>, vector<16xf32>,
    %get3A_623 = arith.constant 16 : index
    %get3A_624 = tpu.vector_load %arg4[%get3A_623] {strides = array<i32>} : memref<512xf32, #tpu.memory_space<vmem>>, vector<16xf32>,
    %get3A_625 = vector.shape_cast %get3A_624 : vector<16xf32> to vector<16xf32>
    %get3A_626 = arith.constant 80 : index
    %get3A_627 = tpu.vector_load %arg4[%get3A_626] {strides = array<i32>} : memref<512xf32, #tpu.memory_space<vmem>>, vector<16xf32>,
    %get3A_628 = vector.shape_cast %get3A_627 : vector<16xf32> to vector<16xf32>
    %get3A_629 = arith.constant 144 : index
    %get3A_630 = tpu.vector_load %arg4[%get3A_629] {strides = array<i32>} : memref<512xf32, #tpu.memory_space<vmem>>, vector<16xf32>,
    %get3A_631 = vector.shape_cast %get3A_630 : vector<16xf32> to vector<16xf32>
    %get3A_632 = arith.constant 208 : index
    %get3A_633 = tpu.vector_load %arg4[%get3A_632] {strides = array<i32>} : memref<512xf32, #tpu.memory_space<vmem>>, vector<16xf32>,
    %get3A_634 = vector.shape_cast %get3A_633 : vector<16xf32> to vector<16xf32>
    %get3A_635 = arith.constant 272 : index
    %get3A_636 = tpu.vector_load %arg4[%get3A_635] {strides = array<i32>} : memref<512xf32, #tpu.memory_space<vmem>>, vector<16xf32>,
    %get3A_637 = vector.shape_cast %get3A_636 : vector<16xf32> to vector<16xf32>
    %get3A_638 = arith.constant 336 : index
    %get3A_639 = tpu.vector_load %arg4[%get3A_638] {strides = array<i32>} : memref<512xf32, #tpu.memory_space<vmem>>, vector<16xf32>,
    %get3A_640 = vector.shape_cast %get3A_639 : vector<16xf32> to vector<16xf32>
    %get3A_641 = arith.constant 400 : index
    %get3A_642 = tpu.vector_load %arg4[%get3A_641] {strides = array<i32>} : memref<512xf32, #tpu.memory_space<vmem>>, vector<16xf32>,
    %get3A_643 = vector.shape_cast %get3A_642 : vector<16xf32> to vector<16xf32>
    %get3A_644 = arith.constant 464 : index
    %get3A_645 = tpu.vector_load %arg4[%get3A_644] {strides = array<i32>} : memref<512xf32, #tpu.memory_space<vmem>>, vector<16xf32>,
    %get3A_646 = vector.shape_cast %get3A_645 : vector<16xf32> to vector<16xf32>
    %max3A_647 = arith.maximumf %get3A_625, %get3A_628 : vector<16xf32>
    %max3A_648 = arith.maximumf %max3A_647, %get3A_631 : vector<16xf32>
    %max3A_649 = arith.maximumf %max3A_648, %get3A_634 : vector<16xf32>
    %max3A_650 = arith.maximumf %max3A_649, %get3A_637 : vector<16xf32>
    %max3A_651 = arith.maximumf %max3A_650, %get3A_640 : vector<16xf32>
    %max3A_652 = arith.maximumf %max3A_651, %get3A_643 : vector<16xf32>
    %max3A_653 = arith.maximumf %max3A_652, %get3A_646 : vector<16xf32>
    %sub3A_654 = arith.subf %get3A_625, %max3A_653 : vector<16xf32>
    %exp3A_655 = math.exp %sub3A_654 : vector<16xf32>
    %sub3A_656 = arith.subf %get3A_628, %max3A_653 : vector<16xf32>
    %exp3A_657 = math.exp %sub3A_656 : vector<16xf32>
    %sub3A_658 = arith.subf %get3A_631, %max3A_653 : vector<16xf32>
    %exp3A_659 = math.exp %sub3A_658 : vector<16xf32>
    %sub3A_660 = arith.subf %get3A_634, %max3A_653 : vector<16xf32>
    %exp3A_661 = math.exp %sub3A_660 : vector<16xf32>
    %sub3A_662 = arith.subf %get3A_637, %max3A_653 : vector<16xf32>
    %exp3A_663 = math.exp %sub3A_662 : vector<16xf32>
    %sub3A_664 = arith.subf %get3A_640, %max3A_653 : vector<16xf32>
    %exp3A_665 = math.exp %sub3A_664 : vector<16xf32>
    %sub3A_666 = arith.subf %get3A_643, %max3A_653 : vector<16xf32>
    %exp3A_667 = math.exp %sub3A_666 : vector<16xf32>
    %sub3A_668 = arith.subf %get3A_646, %max3A_653 : vector<16xf32>
    %exp3A_669 = math.exp %sub3A_668 : vector<16xf32>
    %add3A_670 = arith.addf %exp3A_655, %exp3A_657 : vector<16xf32>
    %add3A_671 = arith.addf %add3A_670, %exp3A_659 : vector<16xf32>
    %add3A_672 = arith.addf %add3A_671, %exp3A_661 : vector<16xf32>
    %add3A_673 = arith.addf %add3A_672, %exp3A_663 : vector<16xf32>
    %add3A_674 = arith.addf %add3A_673, %exp3A_665 : vector<16xf32>
    %add3A_675 = arith.addf %add3A_674, %exp3A_667 : vector<16xf32>
    %add3A_676 = arith.addf %add3A_675, %exp3A_669 : vector<16xf32>
    %div3A_677 = arith.divf %exp3A_655, %add3A_676 : vector<16xf32>
    %div3A_678 = arith.divf %exp3A_657, %add3A_676 : vector<16xf32>
    %div3A_679 = arith.divf %exp3A_659, %add3A_676 : vector<16xf32>
    %div3A_680 = arith.divf %exp3A_661, %add3A_676 : vector<16xf32>
    %div3A_681 = arith.divf %exp3A_663, %add3A_676 : vector<16xf32>
    %div3A_682 = arith.divf %exp3A_665, %add3A_676 : vector<16xf32>
    %div3A_683 = arith.divf %exp3A_667, %add3A_676 : vector<16xf32>
    %div3A_684 = arith.divf %exp3A_669, %add3A_676 : vector<16xf32>
    %broadcast_in_dim3A_685 = arith.constant 1.000000e+00 : f32
    %broadcast_in_dim3A_686 = vector.broadcast %broadcast_in_dim3A_685 : f32 to vector<16xf32>
    %broadcast_in_dim3A_687 = arith.constant 0.000000e+00 : f32
    %broadcast_in_dim3A_688 = vector.broadcast %broadcast_in_dim3A_687 : f32 to vector<16xf32>
    %max3A_689 = arith.maximumf %div3A_677, %div3A_678 : vector<16xf32>
    %max3A_690 = arith.maximumf %max3A_689, %div3A_679 : vector<16xf32>
    %max3A_691 = arith.maximumf %max3A_690, %div3A_680 : vector<16xf32>
    %max3A_692 = arith.maximumf %max3A_691, %div3A_681 : vector<16xf32>
    %max3A_693 = arith.maximumf %max3A_692, %div3A_682 : vector<16xf32>
    %max3A_694 = arith.maximumf %max3A_693, %div3A_683 : vector<16xf32>
    %max3A_695 = arith.maximumf %max3A_694, %div3A_684 : vector<16xf32>
    %eq3A_696 = arith.cmpf oeq, %div3A_677, %max3A_695 : vector<16xf32>
    %select_n3A_697 = arith.select %eq3A_696, %broadcast_in_dim3A_686, %broadcast_in_dim3A_688 : vector<16xi1>, vector<16xf32>
    %sub3A_698 = arith.subf %broadcast_in_dim3A_686, %broadcast_in_dim3A_688 : vector<16xf32>
    %mul3A_699 = arith.mulf %select_n3A_697, %sub3A_698 : vector<16xf32>
    %add3A_700 = arith.addf %broadcast_in_dim3A_688, %mul3A_699 : vector<16xf32>
    %add3A_701 = arith.addf %broadcast_in_dim3A_688, %mul3A_699 : vector<16xf32>
    %sub3A_702 = arith.subf %broadcast_in_dim3A_686, %mul3A_699 : vector<16xf32>
    %mul3A_703 = arith.mulf %div3A_677, %sub3A_702 : vector<16xf32>
    %sub3A_704 = arith.subf %mul3A_703, %mul3A_699 : vector<16xf32>
    %eq3A_705 = arith.cmpf oeq, %div3A_678, %max3A_695 : vector<16xf32>
    %select_n3A_706 = arith.select %eq3A_705, %broadcast_in_dim3A_686, %broadcast_in_dim3A_688 : vector<16xi1>, vector<16xf32>
    %sub3A_707 = arith.subf %broadcast_in_dim3A_686, %add3A_700 : vector<16xf32>
    %mul3A_708 = arith.mulf %select_n3A_706, %sub3A_707 : vector<16xf32>
    %add3A_709 = arith.addf %add3A_700, %mul3A_708 : vector<16xf32>
    %add3A_710 = arith.addf %broadcast_in_dim3A_688, %mul3A_708 : vector<16xf32>
    %sub3A_711 = arith.subf %broadcast_in_dim3A_686, %mul3A_708 : vector<16xf32>
    %mul3A_712 = arith.mulf %div3A_678, %sub3A_711 : vector<16xf32>
    %sub3A_713 = arith.subf %mul3A_712, %mul3A_708 : vector<16xf32>
    %eq3A_714 = arith.cmpf oeq, %div3A_679, %max3A_695 : vector<16xf32>
    %select_n3A_715 = arith.select %eq3A_714, %broadcast_in_dim3A_686, %broadcast_in_dim3A_688 : vector<16xi1>, vector<16xf32>
    %sub3A_716 = arith.subf %broadcast_in_dim3A_686, %add3A_709 : vector<16xf32>
    %mul3A_717 = arith.mulf %select_n3A_715, %sub3A_716 : vector<16xf32>
    %add3A_718 = arith.addf %add3A_709, %mul3A_717 : vector<16xf32>
    %add3A_719 = arith.addf %broadcast_in_dim3A_688, %mul3A_717 : vector<16xf32>
    %sub3A_720 = arith.subf %broadcast_in_dim3A_686, %mul3A_717 : vector<16xf32>
    %mul3A_721 = arith.mulf %div3A_679, %sub3A_720 : vector<16xf32>
    %sub3A_722 = arith.subf %mul3A_721, %mul3A_717 : vector<16xf32>
    %eq3A_723 = arith.cmpf oeq, %div3A_680, %max3A_695 : vector<16xf32>
    %select_n3A_724 = arith.select %eq3A_723, %broadcast_in_dim3A_686, %broadcast_in_dim3A_688 : vector<16xi1>, vector<16xf32>
    %sub3A_725 = arith.subf %broadcast_in_dim3A_686, %add3A_718 : vector<16xf32>
    %mul3A_726 = arith.mulf %select_n3A_724, %sub3A_725 : vector<16xf32>
    %add3A_727 = arith.addf %add3A_718, %mul3A_726 : vector<16xf32>
    %add3A_728 = arith.addf %broadcast_in_dim3A_688, %mul3A_726 : vector<16xf32>
    %sub3A_729 = arith.subf %broadcast_in_dim3A_686, %mul3A_726 : vector<16xf32>
    %mul3A_730 = arith.mulf %div3A_680, %sub3A_729 : vector<16xf32>
    %sub3A_731 = arith.subf %mul3A_730, %mul3A_726 : vector<16xf32>
    %eq3A_732 = arith.cmpf oeq, %div3A_681, %max3A_695 : vector<16xf32>
    %select_n3A_733 = arith.select %eq3A_732, %broadcast_in_dim3A_686, %broadcast_in_dim3A_688 : vector<16xi1>, vector<16xf32>
    %sub3A_734 = arith.subf %broadcast_in_dim3A_686, %add3A_727 : vector<16xf32>
    %mul3A_735 = arith.mulf %select_n3A_733, %sub3A_734 : vector<16xf32>
    %add3A_736 = arith.addf %add3A_727, %mul3A_735 : vector<16xf32>
    %add3A_737 = arith.addf %broadcast_in_dim3A_688, %mul3A_735 : vector<16xf32>
    %sub3A_738 = arith.subf %broadcast_in_dim3A_686, %mul3A_735 : vector<16xf32>
    %mul3A_739 = arith.mulf %div3A_681, %sub3A_738 : vector<16xf32>
    %sub3A_740 = arith.subf %mul3A_739, %mul3A_735 : vector<16xf32>
    %eq3A_741 = arith.cmpf oeq, %div3A_682, %max3A_695 : vector<16xf32>
    %select_n3A_742 = arith.select %eq3A_741, %broadcast_in_dim3A_686, %broadcast_in_dim3A_688 : vector<16xi1>, vector<16xf32>
    %sub3A_743 = arith.subf %broadcast_in_dim3A_686, %add3A_736 : vector<16xf32>
    %mul3A_744 = arith.mulf %select_n3A_742, %sub3A_743 : vector<16xf32>
    %add3A_745 = arith.addf %add3A_736, %mul3A_744 : vector<16xf32>
    %add3A_746 = arith.addf %broadcast_in_dim3A_688, %mul3A_744 : vector<16xf32>
    %sub3A_747 = arith.subf %broadcast_in_dim3A_686, %mul3A_744 : vector<16xf32>
    %mul3A_748 = arith.mulf %div3A_682, %sub3A_747 : vector<16xf32>
    %sub3A_749 = arith.subf %mul3A_748, %mul3A_744 : vector<16xf32>
    %eq3A_750 = arith.cmpf oeq, %div3A_683, %max3A_695 : vector<16xf32>
    %select_n3A_751 = arith.select %eq3A_750, %broadcast_in_dim3A_686, %broadcast_in_dim3A_688 : vector<16xi1>, vector<16xf32>
    %sub3A_752 = arith.subf %broadcast_in_dim3A_686, %add3A_745 : vector<16xf32>
    %mul3A_753 = arith.mulf %select_n3A_751, %sub3A_752 : vector<16xf32>
    %add3A_754 = arith.addf %add3A_745, %mul3A_753 : vector<16xf32>
    %add3A_755 = arith.addf %broadcast_in_dim3A_688, %mul3A_753 : vector<16xf32>
    %sub3A_756 = arith.subf %broadcast_in_dim3A_686, %mul3A_753 : vector<16xf32>
    %mul3A_757 = arith.mulf %div3A_683, %sub3A_756 : vector<16xf32>
    %sub3A_758 = arith.subf %mul3A_757, %mul3A_753 : vector<16xf32>
    %eq3A_759 = arith.cmpf oeq, %div3A_684, %max3A_695 : vector<16xf32>
    %select_n3A_760 = arith.select %eq3A_759, %broadcast_in_dim3A_686, %broadcast_in_dim3A_688 : vector<16xi1>, vector<16xf32>
    %sub3A_761 = arith.subf %broadcast_in_dim3A_686, %add3A_754 : vector<16xf32>
    %mul3A_762 = arith.mulf %select_n3A_760, %sub3A_761 : vector<16xf32>
    %add3A_763 = arith.addf %add3A_754, %mul3A_762 : vector<16xf32>
    %add3A_764 = arith.addf %broadcast_in_dim3A_688, %mul3A_762 : vector<16xf32>
    %sub3A_765 = arith.subf %broadcast_in_dim3A_686, %mul3A_762 : vector<16xf32>
    %mul3A_766 = arith.mulf %div3A_684, %sub3A_765 : vector<16xf32>
    %sub3A_767 = arith.subf %mul3A_766, %mul3A_762 : vector<16xf32>
    %max3A_768 = arith.maximumf %sub3A_704, %sub3A_713 : vector<16xf32>
    %max3A_769 = arith.maximumf %max3A_768, %sub3A_722 : vector<16xf32>
    %max3A_770 = arith.maximumf %max3A_769, %sub3A_731 : vector<16xf32>
    %max3A_771 = arith.maximumf %max3A_770, %sub3A_740 : vector<16xf32>
    %max3A_772 = arith.maximumf %max3A_771, %sub3A_749 : vector<16xf32>
    %max3A_773 = arith.maximumf %max3A_772, %sub3A_758 : vector<16xf32>
    %max3A_774 = arith.maximumf %max3A_773, %sub3A_767 : vector<16xf32>
    %eq3A_775 = arith.cmpf oeq, %sub3A_704, %max3A_774 : vector<16xf32>
    %select_n3A_776 = arith.select %eq3A_775, %broadcast_in_dim3A_686, %broadcast_in_dim3A_688 : vector<16xi1>, vector<16xf32>
    %sub3A_777 = arith.subf %broadcast_in_dim3A_686, %broadcast_in_dim3A_688 : vector<16xf32>
    %mul3A_778 = arith.mulf %select_n3A_776, %sub3A_777 : vector<16xf32>
    %add3A_779 = arith.addf %broadcast_in_dim3A_688, %mul3A_778 : vector<16xf32>
    %add3A_780 = arith.addf %add3A_701, %mul3A_778 : vector<16xf32>
    %sub3A_781 = arith.subf %broadcast_in_dim3A_686, %mul3A_778 : vector<16xf32>
    %mul3A_782 = arith.mulf %sub3A_704, %sub3A_781 : vector<16xf32>
    %sub3A_783 = arith.subf %mul3A_782, %mul3A_778 : vector<16xf32>
    %eq3A_784 = arith.cmpf oeq, %sub3A_713, %max3A_774 : vector<16xf32>
    %select_n3A_785 = arith.select %eq3A_784, %broadcast_in_dim3A_686, %broadcast_in_dim3A_688 : vector<16xi1>, vector<16xf32>
    %sub3A_786 = arith.subf %broadcast_in_dim3A_686, %add3A_779 : vector<16xf32>
    %mul3A_787 = arith.mulf %select_n3A_785, %sub3A_786 : vector<16xf32>
    %add3A_788 = arith.addf %add3A_779, %mul3A_787 : vector<16xf32>
    %add3A_789 = arith.addf %add3A_710, %mul3A_787 : vector<16xf32>
    %sub3A_790 = arith.subf %broadcast_in_dim3A_686, %mul3A_787 : vector<16xf32>
    %mul3A_791 = arith.mulf %sub3A_713, %sub3A_790 : vector<16xf32>
    %sub3A_792 = arith.subf %mul3A_791, %mul3A_787 : vector<16xf32>
    %eq3A_793 = arith.cmpf oeq, %sub3A_722, %max3A_774 : vector<16xf32>
    %select_n3A_794 = arith.select %eq3A_793, %broadcast_in_dim3A_686, %broadcast_in_dim3A_688 : vector<16xi1>, vector<16xf32>
    %sub3A_795 = arith.subf %broadcast_in_dim3A_686, %add3A_788 : vector<16xf32>
    %mul3A_796 = arith.mulf %select_n3A_794, %sub3A_795 : vector<16xf32>
    %add3A_797 = arith.addf %add3A_788, %mul3A_796 : vector<16xf32>
    %add3A_798 = arith.addf %add3A_719, %mul3A_796 : vector<16xf32>
    %sub3A_799 = arith.subf %broadcast_in_dim3A_686, %mul3A_796 : vector<16xf32>
    %mul3A_800 = arith.mulf %sub3A_722, %sub3A_799 : vector<16xf32>
    %sub3A_801 = arith.subf %mul3A_800, %mul3A_796 : vector<16xf32>
    %eq3A_802 = arith.cmpf oeq, %sub3A_731, %max3A_774 : vector<16xf32>
    %select_n3A_803 = arith.select %eq3A_802, %broadcast_in_dim3A_686, %broadcast_in_dim3A_688 : vector<16xi1>, vector<16xf32>
    %sub3A_804 = arith.subf %broadcast_in_dim3A_686, %add3A_797 : vector<16xf32>
    %mul3A_805 = arith.mulf %select_n3A_803, %sub3A_804 : vector<16xf32>
    %add3A_806 = arith.addf %add3A_797, %mul3A_805 : vector<16xf32>
    %add3A_807 = arith.addf %add3A_728, %mul3A_805 : vector<16xf32>
    %sub3A_808 = arith.subf %broadcast_in_dim3A_686, %mul3A_805 : vector<16xf32>
    %mul3A_809 = arith.mulf %sub3A_731, %sub3A_808 : vector<16xf32>
    %sub3A_810 = arith.subf %mul3A_809, %mul3A_805 : vector<16xf32>
    %eq3A_811 = arith.cmpf oeq, %sub3A_740, %max3A_774 : vector<16xf32>
    %select_n3A_812 = arith.select %eq3A_811, %broadcast_in_dim3A_686, %broadcast_in_dim3A_688 : vector<16xi1>, vector<16xf32>
    %sub3A_813 = arith.subf %broadcast_in_dim3A_686, %add3A_806 : vector<16xf32>
    %mul3A_814 = arith.mulf %select_n3A_812, %sub3A_813 : vector<16xf32>
    %add3A_815 = arith.addf %add3A_806, %mul3A_814 : vector<16xf32>
    %add3A_816 = arith.addf %add3A_737, %mul3A_814 : vector<16xf32>
    %sub3A_817 = arith.subf %broadcast_in_dim3A_686, %mul3A_814 : vector<16xf32>
    %mul3A_818 = arith.mulf %sub3A_740, %sub3A_817 : vector<16xf32>
    %sub3A_819 = arith.subf %mul3A_818, %mul3A_814 : vector<16xf32>
    %eq3A_820 = arith.cmpf oeq, %sub3A_749, %max3A_774 : vector<16xf32>
    %select_n3A_821 = arith.select %eq3A_820, %broadcast_in_dim3A_686, %broadcast_in_dim3A_688 : vector<16xi1>, vector<16xf32>
    %sub3A_822 = arith.subf %broadcast_in_dim3A_686, %add3A_815 : vector<16xf32>
    %mul3A_823 = arith.mulf %select_n3A_821, %sub3A_822 : vector<16xf32>
    %add3A_824 = arith.addf %add3A_815, %mul3A_823 : vector<16xf32>
    %add3A_825 = arith.addf %add3A_746, %mul3A_823 : vector<16xf32>
    %sub3A_826 = arith.subf %broadcast_in_dim3A_686, %mul3A_823 : vector<16xf32>
    %mul3A_827 = arith.mulf %sub3A_749, %sub3A_826 : vector<16xf32>
    %sub3A_828 = arith.subf %mul3A_827, %mul3A_823 : vector<16xf32>
    %eq3A_829 = arith.cmpf oeq, %sub3A_758, %max3A_774 : vector<16xf32>
    %select_n3A_830 = arith.select %eq3A_829, %broadcast_in_dim3A_686, %broadcast_in_dim3A_688 : vector<16xi1>, vector<16xf32>
    %sub3A_831 = arith.subf %broadcast_in_dim3A_686, %add3A_824 : vector<16xf32>
    %mul3A_832 = arith.mulf %select_n3A_830, %sub3A_831 : vector<16xf32>
    %add3A_833 = arith.addf %add3A_824, %mul3A_832 : vector<16xf32>
    %add3A_834 = arith.addf %add3A_755, %mul3A_832 : vector<16xf32>
    %sub3A_835 = arith.subf %broadcast_in_dim3A_686, %mul3A_832 : vector<16xf32>
    %mul3A_836 = arith.mulf %sub3A_758, %sub3A_835 : vector<16xf32>
    %sub3A_837 = arith.subf %mul3A_836, %mul3A_832 : vector<16xf32>
    %eq3A_838 = arith.cmpf oeq, %sub3A_767, %max3A_774 : vector<16xf32>
    %select_n3A_839 = arith.select %eq3A_838, %broadcast_in_dim3A_686, %broadcast_in_dim3A_688 : vector<16xi1>, vector<16xf32>
    %sub3A_840 = arith.subf %broadcast_in_dim3A_686, %add3A_833 : vector<16xf32>
    %mul3A_841 = arith.mulf %select_n3A_839, %sub3A_840 : vector<16xf32>
    %add3A_842 = arith.addf %add3A_833, %mul3A_841 : vector<16xf32>
    %add3A_843 = arith.addf %add3A_764, %mul3A_841 : vector<16xf32>
    %sub3A_844 = arith.subf %broadcast_in_dim3A_686, %mul3A_841 : vector<16xf32>
    %mul3A_845 = arith.mulf %sub3A_767, %sub3A_844 : vector<16xf32>
    %sub3A_846 = arith.subf %mul3A_845, %mul3A_841 : vector<16xf32>
    %max3A_847 = arith.maximumf %sub3A_783, %sub3A_792 : vector<16xf32>
    %max3A_848 = arith.maximumf %max3A_847, %sub3A_801 : vector<16xf32>
    %max3A_849 = arith.maximumf %max3A_848, %sub3A_810 : vector<16xf32>
    %max3A_850 = arith.maximumf %max3A_849, %sub3A_819 : vector<16xf32>
    %max3A_851 = arith.maximumf %max3A_850, %sub3A_828 : vector<16xf32>
    %max3A_852 = arith.maximumf %max3A_851, %sub3A_837 : vector<16xf32>
    %max3A_853 = arith.maximumf %max3A_852, %sub3A_846 : vector<16xf32>
    %eq3A_854 = arith.cmpf oeq, %sub3A_783, %max3A_853 : vector<16xf32>
    %select_n3A_855 = arith.select %eq3A_854, %broadcast_in_dim3A_686, %broadcast_in_dim3A_688 : vector<16xi1>, vector<16xf32>
    %sub3A_856 = arith.subf %broadcast_in_dim3A_686, %broadcast_in_dim3A_688 : vector<16xf32>
    %mul3A_857 = arith.mulf %select_n3A_855, %sub3A_856 : vector<16xf32>
    %add3A_858 = arith.addf %broadcast_in_dim3A_688, %mul3A_857 : vector<16xf32>
    %add3A_859 = arith.addf %add3A_780, %mul3A_857 : vector<16xf32>
    %sub3A_860 = arith.subf %broadcast_in_dim3A_686, %mul3A_857 : vector<16xf32>
    %mul3A_861 = arith.mulf %sub3A_783, %sub3A_860 : vector<16xf32>
    %sub3A_862 = arith.subf %mul3A_861, %mul3A_857 : vector<16xf32>
    %eq3A_863 = arith.cmpf oeq, %sub3A_792, %max3A_853 : vector<16xf32>
    %select_n3A_864 = arith.select %eq3A_863, %broadcast_in_dim3A_686, %broadcast_in_dim3A_688 : vector<16xi1>, vector<16xf32>
    %sub3A_865 = arith.subf %broadcast_in_dim3A_686, %add3A_858 : vector<16xf32>
    %mul3A_866 = arith.mulf %select_n3A_864, %sub3A_865 : vector<16xf32>
    %add3A_867 = arith.addf %add3A_858, %mul3A_866 : vector<16xf32>
    %add3A_868 = arith.addf %add3A_789, %mul3A_866 : vector<16xf32>
    %sub3A_869 = arith.subf %broadcast_in_dim3A_686, %mul3A_866 : vector<16xf32>
    %mul3A_870 = arith.mulf %sub3A_792, %sub3A_869 : vector<16xf32>
    %sub3A_871 = arith.subf %mul3A_870, %mul3A_866 : vector<16xf32>
    %eq3A_872 = arith.cmpf oeq, %sub3A_801, %max3A_853 : vector<16xf32>
    %select_n3A_873 = arith.select %eq3A_872, %broadcast_in_dim3A_686, %broadcast_in_dim3A_688 : vector<16xi1>, vector<16xf32>
    %sub3A_874 = arith.subf %broadcast_in_dim3A_686, %add3A_867 : vector<16xf32>
    %mul3A_875 = arith.mulf %select_n3A_873, %sub3A_874 : vector<16xf32>
    %add3A_876 = arith.addf %add3A_867, %mul3A_875 : vector<16xf32>
    %add3A_877 = arith.addf %add3A_798, %mul3A_875 : vector<16xf32>
    %sub3A_878 = arith.subf %broadcast_in_dim3A_686, %mul3A_875 : vector<16xf32>
    %mul3A_879 = arith.mulf %sub3A_801, %sub3A_878 : vector<16xf32>
    %sub3A_880 = arith.subf %mul3A_879, %mul3A_875 : vector<16xf32>
    %eq3A_881 = arith.cmpf oeq, %sub3A_810, %max3A_853 : vector<16xf32>
    %select_n3A_882 = arith.select %eq3A_881, %broadcast_in_dim3A_686, %broadcast_in_dim3A_688 : vector<16xi1>, vector<16xf32>
    %sub3A_883 = arith.subf %broadcast_in_dim3A_686, %add3A_876 : vector<16xf32>
    %mul3A_884 = arith.mulf %select_n3A_882, %sub3A_883 : vector<16xf32>
    %add3A_885 = arith.addf %add3A_876, %mul3A_884 : vector<16xf32>
    %add3A_886 = arith.addf %add3A_807, %mul3A_884 : vector<16xf32>
    %sub3A_887 = arith.subf %broadcast_in_dim3A_686, %mul3A_884 : vector<16xf32>
    %mul3A_888 = arith.mulf %sub3A_810, %sub3A_887 : vector<16xf32>
    %sub3A_889 = arith.subf %mul3A_888, %mul3A_884 : vector<16xf32>
    %eq3A_890 = arith.cmpf oeq, %sub3A_819, %max3A_853 : vector<16xf32>
    %select_n3A_891 = arith.select %eq3A_890, %broadcast_in_dim3A_686, %broadcast_in_dim3A_688 : vector<16xi1>, vector<16xf32>
    %sub3A_892 = arith.subf %broadcast_in_dim3A_686, %add3A_885 : vector<16xf32>
    %mul3A_893 = arith.mulf %select_n3A_891, %sub3A_892 : vector<16xf32>
    %add3A_894 = arith.addf %add3A_885, %mul3A_893 : vector<16xf32>
    %add3A_895 = arith.addf %add3A_816, %mul3A_893 : vector<16xf32>
    %sub3A_896 = arith.subf %broadcast_in_dim3A_686, %mul3A_893 : vector<16xf32>
    %mul3A_897 = arith.mulf %sub3A_819, %sub3A_896 : vector<16xf32>
    %sub3A_898 = arith.subf %mul3A_897, %mul3A_893 : vector<16xf32>
    %eq3A_899 = arith.cmpf oeq, %sub3A_828, %max3A_853 : vector<16xf32>
    %select_n3A_900 = arith.select %eq3A_899, %broadcast_in_dim3A_686, %broadcast_in_dim3A_688 : vector<16xi1>, vector<16xf32>
    %sub3A_901 = arith.subf %broadcast_in_dim3A_686, %add3A_894 : vector<16xf32>
    %mul3A_902 = arith.mulf %select_n3A_900, %sub3A_901 : vector<16xf32>
    %add3A_903 = arith.addf %add3A_894, %mul3A_902 : vector<16xf32>
    %add3A_904 = arith.addf %add3A_825, %mul3A_902 : vector<16xf32>
    %sub3A_905 = arith.subf %broadcast_in_dim3A_686, %mul3A_902 : vector<16xf32>
    %mul3A_906 = arith.mulf %sub3A_828, %sub3A_905 : vector<16xf32>
    %sub3A_907 = arith.subf %mul3A_906, %mul3A_902 : vector<16xf32>
    %eq3A_908 = arith.cmpf oeq, %sub3A_837, %max3A_853 : vector<16xf32>
    %select_n3A_909 = arith.select %eq3A_908, %broadcast_in_dim3A_686, %broadcast_in_dim3A_688 : vector<16xi1>, vector<16xf32>
    %sub3A_910 = arith.subf %broadcast_in_dim3A_686, %add3A_903 : vector<16xf32>
    %mul3A_911 = arith.mulf %select_n3A_909, %sub3A_910 : vector<16xf32>
    %add3A_912 = arith.addf %add3A_903, %mul3A_911 : vector<16xf32>
    %add3A_913 = arith.addf %add3A_834, %mul3A_911 : vector<16xf32>
    %sub3A_914 = arith.subf %broadcast_in_dim3A_686, %mul3A_911 : vector<16xf32>
    %mul3A_915 = arith.mulf %sub3A_837, %sub3A_914 : vector<16xf32>
    %sub3A_916 = arith.subf %mul3A_915, %mul3A_911 : vector<16xf32>
    %eq3A_917 = arith.cmpf oeq, %sub3A_846, %max3A_853 : vector<16xf32>
    %select_n3A_918 = arith.select %eq3A_917, %broadcast_in_dim3A_686, %broadcast_in_dim3A_688 : vector<16xi1>, vector<16xf32>
    %sub3A_919 = arith.subf %broadcast_in_dim3A_686, %add3A_912 : vector<16xf32>
    %mul3A_920 = arith.mulf %select_n3A_918, %sub3A_919 : vector<16xf32>
    %add3A_921 = arith.addf %add3A_912, %mul3A_920 : vector<16xf32>
    %add3A_922 = arith.addf %add3A_843, %mul3A_920 : vector<16xf32>
    %sub3A_923 = arith.subf %broadcast_in_dim3A_686, %mul3A_920 : vector<16xf32>
    %mul3A_924 = arith.mulf %sub3A_846, %sub3A_923 : vector<16xf32>
    %sub3A_925 = arith.subf %mul3A_924, %mul3A_920 : vector<16xf32>
    %max3A_926 = arith.maximumf %sub3A_862, %sub3A_871 : vector<16xf32>
    %max3A_927 = arith.maximumf %max3A_926, %sub3A_880 : vector<16xf32>
    %max3A_928 = arith.maximumf %max3A_927, %sub3A_889 : vector<16xf32>
    %max3A_929 = arith.maximumf %max3A_928, %sub3A_898 : vector<16xf32>
    %max3A_930 = arith.maximumf %max3A_929, %sub3A_907 : vector<16xf32>
    %max3A_931 = arith.maximumf %max3A_930, %sub3A_916 : vector<16xf32>
    %max3A_932 = arith.maximumf %max3A_931, %sub3A_925 : vector<16xf32>
    %eq3A_933 = arith.cmpf oeq, %sub3A_862, %max3A_932 : vector<16xf32>
    %select_n3A_934 = arith.select %eq3A_933, %broadcast_in_dim3A_686, %broadcast_in_dim3A_688 : vector<16xi1>, vector<16xf32>
    %sub3A_935 = arith.subf %broadcast_in_dim3A_686, %broadcast_in_dim3A_688 : vector<16xf32>
    %mul3A_936 = arith.mulf %select_n3A_934, %sub3A_935 : vector<16xf32>
    %add3A_937 = arith.addf %broadcast_in_dim3A_688, %mul3A_936 : vector<16xf32>
    %add3A_938 = arith.addf %add3A_859, %mul3A_936 : vector<16xf32>
    %sub3A_939 = arith.subf %broadcast_in_dim3A_686, %mul3A_936 : vector<16xf32>
    %mul3A_940 = arith.mulf %sub3A_862, %sub3A_939 : vector<16xf32>
    %sub3A_941 = arith.subf %mul3A_940, %mul3A_936 : vector<16xf32>
    %eq3A_942 = arith.cmpf oeq, %sub3A_871, %max3A_932 : vector<16xf32>
    %select_n3A_943 = arith.select %eq3A_942, %broadcast_in_dim3A_686, %broadcast_in_dim3A_688 : vector<16xi1>, vector<16xf32>
    %sub3A_944 = arith.subf %broadcast_in_dim3A_686, %add3A_937 : vector<16xf32>
    %mul3A_945 = arith.mulf %select_n3A_943, %sub3A_944 : vector<16xf32>
    %add3A_946 = arith.addf %add3A_937, %mul3A_945 : vector<16xf32>
    %add3A_947 = arith.addf %add3A_868, %mul3A_945 : vector<16xf32>
    %sub3A_948 = arith.subf %broadcast_in_dim3A_686, %mul3A_945 : vector<16xf32>
    %mul3A_949 = arith.mulf %sub3A_871, %sub3A_948 : vector<16xf32>
    %sub3A_950 = arith.subf %mul3A_949, %mul3A_945 : vector<16xf32>
    %eq3A_951 = arith.cmpf oeq, %sub3A_880, %max3A_932 : vector<16xf32>
    %select_n3A_952 = arith.select %eq3A_951, %broadcast_in_dim3A_686, %broadcast_in_dim3A_688 : vector<16xi1>, vector<16xf32>
    %sub3A_953 = arith.subf %broadcast_in_dim3A_686, %add3A_946 : vector<16xf32>
    %mul3A_954 = arith.mulf %select_n3A_952, %sub3A_953 : vector<16xf32>
    %add3A_955 = arith.addf %add3A_946, %mul3A_954 : vector<16xf32>
    %add3A_956 = arith.addf %add3A_877, %mul3A_954 : vector<16xf32>
    %sub3A_957 = arith.subf %broadcast_in_dim3A_686, %mul3A_954 : vector<16xf32>
    %mul3A_958 = arith.mulf %sub3A_880, %sub3A_957 : vector<16xf32>
    %sub3A_959 = arith.subf %mul3A_958, %mul3A_954 : vector<16xf32>
    %eq3A_960 = arith.cmpf oeq, %sub3A_889, %max3A_932 : vector<16xf32>
    %select_n3A_961 = arith.select %eq3A_960, %broadcast_in_dim3A_686, %broadcast_in_dim3A_688 : vector<16xi1>, vector<16xf32>
    %sub3A_962 = arith.subf %broadcast_in_dim3A_686, %add3A_955 : vector<16xf32>
    %mul3A_963 = arith.mulf %select_n3A_961, %sub3A_962 : vector<16xf32>
    %add3A_964 = arith.addf %add3A_955, %mul3A_963 : vector<16xf32>
    %add3A_965 = arith.addf %add3A_886, %mul3A_963 : vector<16xf32>
    %sub3A_966 = arith.subf %broadcast_in_dim3A_686, %mul3A_963 : vector<16xf32>
    %mul3A_967 = arith.mulf %sub3A_889, %sub3A_966 : vector<16xf32>
    %sub3A_968 = arith.subf %mul3A_967, %mul3A_963 : vector<16xf32>
    %eq3A_969 = arith.cmpf oeq, %sub3A_898, %max3A_932 : vector<16xf32>
    %select_n3A_970 = arith.select %eq3A_969, %broadcast_in_dim3A_686, %broadcast_in_dim3A_688 : vector<16xi1>, vector<16xf32>
    %sub3A_971 = arith.subf %broadcast_in_dim3A_686, %add3A_964 : vector<16xf32>
    %mul3A_972 = arith.mulf %select_n3A_970, %sub3A_971 : vector<16xf32>
    %add3A_973 = arith.addf %add3A_964, %mul3A_972 : vector<16xf32>
    %add3A_974 = arith.addf %add3A_895, %mul3A_972 : vector<16xf32>
    %sub3A_975 = arith.subf %broadcast_in_dim3A_686, %mul3A_972 : vector<16xf32>
    %mul3A_976 = arith.mulf %sub3A_898, %sub3A_975 : vector<16xf32>
    %sub3A_977 = arith.subf %mul3A_976, %mul3A_972 : vector<16xf32>
    %eq3A_978 = arith.cmpf oeq, %sub3A_907, %max3A_932 : vector<16xf32>
    %select_n3A_979 = arith.select %eq3A_978, %broadcast_in_dim3A_686, %broadcast_in_dim3A_688 : vector<16xi1>, vector<16xf32>
    %sub3A_980 = arith.subf %broadcast_in_dim3A_686, %add3A_973 : vector<16xf32>
    %mul3A_981 = arith.mulf %select_n3A_979, %sub3A_980 : vector<16xf32>
    %add3A_982 = arith.addf %add3A_973, %mul3A_981 : vector<16xf32>
    %add3A_983 = arith.addf %add3A_904, %mul3A_981 : vector<16xf32>
    %sub3A_984 = arith.subf %broadcast_in_dim3A_686, %mul3A_981 : vector<16xf32>
    %mul3A_985 = arith.mulf %sub3A_907, %sub3A_984 : vector<16xf32>
    %sub3A_986 = arith.subf %mul3A_985, %mul3A_981 : vector<16xf32>
    %eq3A_987 = arith.cmpf oeq, %sub3A_916, %max3A_932 : vector<16xf32>
    %select_n3A_988 = arith.select %eq3A_987, %broadcast_in_dim3A_686, %broadcast_in_dim3A_688 : vector<16xi1>, vector<16xf32>
    %sub3A_989 = arith.subf %broadcast_in_dim3A_686, %add3A_982 : vector<16xf32>
    %mul3A_990 = arith.mulf %select_n3A_988, %sub3A_989 : vector<16xf32>
    %add3A_991 = arith.addf %add3A_982, %mul3A_990 : vector<16xf32>
    %add3A_992 = arith.addf %add3A_913, %mul3A_990 : vector<16xf32>
    %sub3A_993 = arith.subf %broadcast_in_dim3A_686, %mul3A_990 : vector<16xf32>
    %mul3A_994 = arith.mulf %sub3A_916, %sub3A_993 : vector<16xf32>
    %sub3A_995 = arith.subf %mul3A_994, %mul3A_990 : vector<16xf32>
    %eq3A_996 = arith.cmpf oeq, %sub3A_925, %max3A_932 : vector<16xf32>
    %select_n3A_997 = arith.select %eq3A_996, %broadcast_in_dim3A_686, %broadcast_in_dim3A_688 : vector<16xi1>, vector<16xf32>
    %sub3A_998 = arith.subf %broadcast_in_dim3A_686, %add3A_991 : vector<16xf32>
    %mul3A_999 = arith.mulf %select_n3A_997, %sub3A_998 : vector<16xf32>
    %add3A_1000 = arith.addf %add3A_991, %mul3A_999 : vector<16xf32>
    %add3A_1001 = arith.addf %add3A_922, %mul3A_999 : vector<16xf32>
    %sub3A_1002 = arith.subf %broadcast_in_dim3A_686, %mul3A_999 : vector<16xf32>
    %mul3A_1003 = arith.mulf %sub3A_925, %sub3A_1002 : vector<16xf32>
    %sub3A_1004 = arith.subf %mul3A_1003, %mul3A_999 : vector<16xf32>
    %max3A_1005 = arith.maximumf %sub3A_941, %sub3A_950 : vector<16xf32>
    %max3A_1006 = arith.maximumf %max3A_1005, %sub3A_959 : vector<16xf32>
    %max3A_1007 = arith.maximumf %max3A_1006, %sub3A_968 : vector<16xf32>
    %max3A_1008 = arith.maximumf %max3A_1007, %sub3A_977 : vector<16xf32>
    %max3A_1009 = arith.maximumf %max3A_1008, %sub3A_986 : vector<16xf32>
    %max3A_1010 = arith.maximumf %max3A_1009, %sub3A_995 : vector<16xf32>
    %max3A_1011 = arith.maximumf %max3A_1010, %sub3A_1004 : vector<16xf32>
    %eq3A_1012 = arith.cmpf oeq, %sub3A_941, %max3A_1011 : vector<16xf32>
    %select_n3A_1013 = arith.select %eq3A_1012, %broadcast_in_dim3A_686, %broadcast_in_dim3A_688 : vector<16xi1>, vector<16xf32>
    %sub3A_1014 = arith.subf %broadcast_in_dim3A_686, %broadcast_in_dim3A_688 : vector<16xf32>
    %mul3A_1015 = arith.mulf %select_n3A_1013, %sub3A_1014 : vector<16xf32>
    %add3A_1016 = arith.addf %broadcast_in_dim3A_688, %mul3A_1015 : vector<16xf32>
    %add3A_1017 = arith.addf %add3A_938, %mul3A_1015 : vector<16xf32>
    %sub3A_1018 = arith.subf %broadcast_in_dim3A_686, %mul3A_1015 : vector<16xf32>
    %mul3A_1019 = arith.mulf %sub3A_941, %sub3A_1018 : vector<16xf32>
    %sub3A_1020 = arith.subf %mul3A_1019, %mul3A_1015 : vector<16xf32>
    %eq3A_1021 = arith.cmpf oeq, %sub3A_950, %max3A_1011 : vector<16xf32>
    %select_n3A_1022 = arith.select %eq3A_1021, %broadcast_in_dim3A_686, %broadcast_in_dim3A_688 : vector<16xi1>, vector<16xf32>
    %sub3A_1023 = arith.subf %broadcast_in_dim3A_686, %add3A_1016 : vector<16xf32>
    %mul3A_1024 = arith.mulf %select_n3A_1022, %sub3A_1023 : vector<16xf32>
    %add3A_1025 = arith.addf %add3A_1016, %mul3A_1024 : vector<16xf32>
    %add3A_1026 = arith.addf %add3A_947, %mul3A_1024 : vector<16xf32>
    %sub3A_1027 = arith.subf %broadcast_in_dim3A_686, %mul3A_1024 : vector<16xf32>
    %mul3A_1028 = arith.mulf %sub3A_950, %sub3A_1027 : vector<16xf32>
    %sub3A_1029 = arith.subf %mul3A_1028, %mul3A_1024 : vector<16xf32>
    %eq3A_1030 = arith.cmpf oeq, %sub3A_959, %max3A_1011 : vector<16xf32>
    %select_n3A_1031 = arith.select %eq3A_1030, %broadcast_in_dim3A_686, %broadcast_in_dim3A_688 : vector<16xi1>, vector<16xf32>
    %sub3A_1032 = arith.subf %broadcast_in_dim3A_686, %add3A_1025 : vector<16xf32>
    %mul3A_1033 = arith.mulf %select_n3A_1031, %sub3A_1032 : vector<16xf32>
    %add3A_1034 = arith.addf %add3A_1025, %mul3A_1033 : vector<16xf32>
    %add3A_1035 = arith.addf %add3A_956, %mul3A_1033 : vector<16xf32>
    %sub3A_1036 = arith.subf %broadcast_in_dim3A_686, %mul3A_1033 : vector<16xf32>
    %mul3A_1037 = arith.mulf %sub3A_959, %sub3A_1036 : vector<16xf32>
    %sub3A_1038 = arith.subf %mul3A_1037, %mul3A_1033 : vector<16xf32>
    %eq3A_1039 = arith.cmpf oeq, %sub3A_968, %max3A_1011 : vector<16xf32>
    %select_n3A_1040 = arith.select %eq3A_1039, %broadcast_in_dim3A_686, %broadcast_in_dim3A_688 : vector<16xi1>, vector<16xf32>
    %sub3A_1041 = arith.subf %broadcast_in_dim3A_686, %add3A_1034 : vector<16xf32>
    %mul3A_1042 = arith.mulf %select_n3A_1040, %sub3A_1041 : vector<16xf32>
    %add3A_1043 = arith.addf %add3A_1034, %mul3A_1042 : vector<16xf32>
    %add3A_1044 = arith.addf %add3A_965, %mul3A_1042 : vector<16xf32>
    %sub3A_1045 = arith.subf %broadcast_in_dim3A_686, %mul3A_1042 : vector<16xf32>
    %mul3A_1046 = arith.mulf %sub3A_968, %sub3A_1045 : vector<16xf32>
    %sub3A_1047 = arith.subf %mul3A_1046, %mul3A_1042 : vector<16xf32>
    %eq3A_1048 = arith.cmpf oeq, %sub3A_977, %max3A_1011 : vector<16xf32>
    %select_n3A_1049 = arith.select %eq3A_1048, %broadcast_in_dim3A_686, %broadcast_in_dim3A_688 : vector<16xi1>, vector<16xf32>
    %sub3A_1050 = arith.subf %broadcast_in_dim3A_686, %add3A_1043 : vector<16xf32>
    %mul3A_1051 = arith.mulf %select_n3A_1049, %sub3A_1050 : vector<16xf32>
    %add3A_1052 = arith.addf %add3A_1043, %mul3A_1051 : vector<16xf32>
    %add3A_1053 = arith.addf %add3A_974, %mul3A_1051 : vector<16xf32>
    %sub3A_1054 = arith.subf %broadcast_in_dim3A_686, %mul3A_1051 : vector<16xf32>
    %mul3A_1055 = arith.mulf %sub3A_977, %sub3A_1054 : vector<16xf32>
    %sub3A_1056 = arith.subf %mul3A_1055, %mul3A_1051 : vector<16xf32>
    %eq3A_1057 = arith.cmpf oeq, %sub3A_986, %max3A_1011 : vector<16xf32>
    %select_n3A_1058 = arith.select %eq3A_1057, %broadcast_in_dim3A_686, %broadcast_in_dim3A_688 : vector<16xi1>, vector<16xf32>
    %sub3A_1059 = arith.subf %broadcast_in_dim3A_686, %add3A_1052 : vector<16xf32>
    %mul3A_1060 = arith.mulf %select_n3A_1058, %sub3A_1059 : vector<16xf32>
    %add3A_1061 = arith.addf %add3A_1052, %mul3A_1060 : vector<16xf32>
    %add3A_1062 = arith.addf %add3A_983, %mul3A_1060 : vector<16xf32>
    %sub3A_1063 = arith.subf %broadcast_in_dim3A_686, %mul3A_1060 : vector<16xf32>
    %mul3A_1064 = arith.mulf %sub3A_986, %sub3A_1063 : vector<16xf32>
    %sub3A_1065 = arith.subf %mul3A_1064, %mul3A_1060 : vector<16xf32>
    %eq3A_1066 = arith.cmpf oeq, %sub3A_995, %max3A_1011 : vector<16xf32>
    %select_n3A_1067 = arith.select %eq3A_1066, %broadcast_in_dim3A_686, %broadcast_in_dim3A_688 : vector<16xi1>, vector<16xf32>
    %sub3A_1068 = arith.subf %broadcast_in_dim3A_686, %add3A_1061 : vector<16xf32>
    %mul3A_1069 = arith.mulf %select_n3A_1067, %sub3A_1068 : vector<16xf32>
    %add3A_1070 = arith.addf %add3A_1061, %mul3A_1069 : vector<16xf32>
    %add3A_1071 = arith.addf %add3A_992, %mul3A_1069 : vector<16xf32>
    %sub3A_1072 = arith.subf %broadcast_in_dim3A_686, %mul3A_1069 : vector<16xf32>
    %mul3A_1073 = arith.mulf %sub3A_995, %sub3A_1072 : vector<16xf32>
    %sub3A_1074 = arith.subf %mul3A_1073, %mul3A_1069 : vector<16xf32>
    %eq3A_1075 = arith.cmpf oeq, %sub3A_1004, %max3A_1011 : vector<16xf32>
    %select_n3A_1076 = arith.select %eq3A_1075, %broadcast_in_dim3A_686, %broadcast_in_dim3A_688 : vector<16xi1>, vector<16xf32>
    %sub3A_1077 = arith.subf %broadcast_in_dim3A_686, %add3A_1070 : vector<16xf32>
    %mul3A_1078 = arith.mulf %select_n3A_1076, %sub3A_1077 : vector<16xf32>
    %add3A_1079 = arith.addf %add3A_1070, %mul3A_1078 : vector<16xf32>
    %add3A_1080 = arith.addf %add3A_1001, %mul3A_1078 : vector<16xf32>
    %sub3A_1081 = arith.subf %broadcast_in_dim3A_686, %mul3A_1078 : vector<16xf32>
    %mul3A_1082 = arith.mulf %sub3A_1004, %sub3A_1081 : vector<16xf32>
    %sub3A_1083 = arith.subf %mul3A_1082, %mul3A_1078 : vector<16xf32>
    %mul3A_1084 = arith.mulf %div3A_677, %add3A_1017 : vector<16xf32>
    %mul3A_1085 = arith.mulf %div3A_678, %add3A_1026 : vector<16xf32>
    %mul3A_1086 = arith.mulf %div3A_679, %add3A_1035 : vector<16xf32>
    %mul3A_1087 = arith.mulf %div3A_680, %add3A_1044 : vector<16xf32>
    %mul3A_1088 = arith.mulf %div3A_681, %add3A_1053 : vector<16xf32>
    %mul3A_1089 = arith.mulf %div3A_682, %add3A_1062 : vector<16xf32>
    %mul3A_1090 = arith.mulf %div3A_683, %add3A_1071 : vector<16xf32>
    %mul3A_1091 = arith.mulf %div3A_684, %add3A_1080 : vector<16xf32>
    %add3A_1092 = arith.addf %mul3A_1084, %mul3A_1085 : vector<16xf32>
    %add3A_1093 = arith.addf %add3A_1092, %mul3A_1086 : vector<16xf32>
    %add3A_1094 = arith.addf %add3A_1093, %mul3A_1087 : vector<16xf32>
    %add3A_1095 = arith.addf %add3A_1094, %mul3A_1088 : vector<16xf32>
    %add3A_1096 = arith.addf %add3A_1095, %mul3A_1089 : vector<16xf32>
    %add3A_1097 = arith.addf %add3A_1096, %mul3A_1090 : vector<16xf32>
    %add3A_1098 = arith.addf %add3A_1097, %mul3A_1091 : vector<16xf32>
    %add3A_1099 = arith.constant 9.99999993E-9 : f32
    %add3A_1100 = vector.broadcast %add3A_1099 : f32 to vector<16xf32>
    %add3A_1101 = arith.addf %add3A_1098, %add3A_1100 : vector<16xf32>
    %div3A_1102 = arith.divf %mul3A_1084, %add3A_1101 : vector<16xf32>
    %swap3A_1103 = arith.constant 16 : index
    %swap3A_1104 = tpu.vector_load %arg5[%swap3A_1103] {strides = array<i32>} : memref<512xf32, #tpu.memory_space<vmem>>, vector<16xf32>,
    %swap3A_1105 = vector.shape_cast %swap3A_1104 : vector<16xf32> to vector<16xf32>
    %swap3A_1106 = vector.shape_cast %div3A_1102 : vector<16xf32> to vector<16xf32>
    tpu.vector_store %arg5[%swap3A_1103], %swap3A_1106 {strides = array<i32>} : memref<512xf32, #tpu.memory_space<vmem>>, vector<16xf32>,
    %div3A_1107 = arith.divf %mul3A_1085, %add3A_1101 : vector<16xf32>
    %swap3A_1108 = arith.constant 80 : index
    %swap3A_1109 = tpu.vector_load %arg5[%swap3A_1108] {strides = array<i32>} : memref<512xf32, #tpu.memory_space<vmem>>, vector<16xf32>,
    %swap3A_1110 = vector.shape_cast %swap3A_1109 : vector<16xf32> to vector<16xf32>
    %swap3A_1111 = vector.shape_cast %div3A_1107 : vector<16xf32> to vector<16xf32>
    tpu.vector_store %arg5[%swap3A_1108], %swap3A_1111 {strides = array<i32>} : memref<512xf32, #tpu.memory_space<vmem>>, vector<16xf32>,
    %div3A_1112 = arith.divf %mul3A_1086, %add3A_1101 : vector<16xf32>
    %swap3A_1113 = arith.constant 144 : index
    %swap3A_1114 = tpu.vector_load %arg5[%swap3A_1113] {strides = array<i32>} : memref<512xf32, #tpu.memory_space<vmem>>, vector<16xf32>,
    %swap3A_1115 = vector.shape_cast %swap3A_1114 : vector<16xf32> to vector<16xf32>
    %swap3A_1116 = vector.shape_cast %div3A_1112 : vector<16xf32> to vector<16xf32>
    tpu.vector_store %arg5[%swap3A_1113], %swap3A_1116 {strides = array<i32>} : memref<512xf32, #tpu.memory_space<vmem>>, vector<16xf32>,
    %div3A_1117 = arith.divf %mul3A_1087, %add3A_1101 : vector<16xf32>
    %swap3A_1118 = arith.constant 208 : index
    %swap3A_1119 = tpu.vector_load %arg5[%swap3A_1118] {strides = array<i32>} : memref<512xf32, #tpu.memory_space<vmem>>, vector<16xf32>,
    %swap3A_1120 = vector.shape_cast %swap3A_1119 : vector<16xf32> to vector<16xf32>
    %swap3A_1121 = vector.shape_cast %div3A_1117 : vector<16xf32> to vector<16xf32>
    tpu.vector_store %arg5[%swap3A_1118], %swap3A_1121 {strides = array<i32>} : memref<512xf32, #tpu.memory_space<vmem>>, vector<16xf32>,
    %div3A_1122 = arith.divf %mul3A_1088, %add3A_1101 : vector<16xf32>
    %swap3A_1123 = arith.constant 272 : index
    %swap3A_1124 = tpu.vector_load %arg5[%swap3A_1123] {strides = array<i32>} : memref<512xf32, #tpu.memory_space<vmem>>, vector<16xf32>,
    %swap3A_1125 = vector.shape_cast %swap3A_1124 : vector<16xf32> to vector<16xf32>
    %swap3A_1126 = vector.shape_cast %div3A_1122 : vector<16xf32> to vector<16xf32>
    tpu.vector_store %arg5[%swap3A_1123], %swap3A_1126 {strides = array<i32>} : memref<512xf32, #tpu.memory_space<vmem>>, vector<16xf32>,
    %div3A_1127 = arith.divf %mul3A_1089, %add3A_1101 : vector<16xf32>
    %swap3A_1128 = arith.constant 336 : index
    %swap3A_1129 = tpu.vector_load %arg5[%swap3A_1128] {strides = array<i32>} : memref<512xf32, #tpu.memory_space<vmem>>, vector<16xf32>,
    %swap3A_1130 = vector.shape_cast %swap3A_1129 : vector<16xf32> to vector<16xf32>
    %swap3A_1131 = vector.shape_cast %div3A_1127 : vector<16xf32> to vector<16xf32>
    tpu.vector_store %arg5[%swap3A_1128], %swap3A_1131 {strides = array<i32>} : memref<512xf32, #tpu.memory_space<vmem>>, vector<16xf32>,
    %div3A_1132 = arith.divf %mul3A_1090, %add3A_1101 : vector<16xf32>
    %swap3A_1133 = arith.constant 400 : index
    %swap3A_1134 = tpu.vector_load %arg5[%swap3A_1133] {strides = array<i32>} : memref<512xf32, #tpu.memory_space<vmem>>, vector<16xf32>,
    %swap3A_1135 = vector.shape_cast %swap3A_1134 : vector<16xf32> to vector<16xf32>
    %swap3A_1136 = vector.shape_cast %div3A_1132 : vector<16xf32> to vector<16xf32>
    tpu.vector_store %arg5[%swap3A_1133], %swap3A_1136 {strides = array<i32>} : memref<512xf32, #tpu.memory_space<vmem>>, vector<16xf32>,
    %div3A_1137 = arith.divf %mul3A_1091, %add3A_1101 : vector<16xf32>
    %swap3A_1138 = arith.constant 464 : index
    %swap3A_1139 = tpu.vector_load %arg5[%swap3A_1138] {strides = array<i32>} : memref<512xf32, #tpu.memory_space<vmem>>, vector<16xf32>,
    %swap3A_1140 = vector.shape_cast %swap3A_1139 : vector<16xf32> to vector<16xf32>
    %swap3A_1141 = vector.shape_cast %div3A_1137 : vector<16xf32> to vector<16xf32>
    tpu.vector_store %arg5[%swap3A_1138], %swap3A_1141 {strides = array<i32>} : memref<512xf32, #tpu.memory_space<vmem>>, vector<16xf32>,
    %get3A_1142 = arith.constant 32 : index
    %get3A_1143 = tpu.vector_load %arg4[%get3A_1142] {strides = array<i32>} : memref<512xf32, #tpu.memory_space<vmem>>, vector<16xf32>,
    %get3A_1144 = vector.shape_cast %get3A_1143 : vector<16xf32> to vector<16xf32>
    %get3A_1145 = arith.constant 96 : index
    %get3A_1146 = tpu.vector_load %arg4[%get3A_1145] {strides = array<i32>} : memref<512xf32, #tpu.memory_space<vmem>>, vector<16xf32>,
    %get3A_1147 = vector.shape_cast %get3A_1146 : vector<16xf32> to vector<16xf32>
    %get3A_1148 = arith.constant 160 : index
    %get3A_1149 = tpu.vector_load %arg4[%get3A_1148] {strides = array<i32>} : memref<512xf32, #tpu.memory_space<vmem>>, vector<16xf32>,
    %get3A_1150 = vector.shape_cast %get3A_1149 : vector<16xf32> to vector<16xf32>
    %get3A_1151 = arith.constant 224 : index
    %get3A_1152 = tpu.vector_load %arg4[%get3A_1151] {strides = array<i32>} : memref<512xf32, #tpu.memory_space<vmem>>, vector<16xf32>,
    %get3A_1153 = vector.shape_cast %get3A_1152 : vector<16xf32> to vector<16xf32>
    %get3A_1154 = arith.constant 288 : index
    %get3A_1155 = tpu.vector_load %arg4[%get3A_1154] {strides = array<i32>} : memref<512xf32, #tpu.memory_space<vmem>>, vector<16xf32>,
    %get3A_1156 = vector.shape_cast %get3A_1155 : vector<16xf32> to vector<16xf32>
    %get3A_1157 = arith.constant 352 : index
    %get3A_1158 = tpu.vector_load %arg4[%get3A_1157] {strides = array<i32>} : memref<512xf32, #tpu.memory_space<vmem>>, vector<16xf32>,
    %get3A_1159 = vector.shape_cast %get3A_1158 : vector<16xf32> to vector<16xf32>
    %get3A_1160 = arith.constant 416 : index
    %get3A_1161 = tpu.vector_load %arg4[%get3A_1160] {strides = array<i32>} : memref<512xf32, #tpu.memory_space<vmem>>, vector<16xf32>,
    %get3A_1162 = vector.shape_cast %get3A_1161 : vector<16xf32> to vector<16xf32>
    %get3A_1163 = arith.constant 480 : index
    %get3A_1164 = tpu.vector_load %arg4[%get3A_1163] {strides = array<i32>} : memref<512xf32, #tpu.memory_space<vmem>>, vector<16xf32>,
    %get3A_1165 = vector.shape_cast %get3A_1164 : vector<16xf32> to vector<16xf32>
    %max3A_1166 = arith.maximumf %get3A_1144, %get3A_1147 : vector<16xf32>
    %max3A_1167 = arith.maximumf %max3A_1166, %get3A_1150 : vector<16xf32>
    %max3A_1168 = arith.maximumf %max3A_1167, %get3A_1153 : vector<16xf32>
    %max3A_1169 = arith.maximumf %max3A_1168, %get3A_1156 : vector<16xf32>
    %max3A_1170 = arith.maximumf %max3A_1169, %get3A_1159 : vector<16xf32>
    %max3A_1171 = arith.maximumf %max3A_1170, %get3A_1162 : vector<16xf32>
    %max3A_1172 = arith.maximumf %max3A_1171, %get3A_1165 : vector<16xf32>
    %sub3A_1173 = arith.subf %get3A_1144, %max3A_1172 : vector<16xf32>
    %exp3A_1174 = math.exp %sub3A_1173 : vector<16xf32>
    %sub3A_1175 = arith.subf %get3A_1147, %max3A_1172 : vector<16xf32>
    %exp3A_1176 = math.exp %sub3A_1175 : vector<16xf32>
    %sub3A_1177 = arith.subf %get3A_1150, %max3A_1172 : vector<16xf32>
    %exp3A_1178 = math.exp %sub3A_1177 : vector<16xf32>
    %sub3A_1179 = arith.subf %get3A_1153, %max3A_1172 : vector<16xf32>
    %exp3A_1180 = math.exp %sub3A_1179 : vector<16xf32>
    %sub3A_1181 = arith.subf %get3A_1156, %max3A_1172 : vector<16xf32>
    %exp3A_1182 = math.exp %sub3A_1181 : vector<16xf32>
    %sub3A_1183 = arith.subf %get3A_1159, %max3A_1172 : vector<16xf32>
    %exp3A_1184 = math.exp %sub3A_1183 : vector<16xf32>
    %sub3A_1185 = arith.subf %get3A_1162, %max3A_1172 : vector<16xf32>
    %exp3A_1186 = math.exp %sub3A_1185 : vector<16xf32>
    %sub3A_1187 = arith.subf %get3A_1165, %max3A_1172 : vector<16xf32>
    %exp3A_1188 = math.exp %sub3A_1187 : vector<16xf32>
    %add3A_1189 = arith.addf %exp3A_1174, %exp3A_1176 : vector<16xf32>
    %add3A_1190 = arith.addf %add3A_1189, %exp3A_1178 : vector<16xf32>
    %add3A_1191 = arith.addf %add3A_1190, %exp3A_1180 : vector<16xf32>
    %add3A_1192 = arith.addf %add3A_1191, %exp3A_1182 : vector<16xf32>
    %add3A_1193 = arith.addf %add3A_1192, %exp3A_1184 : vector<16xf32>
    %add3A_1194 = arith.addf %add3A_1193, %exp3A_1186 : vector<16xf32>
    %add3A_1195 = arith.addf %add3A_1194, %exp3A_1188 : vector<16xf32>
    %div3A_1196 = arith.divf %exp3A_1174, %add3A_1195 : vector<16xf32>
    %div3A_1197 = arith.divf %exp3A_1176, %add3A_1195 : vector<16xf32>
    %div3A_1198 = arith.divf %exp3A_1178, %add3A_1195 : vector<16xf32>
    %div3A_1199 = arith.divf %exp3A_1180, %add3A_1195 : vector<16xf32>
    %div3A_1200 = arith.divf %exp3A_1182, %add3A_1195 : vector<16xf32>
    %div3A_1201 = arith.divf %exp3A_1184, %add3A_1195 : vector<16xf32>
    %div3A_1202 = arith.divf %exp3A_1186, %add3A_1195 : vector<16xf32>
    %div3A_1203 = arith.divf %exp3A_1188, %add3A_1195 : vector<16xf32>
    %broadcast_in_dim3A_1204 = arith.constant 1.000000e+00 : f32
    %broadcast_in_dim3A_1205 = vector.broadcast %broadcast_in_dim3A_1204 : f32 to vector<16xf32>
    %broadcast_in_dim3A_1206 = arith.constant 0.000000e+00 : f32
    %broadcast_in_dim3A_1207 = vector.broadcast %broadcast_in_dim3A_1206 : f32 to vector<16xf32>
    %max3A_1208 = arith.maximumf %div3A_1196, %div3A_1197 : vector<16xf32>
    %max3A_1209 = arith.maximumf %max3A_1208, %div3A_1198 : vector<16xf32>
    %max3A_1210 = arith.maximumf %max3A_1209, %div3A_1199 : vector<16xf32>
    %max3A_1211 = arith.maximumf %max3A_1210, %div3A_1200 : vector<16xf32>
    %max3A_1212 = arith.maximumf %max3A_1211, %div3A_1201 : vector<16xf32>
    %max3A_1213 = arith.maximumf %max3A_1212, %div3A_1202 : vector<16xf32>
    %max3A_1214 = arith.maximumf %max3A_1213, %div3A_1203 : vector<16xf32>
    %eq3A_1215 = arith.cmpf oeq, %div3A_1196, %max3A_1214 : vector<16xf32>
    %select_n3A_1216 = arith.select %eq3A_1215, %broadcast_in_dim3A_1205, %broadcast_in_dim3A_1207 : vector<16xi1>, vector<16xf32>
    %sub3A_1217 = arith.subf %broadcast_in_dim3A_1205, %broadcast_in_dim3A_1207 : vector<16xf32>
    %mul3A_1218 = arith.mulf %select_n3A_1216, %sub3A_1217 : vector<16xf32>
    %add3A_1219 = arith.addf %broadcast_in_dim3A_1207, %mul3A_1218 : vector<16xf32>
    %add3A_1220 = arith.addf %broadcast_in_dim3A_1207, %mul3A_1218 : vector<16xf32>
    %sub3A_1221 = arith.subf %broadcast_in_dim3A_1205, %mul3A_1218 : vector<16xf32>
    %mul3A_1222 = arith.mulf %div3A_1196, %sub3A_1221 : vector<16xf32>
    %sub3A_1223 = arith.subf %mul3A_1222, %mul3A_1218 : vector<16xf32>
    %eq3A_1224 = arith.cmpf oeq, %div3A_1197, %max3A_1214 : vector<16xf32>
    %select_n3A_1225 = arith.select %eq3A_1224, %broadcast_in_dim3A_1205, %broadcast_in_dim3A_1207 : vector<16xi1>, vector<16xf32>
    %sub3A_1226 = arith.subf %broadcast_in_dim3A_1205, %add3A_1219 : vector<16xf32>
    %mul3A_1227 = arith.mulf %select_n3A_1225, %sub3A_1226 : vector<16xf32>
    %add3A_1228 = arith.addf %add3A_1219, %mul3A_1227 : vector<16xf32>
    %add3A_1229 = arith.addf %broadcast_in_dim3A_1207, %mul3A_1227 : vector<16xf32>
    %sub3A_1230 = arith.subf %broadcast_in_dim3A_1205, %mul3A_1227 : vector<16xf32>
    %mul3A_1231 = arith.mulf %div3A_1197, %sub3A_1230 : vector<16xf32>
    %sub3A_1232 = arith.subf %mul3A_1231, %mul3A_1227 : vector<16xf32>
    %eq3A_1233 = arith.cmpf oeq, %div3A_1198, %max3A_1214 : vector<16xf32>
    %select_n3A_1234 = arith.select %eq3A_1233, %broadcast_in_dim3A_1205, %broadcast_in_dim3A_1207 : vector<16xi1>, vector<16xf32>
    %sub3A_1235 = arith.subf %broadcast_in_dim3A_1205, %add3A_1228 : vector<16xf32>
    %mul3A_1236 = arith.mulf %select_n3A_1234, %sub3A_1235 : vector<16xf32>
    %add3A_1237 = arith.addf %add3A_1228, %mul3A_1236 : vector<16xf32>
    %add3A_1238 = arith.addf %broadcast_in_dim3A_1207, %mul3A_1236 : vector<16xf32>
    %sub3A_1239 = arith.subf %broadcast_in_dim3A_1205, %mul3A_1236 : vector<16xf32>
    %mul3A_1240 = arith.mulf %div3A_1198, %sub3A_1239 : vector<16xf32>
    %sub3A_1241 = arith.subf %mul3A_1240, %mul3A_1236 : vector<16xf32>
    %eq3A_1242 = arith.cmpf oeq, %div3A_1199, %max3A_1214 : vector<16xf32>
    %select_n3A_1243 = arith.select %eq3A_1242, %broadcast_in_dim3A_1205, %broadcast_in_dim3A_1207 : vector<16xi1>, vector<16xf32>
    %sub3A_1244 = arith.subf %broadcast_in_dim3A_1205, %add3A_1237 : vector<16xf32>
    %mul3A_1245 = arith.mulf %select_n3A_1243, %sub3A_1244 : vector<16xf32>
    %add3A_1246 = arith.addf %add3A_1237, %mul3A_1245 : vector<16xf32>
    %add3A_1247 = arith.addf %broadcast_in_dim3A_1207, %mul3A_1245 : vector<16xf32>
    %sub3A_1248 = arith.subf %broadcast_in_dim3A_1205, %mul3A_1245 : vector<16xf32>
    %mul3A_1249 = arith.mulf %div3A_1199, %sub3A_1248 : vector<16xf32>
    %sub3A_1250 = arith.subf %mul3A_1249, %mul3A_1245 : vector<16xf32>
    %eq3A_1251 = arith.cmpf oeq, %div3A_1200, %max3A_1214 : vector<16xf32>
    %select_n3A_1252 = arith.select %eq3A_1251, %broadcast_in_dim3A_1205, %broadcast_in_dim3A_1207 : vector<16xi1>, vector<16xf32>
    %sub3A_1253 = arith.subf %broadcast_in_dim3A_1205, %add3A_1246 : vector<16xf32>
    %mul3A_1254 = arith.mulf %select_n3A_1252, %sub3A_1253 : vector<16xf32>
    %add3A_1255 = arith.addf %add3A_1246, %mul3A_1254 : vector<16xf32>
    %add3A_1256 = arith.addf %broadcast_in_dim3A_1207, %mul3A_1254 : vector<16xf32>
    %sub3A_1257 = arith.subf %broadcast_in_dim3A_1205, %mul3A_1254 : vector<16xf32>
    %mul3A_1258 = arith.mulf %div3A_1200, %sub3A_1257 : vector<16xf32>
    %sub3A_1259 = arith.subf %mul3A_1258, %mul3A_1254 : vector<16xf32>
    %eq3A_1260 = arith.cmpf oeq, %div3A_1201, %max3A_1214 : vector<16xf32>
    %select_n3A_1261 = arith.select %eq3A_1260, %broadcast_in_dim3A_1205, %broadcast_in_dim3A_1207 : vector<16xi1>, vector<16xf32>
    %sub3A_1262 = arith.subf %broadcast_in_dim3A_1205, %add3A_1255 : vector<16xf32>
    %mul3A_1263 = arith.mulf %select_n3A_1261, %sub3A_1262 : vector<16xf32>
    %add3A_1264 = arith.addf %add3A_1255, %mul3A_1263 : vector<16xf32>
    %add3A_1265 = arith.addf %broadcast_in_dim3A_1207, %mul3A_1263 : vector<16xf32>
    %sub3A_1266 = arith.subf %broadcast_in_dim3A_1205, %mul3A_1263 : vector<16xf32>
    %mul3A_1267 = arith.mulf %div3A_1201, %sub3A_1266 : vector<16xf32>
    %sub3A_1268 = arith.subf %mul3A_1267, %mul3A_1263 : vector<16xf32>
    %eq3A_1269 = arith.cmpf oeq, %div3A_1202, %max3A_1214 : vector<16xf32>
    %select_n3A_1270 = arith.select %eq3A_1269, %broadcast_in_dim3A_1205, %broadcast_in_dim3A_1207 : vector<16xi1>, vector<16xf32>
    %sub3A_1271 = arith.subf %broadcast_in_dim3A_1205, %add3A_1264 : vector<16xf32>
    %mul3A_1272 = arith.mulf %select_n3A_1270, %sub3A_1271 : vector<16xf32>
    %add3A_1273 = arith.addf %add3A_1264, %mul3A_1272 : vector<16xf32>
    %add3A_1274 = arith.addf %broadcast_in_dim3A_1207, %mul3A_1272 : vector<16xf32>
    %sub3A_1275 = arith.subf %broadcast_in_dim3A_1205, %mul3A_1272 : vector<16xf32>
    %mul3A_1276 = arith.mulf %div3A_1202, %sub3A_1275 : vector<16xf32>
    %sub3A_1277 = arith.subf %mul3A_1276, %mul3A_1272 : vector<16xf32>
    %eq3A_1278 = arith.cmpf oeq, %div3A_1203, %max3A_1214 : vector<16xf32>
    %select_n3A_1279 = arith.select %eq3A_1278, %broadcast_in_dim3A_1205, %broadcast_in_dim3A_1207 : vector<16xi1>, vector<16xf32>
    %sub3A_1280 = arith.subf %broadcast_in_dim3A_1205, %add3A_1273 : vector<16xf32>
    %mul3A_1281 = arith.mulf %select_n3A_1279, %sub3A_1280 : vector<16xf32>
    %add3A_1282 = arith.addf %add3A_1273, %mul3A_1281 : vector<16xf32>
    %add3A_1283 = arith.addf %broadcast_in_dim3A_1207, %mul3A_1281 : vector<16xf32>
    %sub3A_1284 = arith.subf %broadcast_in_dim3A_1205, %mul3A_1281 : vector<16xf32>
    %mul3A_1285 = arith.mulf %div3A_1203, %sub3A_1284 : vector<16xf32>
    %sub3A_1286 = arith.subf %mul3A_1285, %mul3A_1281 : vector<16xf32>
    %max3A_1287 = arith.maximumf %sub3A_1223, %sub3A_1232 : vector<16xf32>
    %max3A_1288 = arith.maximumf %max3A_1287, %sub3A_1241 : vector<16xf32>
    %max3A_1289 = arith.maximumf %max3A_1288, %sub3A_1250 : vector<16xf32>
    %max3A_1290 = arith.maximumf %max3A_1289, %sub3A_1259 : vector<16xf32>
    %max3A_1291 = arith.maximumf %max3A_1290, %sub3A_1268 : vector<16xf32>
    %max3A_1292 = arith.maximumf %max3A_1291, %sub3A_1277 : vector<16xf32>
    %max3A_1293 = arith.maximumf %max3A_1292, %sub3A_1286 : vector<16xf32>
    %eq3A_1294 = arith.cmpf oeq, %sub3A_1223, %max3A_1293 : vector<16xf32>
    %select_n3A_1295 = arith.select %eq3A_1294, %broadcast_in_dim3A_1205, %broadcast_in_dim3A_1207 : vector<16xi1>, vector<16xf32>
    %sub3A_1296 = arith.subf %broadcast_in_dim3A_1205, %broadcast_in_dim3A_1207 : vector<16xf32>
    %mul3A_1297 = arith.mulf %select_n3A_1295, %sub3A_1296 : vector<16xf32>
    %add3A_1298 = arith.addf %broadcast_in_dim3A_1207, %mul3A_1297 : vector<16xf32>
    %add3A_1299 = arith.addf %add3A_1220, %mul3A_1297 : vector<16xf32>
    %sub3A_1300 = arith.subf %broadcast_in_dim3A_1205, %mul3A_1297 : vector<16xf32>
    %mul3A_1301 = arith.mulf %sub3A_1223, %sub3A_1300 : vector<16xf32>
    %sub3A_1302 = arith.subf %mul3A_1301, %mul3A_1297 : vector<16xf32>
    %eq3A_1303 = arith.cmpf oeq, %sub3A_1232, %max3A_1293 : vector<16xf32>
    %select_n3A_1304 = arith.select %eq3A_1303, %broadcast_in_dim3A_1205, %broadcast_in_dim3A_1207 : vector<16xi1>, vector<16xf32>
    %sub3A_1305 = arith.subf %broadcast_in_dim3A_1205, %add3A_1298 : vector<16xf32>
    %mul3A_1306 = arith.mulf %select_n3A_1304, %sub3A_1305 : vector<16xf32>
    %add3A_1307 = arith.addf %add3A_1298, %mul3A_1306 : vector<16xf32>
    %add3A_1308 = arith.addf %add3A_1229, %mul3A_1306 : vector<16xf32>
    %sub3A_1309 = arith.subf %broadcast_in_dim3A_1205, %mul3A_1306 : vector<16xf32>
    %mul3A_1310 = arith.mulf %sub3A_1232, %sub3A_1309 : vector<16xf32>
    %sub3A_1311 = arith.subf %mul3A_1310, %mul3A_1306 : vector<16xf32>
    %eq3A_1312 = arith.cmpf oeq, %sub3A_1241, %max3A_1293 : vector<16xf32>
    %select_n3A_1313 = arith.select %eq3A_1312, %broadcast_in_dim3A_1205, %broadcast_in_dim3A_1207 : vector<16xi1>, vector<16xf32>
    %sub3A_1314 = arith.subf %broadcast_in_dim3A_1205, %add3A_1307 : vector<16xf32>
    %mul3A_1315 = arith.mulf %select_n3A_1313, %sub3A_1314 : vector<16xf32>
    %add3A_1316 = arith.addf %add3A_1307, %mul3A_1315 : vector<16xf32>
    %add3A_1317 = arith.addf %add3A_1238, %mul3A_1315 : vector<16xf32>
    %sub3A_1318 = arith.subf %broadcast_in_dim3A_1205, %mul3A_1315 : vector<16xf32>
    %mul3A_1319 = arith.mulf %sub3A_1241, %sub3A_1318 : vector<16xf32>
    %sub3A_1320 = arith.subf %mul3A_1319, %mul3A_1315 : vector<16xf32>
    %eq3A_1321 = arith.cmpf oeq, %sub3A_1250, %max3A_1293 : vector<16xf32>
    %select_n3A_1322 = arith.select %eq3A_1321, %broadcast_in_dim3A_1205, %broadcast_in_dim3A_1207 : vector<16xi1>, vector<16xf32>
    %sub3A_1323 = arith.subf %broadcast_in_dim3A_1205, %add3A_1316 : vector<16xf32>
    %mul3A_1324 = arith.mulf %select_n3A_1322, %sub3A_1323 : vector<16xf32>
    %add3A_1325 = arith.addf %add3A_1316, %mul3A_1324 : vector<16xf32>
    %add3A_1326 = arith.addf %add3A_1247, %mul3A_1324 : vector<16xf32>
    %sub3A_1327 = arith.subf %broadcast_in_dim3A_1205, %mul3A_1324 : vector<16xf32>
    %mul3A_1328 = arith.mulf %sub3A_1250, %sub3A_1327 : vector<16xf32>
    %sub3A_1329 = arith.subf %mul3A_1328, %mul3A_1324 : vector<16xf32>
    %eq3A_1330 = arith.cmpf oeq, %sub3A_1259, %max3A_1293 : vector<16xf32>
    %select_n3A_1331 = arith.select %eq3A_1330, %broadcast_in_dim3A_1205, %broadcast_in_dim3A_1207 : vector<16xi1>, vector<16xf32>
    %sub3A_1332 = arith.subf %broadcast_in_dim3A_1205, %add3A_1325 : vector<16xf32>
    %mul3A_1333 = arith.mulf %select_n3A_1331, %sub3A_1332 : vector<16xf32>
    %add3A_1334 = arith.addf %add3A_1325, %mul3A_1333 : vector<16xf32>
    %add3A_1335 = arith.addf %add3A_1256, %mul3A_1333 : vector<16xf32>
    %sub3A_1336 = arith.subf %broadcast_in_dim3A_1205, %mul3A_1333 : vector<16xf32>
    %mul3A_1337 = arith.mulf %sub3A_1259, %sub3A_1336 : vector<16xf32>
    %sub3A_1338 = arith.subf %mul3A_1337, %mul3A_1333 : vector<16xf32>
    %eq3A_1339 = arith.cmpf oeq, %sub3A_1268, %max3A_1293 : vector<16xf32>
    %select_n3A_1340 = arith.select %eq3A_1339, %broadcast_in_dim3A_1205, %broadcast_in_dim3A_1207 : vector<16xi1>, vector<16xf32>
    %sub3A_1341 = arith.subf %broadcast_in_dim3A_1205, %add3A_1334 : vector<16xf32>
    %mul3A_1342 = arith.mulf %select_n3A_1340, %sub3A_1341 : vector<16xf32>
    %add3A_1343 = arith.addf %add3A_1334, %mul3A_1342 : vector<16xf32>
    %add3A_1344 = arith.addf %add3A_1265, %mul3A_1342 : vector<16xf32>
    %sub3A_1345 = arith.subf %broadcast_in_dim3A_1205, %mul3A_1342 : vector<16xf32>
    %mul3A_1346 = arith.mulf %sub3A_1268, %sub3A_1345 : vector<16xf32>
    %sub3A_1347 = arith.subf %mul3A_1346, %mul3A_1342 : vector<16xf32>
    %eq3A_1348 = arith.cmpf oeq, %sub3A_1277, %max3A_1293 : vector<16xf32>
    %select_n3A_1349 = arith.select %eq3A_1348, %broadcast_in_dim3A_1205, %broadcast_in_dim3A_1207 : vector<16xi1>, vector<16xf32>
    %sub3A_1350 = arith.subf %broadcast_in_dim3A_1205, %add3A_1343 : vector<16xf32>
    %mul3A_1351 = arith.mulf %select_n3A_1349, %sub3A_1350 : vector<16xf32>
    %add3A_1352 = arith.addf %add3A_1343, %mul3A_1351 : vector<16xf32>
    %add3A_1353 = arith.addf %add3A_1274, %mul3A_1351 : vector<16xf32>
    %sub3A_1354 = arith.subf %broadcast_in_dim3A_1205, %mul3A_1351 : vector<16xf32>
    %mul3A_1355 = arith.mulf %sub3A_1277, %sub3A_1354 : vector<16xf32>
    %sub3A_1356 = arith.subf %mul3A_1355, %mul3A_1351 : vector<16xf32>
    %eq3A_1357 = arith.cmpf oeq, %sub3A_1286, %max3A_1293 : vector<16xf32>
    %select_n3A_1358 = arith.select %eq3A_1357, %broadcast_in_dim3A_1205, %broadcast_in_dim3A_1207 : vector<16xi1>, vector<16xf32>
    %sub3A_1359 = arith.subf %broadcast_in_dim3A_1205, %add3A_1352 : vector<16xf32>
    %mul3A_1360 = arith.mulf %select_n3A_1358, %sub3A_1359 : vector<16xf32>
    %add3A_1361 = arith.addf %add3A_1352, %mul3A_1360 : vector<16xf32>
    %add3A_1362 = arith.addf %add3A_1283, %mul3A_1360 : vector<16xf32>
    %sub3A_1363 = arith.subf %broadcast_in_dim3A_1205, %mul3A_1360 : vector<16xf32>
    %mul3A_1364 = arith.mulf %sub3A_1286, %sub3A_1363 : vector<16xf32>
    %sub3A_1365 = arith.subf %mul3A_1364, %mul3A_1360 : vector<16xf32>
    %max3A_1366 = arith.maximumf %sub3A_1302, %sub3A_1311 : vector<16xf32>
    %max3A_1367 = arith.maximumf %max3A_1366, %sub3A_1320 : vector<16xf32>
    %max3A_1368 = arith.maximumf %max3A_1367, %sub3A_1329 : vector<16xf32>
    %max3A_1369 = arith.maximumf %max3A_1368, %sub3A_1338 : vector<16xf32>
    %max3A_1370 = arith.maximumf %max3A_1369, %sub3A_1347 : vector<16xf32>
    %max3A_1371 = arith.maximumf %max3A_1370, %sub3A_1356 : vector<16xf32>
    %max3A_1372 = arith.maximumf %max3A_1371, %sub3A_1365 : vector<16xf32>
    %eq3A_1373 = arith.cmpf oeq, %sub3A_1302, %max3A_1372 : vector<16xf32>
    %select_n3A_1374 = arith.select %eq3A_1373, %broadcast_in_dim3A_1205, %broadcast_in_dim3A_1207 : vector<16xi1>, vector<16xf32>
    %sub3A_1375 = arith.subf %broadcast_in_dim3A_1205, %broadcast_in_dim3A_1207 : vector<16xf32>
    %mul3A_1376 = arith.mulf %select_n3A_1374, %sub3A_1375 : vector<16xf32>
    %add3A_1377 = arith.addf %broadcast_in_dim3A_1207, %mul3A_1376 : vector<16xf32>
    %add3A_1378 = arith.addf %add3A_1299, %mul3A_1376 : vector<16xf32>
    %sub3A_1379 = arith.subf %broadcast_in_dim3A_1205, %mul3A_1376 : vector<16xf32>
    %mul3A_1380 = arith.mulf %sub3A_1302, %sub3A_1379 : vector<16xf32>
    %sub3A_1381 = arith.subf %mul3A_1380, %mul3A_1376 : vector<16xf32>
    %eq3A_1382 = arith.cmpf oeq, %sub3A_1311, %max3A_1372 : vector<16xf32>
    %select_n3A_1383 = arith.select %eq3A_1382, %broadcast_in_dim3A_1205, %broadcast_in_dim3A_1207 : vector<16xi1>, vector<16xf32>
    %sub3A_1384 = arith.subf %broadcast_in_dim3A_1205, %add3A_1377 : vector<16xf32>
    %mul3A_1385 = arith.mulf %select_n3A_1383, %sub3A_1384 : vector<16xf32>
    %add3A_1386 = arith.addf %add3A_1377, %mul3A_1385 : vector<16xf32>
    %add3A_1387 = arith.addf %add3A_1308, %mul3A_1385 : vector<16xf32>
    %sub3A_1388 = arith.subf %broadcast_in_dim3A_1205, %mul3A_1385 : vector<16xf32>
    %mul3A_1389 = arith.mulf %sub3A_1311, %sub3A_1388 : vector<16xf32>
    %sub3A_1390 = arith.subf %mul3A_1389, %mul3A_1385 : vector<16xf32>
    %eq3A_1391 = arith.cmpf oeq, %sub3A_1320, %max3A_1372 : vector<16xf32>
    %select_n3A_1392 = arith.select %eq3A_1391, %broadcast_in_dim3A_1205, %broadcast_in_dim3A_1207 : vector<16xi1>, vector<16xf32>
    %sub3A_1393 = arith.subf %broadcast_in_dim3A_1205, %add3A_1386 : vector<16xf32>
    %mul3A_1394 = arith.mulf %select_n3A_1392, %sub3A_1393 : vector<16xf32>
    %add3A_1395 = arith.addf %add3A_1386, %mul3A_1394 : vector<16xf32>
    %add3A_1396 = arith.addf %add3A_1317, %mul3A_1394 : vector<16xf32>
    %sub3A_1397 = arith.subf %broadcast_in_dim3A_1205, %mul3A_1394 : vector<16xf32>
    %mul3A_1398 = arith.mulf %sub3A_1320, %sub3A_1397 : vector<16xf32>
    %sub3A_1399 = arith.subf %mul3A_1398, %mul3A_1394 : vector<16xf32>
    %eq3A_1400 = arith.cmpf oeq, %sub3A_1329, %max3A_1372 : vector<16xf32>
    %select_n3A_1401 = arith.select %eq3A_1400, %broadcast_in_dim3A_1205, %broadcast_in_dim3A_1207 : vector<16xi1>, vector<16xf32>
    %sub3A_1402 = arith.subf %broadcast_in_dim3A_1205, %add3A_1395 : vector<16xf32>
    %mul3A_1403 = arith.mulf %select_n3A_1401, %sub3A_1402 : vector<16xf32>
    %add3A_1404 = arith.addf %add3A_1395, %mul3A_1403 : vector<16xf32>
    %add3A_1405 = arith.addf %add3A_1326, %mul3A_1403 : vector<16xf32>
    %sub3A_1406 = arith.subf %broadcast_in_dim3A_1205, %mul3A_1403 : vector<16xf32>
    %mul3A_1407 = arith.mulf %sub3A_1329, %sub3A_1406 : vector<16xf32>
    %sub3A_1408 = arith.subf %mul3A_1407, %mul3A_1403 : vector<16xf32>
    %eq3A_1409 = arith.cmpf oeq, %sub3A_1338, %max3A_1372 : vector<16xf32>
    %select_n3A_1410 = arith.select %eq3A_1409, %broadcast_in_dim3A_1205, %broadcast_in_dim3A_1207 : vector<16xi1>, vector<16xf32>
    %sub3A_1411 = arith.subf %broadcast_in_dim3A_1205, %add3A_1404 : vector<16xf32>
    %mul3A_1412 = arith.mulf %select_n3A_1410, %sub3A_1411 : vector<16xf32>
    %add3A_1413 = arith.addf %add3A_1404, %mul3A_1412 : vector<16xf32>
    %add3A_1414 = arith.addf %add3A_1335, %mul3A_1412 : vector<16xf32>
    %sub3A_1415 = arith.subf %broadcast_in_dim3A_1205, %mul3A_1412 : vector<16xf32>
    %mul3A_1416 = arith.mulf %sub3A_1338, %sub3A_1415 : vector<16xf32>
    %sub3A_1417 = arith.subf %mul3A_1416, %mul3A_1412 : vector<16xf32>
    %eq3A_1418 = arith.cmpf oeq, %sub3A_1347, %max3A_1372 : vector<16xf32>
    %select_n3A_1419 = arith.select %eq3A_1418, %broadcast_in_dim3A_1205, %broadcast_in_dim3A_1207 : vector<16xi1>, vector<16xf32>
    %sub3A_1420 = arith.subf %broadcast_in_dim3A_1205, %add3A_1413 : vector<16xf32>
    %mul3A_1421 = arith.mulf %select_n3A_1419, %sub3A_1420 : vector<16xf32>
    %add3A_1422 = arith.addf %add3A_1413, %mul3A_1421 : vector<16xf32>
    %add3A_1423 = arith.addf %add3A_1344, %mul3A_1421 : vector<16xf32>
    %sub3A_1424 = arith.subf %broadcast_in_dim3A_1205, %mul3A_1421 : vector<16xf32>
    %mul3A_1425 = arith.mulf %sub3A_1347, %sub3A_1424 : vector<16xf32>
    %sub3A_1426 = arith.subf %mul3A_1425, %mul3A_1421 : vector<16xf32>
    %eq3A_1427 = arith.cmpf oeq, %sub3A_1356, %max3A_1372 : vector<16xf32>
    %select_n3A_1428 = arith.select %eq3A_1427, %broadcast_in_dim3A_1205, %broadcast_in_dim3A_1207 : vector<16xi1>, vector<16xf32>
    %sub3A_1429 = arith.subf %broadcast_in_dim3A_1205, %add3A_1422 : vector<16xf32>
    %mul3A_1430 = arith.mulf %select_n3A_1428, %sub3A_1429 : vector<16xf32>
    %add3A_1431 = arith.addf %add3A_1422, %mul3A_1430 : vector<16xf32>
    %add3A_1432 = arith.addf %add3A_1353, %mul3A_1430 : vector<16xf32>
    %sub3A_1433 = arith.subf %broadcast_in_dim3A_1205, %mul3A_1430 : vector<16xf32>
    %mul3A_1434 = arith.mulf %sub3A_1356, %sub3A_1433 : vector<16xf32>
    %sub3A_1435 = arith.subf %mul3A_1434, %mul3A_1430 : vector<16xf32>
    %eq3A_1436 = arith.cmpf oeq, %sub3A_1365, %max3A_1372 : vector<16xf32>
    %select_n3A_1437 = arith.select %eq3A_1436, %broadcast_in_dim3A_1205, %broadcast_in_dim3A_1207 : vector<16xi1>, vector<16xf32>
    %sub3A_1438 = arith.subf %broadcast_in_dim3A_1205, %add3A_1431 : vector<16xf32>
    %mul3A_1439 = arith.mulf %select_n3A_1437, %sub3A_1438 : vector<16xf32>
    %add3A_1440 = arith.addf %add3A_1431, %mul3A_1439 : vector<16xf32>
    %add3A_1441 = arith.addf %add3A_1362, %mul3A_1439 : vector<16xf32>
    %sub3A_1442 = arith.subf %broadcast_in_dim3A_1205, %mul3A_1439 : vector<16xf32>
    %mul3A_1443 = arith.mulf %sub3A_1365, %sub3A_1442 : vector<16xf32>
    %sub3A_1444 = arith.subf %mul3A_1443, %mul3A_1439 : vector<16xf32>
    %max3A_1445 = arith.maximumf %sub3A_1381, %sub3A_1390 : vector<16xf32>
    %max3A_1446 = arith.maximumf %max3A_1445, %sub3A_1399 : vector<16xf32>
    %max3A_1447 = arith.maximumf %max3A_1446, %sub3A_1408 : vector<16xf32>
    %max3A_1448 = arith.maximumf %max3A_1447, %sub3A_1417 : vector<16xf32>
    %max3A_1449 = arith.maximumf %max3A_1448, %sub3A_1426 : vector<16xf32>
    %max3A_1450 = arith.maximumf %max3A_1449, %sub3A_1435 : vector<16xf32>
    %max3A_1451 = arith.maximumf %max3A_1450, %sub3A_1444 : vector<16xf32>
    %eq3A_1452 = arith.cmpf oeq, %sub3A_1381, %max3A_1451 : vector<16xf32>
    %select_n3A_1453 = arith.select %eq3A_1452, %broadcast_in_dim3A_1205, %broadcast_in_dim3A_1207 : vector<16xi1>, vector<16xf32>
    %sub3A_1454 = arith.subf %broadcast_in_dim3A_1205, %broadcast_in_dim3A_1207 : vector<16xf32>
    %mul3A_1455 = arith.mulf %select_n3A_1453, %sub3A_1454 : vector<16xf32>
    %add3A_1456 = arith.addf %broadcast_in_dim3A_1207, %mul3A_1455 : vector<16xf32>
    %add3A_1457 = arith.addf %add3A_1378, %mul3A_1455 : vector<16xf32>
    %sub3A_1458 = arith.subf %broadcast_in_dim3A_1205, %mul3A_1455 : vector<16xf32>
    %mul3A_1459 = arith.mulf %sub3A_1381, %sub3A_1458 : vector<16xf32>
    %sub3A_1460 = arith.subf %mul3A_1459, %mul3A_1455 : vector<16xf32>
    %eq3A_1461 = arith.cmpf oeq, %sub3A_1390, %max3A_1451 : vector<16xf32>
    %select_n3A_1462 = arith.select %eq3A_1461, %broadcast_in_dim3A_1205, %broadcast_in_dim3A_1207 : vector<16xi1>, vector<16xf32>
    %sub3A_1463 = arith.subf %broadcast_in_dim3A_1205, %add3A_1456 : vector<16xf32>
    %mul3A_1464 = arith.mulf %select_n3A_1462, %sub3A_1463 : vector<16xf32>
    %add3A_1465 = arith.addf %add3A_1456, %mul3A_1464 : vector<16xf32>
    %add3A_1466 = arith.addf %add3A_1387, %mul3A_1464 : vector<16xf32>
    %sub3A_1467 = arith.subf %broadcast_in_dim3A_1205, %mul3A_1464 : vector<16xf32>
    %mul3A_1468 = arith.mulf %sub3A_1390, %sub3A_1467 : vector<16xf32>
    %sub3A_1469 = arith.subf %mul3A_1468, %mul3A_1464 : vector<16xf32>
    %eq3A_1470 = arith.cmpf oeq, %sub3A_1399, %max3A_1451 : vector<16xf32>
    %select_n3A_1471 = arith.select %eq3A_1470, %broadcast_in_dim3A_1205, %broadcast_in_dim3A_1207 : vector<16xi1>, vector<16xf32>
    %sub3A_1472 = arith.subf %broadcast_in_dim3A_1205, %add3A_1465 : vector<16xf32>
    %mul3A_1473 = arith.mulf %select_n3A_1471, %sub3A_1472 : vector<16xf32>
    %add3A_1474 = arith.addf %add3A_1465, %mul3A_1473 : vector<16xf32>
    %add3A_1475 = arith.addf %add3A_1396, %mul3A_1473 : vector<16xf32>
    %sub3A_1476 = arith.subf %broadcast_in_dim3A_1205, %mul3A_1473 : vector<16xf32>
    %mul3A_1477 = arith.mulf %sub3A_1399, %sub3A_1476 : vector<16xf32>
    %sub3A_1478 = arith.subf %mul3A_1477, %mul3A_1473 : vector<16xf32>
    %eq3A_1479 = arith.cmpf oeq, %sub3A_1408, %max3A_1451 : vector<16xf32>
    %select_n3A_1480 = arith.select %eq3A_1479, %broadcast_in_dim3A_1205, %broadcast_in_dim3A_1207 : vector<16xi1>, vector<16xf32>
    %sub3A_1481 = arith.subf %broadcast_in_dim3A_1205, %add3A_1474 : vector<16xf32>
    %mul3A_1482 = arith.mulf %select_n3A_1480, %sub3A_1481 : vector<16xf32>
    %add3A_1483 = arith.addf %add3A_1474, %mul3A_1482 : vector<16xf32>
    %add3A_1484 = arith.addf %add3A_1405, %mul3A_1482 : vector<16xf32>
    %sub3A_1485 = arith.subf %broadcast_in_dim3A_1205, %mul3A_1482 : vector<16xf32>
    %mul3A_1486 = arith.mulf %sub3A_1408, %sub3A_1485 : vector<16xf32>
    %sub3A_1487 = arith.subf %mul3A_1486, %mul3A_1482 : vector<16xf32>
    %eq3A_1488 = arith.cmpf oeq, %sub3A_1417, %max3A_1451 : vector<16xf32>
    %select_n3A_1489 = arith.select %eq3A_1488, %broadcast_in_dim3A_1205, %broadcast_in_dim3A_1207 : vector<16xi1>, vector<16xf32>
    %sub3A_1490 = arith.subf %broadcast_in_dim3A_1205, %add3A_1483 : vector<16xf32>
    %mul3A_1491 = arith.mulf %select_n3A_1489, %sub3A_1490 : vector<16xf32>
    %add3A_1492 = arith.addf %add3A_1483, %mul3A_1491 : vector<16xf32>
    %add3A_1493 = arith.addf %add3A_1414, %mul3A_1491 : vector<16xf32>
    %sub3A_1494 = arith.subf %broadcast_in_dim3A_1205, %mul3A_1491 : vector<16xf32>
    %mul3A_1495 = arith.mulf %sub3A_1417, %sub3A_1494 : vector<16xf32>
    %sub3A_1496 = arith.subf %mul3A_1495, %mul3A_1491 : vector<16xf32>
    %eq3A_1497 = arith.cmpf oeq, %sub3A_1426, %max3A_1451 : vector<16xf32>
    %select_n3A_1498 = arith.select %eq3A_1497, %broadcast_in_dim3A_1205, %broadcast_in_dim3A_1207 : vector<16xi1>, vector<16xf32>
    %sub3A_1499 = arith.subf %broadcast_in_dim3A_1205, %add3A_1492 : vector<16xf32>
    %mul3A_1500 = arith.mulf %select_n3A_1498, %sub3A_1499 : vector<16xf32>
    %add3A_1501 = arith.addf %add3A_1492, %mul3A_1500 : vector<16xf32>
    %add3A_1502 = arith.addf %add3A_1423, %mul3A_1500 : vector<16xf32>
    %sub3A_1503 = arith.subf %broadcast_in_dim3A_1205, %mul3A_1500 : vector<16xf32>
    %mul3A_1504 = arith.mulf %sub3A_1426, %sub3A_1503 : vector<16xf32>
    %sub3A_1505 = arith.subf %mul3A_1504, %mul3A_1500 : vector<16xf32>
    %eq3A_1506 = arith.cmpf oeq, %sub3A_1435, %max3A_1451 : vector<16xf32>
    %select_n3A_1507 = arith.select %eq3A_1506, %broadcast_in_dim3A_1205, %broadcast_in_dim3A_1207 : vector<16xi1>, vector<16xf32>
    %sub3A_1508 = arith.subf %broadcast_in_dim3A_1205, %add3A_1501 : vector<16xf32>
    %mul3A_1509 = arith.mulf %select_n3A_1507, %sub3A_1508 : vector<16xf32>
    %add3A_1510 = arith.addf %add3A_1501, %mul3A_1509 : vector<16xf32>
    %add3A_1511 = arith.addf %add3A_1432, %mul3A_1509 : vector<16xf32>
    %sub3A_1512 = arith.subf %broadcast_in_dim3A_1205, %mul3A_1509 : vector<16xf32>
    %mul3A_1513 = arith.mulf %sub3A_1435, %sub3A_1512 : vector<16xf32>
    %sub3A_1514 = arith.subf %mul3A_1513, %mul3A_1509 : vector<16xf32>
    %eq3A_1515 = arith.cmpf oeq, %sub3A_1444, %max3A_1451 : vector<16xf32>
    %select_n3A_1516 = arith.select %eq3A_1515, %broadcast_in_dim3A_1205, %broadcast_in_dim3A_1207 : vector<16xi1>, vector<16xf32>
    %sub3A_1517 = arith.subf %broadcast_in_dim3A_1205, %add3A_1510 : vector<16xf32>
    %mul3A_1518 = arith.mulf %select_n3A_1516, %sub3A_1517 : vector<16xf32>
    %add3A_1519 = arith.addf %add3A_1510, %mul3A_1518 : vector<16xf32>
    %add3A_1520 = arith.addf %add3A_1441, %mul3A_1518 : vector<16xf32>
    %sub3A_1521 = arith.subf %broadcast_in_dim3A_1205, %mul3A_1518 : vector<16xf32>
    %mul3A_1522 = arith.mulf %sub3A_1444, %sub3A_1521 : vector<16xf32>
    %sub3A_1523 = arith.subf %mul3A_1522, %mul3A_1518 : vector<16xf32>
    %max3A_1524 = arith.maximumf %sub3A_1460, %sub3A_1469 : vector<16xf32>
    %max3A_1525 = arith.maximumf %max3A_1524, %sub3A_1478 : vector<16xf32>
    %max3A_1526 = arith.maximumf %max3A_1525, %sub3A_1487 : vector<16xf32>
    %max3A_1527 = arith.maximumf %max3A_1526, %sub3A_1496 : vector<16xf32>
    %max3A_1528 = arith.maximumf %max3A_1527, %sub3A_1505 : vector<16xf32>
    %max3A_1529 = arith.maximumf %max3A_1528, %sub3A_1514 : vector<16xf32>
    %max3A_1530 = arith.maximumf %max3A_1529, %sub3A_1523 : vector<16xf32>
    %eq3A_1531 = arith.cmpf oeq, %sub3A_1460, %max3A_1530 : vector<16xf32>
    %select_n3A_1532 = arith.select %eq3A_1531, %broadcast_in_dim3A_1205, %broadcast_in_dim3A_1207 : vector<16xi1>, vector<16xf32>
    %sub3A_1533 = arith.subf %broadcast_in_dim3A_1205, %broadcast_in_dim3A_1207 : vector<16xf32>
    %mul3A_1534 = arith.mulf %select_n3A_1532, %sub3A_1533 : vector<16xf32>
    %add3A_1535 = arith.addf %broadcast_in_dim3A_1207, %mul3A_1534 : vector<16xf32>
    %add3A_1536 = arith.addf %add3A_1457, %mul3A_1534 : vector<16xf32>
    %sub3A_1537 = arith.subf %broadcast_in_dim3A_1205, %mul3A_1534 : vector<16xf32>
    %mul3A_1538 = arith.mulf %sub3A_1460, %sub3A_1537 : vector<16xf32>
    %sub3A_1539 = arith.subf %mul3A_1538, %mul3A_1534 : vector<16xf32>
    %eq3A_1540 = arith.cmpf oeq, %sub3A_1469, %max3A_1530 : vector<16xf32>
    %select_n3A_1541 = arith.select %eq3A_1540, %broadcast_in_dim3A_1205, %broadcast_in_dim3A_1207 : vector<16xi1>, vector<16xf32>
    %sub3A_1542 = arith.subf %broadcast_in_dim3A_1205, %add3A_1535 : vector<16xf32>
    %mul3A_1543 = arith.mulf %select_n3A_1541, %sub3A_1542 : vector<16xf32>
    %add3A_1544 = arith.addf %add3A_1535, %mul3A_1543 : vector<16xf32>
    %add3A_1545 = arith.addf %add3A_1466, %mul3A_1543 : vector<16xf32>
    %sub3A_1546 = arith.subf %broadcast_in_dim3A_1205, %mul3A_1543 : vector<16xf32>
    %mul3A_1547 = arith.mulf %sub3A_1469, %sub3A_1546 : vector<16xf32>
    %sub3A_1548 = arith.subf %mul3A_1547, %mul3A_1543 : vector<16xf32>
    %eq3A_1549 = arith.cmpf oeq, %sub3A_1478, %max3A_1530 : vector<16xf32>
    %select_n3A_1550 = arith.select %eq3A_1549, %broadcast_in_dim3A_1205, %broadcast_in_dim3A_1207 : vector<16xi1>, vector<16xf32>
    %sub3A_1551 = arith.subf %broadcast_in_dim3A_1205, %add3A_1544 : vector<16xf32>
    %mul3A_1552 = arith.mulf %select_n3A_1550, %sub3A_1551 : vector<16xf32>
    %add3A_1553 = arith.addf %add3A_1544, %mul3A_1552 : vector<16xf32>
    %add3A_1554 = arith.addf %add3A_1475, %mul3A_1552 : vector<16xf32>
    %sub3A_1555 = arith.subf %broadcast_in_dim3A_1205, %mul3A_1552 : vector<16xf32>
    %mul3A_1556 = arith.mulf %sub3A_1478, %sub3A_1555 : vector<16xf32>
    %sub3A_1557 = arith.subf %mul3A_1556, %mul3A_1552 : vector<16xf32>
    %eq3A_1558 = arith.cmpf oeq, %sub3A_1487, %max3A_1530 : vector<16xf32>
    %select_n3A_1559 = arith.select %eq3A_1558, %broadcast_in_dim3A_1205, %broadcast_in_dim3A_1207 : vector<16xi1>, vector<16xf32>
    %sub3A_1560 = arith.subf %broadcast_in_dim3A_1205, %add3A_1553 : vector<16xf32>
    %mul3A_1561 = arith.mulf %select_n3A_1559, %sub3A_1560 : vector<16xf32>
    %add3A_1562 = arith.addf %add3A_1553, %mul3A_1561 : vector<16xf32>
    %add3A_1563 = arith.addf %add3A_1484, %mul3A_1561 : vector<16xf32>
    %sub3A_1564 = arith.subf %broadcast_in_dim3A_1205, %mul3A_1561 : vector<16xf32>
    %mul3A_1565 = arith.mulf %sub3A_1487, %sub3A_1564 : vector<16xf32>
    %sub3A_1566 = arith.subf %mul3A_1565, %mul3A_1561 : vector<16xf32>
    %eq3A_1567 = arith.cmpf oeq, %sub3A_1496, %max3A_1530 : vector<16xf32>
    %select_n3A_1568 = arith.select %eq3A_1567, %broadcast_in_dim3A_1205, %broadcast_in_dim3A_1207 : vector<16xi1>, vector<16xf32>
    %sub3A_1569 = arith.subf %broadcast_in_dim3A_1205, %add3A_1562 : vector<16xf32>
    %mul3A_1570 = arith.mulf %select_n3A_1568, %sub3A_1569 : vector<16xf32>
    %add3A_1571 = arith.addf %add3A_1562, %mul3A_1570 : vector<16xf32>
    %add3A_1572 = arith.addf %add3A_1493, %mul3A_1570 : vector<16xf32>
    %sub3A_1573 = arith.subf %broadcast_in_dim3A_1205, %mul3A_1570 : vector<16xf32>
    %mul3A_1574 = arith.mulf %sub3A_1496, %sub3A_1573 : vector<16xf32>
    %sub3A_1575 = arith.subf %mul3A_1574, %mul3A_1570 : vector<16xf32>
    %eq3A_1576 = arith.cmpf oeq, %sub3A_1505, %max3A_1530 : vector<16xf32>
    %select_n3A_1577 = arith.select %eq3A_1576, %broadcast_in_dim3A_1205, %broadcast_in_dim3A_1207 : vector<16xi1>, vector<16xf32>
    %sub3A_1578 = arith.subf %broadcast_in_dim3A_1205, %add3A_1571 : vector<16xf32>
    %mul3A_1579 = arith.mulf %select_n3A_1577, %sub3A_1578 : vector<16xf32>
    %add3A_1580 = arith.addf %add3A_1571, %mul3A_1579 : vector<16xf32>
    %add3A_1581 = arith.addf %add3A_1502, %mul3A_1579 : vector<16xf32>
    %sub3A_1582 = arith.subf %broadcast_in_dim3A_1205, %mul3A_1579 : vector<16xf32>
    %mul3A_1583 = arith.mulf %sub3A_1505, %sub3A_1582 : vector<16xf32>
    %sub3A_1584 = arith.subf %mul3A_1583, %mul3A_1579 : vector<16xf32>
    %eq3A_1585 = arith.cmpf oeq, %sub3A_1514, %max3A_1530 : vector<16xf32>
    %select_n3A_1586 = arith.select %eq3A_1585, %broadcast_in_dim3A_1205, %broadcast_in_dim3A_1207 : vector<16xi1>, vector<16xf32>
    %sub3A_1587 = arith.subf %broadcast_in_dim3A_1205, %add3A_1580 : vector<16xf32>
    %mul3A_1588 = arith.mulf %select_n3A_1586, %sub3A_1587 : vector<16xf32>
    %add3A_1589 = arith.addf %add3A_1580, %mul3A_1588 : vector<16xf32>
    %add3A_1590 = arith.addf %add3A_1511, %mul3A_1588 : vector<16xf32>
    %sub3A_1591 = arith.subf %broadcast_in_dim3A_1205, %mul3A_1588 : vector<16xf32>
    %mul3A_1592 = arith.mulf %sub3A_1514, %sub3A_1591 : vector<16xf32>
    %sub3A_1593 = arith.subf %mul3A_1592, %mul3A_1588 : vector<16xf32>
    %eq3A_1594 = arith.cmpf oeq, %sub3A_1523, %max3A_1530 : vector<16xf32>
    %select_n3A_1595 = arith.select %eq3A_1594, %broadcast_in_dim3A_1205, %broadcast_in_dim3A_1207 : vector<16xi1>, vector<16xf32>
    %sub3A_1596 = arith.subf %broadcast_in_dim3A_1205, %add3A_1589 : vector<16xf32>
    %mul3A_1597 = arith.mulf %select_n3A_1595, %sub3A_1596 : vector<16xf32>
    %add3A_1598 = arith.addf %add3A_1589, %mul3A_1597 : vector<16xf32>
    %add3A_1599 = arith.addf %add3A_1520, %mul3A_1597 : vector<16xf32>
    %sub3A_1600 = arith.subf %broadcast_in_dim3A_1205, %mul3A_1597 : vector<16xf32>
    %mul3A_1601 = arith.mulf %sub3A_1523, %sub3A_1600 : vector<16xf32>
    %sub3A_1602 = arith.subf %mul3A_1601, %mul3A_1597 : vector<16xf32>
    %mul3A_1603 = arith.mulf %div3A_1196, %add3A_1536 : vector<16xf32>
    %mul3A_1604 = arith.mulf %div3A_1197, %add3A_1545 : vector<16xf32>
    %mul3A_1605 = arith.mulf %div3A_1198, %add3A_1554 : vector<16xf32>
    %mul3A_1606 = arith.mulf %div3A_1199, %add3A_1563 : vector<16xf32>
    %mul3A_1607 = arith.mulf %div3A_1200, %add3A_1572 : vector<16xf32>
    %mul3A_1608 = arith.mulf %div3A_1201, %add3A_1581 : vector<16xf32>
    %mul3A_1609 = arith.mulf %div3A_1202, %add3A_1590 : vector<16xf32>
    %mul3A_1610 = arith.mulf %div3A_1203, %add3A_1599 : vector<16xf32>
    %add3A_1611 = arith.addf %mul3A_1603, %mul3A_1604 : vector<16xf32>
    %add3A_1612 = arith.addf %add3A_1611, %mul3A_1605 : vector<16xf32>
    %add3A_1613 = arith.addf %add3A_1612, %mul3A_1606 : vector<16xf32>
    %add3A_1614 = arith.addf %add3A_1613, %mul3A_1607 : vector<16xf32>
    %add3A_1615 = arith.addf %add3A_1614, %mul3A_1608 : vector<16xf32>
    %add3A_1616 = arith.addf %add3A_1615, %mul3A_1609 : vector<16xf32>
    %add3A_1617 = arith.addf %add3A_1616, %mul3A_1610 : vector<16xf32>
    %add3A_1618 = arith.constant 9.99999993E-9 : f32
    %add3A_1619 = vector.broadcast %add3A_1618 : f32 to vector<16xf32>
    %add3A_1620 = arith.addf %add3A_1617, %add3A_1619 : vector<16xf32>
    %div3A_1621 = arith.divf %mul3A_1603, %add3A_1620 : vector<16xf32>
    %swap3A_1622 = arith.constant 32 : index
    %swap3A_1623 = tpu.vector_load %arg5[%swap3A_1622] {strides = array<i32>} : memref<512xf32, #tpu.memory_space<vmem>>, vector<16xf32>,
    %swap3A_1624 = vector.shape_cast %swap3A_1623 : vector<16xf32> to vector<16xf32>
    %swap3A_1625 = vector.shape_cast %div3A_1621 : vector<16xf32> to vector<16xf32>
    tpu.vector_store %arg5[%swap3A_1622], %swap3A_1625 {strides = array<i32>} : memref<512xf32, #tpu.memory_space<vmem>>, vector<16xf32>,
    %div3A_1626 = arith.divf %mul3A_1604, %add3A_1620 : vector<16xf32>
    %swap3A_1627 = arith.constant 96 : index
    %swap3A_1628 = tpu.vector_load %arg5[%swap3A_1627] {strides = array<i32>} : memref<512xf32, #tpu.memory_space<vmem>>, vector<16xf32>,
    %swap3A_1629 = vector.shape_cast %swap3A_1628 : vector<16xf32> to vector<16xf32>
    %swap3A_1630 = vector.shape_cast %div3A_1626 : vector<16xf32> to vector<16xf32>
    tpu.vector_store %arg5[%swap3A_1627], %swap3A_1630 {strides = array<i32>} : memref<512xf32, #tpu.memory_space<vmem>>, vector<16xf32>,
    %div3A_1631 = arith.divf %mul3A_1605, %add3A_1620 : vector<16xf32>
    %swap3A_1632 = arith.constant 160 : index
    %swap3A_1633 = tpu.vector_load %arg5[%swap3A_1632] {strides = array<i32>} : memref<512xf32, #tpu.memory_space<vmem>>, vector<16xf32>,
    %swap3A_1634 = vector.shape_cast %swap3A_1633 : vector<16xf32> to vector<16xf32>
    %swap3A_1635 = vector.shape_cast %div3A_1631 : vector<16xf32> to vector<16xf32>
    tpu.vector_store %arg5[%swap3A_1632], %swap3A_1635 {strides = array<i32>} : memref<512xf32, #tpu.memory_space<vmem>>, vector<16xf32>,
    %div3A_1636 = arith.divf %mul3A_1606, %add3A_1620 : vector<16xf32>
    %swap3A_1637 = arith.constant 224 : index
    %swap3A_1638 = tpu.vector_load %arg5[%swap3A_1637] {strides = array<i32>} : memref<512xf32, #tpu.memory_space<vmem>>, vector<16xf32>,
    %swap3A_1639 = vector.shape_cast %swap3A_1638 : vector<16xf32> to vector<16xf32>
    %swap3A_1640 = vector.shape_cast %div3A_1636 : vector<16xf32> to vector<16xf32>
    tpu.vector_store %arg5[%swap3A_1637], %swap3A_1640 {strides = array<i32>} : memref<512xf32, #tpu.memory_space<vmem>>, vector<16xf32>,
    %div3A_1641 = arith.divf %mul3A_1607, %add3A_1620 : vector<16xf32>
    %swap3A_1642 = arith.constant 288 : index
    %swap3A_1643 = tpu.vector_load %arg5[%swap3A_1642] {strides = array<i32>} : memref<512xf32, #tpu.memory_space<vmem>>, vector<16xf32>,
    %swap3A_1644 = vector.shape_cast %swap3A_1643 : vector<16xf32> to vector<16xf32>
    %swap3A_1645 = vector.shape_cast %div3A_1641 : vector<16xf32> to vector<16xf32>
    tpu.vector_store %arg5[%swap3A_1642], %swap3A_1645 {strides = array<i32>} : memref<512xf32, #tpu.memory_space<vmem>>, vector<16xf32>,
    %div3A_1646 = arith.divf %mul3A_1608, %add3A_1620 : vector<16xf32>
    %swap3A_1647 = arith.constant 352 : index
    %swap3A_1648 = tpu.vector_load %arg5[%swap3A_1647] {strides = array<i32>} : memref<512xf32, #tpu.memory_space<vmem>>, vector<16xf32>,
    %swap3A_1649 = vector.shape_cast %swap3A_1648 : vector<16xf32> to vector<16xf32>
    %swap3A_1650 = vector.shape_cast %div3A_1646 : vector<16xf32> to vector<16xf32>
    tpu.vector_store %arg5[%swap3A_1647], %swap3A_1650 {strides = array<i32>} : memref<512xf32, #tpu.memory_space<vmem>>, vector<16xf32>,
    %div3A_1651 = arith.divf %mul3A_1609, %add3A_1620 : vector<16xf32>
    %swap3A_1652 = arith.constant 416 : index
    %swap3A_1653 = tpu.vector_load %arg5[%swap3A_1652] {strides = array<i32>} : memref<512xf32, #tpu.memory_space<vmem>>, vector<16xf32>,
    %swap3A_1654 = vector.shape_cast %swap3A_1653 : vector<16xf32> to vector<16xf32>
    %swap3A_1655 = vector.shape_cast %div3A_1651 : vector<16xf32> to vector<16xf32>
    tpu.vector_store %arg5[%swap3A_1652], %swap3A_1655 {strides = array<i32>} : memref<512xf32, #tpu.memory_space<vmem>>, vector<16xf32>,
    %div3A_1656 = arith.divf %mul3A_1610, %add3A_1620 : vector<16xf32>
    %swap3A_1657 = arith.constant 480 : index
    %swap3A_1658 = tpu.vector_load %arg5[%swap3A_1657] {strides = array<i32>} : memref<512xf32, #tpu.memory_space<vmem>>, vector<16xf32>,
    %swap3A_1659 = vector.shape_cast %swap3A_1658 : vector<16xf32> to vector<16xf32>
    %swap3A_1660 = vector.shape_cast %div3A_1656 : vector<16xf32> to vector<16xf32>
    tpu.vector_store %arg5[%swap3A_1657], %swap3A_1660 {strides = array<i32>} : memref<512xf32, #tpu.memory_space<vmem>>, vector<16xf32>,
    %get3A_1661 = arith.constant 48 : index
    %get3A_1662 = tpu.vector_load %arg4[%get3A_1661] {strides = array<i32>} : memref<512xf32, #tpu.memory_space<vmem>>, vector<16xf32>,
    %get3A_1663 = vector.shape_cast %get3A_1662 : vector<16xf32> to vector<16xf32>
    %get3A_1664 = arith.constant 112 : index
    %get3A_1665 = tpu.vector_load %arg4[%get3A_1664] {strides = array<i32>} : memref<512xf32, #tpu.memory_space<vmem>>, vector<16xf32>,
    %get3A_1666 = vector.shape_cast %get3A_1665 : vector<16xf32> to vector<16xf32>
    %get3A_1667 = arith.constant 176 : index
    %get3A_1668 = tpu.vector_load %arg4[%get3A_1667] {strides = array<i32>} : memref<512xf32, #tpu.memory_space<vmem>>, vector<16xf32>,
    %get3A_1669 = vector.shape_cast %get3A_1668 : vector<16xf32> to vector<16xf32>
    %get3A_1670 = arith.constant 240 : index
    %get3A_1671 = tpu.vector_load %arg4[%get3A_1670] {strides = array<i32>} : memref<512xf32, #tpu.memory_space<vmem>>, vector<16xf32>,
    %get3A_1672 = vector.shape_cast %get3A_1671 : vector<16xf32> to vector<16xf32>
    %get3A_1673 = arith.constant 304 : index
    %get3A_1674 = tpu.vector_load %arg4[%get3A_1673] {strides = array<i32>} : memref<512xf32, #tpu.memory_space<vmem>>, vector<16xf32>,
    %get3A_1675 = vector.shape_cast %get3A_1674 : vector<16xf32> to vector<16xf32>
    %get3A_1676 = arith.constant 368 : index
    %get3A_1677 = tpu.vector_load %arg4[%get3A_1676] {strides = array<i32>} : memref<512xf32, #tpu.memory_space<vmem>>, vector<16xf32>,
    %get3A_1678 = vector.shape_cast %get3A_1677 : vector<16xf32> to vector<16xf32>
    %get3A_1679 = arith.constant 432 : index
    %get3A_1680 = tpu.vector_load %arg4[%get3A_1679] {strides = array<i32>} : memref<512xf32, #tpu.memory_space<vmem>>, vector<16xf32>,
    %get3A_1681 = vector.shape_cast %get3A_1680 : vector<16xf32> to vector<16xf32>
    %get3A_1682 = arith.constant 496 : index
    %get3A_1683 = tpu.vector_load %arg4[%get3A_1682] {strides = array<i32>} : memref<512xf32, #tpu.memory_space<vmem>>, vector<16xf32>,
    %get3A_1684 = vector.shape_cast %get3A_1683 : vector<16xf32> to vector<16xf32>
    %max3A_1685 = arith.maximumf %get3A_1663, %get3A_1666 : vector<16xf32>
    %max3A_1686 = arith.maximumf %max3A_1685, %get3A_1669 : vector<16xf32>
    %max3A_1687 = arith.maximumf %max3A_1686, %get3A_1672 : vector<16xf32>
    %max3A_1688 = arith.maximumf %max3A_1687, %get3A_1675 : vector<16xf32>
    %max3A_1689 = arith.maximumf %max3A_1688, %get3A_1678 : vector<16xf32>
    %max3A_1690 = arith.maximumf %max3A_1689, %get3A_1681 : vector<16xf32>
    %max3A_1691 = arith.maximumf %max3A_1690, %get3A_1684 : vector<16xf32>
    %sub3A_1692 = arith.subf %get3A_1663, %max3A_1691 : vector<16xf32>
    %exp3A_1693 = math.exp %sub3A_1692 : vector<16xf32>
    %sub3A_1694 = arith.subf %get3A_1666, %max3A_1691 : vector<16xf32>
    %exp3A_1695 = math.exp %sub3A_1694 : vector<16xf32>
    %sub3A_1696 = arith.subf %get3A_1669, %max3A_1691 : vector<16xf32>
    %exp3A_1697 = math.exp %sub3A_1696 : vector<16xf32>
    %sub3A_1698 = arith.subf %get3A_1672, %max3A_1691 : vector<16xf32>
    %exp3A_1699 = math.exp %sub3A_1698 : vector<16xf32>
    %sub3A_1700 = arith.subf %get3A_1675, %max3A_1691 : vector<16xf32>
    %exp3A_1701 = math.exp %sub3A_1700 : vector<16xf32>
    %sub3A_1702 = arith.subf %get3A_1678, %max3A_1691 : vector<16xf32>
    %exp3A_1703 = math.exp %sub3A_1702 : vector<16xf32>
    %sub3A_1704 = arith.subf %get3A_1681, %max3A_1691 : vector<16xf32>
    %exp3A_1705 = math.exp %sub3A_1704 : vector<16xf32>
    %sub3A_1706 = arith.subf %get3A_1684, %max3A_1691 : vector<16xf32>
    %exp3A_1707 = math.exp %sub3A_1706 : vector<16xf32>
    %add3A_1708 = arith.addf %exp3A_1693, %exp3A_1695 : vector<16xf32>
    %add3A_1709 = arith.addf %add3A_1708, %exp3A_1697 : vector<16xf32>
    %add3A_1710 = arith.addf %add3A_1709, %exp3A_1699 : vector<16xf32>
    %add3A_1711 = arith.addf %add3A_1710, %exp3A_1701 : vector<16xf32>
    %add3A_1712 = arith.addf %add3A_1711, %exp3A_1703 : vector<16xf32>
    %add3A_1713 = arith.addf %add3A_1712, %exp3A_1705 : vector<16xf32>
    %add3A_1714 = arith.addf %add3A_1713, %exp3A_1707 : vector<16xf32>
    %div3A_1715 = arith.divf %exp3A_1693, %add3A_1714 : vector<16xf32>
    %div3A_1716 = arith.divf %exp3A_1695, %add3A_1714 : vector<16xf32>
    %div3A_1717 = arith.divf %exp3A_1697, %add3A_1714 : vector<16xf32>
    %div3A_1718 = arith.divf %exp3A_1699, %add3A_1714 : vector<16xf32>
    %div3A_1719 = arith.divf %exp3A_1701, %add3A_1714 : vector<16xf32>
    %div3A_1720 = arith.divf %exp3A_1703, %add3A_1714 : vector<16xf32>
    %div3A_1721 = arith.divf %exp3A_1705, %add3A_1714 : vector<16xf32>
    %div3A_1722 = arith.divf %exp3A_1707, %add3A_1714 : vector<16xf32>
    %broadcast_in_dim3A_1723 = arith.constant 1.000000e+00 : f32
    %broadcast_in_dim3A_1724 = vector.broadcast %broadcast_in_dim3A_1723 : f32 to vector<16xf32>
    %broadcast_in_dim3A_1725 = arith.constant 0.000000e+00 : f32
    %broadcast_in_dim3A_1726 = vector.broadcast %broadcast_in_dim3A_1725 : f32 to vector<16xf32>
    %max3A_1727 = arith.maximumf %div3A_1715, %div3A_1716 : vector<16xf32>
    %max3A_1728 = arith.maximumf %max3A_1727, %div3A_1717 : vector<16xf32>
    %max3A_1729 = arith.maximumf %max3A_1728, %div3A_1718 : vector<16xf32>
    %max3A_1730 = arith.maximumf %max3A_1729, %div3A_1719 : vector<16xf32>
    %max3A_1731 = arith.maximumf %max3A_1730, %div3A_1720 : vector<16xf32>
    %max3A_1732 = arith.maximumf %max3A_1731, %div3A_1721 : vector<16xf32>
    %max3A_1733 = arith.maximumf %max3A_1732, %div3A_1722 : vector<16xf32>
    %eq3A_1734 = arith.cmpf oeq, %div3A_1715, %max3A_1733 : vector<16xf32>
    %select_n3A_1735 = arith.select %eq3A_1734, %broadcast_in_dim3A_1724, %broadcast_in_dim3A_1726 : vector<16xi1>, vector<16xf32>
    %sub3A_1736 = arith.subf %broadcast_in_dim3A_1724, %broadcast_in_dim3A_1726 : vector<16xf32>
    %mul3A_1737 = arith.mulf %select_n3A_1735, %sub3A_1736 : vector<16xf32>
    %add3A_1738 = arith.addf %broadcast_in_dim3A_1726, %mul3A_1737 : vector<16xf32>
    %add3A_1739 = arith.addf %broadcast_in_dim3A_1726, %mul3A_1737 : vector<16xf32>
    %sub3A_1740 = arith.subf %broadcast_in_dim3A_1724, %mul3A_1737 : vector<16xf32>
    %mul3A_1741 = arith.mulf %div3A_1715, %sub3A_1740 : vector<16xf32>
    %sub3A_1742 = arith.subf %mul3A_1741, %mul3A_1737 : vector<16xf32>
    %eq3A_1743 = arith.cmpf oeq, %div3A_1716, %max3A_1733 : vector<16xf32>
    %select_n3A_1744 = arith.select %eq3A_1743, %broadcast_in_dim3A_1724, %broadcast_in_dim3A_1726 : vector<16xi1>, vector<16xf32>
    %sub3A_1745 = arith.subf %broadcast_in_dim3A_1724, %add3A_1738 : vector<16xf32>
    %mul3A_1746 = arith.mulf %select_n3A_1744, %sub3A_1745 : vector<16xf32>
    %add3A_1747 = arith.addf %add3A_1738, %mul3A_1746 : vector<16xf32>
    %add3A_1748 = arith.addf %broadcast_in_dim3A_1726, %mul3A_1746 : vector<16xf32>
    %sub3A_1749 = arith.subf %broadcast_in_dim3A_1724, %mul3A_1746 : vector<16xf32>
    %mul3A_1750 = arith.mulf %div3A_1716, %sub3A_1749 : vector<16xf32>
    %sub3A_1751 = arith.subf %mul3A_1750, %mul3A_1746 : vector<16xf32>
    %eq3A_1752 = arith.cmpf oeq, %div3A_1717, %max3A_1733 : vector<16xf32>
    %select_n3A_1753 = arith.select %eq3A_1752, %broadcast_in_dim3A_1724, %broadcast_in_dim3A_1726 : vector<16xi1>, vector<16xf32>
    %sub3A_1754 = arith.subf %broadcast_in_dim3A_1724, %add3A_1747 : vector<16xf32>
    %mul3A_1755 = arith.mulf %select_n3A_1753, %sub3A_1754 : vector<16xf32>
    %add3A_1756 = arith.addf %add3A_1747, %mul3A_1755 : vector<16xf32>
    %add3A_1757 = arith.addf %broadcast_in_dim3A_1726, %mul3A_1755 : vector<16xf32>
    %sub3A_1758 = arith.subf %broadcast_in_dim3A_1724, %mul3A_1755 : vector<16xf32>
    %mul3A_1759 = arith.mulf %div3A_1717, %sub3A_1758 : vector<16xf32>
    %sub3A_1760 = arith.subf %mul3A_1759, %mul3A_1755 : vector<16xf32>
    %eq3A_1761 = arith.cmpf oeq, %div3A_1718, %max3A_1733 : vector<16xf32>
    %select_n3A_1762 = arith.select %eq3A_1761, %broadcast_in_dim3A_1724, %broadcast_in_dim3A_1726 : vector<16xi1>, vector<16xf32>
    %sub3A_1763 = arith.subf %broadcast_in_dim3A_1724, %add3A_1756 : vector<16xf32>
    %mul3A_1764 = arith.mulf %select_n3A_1762, %sub3A_1763 : vector<16xf32>
    %add3A_1765 = arith.addf %add3A_1756, %mul3A_1764 : vector<16xf32>
    %add3A_1766 = arith.addf %broadcast_in_dim3A_1726, %mul3A_1764 : vector<16xf32>
    %sub3A_1767 = arith.subf %broadcast_in_dim3A_1724, %mul3A_1764 : vector<16xf32>
    %mul3A_1768 = arith.mulf %div3A_1718, %sub3A_1767 : vector<16xf32>
    %sub3A_1769 = arith.subf %mul3A_1768, %mul3A_1764 : vector<16xf32>
    %eq3A_1770 = arith.cmpf oeq, %div3A_1719, %max3A_1733 : vector<16xf32>
    %select_n3A_1771 = arith.select %eq3A_1770, %broadcast_in_dim3A_1724, %broadcast_in_dim3A_1726 : vector<16xi1>, vector<16xf32>
    %sub3A_1772 = arith.subf %broadcast_in_dim3A_1724, %add3A_1765 : vector<16xf32>
    %mul3A_1773 = arith.mulf %select_n3A_1771, %sub3A_1772 : vector<16xf32>
    %add3A_1774 = arith.addf %add3A_1765, %mul3A_1773 : vector<16xf32>
    %add3A_1775 = arith.addf %broadcast_in_dim3A_1726, %mul3A_1773 : vector<16xf32>
    %sub3A_1776 = arith.subf %broadcast_in_dim3A_1724, %mul3A_1773 : vector<16xf32>
    %mul3A_1777 = arith.mulf %div3A_1719, %sub3A_1776 : vector<16xf32>
    %sub3A_1778 = arith.subf %mul3A_1777, %mul3A_1773 : vector<16xf32>
    %eq3A_1779 = arith.cmpf oeq, %div3A_1720, %max3A_1733 : vector<16xf32>
    %select_n3A_1780 = arith.select %eq3A_1779, %broadcast_in_dim3A_1724, %broadcast_in_dim3A_1726 : vector<16xi1>, vector<16xf32>
    %sub3A_1781 = arith.subf %broadcast_in_dim3A_1724, %add3A_1774 : vector<16xf32>
    %mul3A_1782 = arith.mulf %select_n3A_1780, %sub3A_1781 : vector<16xf32>
    %add3A_1783 = arith.addf %add3A_1774, %mul3A_1782 : vector<16xf32>
    %add3A_1784 = arith.addf %broadcast_in_dim3A_1726, %mul3A_1782 : vector<16xf32>
    %sub3A_1785 = arith.subf %broadcast_in_dim3A_1724, %mul3A_1782 : vector<16xf32>
    %mul3A_1786 = arith.mulf %div3A_1720, %sub3A_1785 : vector<16xf32>
    %sub3A_1787 = arith.subf %mul3A_1786, %mul3A_1782 : vector<16xf32>
    %eq3A_1788 = arith.cmpf oeq, %div3A_1721, %max3A_1733 : vector<16xf32>
    %select_n3A_1789 = arith.select %eq3A_1788, %broadcast_in_dim3A_1724, %broadcast_in_dim3A_1726 : vector<16xi1>, vector<16xf32>
    %sub3A_1790 = arith.subf %broadcast_in_dim3A_1724, %add3A_1783 : vector<16xf32>
    %mul3A_1791 = arith.mulf %select_n3A_1789, %sub3A_1790 : vector<16xf32>
    %add3A_1792 = arith.addf %add3A_1783, %mul3A_1791 : vector<16xf32>
    %add3A_1793 = arith.addf %broadcast_in_dim3A_1726, %mul3A_1791 : vector<16xf32>
    %sub3A_1794 = arith.subf %broadcast_in_dim3A_1724, %mul3A_1791 : vector<16xf32>
    %mul3A_1795 = arith.mulf %div3A_1721, %sub3A_1794 : vector<16xf32>
    %sub3A_1796 = arith.subf %mul3A_1795, %mul3A_1791 : vector<16xf32>
    %eq3A_1797 = arith.cmpf oeq, %div3A_1722, %max3A_1733 : vector<16xf32>
    %select_n3A_1798 = arith.select %eq3A_1797, %broadcast_in_dim3A_1724, %broadcast_in_dim3A_1726 : vector<16xi1>, vector<16xf32>
    %sub3A_1799 = arith.subf %broadcast_in_dim3A_1724, %add3A_1792 : vector<16xf32>
    %mul3A_1800 = arith.mulf %select_n3A_1798, %sub3A_1799 : vector<16xf32>
    %add3A_1801 = arith.addf %add3A_1792, %mul3A_1800 : vector<16xf32>
    %add3A_1802 = arith.addf %broadcast_in_dim3A_1726, %mul3A_1800 : vector<16xf32>
    %sub3A_1803 = arith.subf %broadcast_in_dim3A_1724, %mul3A_1800 : vector<16xf32>
    %mul3A_1804 = arith.mulf %div3A_1722, %sub3A_1803 : vector<16xf32>
    %sub3A_1805 = arith.subf %mul3A_1804, %mul3A_1800 : vector<16xf32>
    %max3A_1806 = arith.maximumf %sub3A_1742, %sub3A_1751 : vector<16xf32>
    %max3A_1807 = arith.maximumf %max3A_1806, %sub3A_1760 : vector<16xf32>
    %max3A_1808 = arith.maximumf %max3A_1807, %sub3A_1769 : vector<16xf32>
    %max3A_1809 = arith.maximumf %max3A_1808, %sub3A_1778 : vector<16xf32>
    %max3A_1810 = arith.maximumf %max3A_1809, %sub3A_1787 : vector<16xf32>
    %max3A_1811 = arith.maximumf %max3A_1810, %sub3A_1796 : vector<16xf32>
    %max3A_1812 = arith.maximumf %max3A_1811, %sub3A_1805 : vector<16xf32>
    %eq3A_1813 = arith.cmpf oeq, %sub3A_1742, %max3A_1812 : vector<16xf32>
    %select_n3A_1814 = arith.select %eq3A_1813, %broadcast_in_dim3A_1724, %broadcast_in_dim3A_1726 : vector<16xi1>, vector<16xf32>
    %sub3A_1815 = arith.subf %broadcast_in_dim3A_1724, %broadcast_in_dim3A_1726 : vector<16xf32>
    %mul3A_1816 = arith.mulf %select_n3A_1814, %sub3A_1815 : vector<16xf32>
    %add3A_1817 = arith.addf %broadcast_in_dim3A_1726, %mul3A_1816 : vector<16xf32>
    %add3A_1818 = arith.addf %add3A_1739, %mul3A_1816 : vector<16xf32>
    %sub3A_1819 = arith.subf %broadcast_in_dim3A_1724, %mul3A_1816 : vector<16xf32>
    %mul3A_1820 = arith.mulf %sub3A_1742, %sub3A_1819 : vector<16xf32>
    %sub3A_1821 = arith.subf %mul3A_1820, %mul3A_1816 : vector<16xf32>
    %eq3A_1822 = arith.cmpf oeq, %sub3A_1751, %max3A_1812 : vector<16xf32>
    %select_n3A_1823 = arith.select %eq3A_1822, %broadcast_in_dim3A_1724, %broadcast_in_dim3A_1726 : vector<16xi1>, vector<16xf32>
    %sub3A_1824 = arith.subf %broadcast_in_dim3A_1724, %add3A_1817 : vector<16xf32>
    %mul3A_1825 = arith.mulf %select_n3A_1823, %sub3A_1824 : vector<16xf32>
    %add3A_1826 = arith.addf %add3A_1817, %mul3A_1825 : vector<16xf32>
    %add3A_1827 = arith.addf %add3A_1748, %mul3A_1825 : vector<16xf32>
    %sub3A_1828 = arith.subf %broadcast_in_dim3A_1724, %mul3A_1825 : vector<16xf32>
    %mul3A_1829 = arith.mulf %sub3A_1751, %sub3A_1828 : vector<16xf32>
    %sub3A_1830 = arith.subf %mul3A_1829, %mul3A_1825 : vector<16xf32>
    %eq3A_1831 = arith.cmpf oeq, %sub3A_1760, %max3A_1812 : vector<16xf32>
    %select_n3A_1832 = arith.select %eq3A_1831, %broadcast_in_dim3A_1724, %broadcast_in_dim3A_1726 : vector<16xi1>, vector<16xf32>
    %sub3A_1833 = arith.subf %broadcast_in_dim3A_1724, %add3A_1826 : vector<16xf32>
    %mul3A_1834 = arith.mulf %select_n3A_1832, %sub3A_1833 : vector<16xf32>
    %add3A_1835 = arith.addf %add3A_1826, %mul3A_1834 : vector<16xf32>
    %add3A_1836 = arith.addf %add3A_1757, %mul3A_1834 : vector<16xf32>
    %sub3A_1837 = arith.subf %broadcast_in_dim3A_1724, %mul3A_1834 : vector<16xf32>
    %mul3A_1838 = arith.mulf %sub3A_1760, %sub3A_1837 : vector<16xf32>
    %sub3A_1839 = arith.subf %mul3A_1838, %mul3A_1834 : vector<16xf32>
    %eq3A_1840 = arith.cmpf oeq, %sub3A_1769, %max3A_1812 : vector<16xf32>
    %select_n3A_1841 = arith.select %eq3A_1840, %broadcast_in_dim3A_1724, %broadcast_in_dim3A_1726 : vector<16xi1>, vector<16xf32>
    %sub3A_1842 = arith.subf %broadcast_in_dim3A_1724, %add3A_1835 : vector<16xf32>
    %mul3A_1843 = arith.mulf %select_n3A_1841, %sub3A_1842 : vector<16xf32>
    %add3A_1844 = arith.addf %add3A_1835, %mul3A_1843 : vector<16xf32>
    %add3A_1845 = arith.addf %add3A_1766, %mul3A_1843 : vector<16xf32>
    %sub3A_1846 = arith.subf %broadcast_in_dim3A_1724, %mul3A_1843 : vector<16xf32>
    %mul3A_1847 = arith.mulf %sub3A_1769, %sub3A_1846 : vector<16xf32>
    %sub3A_1848 = arith.subf %mul3A_1847, %mul3A_1843 : vector<16xf32>
    %eq3A_1849 = arith.cmpf oeq, %sub3A_1778, %max3A_1812 : vector<16xf32>
    %select_n3A_1850 = arith.select %eq3A_1849, %broadcast_in_dim3A_1724, %broadcast_in_dim3A_1726 : vector<16xi1>, vector<16xf32>
    %sub3A_1851 = arith.subf %broadcast_in_dim3A_1724, %add3A_1844 : vector<16xf32>
    %mul3A_1852 = arith.mulf %select_n3A_1850, %sub3A_1851 : vector<16xf32>
    %add3A_1853 = arith.addf %add3A_1844, %mul3A_1852 : vector<16xf32>
    %add3A_1854 = arith.addf %add3A_1775, %mul3A_1852 : vector<16xf32>
    %sub3A_1855 = arith.subf %broadcast_in_dim3A_1724, %mul3A_1852 : vector<16xf32>
    %mul3A_1856 = arith.mulf %sub3A_1778, %sub3A_1855 : vector<16xf32>
    %sub3A_1857 = arith.subf %mul3A_1856, %mul3A_1852 : vector<16xf32>
    %eq3A_1858 = arith.cmpf oeq, %sub3A_1787, %max3A_1812 : vector<16xf32>
    %select_n3A_1859 = arith.select %eq3A_1858, %broadcast_in_dim3A_1724, %broadcast_in_dim3A_1726 : vector<16xi1>, vector<16xf32>
    %sub3A_1860 = arith.subf %broadcast_in_dim3A_1724, %add3A_1853 : vector<16xf32>
    %mul3A_1861 = arith.mulf %select_n3A_1859, %sub3A_1860 : vector<16xf32>
    %add3A_1862 = arith.addf %add3A_1853, %mul3A_1861 : vector<16xf32>
    %add3A_1863 = arith.addf %add3A_1784, %mul3A_1861 : vector<16xf32>
    %sub3A_1864 = arith.subf %broadcast_in_dim3A_1724, %mul3A_1861 : vector<16xf32>
    %mul3A_1865 = arith.mulf %sub3A_1787, %sub3A_1864 : vector<16xf32>
    %sub3A_1866 = arith.subf %mul3A_1865, %mul3A_1861 : vector<16xf32>
    %eq3A_1867 = arith.cmpf oeq, %sub3A_1796, %max3A_1812 : vector<16xf32>
    %select_n3A_1868 = arith.select %eq3A_1867, %broadcast_in_dim3A_1724, %broadcast_in_dim3A_1726 : vector<16xi1>, vector<16xf32>
    %sub3A_1869 = arith.subf %broadcast_in_dim3A_1724, %add3A_1862 : vector<16xf32>
    %mul3A_1870 = arith.mulf %select_n3A_1868, %sub3A_1869 : vector<16xf32>
    %add3A_1871 = arith.addf %add3A_1862, %mul3A_1870 : vector<16xf32>
    %add3A_1872 = arith.addf %add3A_1793, %mul3A_1870 : vector<16xf32>
    %sub3A_1873 = arith.subf %broadcast_in_dim3A_1724, %mul3A_1870 : vector<16xf32>
    %mul3A_1874 = arith.mulf %sub3A_1796, %sub3A_1873 : vector<16xf32>
    %sub3A_1875 = arith.subf %mul3A_1874, %mul3A_1870 : vector<16xf32>
    %eq3A_1876 = arith.cmpf oeq, %sub3A_1805, %max3A_1812 : vector<16xf32>
    %select_n3A_1877 = arith.select %eq3A_1876, %broadcast_in_dim3A_1724, %broadcast_in_dim3A_1726 : vector<16xi1>, vector<16xf32>
    %sub3A_1878 = arith.subf %broadcast_in_dim3A_1724, %add3A_1871 : vector<16xf32>
    %mul3A_1879 = arith.mulf %select_n3A_1877, %sub3A_1878 : vector<16xf32>
    %add3A_1880 = arith.addf %add3A_1871, %mul3A_1879 : vector<16xf32>
    %add3A_1881 = arith.addf %add3A_1802, %mul3A_1879 : vector<16xf32>
    %sub3A_1882 = arith.subf %broadcast_in_dim3A_1724, %mul3A_1879 : vector<16xf32>
    %mul3A_1883 = arith.mulf %sub3A_1805, %sub3A_1882 : vector<16xf32>
    %sub3A_1884 = arith.subf %mul3A_1883, %mul3A_1879 : vector<16xf32>
    %max3A_1885 = arith.maximumf %sub3A_1821, %sub3A_1830 : vector<16xf32>
    %max3A_1886 = arith.maximumf %max3A_1885, %sub3A_1839 : vector<16xf32>
    %max3A_1887 = arith.maximumf %max3A_1886, %sub3A_1848 : vector<16xf32>
    %max3A_1888 = arith.maximumf %max3A_1887, %sub3A_1857 : vector<16xf32>
    %max3A_1889 = arith.maximumf %max3A_1888, %sub3A_1866 : vector<16xf32>
    %max3A_1890 = arith.maximumf %max3A_1889, %sub3A_1875 : vector<16xf32>
    %max3A_1891 = arith.maximumf %max3A_1890, %sub3A_1884 : vector<16xf32>
    %eq3A_1892 = arith.cmpf oeq, %sub3A_1821, %max3A_1891 : vector<16xf32>
    %select_n3A_1893 = arith.select %eq3A_1892, %broadcast_in_dim3A_1724, %broadcast_in_dim3A_1726 : vector<16xi1>, vector<16xf32>
    %sub3A_1894 = arith.subf %broadcast_in_dim3A_1724, %broadcast_in_dim3A_1726 : vector<16xf32>
    %mul3A_1895 = arith.mulf %select_n3A_1893, %sub3A_1894 : vector<16xf32>
    %add3A_1896 = arith.addf %broadcast_in_dim3A_1726, %mul3A_1895 : vector<16xf32>
    %add3A_1897 = arith.addf %add3A_1818, %mul3A_1895 : vector<16xf32>
    %sub3A_1898 = arith.subf %broadcast_in_dim3A_1724, %mul3A_1895 : vector<16xf32>
    %mul3A_1899 = arith.mulf %sub3A_1821, %sub3A_1898 : vector<16xf32>
    %sub3A_1900 = arith.subf %mul3A_1899, %mul3A_1895 : vector<16xf32>
    %eq3A_1901 = arith.cmpf oeq, %sub3A_1830, %max3A_1891 : vector<16xf32>
    %select_n3A_1902 = arith.select %eq3A_1901, %broadcast_in_dim3A_1724, %broadcast_in_dim3A_1726 : vector<16xi1>, vector<16xf32>
    %sub3A_1903 = arith.subf %broadcast_in_dim3A_1724, %add3A_1896 : vector<16xf32>
    %mul3A_1904 = arith.mulf %select_n3A_1902, %sub3A_1903 : vector<16xf32>
    %add3A_1905 = arith.addf %add3A_1896, %mul3A_1904 : vector<16xf32>
    %add3A_1906 = arith.addf %add3A_1827, %mul3A_1904 : vector<16xf32>
    %sub3A_1907 = arith.subf %broadcast_in_dim3A_1724, %mul3A_1904 : vector<16xf32>
    %mul3A_1908 = arith.mulf %sub3A_1830, %sub3A_1907 : vector<16xf32>
    %sub3A_1909 = arith.subf %mul3A_1908, %mul3A_1904 : vector<16xf32>
    %eq3A_1910 = arith.cmpf oeq, %sub3A_1839, %max3A_1891 : vector<16xf32>
    %select_n3A_1911 = arith.select %eq3A_1910, %broadcast_in_dim3A_1724, %broadcast_in_dim3A_1726 : vector<16xi1>, vector<16xf32>
    %sub3A_1912 = arith.subf %broadcast_in_dim3A_1724, %add3A_1905 : vector<16xf32>
    %mul3A_1913 = arith.mulf %select_n3A_1911, %sub3A_1912 : vector<16xf32>
    %add3A_1914 = arith.addf %add3A_1905, %mul3A_1913 : vector<16xf32>
    %add3A_1915 = arith.addf %add3A_1836, %mul3A_1913 : vector<16xf32>
    %sub3A_1916 = arith.subf %broadcast_in_dim3A_1724, %mul3A_1913 : vector<16xf32>
    %mul3A_1917 = arith.mulf %sub3A_1839, %sub3A_1916 : vector<16xf32>
    %sub3A_1918 = arith.subf %mul3A_1917, %mul3A_1913 : vector<16xf32>
    %eq3A_1919 = arith.cmpf oeq, %sub3A_1848, %max3A_1891 : vector<16xf32>
    %select_n3A_1920 = arith.select %eq3A_1919, %broadcast_in_dim3A_1724, %broadcast_in_dim3A_1726 : vector<16xi1>, vector<16xf32>
    %sub3A_1921 = arith.subf %broadcast_in_dim3A_1724, %add3A_1914 : vector<16xf32>
    %mul3A_1922 = arith.mulf %select_n3A_1920, %sub3A_1921 : vector<16xf32>
    %add3A_1923 = arith.addf %add3A_1914, %mul3A_1922 : vector<16xf32>
    %add3A_1924 = arith.addf %add3A_1845, %mul3A_1922 : vector<16xf32>
    %sub3A_1925 = arith.subf %broadcast_in_dim3A_1724, %mul3A_1922 : vector<16xf32>
    %mul3A_1926 = arith.mulf %sub3A_1848, %sub3A_1925 : vector<16xf32>
    %sub3A_1927 = arith.subf %mul3A_1926, %mul3A_1922 : vector<16xf32>
    %eq3A_1928 = arith.cmpf oeq, %sub3A_1857, %max3A_1891 : vector<16xf32>
    %select_n3A_1929 = arith.select %eq3A_1928, %broadcast_in_dim3A_1724, %broadcast_in_dim3A_1726 : vector<16xi1>, vector<16xf32>
    %sub3A_1930 = arith.subf %broadcast_in_dim3A_1724, %add3A_1923 : vector<16xf32>
    %mul3A_1931 = arith.mulf %select_n3A_1929, %sub3A_1930 : vector<16xf32>
    %add3A_1932 = arith.addf %add3A_1923, %mul3A_1931 : vector<16xf32>
    %add3A_1933 = arith.addf %add3A_1854, %mul3A_1931 : vector<16xf32>
    %sub3A_1934 = arith.subf %broadcast_in_dim3A_1724, %mul3A_1931 : vector<16xf32>
    %mul3A_1935 = arith.mulf %sub3A_1857, %sub3A_1934 : vector<16xf32>
    %sub3A_1936 = arith.subf %mul3A_1935, %mul3A_1931 : vector<16xf32>
    %eq3A_1937 = arith.cmpf oeq, %sub3A_1866, %max3A_1891 : vector<16xf32>
    %select_n3A_1938 = arith.select %eq3A_1937, %broadcast_in_dim3A_1724, %broadcast_in_dim3A_1726 : vector<16xi1>, vector<16xf32>
    %sub3A_1939 = arith.subf %broadcast_in_dim3A_1724, %add3A_1932 : vector<16xf32>
    %mul3A_1940 = arith.mulf %select_n3A_1938, %sub3A_1939 : vector<16xf32>
    %add3A_1941 = arith.addf %add3A_1932, %mul3A_1940 : vector<16xf32>
    %add3A_1942 = arith.addf %add3A_1863, %mul3A_1940 : vector<16xf32>
    %sub3A_1943 = arith.subf %broadcast_in_dim3A_1724, %mul3A_1940 : vector<16xf32>
    %mul3A_1944 = arith.mulf %sub3A_1866, %sub3A_1943 : vector<16xf32>
    %sub3A_1945 = arith.subf %mul3A_1944, %mul3A_1940 : vector<16xf32>
    %eq3A_1946 = arith.cmpf oeq, %sub3A_1875, %max3A_1891 : vector<16xf32>
    %select_n3A_1947 = arith.select %eq3A_1946, %broadcast_in_dim3A_1724, %broadcast_in_dim3A_1726 : vector<16xi1>, vector<16xf32>
    %sub3A_1948 = arith.subf %broadcast_in_dim3A_1724, %add3A_1941 : vector<16xf32>
    %mul3A_1949 = arith.mulf %select_n3A_1947, %sub3A_1948 : vector<16xf32>
    %add3A_1950 = arith.addf %add3A_1941, %mul3A_1949 : vector<16xf32>
    %add3A_1951 = arith.addf %add3A_1872, %mul3A_1949 : vector<16xf32>
    %sub3A_1952 = arith.subf %broadcast_in_dim3A_1724, %mul3A_1949 : vector<16xf32>
    %mul3A_1953 = arith.mulf %sub3A_1875, %sub3A_1952 : vector<16xf32>
    %sub3A_1954 = arith.subf %mul3A_1953, %mul3A_1949 : vector<16xf32>
    %eq3A_1955 = arith.cmpf oeq, %sub3A_1884, %max3A_1891 : vector<16xf32>
    %select_n3A_1956 = arith.select %eq3A_1955, %broadcast_in_dim3A_1724, %broadcast_in_dim3A_1726 : vector<16xi1>, vector<16xf32>
    %sub3A_1957 = arith.subf %broadcast_in_dim3A_1724, %add3A_1950 : vector<16xf32>
    %mul3A_1958 = arith.mulf %select_n3A_1956, %sub3A_1957 : vector<16xf32>
    %add3A_1959 = arith.addf %add3A_1950, %mul3A_1958 : vector<16xf32>
    %add3A_1960 = arith.addf %add3A_1881, %mul3A_1958 : vector<16xf32>
    %sub3A_1961 = arith.subf %broadcast_in_dim3A_1724, %mul3A_1958 : vector<16xf32>
    %mul3A_1962 = arith.mulf %sub3A_1884, %sub3A_1961 : vector<16xf32>
    %sub3A_1963 = arith.subf %mul3A_1962, %mul3A_1958 : vector<16xf32>
    %max3A_1964 = arith.maximumf %sub3A_1900, %sub3A_1909 : vector<16xf32>
    %max3A_1965 = arith.maximumf %max3A_1964, %sub3A_1918 : vector<16xf32>
    %max3A_1966 = arith.maximumf %max3A_1965, %sub3A_1927 : vector<16xf32>
    %max3A_1967 = arith.maximumf %max3A_1966, %sub3A_1936 : vector<16xf32>
    %max3A_1968 = arith.maximumf %max3A_1967, %sub3A_1945 : vector<16xf32>
    %max3A_1969 = arith.maximumf %max3A_1968, %sub3A_1954 : vector<16xf32>
    %max3A_1970 = arith.maximumf %max3A_1969, %sub3A_1963 : vector<16xf32>
    %eq3A_1971 = arith.cmpf oeq, %sub3A_1900, %max3A_1970 : vector<16xf32>
    %select_n3A_1972 = arith.select %eq3A_1971, %broadcast_in_dim3A_1724, %broadcast_in_dim3A_1726 : vector<16xi1>, vector<16xf32>
    %sub3A_1973 = arith.subf %broadcast_in_dim3A_1724, %broadcast_in_dim3A_1726 : vector<16xf32>
    %mul3A_1974 = arith.mulf %select_n3A_1972, %sub3A_1973 : vector<16xf32>
    %add3A_1975 = arith.addf %broadcast_in_dim3A_1726, %mul3A_1974 : vector<16xf32>
    %add3A_1976 = arith.addf %add3A_1897, %mul3A_1974 : vector<16xf32>
    %sub3A_1977 = arith.subf %broadcast_in_dim3A_1724, %mul3A_1974 : vector<16xf32>
    %mul3A_1978 = arith.mulf %sub3A_1900, %sub3A_1977 : vector<16xf32>
    %sub3A_1979 = arith.subf %mul3A_1978, %mul3A_1974 : vector<16xf32>
    %eq3A_1980 = arith.cmpf oeq, %sub3A_1909, %max3A_1970 : vector<16xf32>
    %select_n3A_1981 = arith.select %eq3A_1980, %broadcast_in_dim3A_1724, %broadcast_in_dim3A_1726 : vector<16xi1>, vector<16xf32>
    %sub3A_1982 = arith.subf %broadcast_in_dim3A_1724, %add3A_1975 : vector<16xf32>
    %mul3A_1983 = arith.mulf %select_n3A_1981, %sub3A_1982 : vector<16xf32>
    %add3A_1984 = arith.addf %add3A_1975, %mul3A_1983 : vector<16xf32>
    %add3A_1985 = arith.addf %add3A_1906, %mul3A_1983 : vector<16xf32>
    %sub3A_1986 = arith.subf %broadcast_in_dim3A_1724, %mul3A_1983 : vector<16xf32>
    %mul3A_1987 = arith.mulf %sub3A_1909, %sub3A_1986 : vector<16xf32>
    %sub3A_1988 = arith.subf %mul3A_1987, %mul3A_1983 : vector<16xf32>
    %eq3A_1989 = arith.cmpf oeq, %sub3A_1918, %max3A_1970 : vector<16xf32>
    %select_n3A_1990 = arith.select %eq3A_1989, %broadcast_in_dim3A_1724, %broadcast_in_dim3A_1726 : vector<16xi1>, vector<16xf32>
    %sub3A_1991 = arith.subf %broadcast_in_dim3A_1724, %add3A_1984 : vector<16xf32>
    %mul3A_1992 = arith.mulf %select_n3A_1990, %sub3A_1991 : vector<16xf32>
    %add3A_1993 = arith.addf %add3A_1984, %mul3A_1992 : vector<16xf32>
    %add3A_1994 = arith.addf %add3A_1915, %mul3A_1992 : vector<16xf32>
    %sub3A_1995 = arith.subf %broadcast_in_dim3A_1724, %mul3A_1992 : vector<16xf32>
    %mul3A_1996 = arith.mulf %sub3A_1918, %sub3A_1995 : vector<16xf32>
    %sub3A_1997 = arith.subf %mul3A_1996, %mul3A_1992 : vector<16xf32>
    %eq3A_1998 = arith.cmpf oeq, %sub3A_1927, %max3A_1970 : vector<16xf32>
    %select_n3A_1999 = arith.select %eq3A_1998, %broadcast_in_dim3A_1724, %broadcast_in_dim3A_1726 : vector<16xi1>, vector<16xf32>
    %sub3A_2000 = arith.subf %broadcast_in_dim3A_1724, %add3A_1993 : vector<16xf32>
    %mul3A_2001 = arith.mulf %select_n3A_1999, %sub3A_2000 : vector<16xf32>
    %add3A_2002 = arith.addf %add3A_1993, %mul3A_2001 : vector<16xf32>
    %add3A_2003 = arith.addf %add3A_1924, %mul3A_2001 : vector<16xf32>
    %sub3A_2004 = arith.subf %broadcast_in_dim3A_1724, %mul3A_2001 : vector<16xf32>
    %mul3A_2005 = arith.mulf %sub3A_1927, %sub3A_2004 : vector<16xf32>
    %sub3A_2006 = arith.subf %mul3A_2005, %mul3A_2001 : vector<16xf32>
    %eq3A_2007 = arith.cmpf oeq, %sub3A_1936, %max3A_1970 : vector<16xf32>
    %select_n3A_2008 = arith.select %eq3A_2007, %broadcast_in_dim3A_1724, %broadcast_in_dim3A_1726 : vector<16xi1>, vector<16xf32>
    %sub3A_2009 = arith.subf %broadcast_in_dim3A_1724, %add3A_2002 : vector<16xf32>
    %mul3A_2010 = arith.mulf %select_n3A_2008, %sub3A_2009 : vector<16xf32>
    %add3A_2011 = arith.addf %add3A_2002, %mul3A_2010 : vector<16xf32>
    %add3A_2012 = arith.addf %add3A_1933, %mul3A_2010 : vector<16xf32>
    %sub3A_2013 = arith.subf %broadcast_in_dim3A_1724, %mul3A_2010 : vector<16xf32>
    %mul3A_2014 = arith.mulf %sub3A_1936, %sub3A_2013 : vector<16xf32>
    %sub3A_2015 = arith.subf %mul3A_2014, %mul3A_2010 : vector<16xf32>
    %eq3A_2016 = arith.cmpf oeq, %sub3A_1945, %max3A_1970 : vector<16xf32>
    %select_n3A_2017 = arith.select %eq3A_2016, %broadcast_in_dim3A_1724, %broadcast_in_dim3A_1726 : vector<16xi1>, vector<16xf32>
    %sub3A_2018 = arith.subf %broadcast_in_dim3A_1724, %add3A_2011 : vector<16xf32>
    %mul3A_2019 = arith.mulf %select_n3A_2017, %sub3A_2018 : vector<16xf32>
    %add3A_2020 = arith.addf %add3A_2011, %mul3A_2019 : vector<16xf32>
    %add3A_2021 = arith.addf %add3A_1942, %mul3A_2019 : vector<16xf32>
    %sub3A_2022 = arith.subf %broadcast_in_dim3A_1724, %mul3A_2019 : vector<16xf32>
    %mul3A_2023 = arith.mulf %sub3A_1945, %sub3A_2022 : vector<16xf32>
    %sub3A_2024 = arith.subf %mul3A_2023, %mul3A_2019 : vector<16xf32>
    %eq3A_2025 = arith.cmpf oeq, %sub3A_1954, %max3A_1970 : vector<16xf32>
    %select_n3A_2026 = arith.select %eq3A_2025, %broadcast_in_dim3A_1724, %broadcast_in_dim3A_1726 : vector<16xi1>, vector<16xf32>
    %sub3A_2027 = arith.subf %broadcast_in_dim3A_1724, %add3A_2020 : vector<16xf32>
    %mul3A_2028 = arith.mulf %select_n3A_2026, %sub3A_2027 : vector<16xf32>
    %add3A_2029 = arith.addf %add3A_2020, %mul3A_2028 : vector<16xf32>
    %add3A_2030 = arith.addf %add3A_1951, %mul3A_2028 : vector<16xf32>
    %sub3A_2031 = arith.subf %broadcast_in_dim3A_1724, %mul3A_2028 : vector<16xf32>
    %mul3A_2032 = arith.mulf %sub3A_1954, %sub3A_2031 : vector<16xf32>
    %sub3A_2033 = arith.subf %mul3A_2032, %mul3A_2028 : vector<16xf32>
    %eq3A_2034 = arith.cmpf oeq, %sub3A_1963, %max3A_1970 : vector<16xf32>
    %select_n3A_2035 = arith.select %eq3A_2034, %broadcast_in_dim3A_1724, %broadcast_in_dim3A_1726 : vector<16xi1>, vector<16xf32>
    %sub3A_2036 = arith.subf %broadcast_in_dim3A_1724, %add3A_2029 : vector<16xf32>
    %mul3A_2037 = arith.mulf %select_n3A_2035, %sub3A_2036 : vector<16xf32>
    %add3A_2038 = arith.addf %add3A_2029, %mul3A_2037 : vector<16xf32>
    %add3A_2039 = arith.addf %add3A_1960, %mul3A_2037 : vector<16xf32>
    %sub3A_2040 = arith.subf %broadcast_in_dim3A_1724, %mul3A_2037 : vector<16xf32>
    %mul3A_2041 = arith.mulf %sub3A_1963, %sub3A_2040 : vector<16xf32>
    %sub3A_2042 = arith.subf %mul3A_2041, %mul3A_2037 : vector<16xf32>
    %max3A_2043 = arith.maximumf %sub3A_1979, %sub3A_1988 : vector<16xf32>
    %max3A_2044 = arith.maximumf %max3A_2043, %sub3A_1997 : vector<16xf32>
    %max3A_2045 = arith.maximumf %max3A_2044, %sub3A_2006 : vector<16xf32>
    %max3A_2046 = arith.maximumf %max3A_2045, %sub3A_2015 : vector<16xf32>
    %max3A_2047 = arith.maximumf %max3A_2046, %sub3A_2024 : vector<16xf32>
    %max3A_2048 = arith.maximumf %max3A_2047, %sub3A_2033 : vector<16xf32>
    %max3A_2049 = arith.maximumf %max3A_2048, %sub3A_2042 : vector<16xf32>
    %eq3A_2050 = arith.cmpf oeq, %sub3A_1979, %max3A_2049 : vector<16xf32>
    %select_n3A_2051 = arith.select %eq3A_2050, %broadcast_in_dim3A_1724, %broadcast_in_dim3A_1726 : vector<16xi1>, vector<16xf32>
    %sub3A_2052 = arith.subf %broadcast_in_dim3A_1724, %broadcast_in_dim3A_1726 : vector<16xf32>
    %mul3A_2053 = arith.mulf %select_n3A_2051, %sub3A_2052 : vector<16xf32>
    %add3A_2054 = arith.addf %broadcast_in_dim3A_1726, %mul3A_2053 : vector<16xf32>
    %add3A_2055 = arith.addf %add3A_1976, %mul3A_2053 : vector<16xf32>
    %sub3A_2056 = arith.subf %broadcast_in_dim3A_1724, %mul3A_2053 : vector<16xf32>
    %mul3A_2057 = arith.mulf %sub3A_1979, %sub3A_2056 : vector<16xf32>
    %sub3A_2058 = arith.subf %mul3A_2057, %mul3A_2053 : vector<16xf32>
    %eq3A_2059 = arith.cmpf oeq, %sub3A_1988, %max3A_2049 : vector<16xf32>
    %select_n3A_2060 = arith.select %eq3A_2059, %broadcast_in_dim3A_1724, %broadcast_in_dim3A_1726 : vector<16xi1>, vector<16xf32>
    %sub3A_2061 = arith.subf %broadcast_in_dim3A_1724, %add3A_2054 : vector<16xf32>
    %mul3A_2062 = arith.mulf %select_n3A_2060, %sub3A_2061 : vector<16xf32>
    %add3A_2063 = arith.addf %add3A_2054, %mul3A_2062 : vector<16xf32>
    %add3A_2064 = arith.addf %add3A_1985, %mul3A_2062 : vector<16xf32>
    %sub3A_2065 = arith.subf %broadcast_in_dim3A_1724, %mul3A_2062 : vector<16xf32>
    %mul3A_2066 = arith.mulf %sub3A_1988, %sub3A_2065 : vector<16xf32>
    %sub3A_2067 = arith.subf %mul3A_2066, %mul3A_2062 : vector<16xf32>
    %eq3A_2068 = arith.cmpf oeq, %sub3A_1997, %max3A_2049 : vector<16xf32>
    %select_n3A_2069 = arith.select %eq3A_2068, %broadcast_in_dim3A_1724, %broadcast_in_dim3A_1726 : vector<16xi1>, vector<16xf32>
    %sub3A_2070 = arith.subf %broadcast_in_dim3A_1724, %add3A_2063 : vector<16xf32>
    %mul3A_2071 = arith.mulf %select_n3A_2069, %sub3A_2070 : vector<16xf32>
    %add3A_2072 = arith.addf %add3A_2063, %mul3A_2071 : vector<16xf32>
    %add3A_2073 = arith.addf %add3A_1994, %mul3A_2071 : vector<16xf32>
    %sub3A_2074 = arith.subf %broadcast_in_dim3A_1724, %mul3A_2071 : vector<16xf32>
    %mul3A_2075 = arith.mulf %sub3A_1997, %sub3A_2074 : vector<16xf32>
    %sub3A_2076 = arith.subf %mul3A_2075, %mul3A_2071 : vector<16xf32>
    %eq3A_2077 = arith.cmpf oeq, %sub3A_2006, %max3A_2049 : vector<16xf32>
    %select_n3A_2078 = arith.select %eq3A_2077, %broadcast_in_dim3A_1724, %broadcast_in_dim3A_1726 : vector<16xi1>, vector<16xf32>
    %sub3A_2079 = arith.subf %broadcast_in_dim3A_1724, %add3A_2072 : vector<16xf32>
    %mul3A_2080 = arith.mulf %select_n3A_2078, %sub3A_2079 : vector<16xf32>
    %add3A_2081 = arith.addf %add3A_2072, %mul3A_2080 : vector<16xf32>
    %add3A_2082 = arith.addf %add3A_2003, %mul3A_2080 : vector<16xf32>
    %sub3A_2083 = arith.subf %broadcast_in_dim3A_1724, %mul3A_2080 : vector<16xf32>
    %mul3A_2084 = arith.mulf %sub3A_2006, %sub3A_2083 : vector<16xf32>
    %sub3A_2085 = arith.subf %mul3A_2084, %mul3A_2080 : vector<16xf32>
    %eq3A_2086 = arith.cmpf oeq, %sub3A_2015, %max3A_2049 : vector<16xf32>
    %select_n3A_2087 = arith.select %eq3A_2086, %broadcast_in_dim3A_1724, %broadcast_in_dim3A_1726 : vector<16xi1>, vector<16xf32>
    %sub3A_2088 = arith.subf %broadcast_in_dim3A_1724, %add3A_2081 : vector<16xf32>
    %mul3A_2089 = arith.mulf %select_n3A_2087, %sub3A_2088 : vector<16xf32>
    %add3A_2090 = arith.addf %add3A_2081, %mul3A_2089 : vector<16xf32>
    %add3A_2091 = arith.addf %add3A_2012, %mul3A_2089 : vector<16xf32>
    %sub3A_2092 = arith.subf %broadcast_in_dim3A_1724, %mul3A_2089 : vector<16xf32>
    %mul3A_2093 = arith.mulf %sub3A_2015, %sub3A_2092 : vector<16xf32>
    %sub3A_2094 = arith.subf %mul3A_2093, %mul3A_2089 : vector<16xf32>
    %eq3A_2095 = arith.cmpf oeq, %sub3A_2024, %max3A_2049 : vector<16xf32>
    %select_n3A_2096 = arith.select %eq3A_2095, %broadcast_in_dim3A_1724, %broadcast_in_dim3A_1726 : vector<16xi1>, vector<16xf32>
    %sub3A_2097 = arith.subf %broadcast_in_dim3A_1724, %add3A_2090 : vector<16xf32>
    %mul3A_2098 = arith.mulf %select_n3A_2096, %sub3A_2097 : vector<16xf32>
    %add3A_2099 = arith.addf %add3A_2090, %mul3A_2098 : vector<16xf32>
    %add3A_2100 = arith.addf %add3A_2021, %mul3A_2098 : vector<16xf32>
    %sub3A_2101 = arith.subf %broadcast_in_dim3A_1724, %mul3A_2098 : vector<16xf32>
    %mul3A_2102 = arith.mulf %sub3A_2024, %sub3A_2101 : vector<16xf32>
    %sub3A_2103 = arith.subf %mul3A_2102, %mul3A_2098 : vector<16xf32>
    %eq3A_2104 = arith.cmpf oeq, %sub3A_2033, %max3A_2049 : vector<16xf32>
    %select_n3A_2105 = arith.select %eq3A_2104, %broadcast_in_dim3A_1724, %broadcast_in_dim3A_1726 : vector<16xi1>, vector<16xf32>
    %sub3A_2106 = arith.subf %broadcast_in_dim3A_1724, %add3A_2099 : vector<16xf32>
    %mul3A_2107 = arith.mulf %select_n3A_2105, %sub3A_2106 : vector<16xf32>
    %add3A_2108 = arith.addf %add3A_2099, %mul3A_2107 : vector<16xf32>
    %add3A_2109 = arith.addf %add3A_2030, %mul3A_2107 : vector<16xf32>
    %sub3A_2110 = arith.subf %broadcast_in_dim3A_1724, %mul3A_2107 : vector<16xf32>
    %mul3A_2111 = arith.mulf %sub3A_2033, %sub3A_2110 : vector<16xf32>
    %sub3A_2112 = arith.subf %mul3A_2111, %mul3A_2107 : vector<16xf32>
    %eq3A_2113 = arith.cmpf oeq, %sub3A_2042, %max3A_2049 : vector<16xf32>
    %select_n3A_2114 = arith.select %eq3A_2113, %broadcast_in_dim3A_1724, %broadcast_in_dim3A_1726 : vector<16xi1>, vector<16xf32>
    %sub3A_2115 = arith.subf %broadcast_in_dim3A_1724, %add3A_2108 : vector<16xf32>
    %mul3A_2116 = arith.mulf %select_n3A_2114, %sub3A_2115 : vector<16xf32>
    %add3A_2117 = arith.addf %add3A_2108, %mul3A_2116 : vector<16xf32>
    %add3A_2118 = arith.addf %add3A_2039, %mul3A_2116 : vector<16xf32>
    %sub3A_2119 = arith.subf %broadcast_in_dim3A_1724, %mul3A_2116 : vector<16xf32>
    %mul3A_2120 = arith.mulf %sub3A_2042, %sub3A_2119 : vector<16xf32>
    %sub3A_2121 = arith.subf %mul3A_2120, %mul3A_2116 : vector<16xf32>
    %mul3A_2122 = arith.mulf %div3A_1715, %add3A_2055 : vector<16xf32>
    %mul3A_2123 = arith.mulf %div3A_1716, %add3A_2064 : vector<16xf32>
    %mul3A_2124 = arith.mulf %div3A_1717, %add3A_2073 : vector<16xf32>
    %mul3A_2125 = arith.mulf %div3A_1718, %add3A_2082 : vector<16xf32>
    %mul3A_2126 = arith.mulf %div3A_1719, %add3A_2091 : vector<16xf32>
    %mul3A_2127 = arith.mulf %div3A_1720, %add3A_2100 : vector<16xf32>
    %mul3A_2128 = arith.mulf %div3A_1721, %add3A_2109 : vector<16xf32>
    %mul3A_2129 = arith.mulf %div3A_1722, %add3A_2118 : vector<16xf32>
    %add3A_2130 = arith.addf %mul3A_2122, %mul3A_2123 : vector<16xf32>
    %add3A_2131 = arith.addf %add3A_2130, %mul3A_2124 : vector<16xf32>
    %add3A_2132 = arith.addf %add3A_2131, %mul3A_2125 : vector<16xf32>
    %add3A_2133 = arith.addf %add3A_2132, %mul3A_2126 : vector<16xf32>
    %add3A_2134 = arith.addf %add3A_2133, %mul3A_2127 : vector<16xf32>
    %add3A_2135 = arith.addf %add3A_2134, %mul3A_2128 : vector<16xf32>
    %add3A_2136 = arith.addf %add3A_2135, %mul3A_2129 : vector<16xf32>
    %add3A_2137 = arith.constant 9.99999993E-9 : f32
    %add3A_2138 = vector.broadcast %add3A_2137 : f32 to vector<16xf32>
    %add3A_2139 = arith.addf %add3A_2136, %add3A_2138 : vector<16xf32>
    %div3A_2140 = arith.divf %mul3A_2122, %add3A_2139 : vector<16xf32>
    %swap3A_2141 = arith.constant 48 : index
    %swap3A_2142 = tpu.vector_load %arg5[%swap3A_2141] {strides = array<i32>} : memref<512xf32, #tpu.memory_space<vmem>>, vector<16xf32>,
    %swap3A_2143 = vector.shape_cast %swap3A_2142 : vector<16xf32> to vector<16xf32>
    %swap3A_2144 = vector.shape_cast %div3A_2140 : vector<16xf32> to vector<16xf32>
    tpu.vector_store %arg5[%swap3A_2141], %swap3A_2144 {strides = array<i32>} : memref<512xf32, #tpu.memory_space<vmem>>, vector<16xf32>,
    %div3A_2145 = arith.divf %mul3A_2123, %add3A_2139 : vector<16xf32>
    %swap3A_2146 = arith.constant 112 : index
    %swap3A_2147 = tpu.vector_load %arg5[%swap3A_2146] {strides = array<i32>} : memref<512xf32, #tpu.memory_space<vmem>>, vector<16xf32>,
    %swap3A_2148 = vector.shape_cast %swap3A_2147 : vector<16xf32> to vector<16xf32>
    %swap3A_2149 = vector.shape_cast %div3A_2145 : vector<16xf32> to vector<16xf32>
    tpu.vector_store %arg5[%swap3A_2146], %swap3A_2149 {strides = array<i32>} : memref<512xf32, #tpu.memory_space<vmem>>, vector<16xf32>,
    %div3A_2150 = arith.divf %mul3A_2124, %add3A_2139 : vector<16xf32>
    %swap3A_2151 = arith.constant 176 : index
    %swap3A_2152 = tpu.vector_load %arg5[%swap3A_2151] {strides = array<i32>} : memref<512xf32, #tpu.memory_space<vmem>>, vector<16xf32>,
    %swap3A_2153 = vector.shape_cast %swap3A_2152 : vector<16xf32> to vector<16xf32>
    %swap3A_2154 = vector.shape_cast %div3A_2150 : vector<16xf32> to vector<16xf32>
    tpu.vector_store %arg5[%swap3A_2151], %swap3A_2154 {strides = array<i32>} : memref<512xf32, #tpu.memory_space<vmem>>, vector<16xf32>,
    %div3A_2155 = arith.divf %mul3A_2125, %add3A_2139 : vector<16xf32>
    %swap3A_2156 = arith.constant 240 : index
    %swap3A_2157 = tpu.vector_load %arg5[%swap3A_2156] {strides = array<i32>} : memref<512xf32, #tpu.memory_space<vmem>>, vector<16xf32>,
    %swap3A_2158 = vector.shape_cast %swap3A_2157 : vector<16xf32> to vector<16xf32>
    %swap3A_2159 = vector.shape_cast %div3A_2155 : vector<16xf32> to vector<16xf32>
    tpu.vector_store %arg5[%swap3A_2156], %swap3A_2159 {strides = array<i32>} : memref<512xf32, #tpu.memory_space<vmem>>, vector<16xf32>,
    %div3A_2160 = arith.divf %mul3A_2126, %add3A_2139 : vector<16xf32>
    %swap3A_2161 = arith.constant 304 : index
    %swap3A_2162 = tpu.vector_load %arg5[%swap3A_2161] {strides = array<i32>} : memref<512xf32, #tpu.memory_space<vmem>>, vector<16xf32>,
    %swap3A_2163 = vector.shape_cast %swap3A_2162 : vector<16xf32> to vector<16xf32>
    %swap3A_2164 = vector.shape_cast %div3A_2160 : vector<16xf32> to vector<16xf32>
    tpu.vector_store %arg5[%swap3A_2161], %swap3A_2164 {strides = array<i32>} : memref<512xf32, #tpu.memory_space<vmem>>, vector<16xf32>,
    %div3A_2165 = arith.divf %mul3A_2127, %add3A_2139 : vector<16xf32>
    %swap3A_2166 = arith.constant 368 : index
    %swap3A_2167 = tpu.vector_load %arg5[%swap3A_2166] {strides = array<i32>} : memref<512xf32, #tpu.memory_space<vmem>>, vector<16xf32>,
    %swap3A_2168 = vector.shape_cast %swap3A_2167 : vector<16xf32> to vector<16xf32>
    %swap3A_2169 = vector.shape_cast %div3A_2165 : vector<16xf32> to vector<16xf32>
    tpu.vector_store %arg5[%swap3A_2166], %swap3A_2169 {strides = array<i32>} : memref<512xf32, #tpu.memory_space<vmem>>, vector<16xf32>,
    %div3A_2170 = arith.divf %mul3A_2128, %add3A_2139 : vector<16xf32>
    %swap3A_2171 = arith.constant 432 : index
    %swap3A_2172 = tpu.vector_load %arg5[%swap3A_2171] {strides = array<i32>} : memref<512xf32, #tpu.memory_space<vmem>>, vector<16xf32>,
    %swap3A_2173 = vector.shape_cast %swap3A_2172 : vector<16xf32> to vector<16xf32>
    %swap3A_2174 = vector.shape_cast %div3A_2170 : vector<16xf32> to vector<16xf32>
    tpu.vector_store %arg5[%swap3A_2171], %swap3A_2174 {strides = array<i32>} : memref<512xf32, #tpu.memory_space<vmem>>, vector<16xf32>,
    %div3A_2175 = arith.divf %mul3A_2129, %add3A_2139 : vector<16xf32>
    %swap3A_2176 = arith.constant 496 : index
    %swap3A_2177 = tpu.vector_load %arg5[%swap3A_2176] {strides = array<i32>} : memref<512xf32, #tpu.memory_space<vmem>>, vector<16xf32>,
    %swap3A_2178 = vector.shape_cast %swap3A_2177 : vector<16xf32> to vector<16xf32>
    %swap3A_2179 = vector.shape_cast %div3A_2175 : vector<16xf32> to vector<16xf32>
    tpu.vector_store %arg5[%swap3A_2176], %swap3A_2179 {strides = array<i32>} : memref<512xf32, #tpu.memory_space<vmem>>, vector<16xf32>,
    %add3A_2180 = arith.constant 0 : i32
    %add3A_2181 = arith.addi %add3A_2180, %mul3A_2 : i32
    %dma_start3A_2182 = arith.constant 0 : i32
    %dma_start3A_2183 = tpu.memref_slice %arg5[%dma_start3A_2182] : memref<512xf32, #tpu.memory_space<vmem>> -> memref<64xf32, #tpu.memory_space<vmem>>
    %dma_start3A_2184 = tpu.memref_slice %arg3[%add3A_2181] : memref<16384xf32, #tpu.memory_space<hbm>> -> memref<64xf32, #tpu.memory_space<hbm>>
    %dma_start3A_2185 = tpu.memref_slice %arg3[%add3A_2181] : memref<16384xf32, #tpu.memory_space<hbm>> -> memref<64xf32, #tpu.memory_space<hbm>>
    %dma_start3A_2186 = arith.constant 0 : i32
    %dma_start3A_2187 = tpu.memref_slice %arg5[%dma_start3A_2186] : memref<512xf32, #tpu.memory_space<vmem>> -> memref<64xf32, #tpu.memory_space<vmem>>
    tpu.enqueue_dma source(%dma_start3A_2187 : memref<64xf32, #tpu.memory_space<vmem>>) target(%dma_start3A_2185 : memref<64xf32, #tpu.memory_space<hbm>>) target_semaphore(%arg7 : memref<!tpu.dma_semaphore, #tpu.memory_space<semaphore_mem>>)
    %add3A_2188 = arith.constant 2048 : i32
    %add3A_2189 = arith.addi %add3A_2188, %mul3A_2 : i32
    %dma_start3A_2190 = arith.constant 64 : i32
    %dma_start3A_2191 = tpu.memref_slice %arg5[%dma_start3A_2190] : memref<512xf32, #tpu.memory_space<vmem>> -> memref<64xf32, #tpu.memory_space<vmem>>
    %dma_start3A_2192 = tpu.memref_slice %arg3[%add3A_2189] : memref<16384xf32, #tpu.memory_space<hbm>> -> memref<64xf32, #tpu.memory_space<hbm>>
    %dma_start3A_2193 = tpu.memref_slice %arg3[%add3A_2189] : memref<16384xf32, #tpu.memory_space<hbm>> -> memref<64xf32, #tpu.memory_space<hbm>>
    %dma_start3A_2194 = arith.constant 64 : i32
    %dma_start3A_2195 = tpu.memref_slice %arg5[%dma_start3A_2194] : memref<512xf32, #tpu.memory_space<vmem>> -> memref<64xf32, #tpu.memory_space<vmem>>
    tpu.enqueue_dma source(%dma_start3A_2195 : memref<64xf32, #tpu.memory_space<vmem>>) target(%dma_start3A_2193 : memref<64xf32, #tpu.memory_space<hbm>>) target_semaphore(%arg7 : memref<!tpu.dma_semaphore, #tpu.memory_space<semaphore_mem>>)
    %add3A_2196 = arith.constant 4096 : i32
    %add3A_2197 = arith.addi %add3A_2196, %mul3A_2 : i32
    %dma_start3A_2198 = arith.constant 128 : i32
    %dma_start3A_2199 = tpu.memref_slice %arg5[%dma_start3A_2198] : memref<512xf32, #tpu.memory_space<vmem>> -> memref<64xf32, #tpu.memory_space<vmem>>
    %dma_start3A_2200 = tpu.memref_slice %arg3[%add3A_2197] : memref<16384xf32, #tpu.memory_space<hbm>> -> memref<64xf32, #tpu.memory_space<hbm>>
    %dma_start3A_2201 = tpu.memref_slice %arg3[%add3A_2197] : memref<16384xf32, #tpu.memory_space<hbm>> -> memref<64xf32, #tpu.memory_space<hbm>>
    %dma_start3A_2202 = arith.constant 128 : i32
    %dma_start3A_2203 = tpu.memref_slice %arg5[%dma_start3A_2202] : memref<512xf32, #tpu.memory_space<vmem>> -> memref<64xf32, #tpu.memory_space<vmem>>
    tpu.enqueue_dma source(%dma_start3A_2203 : memref<64xf32, #tpu.memory_space<vmem>>) target(%dma_start3A_2201 : memref<64xf32, #tpu.memory_space<hbm>>) target_semaphore(%arg7 : memref<!tpu.dma_semaphore, #tpu.memory_space<semaphore_mem>>)
    %add3A_2204 = arith.constant 6144 : i32
    %add3A_2205 = arith.addi %add3A_2204, %mul3A_2 : i32
    %dma_start3A_2206 = arith.constant 192 : i32
    %dma_start3A_2207 = tpu.memref_slice %arg5[%dma_start3A_2206] : memref<512xf32, #tpu.memory_space<vmem>> -> memref<64xf32, #tpu.memory_space<vmem>>
    %dma_start3A_2208 = tpu.memref_slice %arg3[%add3A_2205] : memref<16384xf32, #tpu.memory_space<hbm>> -> memref<64xf32, #tpu.memory_space<hbm>>
    %dma_start3A_2209 = tpu.memref_slice %arg3[%add3A_2205] : memref<16384xf32, #tpu.memory_space<hbm>> -> memref<64xf32, #tpu.memory_space<hbm>>
    %dma_start3A_2210 = arith.constant 192 : i32
    %dma_start3A_2211 = tpu.memref_slice %arg5[%dma_start3A_2210] : memref<512xf32, #tpu.memory_space<vmem>> -> memref<64xf32, #tpu.memory_space<vmem>>
    tpu.enqueue_dma source(%dma_start3A_2211 : memref<64xf32, #tpu.memory_space<vmem>>) target(%dma_start3A_2209 : memref<64xf32, #tpu.memory_space<hbm>>) target_semaphore(%arg7 : memref<!tpu.dma_semaphore, #tpu.memory_space<semaphore_mem>>)
    %add3A_2212 = arith.constant 8192 : i32
    %add3A_2213 = arith.addi %add3A_2212, %mul3A_2 : i32
    %dma_start3A_2214 = arith.constant 256 : i32
    %dma_start3A_2215 = tpu.memref_slice %arg5[%dma_start3A_2214] : memref<512xf32, #tpu.memory_space<vmem>> -> memref<64xf32, #tpu.memory_space<vmem>>
    %dma_start3A_2216 = tpu.memref_slice %arg3[%add3A_2213] : memref<16384xf32, #tpu.memory_space<hbm>> -> memref<64xf32, #tpu.memory_space<hbm>>
    %dma_start3A_2217 = tpu.memref_slice %arg3[%add3A_2213] : memref<16384xf32, #tpu.memory_space<hbm>> -> memref<64xf32, #tpu.memory_space<hbm>>
    %dma_start3A_2218 = arith.constant 256 : i32
    %dma_start3A_2219 = tpu.memref_slice %arg5[%dma_start3A_2218] : memref<512xf32, #tpu.memory_space<vmem>> -> memref<64xf32, #tpu.memory_space<vmem>>
    tpu.enqueue_dma source(%dma_start3A_2219 : memref<64xf32, #tpu.memory_space<vmem>>) target(%dma_start3A_2217 : memref<64xf32, #tpu.memory_space<hbm>>) target_semaphore(%arg7 : memref<!tpu.dma_semaphore, #tpu.memory_space<semaphore_mem>>)
    %add3A_2220 = arith.constant 10240 : i32
    %add3A_2221 = arith.addi %add3A_2220, %mul3A_2 : i32
    %dma_start3A_2222 = arith.constant 320 : i32
    %dma_start3A_2223 = tpu.memref_slice %arg5[%dma_start3A_2222] : memref<512xf32, #tpu.memory_space<vmem>> -> memref<64xf32, #tpu.memory_space<vmem>>
    %dma_start3A_2224 = tpu.memref_slice %arg3[%add3A_2221] : memref<16384xf32, #tpu.memory_space<hbm>> -> memref<64xf32, #tpu.memory_space<hbm>>
    %dma_start3A_2225 = tpu.memref_slice %arg3[%add3A_2221] : memref<16384xf32, #tpu.memory_space<hbm>> -> memref<64xf32, #tpu.memory_space<hbm>>
    %dma_start3A_2226 = arith.constant 320 : i32
    %dma_start3A_2227 = tpu.memref_slice %arg5[%dma_start3A_2226] : memref<512xf32, #tpu.memory_space<vmem>> -> memref<64xf32, #tpu.memory_space<vmem>>
    tpu.enqueue_dma source(%dma_start3A_2227 : memref<64xf32, #tpu.memory_space<vmem>>) target(%dma_start3A_2225 : memref<64xf32, #tpu.memory_space<hbm>>) target_semaphore(%arg7 : memref<!tpu.dma_semaphore, #tpu.memory_space<semaphore_mem>>)
    %add3A_2228 = arith.constant 12288 : i32
    %add3A_2229 = arith.addi %add3A_2228, %mul3A_2 : i32
    %dma_start3A_2230 = arith.constant 384 : i32
    %dma_start3A_2231 = tpu.memref_slice %arg5[%dma_start3A_2230] : memref<512xf32, #tpu.memory_space<vmem>> -> memref<64xf32, #tpu.memory_space<vmem>>
    %dma_start3A_2232 = tpu.memref_slice %arg3[%add3A_2229] : memref<16384xf32, #tpu.memory_space<hbm>> -> memref<64xf32, #tpu.memory_space<hbm>>
    %dma_start3A_2233 = tpu.memref_slice %arg3[%add3A_2229] : memref<16384xf32, #tpu.memory_space<hbm>> -> memref<64xf32, #tpu.memory_space<hbm>>
    %dma_start3A_2234 = arith.constant 384 : i32
    %dma_start3A_2235 = tpu.memref_slice %arg5[%dma_start3A_2234] : memref<512xf32, #tpu.memory_space<vmem>> -> memref<64xf32, #tpu.memory_space<vmem>>
    tpu.enqueue_dma source(%dma_start3A_2235 : memref<64xf32, #tpu.memory_space<vmem>>) target(%dma_start3A_2233 : memref<64xf32, #tpu.memory_space<hbm>>) target_semaphore(%arg7 : memref<!tpu.dma_semaphore, #tpu.memory_space<semaphore_mem>>)
    %add3A_2236 = arith.constant 14336 : i32
    %add3A_2237 = arith.addi %add3A_2236, %mul3A_2 : i32
    %dma_start3A_2238 = arith.constant 448 : i32
    %dma_start3A_2239 = tpu.memref_slice %arg5[%dma_start3A_2238] : memref<512xf32, #tpu.memory_space<vmem>> -> memref<64xf32, #tpu.memory_space<vmem>>
    %dma_start3A_2240 = tpu.memref_slice %arg3[%add3A_2237] : memref<16384xf32, #tpu.memory_space<hbm>> -> memref<64xf32, #tpu.memory_space<hbm>>
    %dma_start3A_2241 = tpu.memref_slice %arg3[%add3A_2237] : memref<16384xf32, #tpu.memory_space<hbm>> -> memref<64xf32, #tpu.memory_space<hbm>>
    %dma_start3A_2242 = arith.constant 448 : i32
    %dma_start3A_2243 = tpu.memref_slice %arg5[%dma_start3A_2242] : memref<512xf32, #tpu.memory_space<vmem>> -> memref<64xf32, #tpu.memory_space<vmem>>
    tpu.enqueue_dma source(%dma_start3A_2243 : memref<64xf32, #tpu.memory_space<vmem>>) target(%dma_start3A_2241 : memref<64xf32, #tpu.memory_space<hbm>>) target_semaphore(%arg7 : memref<!tpu.dma_semaphore, #tpu.memory_space<semaphore_mem>>)
    %dma_wait3A_2244 = arith.constant 0 : i32
    %dma_wait3A_2245 = tpu.memref_slice %arg5[%dma_wait3A_2244] : memref<512xf32, #tpu.memory_space<vmem>> -> memref<64xf32, #tpu.memory_space<vmem>>
    %dma_wait3A_2246 = tpu.memref_slice %arg3[%add3A_2181] : memref<16384xf32, #tpu.memory_space<hbm>> -> memref<64xf32, #tpu.memory_space<hbm>>
    %dma_wait3A_2247 = tpu.memref_slice %arg3[%add3A_2181] : memref<16384xf32, #tpu.memory_space<hbm>> -> memref<64xf32, #tpu.memory_space<hbm>>
    %dma_wait3A_2248 = arith.constant 0 : i32
    %dma_wait3A_2249 = tpu.memref_slice %arg5[%dma_wait3A_2248] : memref<512xf32, #tpu.memory_space<vmem>> -> memref<64xf32, #tpu.memory_space<vmem>>
    tpu.wait_dma2 semaphore(%arg7 : memref<!tpu.dma_semaphore, #tpu.memory_space<semaphore_mem>>) src(%dma_wait3A_2249 : memref<64xf32, #tpu.memory_space<vmem>>) dst(%dma_wait3A_2247 : memref<64xf32, #tpu.memory_space<hbm>>)
    %dma_wait3A_2250 = arith.constant 64 : i32
    %dma_wait3A_2251 = tpu.memref_slice %arg5[%dma_wait3A_2250] : memref<512xf32, #tpu.memory_space<vmem>> -> memref<64xf32, #tpu.memory_space<vmem>>
    %dma_wait3A_2252 = tpu.memref_slice %arg3[%add3A_2189] : memref<16384xf32, #tpu.memory_space<hbm>> -> memref<64xf32, #tpu.memory_space<hbm>>
    %dma_wait3A_2253 = tpu.memref_slice %arg3[%add3A_2189] : memref<16384xf32, #tpu.memory_space<hbm>> -> memref<64xf32, #tpu.memory_space<hbm>>
    %dma_wait3A_2254 = arith.constant 64 : i32
    %dma_wait3A_2255 = tpu.memref_slice %arg5[%dma_wait3A_2254] : memref<512xf32, #tpu.memory_space<vmem>> -> memref<64xf32, #tpu.memory_space<vmem>>
    tpu.wait_dma2 semaphore(%arg7 : memref<!tpu.dma_semaphore, #tpu.memory_space<semaphore_mem>>) src(%dma_wait3A_2255 : memref<64xf32, #tpu.memory_space<vmem>>) dst(%dma_wait3A_2253 : memref<64xf32, #tpu.memory_space<hbm>>)
    %dma_wait3A_2256 = arith.constant 128 : i32
    %dma_wait3A_2257 = tpu.memref_slice %arg5[%dma_wait3A_2256] : memref<512xf32, #tpu.memory_space<vmem>> -> memref<64xf32, #tpu.memory_space<vmem>>
    %dma_wait3A_2258 = tpu.memref_slice %arg3[%add3A_2197] : memref<16384xf32, #tpu.memory_space<hbm>> -> memref<64xf32, #tpu.memory_space<hbm>>
    %dma_wait3A_2259 = tpu.memref_slice %arg3[%add3A_2197] : memref<16384xf32, #tpu.memory_space<hbm>> -> memref<64xf32, #tpu.memory_space<hbm>>
    %dma_wait3A_2260 = arith.constant 128 : i32
    %dma_wait3A_2261 = tpu.memref_slice %arg5[%dma_wait3A_2260] : memref<512xf32, #tpu.memory_space<vmem>> -> memref<64xf32, #tpu.memory_space<vmem>>
    tpu.wait_dma2 semaphore(%arg7 : memref<!tpu.dma_semaphore, #tpu.memory_space<semaphore_mem>>) src(%dma_wait3A_2261 : memref<64xf32, #tpu.memory_space<vmem>>) dst(%dma_wait3A_2259 : memref<64xf32, #tpu.memory_space<hbm>>)
    %dma_wait3A_2262 = arith.constant 192 : i32
    %dma_wait3A_2263 = tpu.memref_slice %arg5[%dma_wait3A_2262] : memref<512xf32, #tpu.memory_space<vmem>> -> memref<64xf32, #tpu.memory_space<vmem>>
    %dma_wait3A_2264 = tpu.memref_slice %arg3[%add3A_2205] : memref<16384xf32, #tpu.memory_space<hbm>> -> memref<64xf32, #tpu.memory_space<hbm>>
    %dma_wait3A_2265 = tpu.memref_slice %arg3[%add3A_2205] : memref<16384xf32, #tpu.memory_space<hbm>> -> memref<64xf32, #tpu.memory_space<hbm>>
    %dma_wait3A_2266 = arith.constant 192 : i32
    %dma_wait3A_2267 = tpu.memref_slice %arg5[%dma_wait3A_2266] : memref<512xf32, #tpu.memory_space<vmem>> -> memref<64xf32, #tpu.memory_space<vmem>>
    tpu.wait_dma2 semaphore(%arg7 : memref<!tpu.dma_semaphore, #tpu.memory_space<semaphore_mem>>) src(%dma_wait3A_2267 : memref<64xf32, #tpu.memory_space<vmem>>) dst(%dma_wait3A_2265 : memref<64xf32, #tpu.memory_space<hbm>>)
    %dma_wait3A_2268 = arith.constant 256 : i32
    %dma_wait3A_2269 = tpu.memref_slice %arg5[%dma_wait3A_2268] : memref<512xf32, #tpu.memory_space<vmem>> -> memref<64xf32, #tpu.memory_space<vmem>>
    %dma_wait3A_2270 = tpu.memref_slice %arg3[%add3A_2213] : memref<16384xf32, #tpu.memory_space<hbm>> -> memref<64xf32, #tpu.memory_space<hbm>>
    %dma_wait3A_2271 = tpu.memref_slice %arg3[%add3A_2213] : memref<16384xf32, #tpu.memory_space<hbm>> -> memref<64xf32, #tpu.memory_space<hbm>>
    %dma_wait3A_2272 = arith.constant 256 : i32
    %dma_wait3A_2273 = tpu.memref_slice %arg5[%dma_wait3A_2272] : memref<512xf32, #tpu.memory_space<vmem>> -> memref<64xf32, #tpu.memory_space<vmem>>
    tpu.wait_dma2 semaphore(%arg7 : memref<!tpu.dma_semaphore, #tpu.memory_space<semaphore_mem>>) src(%dma_wait3A_2273 : memref<64xf32, #tpu.memory_space<vmem>>) dst(%dma_wait3A_2271 : memref<64xf32, #tpu.memory_space<hbm>>)
    %dma_wait3A_2274 = arith.constant 320 : i32
    %dma_wait3A_2275 = tpu.memref_slice %arg5[%dma_wait3A_2274] : memref<512xf32, #tpu.memory_space<vmem>> -> memref<64xf32, #tpu.memory_space<vmem>>
    %dma_wait3A_2276 = tpu.memref_slice %arg3[%add3A_2221] : memref<16384xf32, #tpu.memory_space<hbm>> -> memref<64xf32, #tpu.memory_space<hbm>>
    %dma_wait3A_2277 = tpu.memref_slice %arg3[%add3A_2221] : memref<16384xf32, #tpu.memory_space<hbm>> -> memref<64xf32, #tpu.memory_space<hbm>>
    %dma_wait3A_2278 = arith.constant 320 : i32
    %dma_wait3A_2279 = tpu.memref_slice %arg5[%dma_wait3A_2278] : memref<512xf32, #tpu.memory_space<vmem>> -> memref<64xf32, #tpu.memory_space<vmem>>
    tpu.wait_dma2 semaphore(%arg7 : memref<!tpu.dma_semaphore, #tpu.memory_space<semaphore_mem>>) src(%dma_wait3A_2279 : memref<64xf32, #tpu.memory_space<vmem>>) dst(%dma_wait3A_2277 : memref<64xf32, #tpu.memory_space<hbm>>)
    %dma_wait3A_2280 = arith.constant 384 : i32
    %dma_wait3A_2281 = tpu.memref_slice %arg5[%dma_wait3A_2280] : memref<512xf32, #tpu.memory_space<vmem>> -> memref<64xf32, #tpu.memory_space<vmem>>
    %dma_wait3A_2282 = tpu.memref_slice %arg3[%add3A_2229] : memref<16384xf32, #tpu.memory_space<hbm>> -> memref<64xf32, #tpu.memory_space<hbm>>
    %dma_wait3A_2283 = tpu.memref_slice %arg3[%add3A_2229] : memref<16384xf32, #tpu.memory_space<hbm>> -> memref<64xf32, #tpu.memory_space<hbm>>
    %dma_wait3A_2284 = arith.constant 384 : i32
    %dma_wait3A_2285 = tpu.memref_slice %arg5[%dma_wait3A_2284] : memref<512xf32, #tpu.memory_space<vmem>> -> memref<64xf32, #tpu.memory_space<vmem>>
    tpu.wait_dma2 semaphore(%arg7 : memref<!tpu.dma_semaphore, #tpu.memory_space<semaphore_mem>>) src(%dma_wait3A_2285 : memref<64xf32, #tpu.memory_space<vmem>>) dst(%dma_wait3A_2283 : memref<64xf32, #tpu.memory_space<hbm>>)
    %dma_wait3A_2286 = arith.constant 448 : i32
    %dma_wait3A_2287 = tpu.memref_slice %arg5[%dma_wait3A_2286] : memref<512xf32, #tpu.memory_space<vmem>> -> memref<64xf32, #tpu.memory_space<vmem>>
    %dma_wait3A_2288 = tpu.memref_slice %arg3[%add3A_2237] : memref<16384xf32, #tpu.memory_space<hbm>> -> memref<64xf32, #tpu.memory_space<hbm>>
    %dma_wait3A_2289 = tpu.memref_slice %arg3[%add3A_2237] : memref<16384xf32, #tpu.memory_space<hbm>> -> memref<64xf32, #tpu.memory_space<hbm>>
    %dma_wait3A_2290 = arith.constant 448 : i32
    %dma_wait3A_2291 = tpu.memref_slice %arg5[%dma_wait3A_2290] : memref<512xf32, #tpu.memory_space<vmem>> -> memref<64xf32, #tpu.memory_space<vmem>>
    tpu.wait_dma2 semaphore(%arg7 : memref<!tpu.dma_semaphore, #tpu.memory_space<semaphore_mem>>) src(%dma_wait3A_2291 : memref<64xf32, #tpu.memory_space<vmem>>) dst(%dma_wait3A_2289 : memref<64xf32, #tpu.memory_space<hbm>>)
    return
  }
}

module attributes {stable_mosaic.version = 14 : i64} {
  func.func @_scores_body(%arg0: memref<2048x1024xf32, #tpu.memory_space<vmem>>, %arg1: memref<1024x8xf32, #tpu.memory_space<vmem>>, %arg2: memref<1x8xf32, #tpu.memory_space<vmem>>, %arg3: memref<8x2048xf32, #tpu.memory_space<vmem>>) attributes {dimension_semantics = [], scalar_prefetch = 0 : i64, scratch_operands = 0 : i64, tpu.core_type = #tpu.core_type<tc>} {
    %get3A = arith.constant 0 : index
    %get3A_0 = arith.constant 0 : index
    %get3A_1 = vector.load %arg0[%get3A, %get3A_0] : memref<2048x1024xf32, #tpu.memory_space<vmem>>, vector<2048x1024xf32>
    %get3A_2 = arith.constant 0 : index
    %get3A_3 = arith.constant 0 : index
    %get3A_4 = vector.load %arg1[%get3A_2, %get3A_3] : memref<1024x8xf32, #tpu.memory_space<vmem>>, vector<1024x8xf32>
    %dot_general3A = arith.constant dense<0.000000e+00> : vector<2048x8xf32>
    %dot_general3A_5 = tpu.matmul %get3A_1, %get3A_4, %dot_general3A {dimension_numbers = #tpu.dot_dimension_numbers<[1], [0], [0], [1], [0, 0, 1, 1], [], []>, transpose_lhs_hint = false} : vector<2048x1024xf32>, vector<1024x8xf32>, vector<2048x8xf32> -> vector<2048x8xf32>
    %get3A_6 = arith.constant 0 : index
    %get3A_7 = arith.constant 0 : index
    %get3A_8 = vector.load %arg2[%get3A_6, %get3A_7] : memref<1x8xf32, #tpu.memory_space<vmem>>, vector<1x8xf32>
    %add3A = vector.broadcast %get3A_8 : vector<1x8xf32> to vector<2048x8xf32>
    %add3A_9 = arith.addf %dot_general3A_5, %add3A : vector<2048x8xf32>
    %div3A = arith.constant 2.71828175 : f32
    %div3A_10 = vector.broadcast %div3A : f32 to vector<2048x8xf32>
    %div3A_11 = arith.divf %add3A_9, %div3A_10 : vector<2048x8xf32>
    %transpose3A = tpu.transpose %div3A_11, [1, 0] : vector<2048x8xf32> -> vector<8x2048xf32>
    %swap3A = arith.constant 0 : index
    %swap3A_12 = arith.constant 0 : index
    %swap3A_13 = vector.load %arg3[%swap3A, %swap3A_12] : memref<8x2048xf32, #tpu.memory_space<vmem>>, vector<8x2048xf32>
    tpu.vector_store %arg3[%swap3A, %swap3A_12], %transpose3A {strides = array<i32>} : memref<8x2048xf32, #tpu.memory_space<vmem>>, vector<8x2048xf32>,
    return
  }
}

module attributes {stable_mosaic.version = 14 : i64} {
  func.func @_moe_body(%arg0: i32, %arg1: memref<2048x1024xf32, #tpu.memory_space<vmem>>, %arg2: memref<8x2048xf32, #tpu.memory_space<vmem>>, %arg3: memref<1x1024x1024xf32, #tpu.memory_space<vmem>>, %arg4: memref<1x1x1024xf32, #tpu.memory_space<vmem>>, %arg5: memref<1x1024x1024xf32, #tpu.memory_space<vmem>>, %arg6: memref<1x1x1024xf32, #tpu.memory_space<vmem>>, %arg7: memref<1x1024x1024xf32, #tpu.memory_space<vmem>>, %arg8: memref<1x1x1024xf32, #tpu.memory_space<vmem>>, %arg9: memref<2048x1024xf32, #tpu.memory_space<vmem>>, %arg10: memref<2048x8xf32, #tpu.memory_space<vmem>>) attributes {dimension_semantics = [#tpu.dimension_semantics<arbitrary>], iteration_bounds = array<i64: 8>, scalar_prefetch = 0 : i64, scratch_operands = 1 : i64, tpu.core_type = #tpu.core_type<tc>, window_params = [{pipeline_mode = #tpu.pipeline_mode<synchronous>, transform_indices = @transform_0, window_bounds = array<i64: 2048, 1024>}, {pipeline_mode = #tpu.pipeline_mode<synchronous>, transform_indices = @transform_1, window_bounds = array<i64: 8, 2048>}, {transform_indices = @transform_2, window_bounds = array<i64: 1, 1024, 1024>}, {transform_indices = @transform_3, window_bounds = array<i64: 1, 1, 1024>}, {transform_indices = @transform_4, window_bounds = array<i64: 1, 1024, 1024>}, {transform_indices = @transform_5, window_bounds = array<i64: 1, 1, 1024>}, {transform_indices = @transform_6, window_bounds = array<i64: 1, 1024, 1024>}, {transform_indices = @transform_7, window_bounds = array<i64: 1, 1, 1024>}, {pipeline_mode = #tpu.pipeline_mode<synchronous>, transform_indices = @transform_8, window_bounds = array<i64: 2048, 1024>}]} {
    %eq3A = arith.constant 0 : i32
    %eq3A_0 = arith.cmpi eq, %arg0, %eq3A : i32
    %convert_element_type3A = arith.extui %eq3A_0 : i1 to i32
    %cond3A = arith.constant 0 : i32
    %cond3A_1 = arith.cmpi ne, %convert_element_type3A, %cond3A : i32
    scf.if %cond3A_1 {
      %get3A_130 = arith.constant 0 : index
      %get3A_131 = arith.constant 0 : index
      %get3A_132 = vector.load %arg2[%get3A_130, %get3A_131] : memref<8x2048xf32, #tpu.memory_space<vmem>>, vector<8x2048xf32>
      %transpose3A = tpu.transpose %get3A_132, [1, 0] : vector<8x2048xf32> -> vector<2048x8xf32>
      %swap3A = arith.constant 0 : index
      %swap3A_133 = arith.constant 0 : index
      %swap3A_134 = vector.load %arg10[%swap3A, %swap3A_133] : memref<2048x8xf32, #tpu.memory_space<vmem>>, vector<2048x8xf32>
      tpu.vector_store %arg10[%swap3A, %swap3A_133], %transpose3A {strides = array<i32>} : memref<2048x8xf32, #tpu.memory_space<vmem>>, vector<2048x8xf32>,
    } else {
    }
    %get3A = arith.constant 0 : index
    %get3A_2 = arith.constant 0 : index
    %get3A_3 = vector.load %arg10[%get3A, %get3A_2] : memref<2048x8xf32, #tpu.memory_space<vmem>>, vector<2048x8xf32>
    %iota3A = tpu.iota {dimensions = array<i32: 1>} : vector<2048x8xi32>
    %eq3A_4 = vector.broadcast %arg0 : i32 to vector<2048x8xi32>
    %eq3A_5 = arith.cmpi eq, %iota3A, %eq3A_4 : vector<2048x8xi32>
    %jit3A = arith.constant 0.000000e+00 : f32
    %broadcast_in_dim3A = vector.broadcast %jit3A : f32 to vector<2048x8xf32>
    %select_n3A = arith.select %eq3A_5, %get3A_3, %broadcast_in_dim3A : vector<2048x8xi1>, vector<2048x8xf32>
    %reduce_sum3A = arith.constant dense<0.000000e+00> : vector<2048xf32>
    %reduce_sum3A_6 = vector.multi_reduction <add>, %select_n3A, %reduce_sum3A [1] : vector<2048x8xf32> to vector<2048xf32>
    %broadcast_in_dim3A_7 = vector.shape_cast %reduce_sum3A_6 : vector<2048xf32> to vector<2048x1xf32>
    %get3A_8 = arith.constant 0 : index
    %get3A_9 = arith.constant 0 : index
    %get3A_10 = vector.load %arg1[%get3A_8, %get3A_9] : memref<2048x1024xf32, #tpu.memory_space<vmem>>, vector<1024x1024xf32>
    %get3A_11 = arith.constant 0 : index
    %get3A_12 = arith.constant 0 : index
    %get3A_13 = arith.constant 0 : index
    %get3A_14 = vector.load %arg3[%get3A_11, %get3A_12, %get3A_13] : memref<1x1024x1024xf32, #tpu.memory_space<vmem>>, vector<1x1024x1024xf32>
    %get3A_15 = vector.shape_cast %get3A_14 : vector<1x1024x1024xf32> to vector<1024x1024xf32>
    %dot_general3A = arith.constant dense<0.000000e+00> : vector<1024x1024xf32>
    %dot_general3A_16 = tpu.matmul %get3A_10, %get3A_15, %dot_general3A {dimension_numbers = #tpu.dot_dimension_numbers<[1], [0], [0], [1], [0, 0, 1, 1], [], []>, transpose_lhs_hint = false} : vector<1024x1024xf32>, vector<1024x1024xf32>, vector<1024x1024xf32> -> vector<1024x1024xf32>
    %get3A_17 = arith.constant 0 : index
    %get3A_18 = arith.constant 0 : index
    %get3A_19 = arith.constant 0 : index
    %get3A_20 = vector.load %arg4[%get3A_17, %get3A_18, %get3A_19] : memref<1x1x1024xf32, #tpu.memory_space<vmem>>, vector<1x1x1024xf32>
    %get3A_21 = vector.shape_cast %get3A_20 : vector<1x1x1024xf32> to vector<1x1024xf32>
    %add3A = vector.broadcast %get3A_21 : vector<1x1024xf32> to vector<1024x1024xf32>
    %add3A_22 = arith.addf %dot_general3A_16, %add3A : vector<1024x1024xf32>
    %max3A = arith.constant 0.000000e+00 : f32
    %max3A_23 = vector.broadcast %max3A : f32 to vector<1024x1024xf32>
    %max3A_24 = arith.maximumf %add3A_22, %max3A_23 : vector<1024x1024xf32>
    %get3A_25 = arith.constant 0 : index
    %get3A_26 = arith.constant 0 : index
    %get3A_27 = arith.constant 0 : index
    %get3A_28 = vector.load %arg5[%get3A_25, %get3A_26, %get3A_27] : memref<1x1024x1024xf32, #tpu.memory_space<vmem>>, vector<1x1024x1024xf32>
    %get3A_29 = vector.shape_cast %get3A_28 : vector<1x1024x1024xf32> to vector<1024x1024xf32>
    %dot_general3A_30 = arith.constant dense<0.000000e+00> : vector<1024x1024xf32>
    %dot_general3A_31 = tpu.matmul %max3A_24, %get3A_29, %dot_general3A_30 {dimension_numbers = #tpu.dot_dimension_numbers<[1], [0], [0], [1], [0, 0, 1, 1], [], []>, transpose_lhs_hint = false} : vector<1024x1024xf32>, vector<1024x1024xf32>, vector<1024x1024xf32> -> vector<1024x1024xf32>
    %get3A_32 = arith.constant 0 : index
    %get3A_33 = arith.constant 0 : index
    %get3A_34 = arith.constant 0 : index
    %get3A_35 = vector.load %arg6[%get3A_32, %get3A_33, %get3A_34] : memref<1x1x1024xf32, #tpu.memory_space<vmem>>, vector<1x1x1024xf32>
    %get3A_36 = vector.shape_cast %get3A_35 : vector<1x1x1024xf32> to vector<1x1024xf32>
    %add3A_37 = vector.broadcast %get3A_36 : vector<1x1024xf32> to vector<1024x1024xf32>
    %add3A_38 = arith.addf %dot_general3A_31, %add3A_37 : vector<1024x1024xf32>
    %max3A_39 = arith.constant 0.000000e+00 : f32
    %max3A_40 = vector.broadcast %max3A_39 : f32 to vector<1024x1024xf32>
    %max3A_41 = arith.maximumf %add3A_38, %max3A_40 : vector<1024x1024xf32>
    %get3A_42 = arith.constant 0 : index
    %get3A_43 = arith.constant 0 : index
    %get3A_44 = arith.constant 0 : index
    %get3A_45 = vector.load %arg7[%get3A_42, %get3A_43, %get3A_44] : memref<1x1024x1024xf32, #tpu.memory_space<vmem>>, vector<1x1024x1024xf32>
    %get3A_46 = vector.shape_cast %get3A_45 : vector<1x1024x1024xf32> to vector<1024x1024xf32>
    %dot_general3A_47 = arith.constant dense<0.000000e+00> : vector<1024x1024xf32>
    %dot_general3A_48 = tpu.matmul %max3A_41, %get3A_46, %dot_general3A_47 {dimension_numbers = #tpu.dot_dimension_numbers<[1], [0], [0], [1], [0, 0, 1, 1], [], []>, transpose_lhs_hint = false} : vector<1024x1024xf32>, vector<1024x1024xf32>, vector<1024x1024xf32> -> vector<1024x1024xf32>
    %get3A_49 = arith.constant 0 : index
    %get3A_50 = arith.constant 0 : index
    %get3A_51 = arith.constant 0 : index
    %get3A_52 = vector.load %arg8[%get3A_49, %get3A_50, %get3A_51] : memref<1x1x1024xf32, #tpu.memory_space<vmem>>, vector<1x1x1024xf32>
    %get3A_53 = vector.shape_cast %get3A_52 : vector<1x1x1024xf32> to vector<1x1024xf32>
    %add3A_54 = vector.broadcast %get3A_53 : vector<1x1024xf32> to vector<1024x1024xf32>
    %add3A_55 = arith.addf %dot_general3A_48, %add3A_54 : vector<1024x1024xf32>
    %slice3A = vector.extract_strided_slice %broadcast_in_dim3A_7 {offsets = [0, 0], sizes = [1024, 1], strides = [1, 1]} : vector<2048x1xf32> to vector<1024x1xf32>
    %mul3A = vector.broadcast %slice3A : vector<1024x1xf32> to vector<1024x1024xf32>
    %mul3A_56 = arith.mulf %add3A_55, %mul3A : vector<1024x1024xf32>
    %eq3A_57 = arith.constant 0 : i32
    %eq3A_58 = arith.cmpi eq, %arg0, %eq3A_57 : i32
    %convert_element_type3A_59 = arith.extui %eq3A_58 : i1 to i32
    %cond3A_60 = arith.constant 0 : i32
    %cond3A_61 = arith.cmpi ne, %convert_element_type3A_59, %cond3A_60 : i32
    scf.if %cond3A_61 {
      %swap3A = arith.constant 0 : index
      %swap3A_130 = arith.constant 0 : index
      %swap3A_131 = vector.load %arg9[%swap3A, %swap3A_130] : memref<2048x1024xf32, #tpu.memory_space<vmem>>, vector<1024x1024xf32>
      tpu.vector_store %arg9[%swap3A, %swap3A_130], %mul3A_56 {strides = array<i32>} : memref<2048x1024xf32, #tpu.memory_space<vmem>>, vector<1024x1024xf32>,
    } else {
    }
    %gt3A = arith.constant 0 : i32
    %gt3A_62 = arith.cmpi sgt, %arg0, %gt3A : i32
    %convert_element_type3A_63 = arith.extui %gt3A_62 : i1 to i32
    %cond3A_64 = arith.constant 0 : i32
    %cond3A_65 = arith.cmpi ne, %convert_element_type3A_63, %cond3A_64 : i32
    scf.if %cond3A_65 {
      %get3A_130 = arith.constant 0 : index
      %get3A_131 = arith.constant 0 : index
      %get3A_132 = vector.load %arg9[%get3A_130, %get3A_131] : memref<2048x1024xf32, #tpu.memory_space<vmem>>, vector<1024x1024xf32>
      %add3A_133 = arith.addf %get3A_132, %mul3A_56 : vector<1024x1024xf32>
      %swap3A = arith.constant 0 : index
      %swap3A_134 = arith.constant 0 : index
      %swap3A_135 = vector.load %arg9[%swap3A, %swap3A_134] : memref<2048x1024xf32, #tpu.memory_space<vmem>>, vector<1024x1024xf32>
      tpu.vector_store %arg9[%swap3A, %swap3A_134], %add3A_133 {strides = array<i32>} : memref<2048x1024xf32, #tpu.memory_space<vmem>>, vector<1024x1024xf32>,
    } else {
    }
    %get3A_66 = arith.constant 1024 : index
    %get3A_67 = arith.constant 0 : index
    %get3A_68 = vector.load %arg1[%get3A_66, %get3A_67] : memref<2048x1024xf32, #tpu.memory_space<vmem>>, vector<1024x1024xf32>
    %get3A_69 = arith.constant 0 : index
    %get3A_70 = arith.constant 0 : index
    %get3A_71 = arith.constant 0 : index
    %get3A_72 = vector.load %arg3[%get3A_69, %get3A_70, %get3A_71] : memref<1x1024x1024xf32, #tpu.memory_space<vmem>>, vector<1x1024x1024xf32>
    %get3A_73 = vector.shape_cast %get3A_72 : vector<1x1024x1024xf32> to vector<1024x1024xf32>
    %dot_general3A_74 = arith.constant dense<0.000000e+00> : vector<1024x1024xf32>
    %dot_general3A_75 = tpu.matmul %get3A_68, %get3A_73, %dot_general3A_74 {dimension_numbers = #tpu.dot_dimension_numbers<[1], [0], [0], [1], [0, 0, 1, 1], [], []>, transpose_lhs_hint = false} : vector<1024x1024xf32>, vector<1024x1024xf32>, vector<1024x1024xf32> -> vector<1024x1024xf32>
    %get3A_76 = arith.constant 0 : index
    %get3A_77 = arith.constant 0 : index
    %get3A_78 = arith.constant 0 : index
    %get3A_79 = vector.load %arg4[%get3A_76, %get3A_77, %get3A_78] : memref<1x1x1024xf32, #tpu.memory_space<vmem>>, vector<1x1x1024xf32>
    %get3A_80 = vector.shape_cast %get3A_79 : vector<1x1x1024xf32> to vector<1x1024xf32>
    %add3A_81 = vector.broadcast %get3A_80 : vector<1x1024xf32> to vector<1024x1024xf32>
    %add3A_82 = arith.addf %dot_general3A_75, %add3A_81 : vector<1024x1024xf32>
    %max3A_83 = arith.constant 0.000000e+00 : f32
    %max3A_84 = vector.broadcast %max3A_83 : f32 to vector<1024x1024xf32>
    %max3A_85 = arith.maximumf %add3A_82, %max3A_84 : vector<1024x1024xf32>
    %get3A_86 = arith.constant 0 : index
    %get3A_87 = arith.constant 0 : index
    %get3A_88 = arith.constant 0 : index
    %get3A_89 = vector.load %arg5[%get3A_86, %get3A_87, %get3A_88] : memref<1x1024x1024xf32, #tpu.memory_space<vmem>>, vector<1x1024x1024xf32>
    %get3A_90 = vector.shape_cast %get3A_89 : vector<1x1024x1024xf32> to vector<1024x1024xf32>
    %dot_general3A_91 = arith.constant dense<0.000000e+00> : vector<1024x1024xf32>
    %dot_general3A_92 = tpu.matmul %max3A_85, %get3A_90, %dot_general3A_91 {dimension_numbers = #tpu.dot_dimension_numbers<[1], [0], [0], [1], [0, 0, 1, 1], [], []>, transpose_lhs_hint = false} : vector<1024x1024xf32>, vector<1024x1024xf32>, vector<1024x1024xf32> -> vector<1024x1024xf32>
    %get3A_93 = arith.constant 0 : index
    %get3A_94 = arith.constant 0 : index
    %get3A_95 = arith.constant 0 : index
    %get3A_96 = vector.load %arg6[%get3A_93, %get3A_94, %get3A_95] : memref<1x1x1024xf32, #tpu.memory_space<vmem>>, vector<1x1x1024xf32>
    %get3A_97 = vector.shape_cast %get3A_96 : vector<1x1x1024xf32> to vector<1x1024xf32>
    %add3A_98 = vector.broadcast %get3A_97 : vector<1x1024xf32> to vector<1024x1024xf32>
    %add3A_99 = arith.addf %dot_general3A_92, %add3A_98 : vector<1024x1024xf32>
    %max3A_100 = arith.constant 0.000000e+00 : f32
    %max3A_101 = vector.broadcast %max3A_100 : f32 to vector<1024x1024xf32>
    %max3A_102 = arith.maximumf %add3A_99, %max3A_101 : vector<1024x1024xf32>
    %get3A_103 = arith.constant 0 : index
    %get3A_104 = arith.constant 0 : index
    %get3A_105 = arith.constant 0 : index
    %get3A_106 = vector.load %arg7[%get3A_103, %get3A_104, %get3A_105] : memref<1x1024x1024xf32, #tpu.memory_space<vmem>>, vector<1x1024x1024xf32>
    %get3A_107 = vector.shape_cast %get3A_106 : vector<1x1024x1024xf32> to vector<1024x1024xf32>
    %dot_general3A_108 = arith.constant dense<0.000000e+00> : vector<1024x1024xf32>
    %dot_general3A_109 = tpu.matmul %max3A_102, %get3A_107, %dot_general3A_108 {dimension_numbers = #tpu.dot_dimension_numbers<[1], [0], [0], [1], [0, 0, 1, 1], [], []>, transpose_lhs_hint = false} : vector<1024x1024xf32>, vector<1024x1024xf32>, vector<1024x1024xf32> -> vector<1024x1024xf32>
    %get3A_110 = arith.constant 0 : index
    %get3A_111 = arith.constant 0 : index
    %get3A_112 = arith.constant 0 : index
    %get3A_113 = vector.load %arg8[%get3A_110, %get3A_111, %get3A_112] : memref<1x1x1024xf32, #tpu.memory_space<vmem>>, vector<1x1x1024xf32>
    %get3A_114 = vector.shape_cast %get3A_113 : vector<1x1x1024xf32> to vector<1x1024xf32>
    %add3A_115 = vector.broadcast %get3A_114 : vector<1x1024xf32> to vector<1024x1024xf32>
    %add3A_116 = arith.addf %dot_general3A_109, %add3A_115 : vector<1024x1024xf32>
    %slice3A_117 = vector.extract_strided_slice %broadcast_in_dim3A_7 {offsets = [1024, 0], sizes = [1024, 1], strides = [1, 1]} : vector<2048x1xf32> to vector<1024x1xf32>
    %mul3A_118 = vector.broadcast %slice3A_117 : vector<1024x1xf32> to vector<1024x1024xf32>
    %mul3A_119 = arith.mulf %add3A_116, %mul3A_118 : vector<1024x1024xf32>
    %eq3A_120 = arith.constant 0 : i32
    %eq3A_121 = arith.cmpi eq, %arg0, %eq3A_120 : i32
    %convert_element_type3A_122 = arith.extui %eq3A_121 : i1 to i32
    %cond3A_123 = arith.constant 0 : i32
    %cond3A_124 = arith.cmpi ne, %convert_element_type3A_122, %cond3A_123 : i32
    scf.if %cond3A_124 {
      %swap3A = arith.constant 1024 : index
      %swap3A_130 = arith.constant 0 : index
      %swap3A_131 = vector.load %arg9[%swap3A, %swap3A_130] : memref<2048x1024xf32, #tpu.memory_space<vmem>>, vector<1024x1024xf32>
      tpu.vector_store %arg9[%swap3A, %swap3A_130], %mul3A_119 {strides = array<i32>} : memref<2048x1024xf32, #tpu.memory_space<vmem>>, vector<1024x1024xf32>,
    } else {
    }
    %gt3A_125 = arith.constant 0 : i32
    %gt3A_126 = arith.cmpi sgt, %arg0, %gt3A_125 : i32
    %convert_element_type3A_127 = arith.extui %gt3A_126 : i1 to i32
    %cond3A_128 = arith.constant 0 : i32
    %cond3A_129 = arith.cmpi ne, %convert_element_type3A_127, %cond3A_128 : i32
    scf.if %cond3A_129 {
      %get3A_130 = arith.constant 1024 : index
      %get3A_131 = arith.constant 0 : index
      %get3A_132 = vector.load %arg9[%get3A_130, %get3A_131] : memref<2048x1024xf32, #tpu.memory_space<vmem>>, vector<1024x1024xf32>
      %add3A_133 = arith.addf %get3A_132, %mul3A_119 : vector<1024x1024xf32>
      %swap3A = arith.constant 1024 : index
      %swap3A_134 = arith.constant 0 : index
      %swap3A_135 = vector.load %arg9[%swap3A, %swap3A_134] : memref<2048x1024xf32, #tpu.memory_space<vmem>>, vector<1024x1024xf32>
      tpu.vector_store %arg9[%swap3A, %swap3A_134], %add3A_133 {strides = array<i32>} : memref<2048x1024xf32, #tpu.memory_space<vmem>>, vector<1024x1024xf32>,
    } else {
    }
    return
  }
  func.func @transform_0(%arg0: i32) -> (i32, i32) {
    %c0_i32 = arith.constant 0 : i32
    %c0_i32_0 = arith.constant 0 : i32
    %c0_i32_1 = arith.constant 0 : i32
    return %c0_i32, %c0_i32_0 : i32, i32
  }
  func.func @transform_1(%arg0: i32) -> (i32, i32) {
    %c0_i32 = arith.constant 0 : i32
    %c0_i32_0 = arith.constant 0 : i32
    %c0_i32_1 = arith.constant 0 : i32
    return %c0_i32, %c0_i32_0 : i32, i32
  }
  func.func @transform_2(%arg0: i32) -> (i32, i32, i32) {
    %c0_i32 = arith.constant 0 : i32
    %c0_i32_0 = arith.constant 0 : i32
    %c0_i32_1 = arith.constant 0 : i32
    return %arg0, %c0_i32, %c0_i32_0 : i32, i32, i32
  }
  func.func @transform_3(%arg0: i32) -> (i32, i32, i32) {
    %c0_i32 = arith.constant 0 : i32
    %c0_i32_0 = arith.constant 0 : i32
    %c0_i32_1 = arith.constant 0 : i32
    return %arg0, %c0_i32, %c0_i32_0 : i32, i32, i32
  }
  func.func @transform_4(%arg0: i32) -> (i32, i32, i32) {
    %c0_i32 = arith.constant 0 : i32
    %c0_i32_0 = arith.constant 0 : i32
    %c0_i32_1 = arith.constant 0 : i32
    return %arg0, %c0_i32, %c0_i32_0 : i32, i32, i32
  }
  func.func @transform_5(%arg0: i32) -> (i32, i32, i32) {
    %c0_i32 = arith.constant 0 : i32
    %c0_i32_0 = arith.constant 0 : i32
    %c0_i32_1 = arith.constant 0 : i32
    return %arg0, %c0_i32, %c0_i32_0 : i32, i32, i32
  }
  func.func @transform_6(%arg0: i32) -> (i32, i32, i32) {
    %c0_i32 = arith.constant 0 : i32
    %c0_i32_0 = arith.constant 0 : i32
    %c0_i32_1 = arith.constant 0 : i32
    return %arg0, %c0_i32, %c0_i32_0 : i32, i32, i32
  }
  func.func @transform_7(%arg0: i32) -> (i32, i32, i32) {
    %c0_i32 = arith.constant 0 : i32
    %c0_i32_0 = arith.constant 0 : i32
    %c0_i32_1 = arith.constant 0 : i32
    return %arg0, %c0_i32, %c0_i32_0 : i32, i32, i32
  }
  func.func @transform_8(%arg0: i32) -> (i32, i32) {
    %c0_i32 = arith.constant 0 : i32
    %c0_i32_0 = arith.constant 0 : i32
    %c0_i32_1 = arith.constant 0 : i32
    return %c0_i32, %c0_i32_0 : i32, i32
  }
}

</mosaic_0001>

<sc_bundles>
// kernel: kernel.5.cloned.1.call-start
scs
__scs_entry_jumppad:
0x0: {  	(pc) =	sbr.rel $0x88, $3  }
0x1: {  	(tag) =	ssettag $0x0;
	lr =	simm.s32 $0x1  }
0x2: {  	[smem:$0x3F98] =	sst lr;
	_ =	strace $0xD0000000  }
0x3: {  	_ = 	snop  }
0x4: {  	_ = 	snop  }
0x5: {  	_ = 	snop  }
0x6: {  	_ = 	snop  }
0x7: {  	_ = 	snop  }
__scs_overlays_trampoline_lowered:
0x8: {  	[smem:$0x3FA7] =	sst s0  }
0x9: {  	[smem:$0x3FA8] =	sst s1  }
0xa: {  	[smem:$0x3FA9] =	sst s2  }
0xb: {  	[smem:$0x3FAA] =	sst s3  }
0xc: {  	[smem:$0x3FAB] =	sst s4  }
0xd: {  	[smem:$0x3FAC] =	sst s5  }
0xe: {  	[smem:$0x3FAD] =	sst s6  }
0xf: {  	[smem:$0x3FAE] =	sst s7  }
0x10: {  	[smem:$0x3FAF] =	sst s8  }
0x11: {  	[smem:$0x3FB0] =	sst s9;
	s0 =	simm.s32 @!p0 $0x0  }
0x12: {  	s1 =	sld [smem:$0x3F96];
	s0 =	simm.s32 @p0 $0x1  }
0x13: {  	[smem:$0x3FB1] =	sst s0;
	s0 =	simm.s32 @!p1 $0x0  }
0x14: {  	s2 =	sld [smem:$0x3F95];
	s0 =	simm.s32 @p1 $0x1  }
0x15: {  	[smem:$0x3FB2] =	sst s0;
	s0 =	simm.s32 @!p2 $0x0  }
0x16: {  	s3 =	sld [smem:$0x3FDB];
	s0 =	simm.s32 @p2 $0x1  }
0x17: {  	s4 =	simm.s32 $0x1BF5;
	[smem:$0x3FB4] =	sst s0  }
0x18: {  	s0 =	sld [smem:$0x3F97];
	_ =	swait.ge [sflag:s4], $0x0  }
0x19: {  	s7 =	sld [smem:$0x3F98]  }
0x1a: {  	s8 =	sadd.s32 $0xFFFFE003, lr  }
0x1b: {  	s9 =	sadd.s32 $0xFFFFFEF7, lr;
	s5 =	simm.s32 $0xFFFFFFFF;
	p2 =	slt.u32 s8, $0xFFFFF086  }
0x1c: {  	p1 =	slt.u32 s9, $0xF7A;
	s5 =	simm.s32 @!p2 $0x0  }
0x1d: {  	s5 =	simm.s32 @p1 $0x1;
	p0 =	seq.s32 s7, s2  }
0x1e: {  	s7 =	smul.u32 @!p0 $0xF7A, s2;
	p2 =	seq.s32 @!p0 s5, $0x0  }
0x1f: {  	s9 =	smul.u32 $0xF7A, s1;
	s8 =	simm.s32 @!p0 $0x1BF5;
	p2 =	por !p2, p0  }
0x20: {  	[sflag:s8] =	ssyncset.s32 @!p0 $0xFFFFF086;
	s6 =	sadd.s32 @!p0 s3, s7;
	s7 =	simm.s32 @!p0 $0x108  }
0x21: {  	s3 =	sadd.s32 s3, s9;
	s6 =	sadd.s32 @!p0 $0x88, s6;
	s7 =	simm.s32 @p2 $0x1082  }
0x22: {  	[simem:s7], [sflag:s8] =	dma.local @!p0 [hbm:s6], $0xF7A  }
0x23: {  	s9 =	sor.u32 $0xD0000000, s2;
	s6 =	simm.s32 $0x108;
	_ =	swait.ge @!p0 [sflag:s8], $0x0  }
0x24: {  	s3 =	sadd.s32 $0x88, s3;
	s6 =	simm.s32 @!p1 $0x1082;
	[sflag:s4] =	ssyncset.s32 $0xFFFFF086  }
0x25: {  	[simem:s6], [sflag:s4] =	dma.local [hbm:s3], $0xF7A  }
0x26: {  	[smem:$0x3F98] =	sst s1;
	(tag) =	ssettag s2;
	_ =	strace s9  }
0x27: {  	s1 =	sld [smem:$0x3FA8]  }
0x28: {  	s2 =	sld [smem:$0x3FA9]  }
0x29: {  	s4 =	sld [smem:$0x3FAB]  }
0x2a: {  	p0 =	seq.s32 s5, $0x0;
	s5 =	sld [smem:$0x3FAC]  }
0x2b: {  	s6 =	sld [smem:$0x3FAD]  }
0x2c: {  	s7 =	sld [smem:$0x3FAE]  }
0x2d: {  	s3 =	simm.s32 $0x108;
	s8 =	sld [smem:$0x3FAF]  }
0x2e: {  	s3 =	simm.s32 @!p0 $0x1082;
	s9 =	sld [smem:$0x3FB0]  }
0x2f: {  	lr =	sadd.s32 s0, s3;
	s0 =	sld [smem:$0x3FA7]  }
0x30: {  	s3 =	sld [smem:$0x3FAA]  }
0x31: {  	[smem:$0x3FB3] =	sst s10  }
0x32: {  	s10 =	sld [smem:$0x3FB1];
	_ =	sdelay $0x3  }
0x33: {  	p0 =	seq.s32 s10, $0x1;
	s10 =	sld [smem:$0x3FB3];
	_ =	sdelay $0x3  }
0x34: {  	[smem:$0x3FB3] =	sst s10  }
0x35: {  	s10 =	sld [smem:$0x3FB2];
	_ =	sdelay $0x3  }
0x36: {  	p1 =	seq.s32 s10, $0x1;
	s10 =	sld [smem:$0x3FB3];
	_ =	sdelay $0x3  }
0x37: {  	[smem:$0x3FB3] =	sst s10  }
0x38: {  	s10 =	sld [smem:$0x3FB4]  }
0x39: {  	_ = 	snop;
	(pc) =	sbr.ind lr, $3  }
0x3a: {  	_ = 	snop  }
0x3b: {  	_ = 	snop  }
0x3c: {  	p2 =	seq.s32 s10, $0x1;
	s10 =	sld [smem:$0x3FB3]  }
0x3d: {  	_ =	shalt  }
0x3e: {  	_ =	shalt  }
0x3f: {  	_ =	shalt  }
0x40: {  	_ =	shalt  }
0x41: {  	_ =	shalt  }
0x42: {  	_ =	shalt  }
0x43: {  	_ =	shalt  }
0x44: {  	_ =	shalt  }
0x45: {  	_ =	shalt  }
0x46: {  	_ =	shalt  }
0x47: {  	_ =	shalt  }
0x48: {  	_ =	shalt  }
0x49: {  	_ =	shalt  }
0x4a: {  	_ =	shalt  }
0x4b: {  	_ =	shalt  }
0x4c: {  	_ =	shalt  }
0x4d: {  	_ =	shalt  }
0x4e: {  	_ =	shalt  }
0x4f: {  	_ =	shalt  }
0x50: {  	_ =	shalt  }
0x51: {  	_ =	shalt  }
0x52: {  	_ =	shalt  }
0x53: {  	_ =	shalt  }
0x54: {  	_ =	shalt  }
0x55: {  	_ =	shalt  }
0x56: {  	_ =	shalt  }
0x57: {  	_ =	shalt  }
0x58: {  	_ =	shalt  }
0x59: {  	_ =	shalt  }
0x5a: {  	_ =	shalt  }
0x5b: {  	_ =	shalt  }
0x5c: {  	_ =	shalt  }
0x5d: {  	_ =	shalt  }
0x5e: {  	_ =	shalt  }
0x5f: {  	_ =	shalt  }
0x60: {  	_ =	shalt  }
0x61: {  	_ =	shalt  }
0x62: {  	_ =	shalt  }
0x63: {  	_ =	shalt  }
0x64: {  	_ =	shalt  }
0x65: {  	_ =	shalt  }
0x66: {  	_ =	shalt  }
0x67: {  	_ =	shalt  }
0x68: {  	_ =	shalt  }
0x69: {  	_ =	shalt  }
0x6a: {  	_ =	shalt  }
0x6b: {  	_ =	shalt  }
0x6c: {  	_ =	shalt  }
0x6d: {  	_ =	shalt  }
0x6e: {  	_ =	shalt  }
0x6f: {  	_ =	shalt  }
0x70: {  	_ =	shalt  }
0x71: {  	_ =	shalt  }
0x72: {  	_ =	shalt  }
0x73: {  	_ =	shalt  }
0x74: {  	_ =	shalt  }
0x75: {  	_ =	shalt  }
0x76: {  	_ =	shalt  }
0x77: {  	_ =	shalt  }
0x78: {  	_ =	shalt  }
0x79: {  	_ =	shalt  }
0x7a: {  	_ =	shalt  }
0x7b: {  	_ =	shalt  }
0x7c: {  	_ =	shalt  }
0x7d: {  	_ =	shalt  }
0x7e: {  	_ =	shalt  }
0x7f: {  	_ =	shalt  }
0x80: {  	_ =	shalt  }
0x81: {  	_ =	shalt  }
0x82: {  	_ =	shalt  }
0x83: {  	_ =	shalt  }
0x84: {  	_ =	shalt  }
0x85: {  	_ =	shalt  }
0x86: {  	_ =	shalt  }
0x87: {  	_ =	shalt  }
.Lfunc_end0:
.L_simem_size_0:
called_computation_lowered:
.L_overlay_start_0:
0x88: {  	s2 =	sld [smem:$0x3FD9]  }
0x89: {  	s3 =	sld [smem:$0x3FFE];
	_ =	sdelay $0x1  }
0x8a: {  	s1 =	srdreg.scid  }
0x8b: {  	s0 =	sand.u32 $0x1, s1  }
0x8c: {  	s17 =	sshll.u32 s0, $0xA;
	s2 =	sadd.s32 s3, s2  }
0x8d: {  	s2 =	sadd.s32 s2, s17  }
0x8e: {  	[smem:$0x3FBF] =	sst s2  }
0x8f: {  	_ = 	snop  }
0x90: {  	s2 =	sld [smem:$0x3FD0];
	(tm) =	ssettm $0x1  }
0x91: {  	s18 =	sld [smem:$0x3FFB];
	_ =	sdelay $0x3  }
0x92: {  	_ =	strace s18  }
0x93: {  	s3 =	sld [smem:$0x3FFC];
	_ =	sdelay $0x3  }
0x94: {  	_ =	strace s3  }
0x95: {  	s3 =	sld [smem:$0x3FFD];
	_ =	sdelay $0x3  }
0x96: {  	_ =	strace s3  }
0x97: {  	_ =	strace $0x8FFFFFFF  }
0x98: {  	s19 =	sld [smem:$0x3FDB];
	_ =	sdelay $0x1  }
0x99: {  	s4 =	simm.s32 $_scs_section_size  }
0x9a: {  	s5 =	simm.s32 $_size__tile_overlayer_lowered;
	s6 =	simm.s32 $_tile_overlayer_lowered  }
0x9b: {  	s22 =	simm.s32 $0x1BFF;
	s21 =	sshll.u32 s6, $0x1;
	s3 =	sadd.s32 s4, s19  }
0x9c: {  	s7 =	simm.s32 $0x0;
	s20 =	sshll.u32 s5, $0x1;
	s5 =	sadd.s32 s21, s3  }
0x9d: {  	[timem:s7], [sflag:s22] =	dma.local [hbm:s5], s20  }
0x9e: {  	_ =	swait.ge [sflag:s22], s20  }
0x9f: {  	s4 =	ssub.s32 $0x0, s20;
	[sflag:s22] =	ssyncset.done $0x0  }
0xa0: {  	[sflag:s22] =	ssyncadd.s32 s4;
	_ =	sdelay $0x1  }
0xa1: {  	s23 =	simm.s32 $0x1B8B  }
0xa2: {  	_ =	swait.ge [sflag:s23], $0x1  }
0xa3: {  	[sflag:s23] =	ssyncset.done $0x0  }
0xa4: {  	s25 =	simm.s32 $0x1B8E;
	s24 =	sld [smem:$0x3FFE];
	[sflag:s23] =	ssyncadd.s32 $0xFFFFFFFF  }
0xa5: {  	s26 =	simm.s32 $execute0_lowered;
	[smem:$0x3FD2] =	sst s25  }
0xa6: {  	s5 =	sshll.u32 s26, $0x1;
	_ =	strace $0x80000046;
	[dreg:$0x1] =	wrdreg $0xFFFFFFFF  }
0xa7: {  	s28 =	simm.s32 $_size_execute0_lowered;
	s3 =	sadd.s32 s3, s5;
	[dreg:$0x0] =	wrdreg $0x0  }
0xa8: {  	s5 =	sshll.u32 s28, $0x1;
	[dreg:$0x2] =	wrdreg s3  }
0xa9: {  	[dreg:$0x3] =	wrdreg s5  }
0xaa: {  	[dreg:$0x4] =	wrdreg $0xC0  }
0xab: {  	_ =	task [dreg:s7], $0x5FFFF  }
0xac: {  	[dreg:$0x1] =	wrdreg $0xFFFFFFFF  }
0xad: {  	[dreg:$0x0] =	wrdreg $0x60  }
0xae: {  	[dreg:$0x2] =	wrdreg s2  }
0xaf: {  	[dreg:$0x3] =	wrdreg s24  }
0xb0: {  	[dreg:$0x4] =	wrdreg $0x9  }
0xb1: {  	_ =	task.clear_ibuf [dreg:s7], $0x5FFFF;
	_ =	strace $0x90000046  }
0xb2: {  	s29 =	simm.s32 $0x9;
	_ =	strace $0x80000048  }
0xb3: {  	_ =	swait.ge [sflag:s29], $0x1  }
0xb4: {  	[sflag:s29] =	ssyncadd.s32 $0xFFFFFFFF  }
0xb5: {  	_ =	strace $0x90000048  }
0xb6: {  	_ =	sfence  }
0xb7: {  	s30 =	sld [smem:$0x0];
	_ =	sdelay $0x2  }
0xb8: {  	s31 =	sshll.u32 s1, $0xD;
	s1 =	sshrl.u32 s1, $0x2  }
0xb9: {  	s3 =	sand.u32 $0x4000, s31;
	s1 =	sadd.s32 s1, s30  }
0xba: {  	s0 =	sor.u32 s3, s0;
	s1 =	sshll.u32 s1, $0x11  }
0xbb: {  	s0 =	sor.u32 s1, s0  }
0xbc: {  	s0 =	sadd.s32 $0x8F2B, s0  }
0xbd: {  	[sflag:s0] =	ssyncadd.remote.s32 $0x1  }
0xbe: {  	_ =	sfence.sel $0xFFFF  }
0xbf: {  	[dreg:$0x0] =	wrdreg $0xFFFFFFFF;
	(pc) =	sbr.abs _section_cstart, $3  }
0xc0: {  	[dreg:$0x1] =	wrdreg $0xFFFFFFFF  }
0xc1: {  	_ =	task.clear_ibuf [dreg:s7], $0x2FFFF;
	_ =	strace $0x9FFFFFFF  }
0xc2: {  	(tm) =	ssettm $0x7FFFFFFF  }
0xc3: {  	_ =	shalt  }
tec
execute0_lowered:
.L_overlay_start_1:
0x0: {  	(tag) =	ssettag $0x1  }
0x1: {  	s0 =	rddreg [dreg:$0x0]  }
0x2: {  	s3 =	rddreg [dreg:$0x1]  }
0x3: {  	s2 =	simm.s32 $0x0;
	s4 =	srdreg.scid;
	s1 =	stileid.u32  }
0x4: {  	s17 =	simm.s32 $0xC0;
	s18 =	simm.s32 $0x100;
	s19 =	simm.s32 $0x140  }
0x5: {  	s20 =	simm.s32 $0x180;
	s21 =	simm.s32 $0x1C0;
	s28 =	simm.s32 $0x300  }
0x6: {  	s29 =	simm.s32 $0x340;
	s30 =	simm.s32 $0x380;
	s31 =	simm.s32 $0x3C0  }
0x7: {  	[smem:$0x7FF] =	sst s2;
	s4 =	sand.u32 $0x1, s4;
	s5 =	sshll.u32 s1, $0x4  }
0x8: {  	s13 =	sadd.s32 $0x800, s3;
	s6 =	sshll.u32 s4, $0x3;
	s22 =	ssub.s32 $0x2, s4  }
0x9: {  	_ =	strace $0x80000047;
	s6 =	sor.u32 s6, s5;
	s4 =	sshrl.u32 s22, $0x1  }
0xa: {  	s5 =	sadd.s32 s0, s6;
	s7 =	sor.u32 $0x100, s6;
	s8 =	sor.u32 $0x200, s6  }
0xb: {  	s9 =	sor.u32 $0x300, s6;
	s10 =	sor.u32 $0x400, s6;
	s14 =	ssub.s32 s22, s4  }
0xc: {  	s11 =	sor.u32 $0x500, s6;
	s12 =	sor.u32 $0x600, s6;
	s15 =	sor.u32 $0x700, s6  }
0xd: {  	s6 =	sadd.s32 s13, s6;
	s22 =	simm.s32 $0x1;
	[dreg:$0x3] =	wrdreg s5  }
0xe: {  	s23 =	sadd.s32 s0, s7;
	s24 =	sadd.s32 s0, s8;
	s25 =	sadd.s32 s0, s9  }
0xf: {  	s26 =	sadd.s32 s0, s10;
	s3 =	sadd.s32 s0, s11;
	s4 =	sadd.s32 s0, s12  }
0x10: {  	s5 =	sadd.s32 s0, s15;
	s7 =	sadd.s32 s13, s7;
	s8 =	sadd.s32 s13, s8  }
0x11: {  	s9 =	sadd.s32 s13, s9;
	s10 =	sadd.s32 s13, s10;
	[dreg:$0x4] =	wrdreg s23  }
0x12: {  	s11 =	sadd.s32 s13, s11;
	s12 =	sadd.s32 s13, s12;
	[dreg:$0x5] =	wrdreg s24  }
0x13: {  	s13 =	sadd.s32 s13, s15;
	s14 =	smax.u32 s14, $0x1;
	[dreg:$0x6] =	wrdreg s25  }
0x14: {  	s0 =	simm.s32 $0x2;
	[dreg:$0x7] =	wrdreg s26;
	s23 =	simm.s32 $0x200  }
0x15: {  	s24 =	simm.s32 $0x240;
	s25 =	simm.s32 $0x280;
	s26 =	simm.s32 $0x2C0  }
.LBB2_1:
0x16: {  	s1 =	rddreg [dreg:$0x3]  }
0x17: {  	[tilespmem:s2], [sflag:$0x1] =	stream.linear.gather [hbm4b:s1+s2], $0x40, $0x38;
	[tilespmem:$0x400] =	vst v63  }
0x18: {  	s15 =	rddreg [dreg:$0x4];
	s16 =	simm.s32 $0x40  }
0x19: {  	[tilespmem:s16], [sflag:$0x1] =	stream.linear.gather [hbm4b:s15+s2], $0x40, $0x38;
	[tilespmem:$0x400] =	vst v63  }
0x1a: {  	s1 =	rddreg [dreg:$0x5];
	s16 =	simm.s32 $0x80  }
0x1b: {  	[tilespmem:s16], [sflag:$0x1] =	stream.linear.gather [hbm4b:s1+s2], $0x40, $0x38;
	[tilespmem:$0x400] =	vst v63  }
0x1c: {  	s15 =	rddreg [dreg:$0x6]  }
0x1d: {  	[tilespmem:s17], [sflag:$0x1] =	stream.linear.gather [hbm4b:s15+s2], $0x40, $0x38;
	[tilespmem:$0x400] =	vst v63  }
0x1e: {  	s16 =	rddreg [dreg:$0x7]  }
0x1f: {  	[tilespmem:s18], [sflag:$0x1] =	stream.linear.gather [hbm4b:s16+s2], $0x40, $0x38;
	[tilespmem:$0x400] =	vst v63  }
0x20: {  	_ = 	snop  }
0x21: {  	[tilespmem:s19], [sflag:$0x1] =	stream.linear.gather [hbm4b:s3+s2], $0x40, $0x38;
	[tilespmem:$0x400] =	vst v63  }
0x22: {  	_ = 	snop  }
0x23: {  	[tilespmem:s20], [sflag:$0x1] =	stream.linear.gather [hbm4b:s4+s2], $0x40, $0x38;
	[tilespmem:$0x400] =	vst v63  }
0x24: {  	_ = 	snop  }
0x25: {  	[tilespmem:s21], [sflag:$0x1] =	stream.linear.gather [hbm4b:s5+s2], $0x40, $0x38;
	[tilespmem:$0x400] =	vst v63  }
0x26: {  	_ =	swait.ge [sflag:s22], $0x40  }
0x27: {  	[sflag:s22] =	ssyncset.done $0x0  }
0x28: {  	[sflag:s22] =	ssyncadd.s32 $0xFFFFFFC0  }
0x29: {  	_ =	swait.ge [sflag:s22], $0x40  }
0x2a: {  	[sflag:s22] =	ssyncset.done $0x0  }
0x2b: {  	[sflag:s22] =	ssyncadd.s32 $0xFFFFFFC0  }
0x2c: {  	_ =	swait.ge [sflag:s22], $0x40  }
0x2d: {  	[sflag:s22] =	ssyncset.done $0x0  }
0x2e: {  	[sflag:s22] =	ssyncadd.s32 $0xFFFFFFC0  }
0x2f: {  	_ =	swait.ge [sflag:s22], $0x40  }
0x30: {  	[sflag:s22] =	ssyncset.done $0x0  }
0x31: {  	[sflag:s22] =	ssyncadd.s32 $0xFFFFFFC0  }
0x32: {  	_ =	swait.ge [sflag:s22], $0x40  }
0x33: {  	[sflag:s22] =	ssyncset.done $0x0  }
0x34: {  	[sflag:s22] =	ssyncadd.s32 $0xFFFFFFC0  }
0x35: {  	_ =	swait.ge [sflag:s22], $0x40  }
0x36: {  	[sflag:s22] =	ssyncset.done $0x0  }
0x37: {  	[sflag:s22] =	ssyncadd.s32 $0xFFFFFFC0  }
0x38: {  	_ =	swait.ge [sflag:s22], $0x40  }
0x39: {  	[sflag:s22] =	ssyncset.done $0x0  }
0x3a: {  	[sflag:s22] =	ssyncadd.s32 $0xFFFFFFC0  }
0x3b: {  	_ =	swait.ge [sflag:s22], $0x40  }
0x3c: {  	[sflag:s22] =	ssyncset.done $0x0  }
0x3d: {  	[sflag:s22] =	ssyncadd.s32 $0xFFFFFFC0  }
0x3e: {  	v1 =	vld [tilespmem:$0x0]  }
0x3f: {  	v2 =	vld [tilespmem:$0x40]  }
0x40: {  	v3 =	vld [tilespmem:$0x80]  }
0x41: {  	v4 =	vld [tilespmem:$0xC0]  }
0x42: {  	v5 =	vld [tilespmem:$0x100]  }
0x43: {  	v6 =	vld [tilespmem:$0x140]  }
0x44: {  	v7 =	vld [tilespmem:$0x180];
	v8 =	vmax.f32 v1, v2  }
0x45: {  	v9 =	vld [tilespmem:$0x1C0];
	v8 =	vmax.f32 v8, v3  }
0x46: {  	v8 =	vmax.f32 v8, v4  }
0x47: {  	v8 =	vmax.f32 v8, v5  }
0x48: {  	v8 =	vmax.f32 v8, v6  }
0x49: {  	v8 =	vmax.f32 v8, v7  }
0x4a: {  	v8 =	vmax.f32 v8, v9  }
0x4b: {  	v1 =	vsub.f32 v1, v8  }
0x4c: {  	v2 =	vsub.f32 v2, v8  }
0x4d: {  	v1 =	vmul.f32 $1.442695020e+00, v1  }
0x4e: {  	v3 =	vsub.f32 v3, v8;
	v2 =	vmul.f32 $1.442695020e+00, v2  }
0x4f: {  	(erf) = vpow2.f32 v1  }
0x50: {  	v56 =	vsub.f32 v4, v8;
	v55 =	vmul.f32 $1.442695020e+00, v3;
	(erf) = vpow2.f32 v2;
	_ =	sdelay $0x1  }
0x51: {  	v58 =	vsub.f32 v5, v8;
	v57 =	vmul.f32 $1.442695020e+00, v56;
	(erf) = vpow2.f32 v55;
	_ =	sdelay $0x1  }
0x52: {  	v60 =	vsub.f32 v6, v8;
	v59 =	vmul.f32 $1.442695020e+00, v58;
	(erf) = vpow2.f32 v57;
	_ =	sdelay $0x1  }
0x53: {  	v62 =	vsub.f32 v7, v8;
	v61 =	vmul.f32 $1.442695020e+00, v60;
	(erf) = vpow2.f32 v59;
	_ =	sdelay $0x1  }
0x54: {  	v13 =	vsub.f32 v9, v8;
	v12 =	vmul.f32 $1.442695020e+00, v62;
	v63 =	vpop (erf);
	(erf) = vpow2.f32 v61  }
0x55: {  	v14 =	vpop (erf)  }
0x56: {  	v15 =	vmul.f32 $1.442695020e+00, v13;
	(erf) = vpow2.f32 v12;
	v16 =	vadd.f32 v14, v63  }
0x57: {  	v17 =	vpop (erf)  }
0x58: {  	(erf) = vpow2.f32 v15;
	v18 =	vadd.f32 v16, v17  }
0x59: {  	v19 =	vpop (erf)  }
0x5a: {  	v1 =	vadd.f32 v18, v19  }
0x5b: {  	v20 =	vpop (erf)  }
0x5c: {  	v1 =	vadd.f32 v1, v20  }
0x5d: {  	v21 =	vpop (erf)  }
0x5e: {  	v1 =	vadd.f32 v1, v21  }
0x5f: {  	v22 =	vpop (erf)  }
0x60: {  	v1 =	vadd.f32 v1, v22  }
0x61: {  	v10 =	vpop (erf)  }
0x62: {  	v1 =	vadd.f32 v1, v10;
	_ =	sdelay $0x1  }
0x63: {  	(erf) = vrcp.f32 v1;
	_ =	sdelay $0x8  }
0x64: {  	v11 =	vpop (erf)  }
0x65: {  	v1 =	vmul.f32 v11, v63;
	v9 =	vmul.f32 v11, v14  }
0x66: {  	v3 =	vmul.f32 v11, v17  }
0x67: {  	v4 =	vmul.f32 v11, v19;
	v23 =	vmax.f32 v1, v9  }
0x68: {  	v5 =	vmul.f32 v11, v20;
	v2 =	vmax.f32 v23, v3  }
0x69: {  	v6 =	vmul.f32 v11, v21;
	v2 =	vmax.f32 v2, v4  }
0x6a: {  	v7 =	vmul.f32 v11, v22;
	v2 =	vmax.f32 v2, v5  }
0x6b: {  	v52 =	vmul.f32 v11, v10;
	v2 =	vmax.f32 v2, v6  }
0x6c: {  	v2 =	vmax.f32 v2, v7  }
0x6d: {  	v16 =	vmax.f32 v2, v52  }
0x6e: {  	v0 =	vimm.f32 $0.0e+00;
	vm0 =	veq.f32 v1, v16  }
0x6f: {  	v2 =	vsel vm0, $0x3F800000, v0  }
0x70: {  	vm13 =	veq.f32 v9, v16;
	v15 =	vsub.f32 $1.000000000e+00, v2  }
0x71: {  	v24 =	vsel vm13, $0x3F800000, v0  }
0x72: {  	v10 =	vmul.f32 v15, v24;
	_ =	sdelay $0x1  }
0x73: {  	v12 =	vadd.f32 v10, v2;
	_ =	sdelay $0x1  }
0x74: {  	vm14 =	veq.f32 v3, v16;
	v25 =	vsub.f32 $1.000000000e+00, v12  }
0x75: {  	v13 =	vsel vm14, $0x3F800000, v0  }
0x76: {  	v11 =	vmul.f32 v25, v13;
	_ =	sdelay $0x1  }
0x77: {  	v13 =	vadd.f32 v11, v12;
	_ =	sdelay $0x1  }
0x78: {  	vm15 =	veq.f32 v4, v16;
	v12 =	vsub.f32 $1.000000000e+00, v13  }
0x79: {  	v14 =	vsel vm15, $0x3F800000, v0  }
0x7a: {  	v12 =	vmul.f32 v12, v14;
	_ =	sdelay $0x1  }
0x7b: {  	v14 =	vadd.f32 v12, v13;
	_ =	sdelay $0x1  }
0x7c: {  	vm4 =	veq.f32 v5, v16;
	v13 =	vsub.f32 $1.000000000e+00, v14  }
0x7d: {  	v17 =	vsel vm4, $0x3F800000, v0  }
0x7e: {  	v13 =	vmul.f32 v13, v17;
	_ =	sdelay $0x1  }
0x7f: {  	v17 =	vadd.f32 v13, v14;
	_ =	sdelay $0x1  }
0x80: {  	vm5 =	veq.f32 v6, v16;
	v14 =	vsub.f32 $1.000000000e+00, v17  }
0x81: {  	v18 =	vsel vm5, $0x3F800000, v0  }
0x82: {  	v14 =	vmul.f32 v14, v18;
	_ =	sdelay $0x1  }
0x83: {  	v17 =	vadd.f32 v14, v17;
	_ =	sdelay $0x1  }
0x84: {  	vm6 =	veq.f32 v7, v16;
	v26 =	vsub.f32 $1.000000000e+00, v17  }
0x85: {  	v27 =	vsel vm6, $0x3F800000, v0;
	v20 =	vsub.f32 $1.000000000e+00, v10  }
0x86: {  	v19 =	vmul.f32 v15, v1;
	v15 =	vmul.f32 v26, v27  }
0x87: {  	v28 =	vmul.f32 v20, v9  }
0x88: {  	v8 =	vimm.f32 $0.0e+00;
	v23 =	vsub.f32 v19, v2;
	v17 =	vadd.f32 v15, v17  }
0x89: {  	vm7 =	veq.f32 v52, v16;
	v24 =	vsub.f32 v28, v10;
	v29 =	vsub.f32 $1.000000000e+00, v11  }
0x8a: {  	v34 =	vsel vm7, $0x3F800000, v8;
	v30 =	vsub.f32 $1.000000000e+00, v12;
	v31 =	vsub.f32 $1.000000000e+00, v17  }
0x8b: {  	v21 =	vmax.f32 v23, v24;
	v19 =	vmul.f32 v29, v3;
	v33 =	vsub.f32 $1.000000000e+00, v13  }
0x8c: {  	v32 =	vmul.f32 v30, v4;
	v35 =	vsub.f32 $1.000000000e+00, v14;
	v16 =	vmul.f32 v31, v34  }
0x8d: {  	v25 =	vsub.f32 v19, v11;
	v36 =	vmul.f32 v33, v5;
	v37 =	vsub.f32 $1.000000000e+00, v15  }
0x8e: {  	v19 =	vmul.f32 v35, v6;
	v26 =	vsub.f32 v32, v12;
	v20 =	vsub.f32 $1.000000000e+00, v16  }
0x8f: {  	v39 =	vmax.f32 v21, v25;
	v27 =	vsub.f32 v36, v13;
	v38 =	vmul.f32 v37, v7  }
0x90: {  	v28 =	vsub.f32 v19, v14;
	v18 =	vmax.f32 v39, v26;
	v40 =	vmul.f32 v20, v52  }
0x91: {  	v41 =	vmax.f32 v18, v27;
	v29 =	vsub.f32 v38, v15  }
0x92: {  	v17 =	vmax.f32 v41, v28;
	v30 =	vsub.f32 v40, v16  }
0x93: {  	v17 =	vmax.f32 v17, v29  }
0x94: {  	v31 =	vmax.f32 v17, v30  }
0x95: {  	vm8 =	veq.f32 v23, v31  }
0x96: {  	v17 =	vsel vm8, $0x3F800000, v8  }
0x97: {  	vm9 =	veq.f32 v24, v31;
	v32 =	vsub.f32 $1.000000000e+00, v17  }
0x98: {  	v42 =	vsel vm9, $0x3F800000, v8  }
0x99: {  	v18 =	vmul.f32 v32, v42;
	_ =	sdelay $0x1  }
0x9a: {  	v43 =	vadd.f32 v18, v17;
	_ =	sdelay $0x1  }
0x9b: {  	vm10 =	veq.f32 v25, v31;
	v44 =	vsub.f32 $1.000000000e+00, v43  }
0x9c: {  	v45 =	vsel vm10, $0x3F800000, v8  }
0x9d: {  	v19 =	vmul.f32 v44, v45;
	_ =	sdelay $0x1  }
0x9e: {  	v21 =	vadd.f32 v19, v43;
	_ =	sdelay $0x1  }
0x9f: {  	vm11 =	veq.f32 v26, v31;
	v20 =	vsub.f32 $1.000000000e+00, v21  }
0xa0: {  	v22 =	vsel vm11, $0x3F800000, v8  }
0xa1: {  	v20 =	vmul.f32 v20, v22;
	_ =	sdelay $0x1  }
0xa2: {  	v22 =	vadd.f32 v20, v21;
	_ =	sdelay $0x1  }
0xa3: {  	vm12 =	veq.f32 v27, v31;
	v21 =	vsub.f32 $1.000000000e+00, v22  }
0xa4: {  	v33 =	vsel vm12, $0x3F800000, v8  }
0xa5: {  	v21 =	vmul.f32 v21, v33;
	_ =	sdelay $0x1  }
0xa6: {  	v33 =	vadd.f32 v21, v22;
	_ =	sdelay $0x1  }
0xa7: {  	vm13 =	veq.f32 v28, v31;
	v22 =	vsub.f32 $1.000000000e+00, v33  }
0xa8: {  	v34 =	vsel vm13, $0x3F800000, v8  }
0xa9: {  	v22 =	vmul.f32 v22, v34;
	_ =	sdelay $0x1  }
0xaa: {  	v33 =	vadd.f32 v22, v33;
	_ =	sdelay $0x1  }
0xab: {  	vm14 =	veq.f32 v29, v31;
	v46 =	vsub.f32 $1.000000000e+00, v33  }
0xac: {  	v47 =	vsel vm14, $0x3F800000, v8;
	v35 =	vsub.f32 $1.000000000e+00, v18  }
0xad: {  	v32 =	vmul.f32 v32, v23;
	v23 =	vmul.f32 v46, v47  }
0xae: {  	v24 =	vmul.f32 v35, v24  }
0xaf: {  	v32 =	vsub.f32 v32, v17;
	v33 =	vadd.f32 v23, v33  }
0xb0: {  	vm15 =	veq.f32 v30, v31;
	v35 =	vsub.f32 v24, v18;
	v48 =	vsub.f32 $1.000000000e+00, v19  }
0xb1: {  	v53 =	vsel vm15, $0x3F800000, v8;
	v49 =	vsub.f32 $1.000000000e+00, v20;
	v50 =	vsub.f32 $1.000000000e+00, v33  }
0xb2: {  	v58 =	vmax.f32 v32, v35;
	v25 =	vmul.f32 v48, v25;
	v51 =	vsub.f32 $1.000000000e+00, v21  }
0xb3: {  	v26 =	vmul.f32 v49, v26;
	v54 =	vsub.f32 $1.000000000e+00, v22;
	v24 =	vmul.f32 v50, v53  }
0xb4: {  	v55 =	vmul.f32 v51, v27;
	v34 =	vsub.f32 v25, v19;
	v56 =	vsub.f32 $1.000000000e+00, v23  }
0xb5: {  	v36 =	vsub.f32 v26, v20;
	v25 =	vmul.f32 v54, v28;
	v57 =	vsub.f32 $1.000000000e+00, v24  }
0xb6: {  	v60 =	vmax.f32 v58, v34;
	v33 =	vsub.f32 v55, v21;
	v59 =	vmul.f32 v56, v29  }
0xb7: {  	v27 =	vmax.f32 v60, v36;
	v37 =	vsub.f32 v25, v22;
	v61 =	vmul.f32 v57, v30  }
0xb8: {  	v38 =	vsub.f32 v59, v23;
	v62 =	vmax.f32 v27, v33  }
0xb9: {  	v63 =	vmax.f32 v62, v37;
	v39 =	vsub.f32 v61, v24  }
0xba: {  	v25 =	vmax.f32 v63, v38  }
0xbb: {  	v40 =	vmax.f32 v25, v39  }
0xbc: {  	vm4 =	veq.f32 v32, v40  }
0xbd: {  	v25 =	vsel vm4, $0x3F800000, v8  }
0xbe: {  	vm5 =	veq.f32 v35, v40;
	v0 =	vsub.f32 $1.000000000e+00, v25  }
0xbf: {  	v43 =	vsel vm5, $0x3F800000, v8  }
0xc0: {  	v26 =	vmul.f32 v0, v43;
	_ =	sdelay $0x1  }
0xc1: {  	v44 =	vadd.f32 v26, v25;
	_ =	sdelay $0x1  }
0xc2: {  	vm6 =	veq.f32 v34, v40;
	v45 =	vsub.f32 $1.000000000e+00, v44  }
0xc3: {  	v46 =	vsel vm6, $0x3F800000, v8  }
0xc4: {  	v27 =	vmul.f32 v45, v46;
	_ =	sdelay $0x1  }
0xc5: {  	v29 =	vadd.f32 v27, v44;
	_ =	sdelay $0x1  }
0xc6: {  	vm7 =	veq.f32 v36, v40;
	v28 =	vsub.f32 $1.000000000e+00, v29  }
0xc7: {  	v47 =	vsel vm7, $0x3F800000, v8  }
0xc8: {  	v28 =	vmul.f32 v28, v47;
	_ =	sdelay $0x1  }
0xc9: {  	v30 =	vadd.f32 v28, v29;
	_ =	sdelay $0x1  }
0xca: {  	vm8 =	veq.f32 v33, v40;
	v29 =	vsub.f32 $1.000000000e+00, v30  }
0xcb: {  	v41 =	vsel vm8, $0x3F800000, v8  }
0xcc: {  	v29 =	vmul.f32 v29, v41;
	_ =	sdelay $0x1  }
0xcd: {  	v41 =	vadd.f32 v29, v30;
	_ =	sdelay $0x1  }
0xce: {  	vm9 =	veq.f32 v37, v40;
	v30 =	vsub.f32 $1.000000000e+00, v41  }
0xcf: {  	v42 =	vsel vm9, $0x3F800000, v8  }
0xd0: {  	v30 =	vmul.f32 v30, v42;
	_ =	sdelay $0x1  }
0xd1: {  	v41 =	vadd.f32 v30, v41;
	_ =	sdelay $0x1  }
0xd2: {  	vm10 =	veq.f32 v38, v40;
	v48 =	vsub.f32 $1.000000000e+00, v41  }
0xd3: {  	v49 =	vsel vm10, $0x3F800000, v8  }
0xd4: {  	v43 =	vsub.f32 $1.000000000e+00, v26;
	v31 =	vmul.f32 v48, v49  }
0xd5: {  	v51 =	vsub.f32 $1.000000000e+00, v27  }
0xd6: {  	vm11 =	veq.f32 v39, v40;
	v50 =	vmul.f32 v43, v35;
	v41 =	vadd.f32 v31, v41  }
0xd7: {  	v56 =	vsel vm11, $0x3F800000, v8;
	v34 =	vmul.f32 v51, v34;
	v53 =	vsub.f32 $1.000000000e+00, v28  }
0xd8: {  	v32 =	vmul.f32 v0, v32;
	v43 =	vsub.f32 v50, v26;
	v54 =	vsub.f32 $1.000000000e+00, v41  }
0xd9: {  	v34 =	vsub.f32 v34, v27;
	v36 =	vmul.f32 v53, v36;
	v55 =	vsub.f32 $1.000000000e+00, v29  }
0xda: {  	v42 =	vsub.f32 v32, v25;
	v57 =	vsub.f32 $1.000000000e+00, v30;
	v32 =	vmul.f32 v54, v56  }
0xdb: {  	v35 =	vsub.f32 v36, v28;
	v33 =	vmul.f32 v55, v33;
	v58 =	vsub.f32 $1.000000000e+00, v31  }
0xdc: {  	v60 =	vmax.f32 v42, v43;
	v37 =	vmul.f32 v57, v37;
	v59 =	vsub.f32 $1.000000000e+00, v32  }
0xdd: {  	v33 =	vsub.f32 v33, v29;
	v61 =	vmax.f32 v60, v34;
	v36 =	vmul.f32 v58, v38  }
0xde: {  	v37 =	vsub.f32 v37, v30;
	v38 =	vmax.f32 v61, v35;
	v39 =	vmul.f32 v59, v39  }
0xdf: {  	v38 =	vmax.f32 v38, v33;
	v36 =	vsub.f32 v36, v31  }
0xe0: {  	v38 =	vmax.f32 v38, v37;
	v39 =	vsub.f32 v39, v32  }
0xe1: {  	v38 =	vmax.f32 v38, v36  }
0xe2: {  	v38 =	vmax.f32 v38, v39  }
0xe3: {  	vm12 =	veq.f32 v42, v38  }
0xe4: {  	v40 =	vsel vm12, $0x3F800000, v8  }
0xe5: {  	vm13 =	veq.f32 v43, v38;
	v62 =	vsub.f32 $1.000000000e+00, v40  }
0xe6: {  	v44 =	vsel vm13, $0x3F800000, v8  }
0xe7: {  	v44 =	vmul.f32 v62, v44;
	_ =	sdelay $0x1  }
0xe8: {  	v45 =	vadd.f32 v44, v40;
	_ =	sdelay $0x1  }
0xe9: {  	vm14 =	veq.f32 v34, v38;
	v46 =	vsub.f32 $1.000000000e+00, v45  }
0xea: {  	v47 =	vsel vm14, $0x3F800000, v8  }
0xeb: {  	v46 =	vmul.f32 v46, v47;
	_ =	sdelay $0x1  }
0xec: {  	v45 =	vadd.f32 v46, v45;
	_ =	sdelay $0x1  }
0xed: {  	vm15 =	veq.f32 v35, v38;
	v63 =	vsub.f32 $1.000000000e+00, v45  }
0xee: {  	v48 =	vsel vm15, $0x3F800000, v8  }
0xef: {  	v47 =	vmul.f32 v63, v48;
	_ =	sdelay $0x1  }
0xf0: {  	v45 =	vadd.f32 v47, v45;
	_ =	sdelay $0x1  }
0xf1: {  	vm4 =	veq.f32 v33, v38;
	v0 =	vsub.f32 $1.000000000e+00, v45  }
0xf2: {  	v49 =	vsel vm4, $0x3F800000, v8  }
0xf3: {  	v48 =	vmul.f32 v0, v49;
	_ =	sdelay $0x1  }
0xf4: {  	v45 =	vadd.f32 v48, v45;
	_ =	sdelay $0x1  }
0xf5: {  	vm5 =	veq.f32 v37, v38;
	v53 =	vsub.f32 $1.000000000e+00, v45  }
0xf6: {  	v50 =	vsel vm5, $0x3F800000, v8  }
0xf7: {  	v49 =	vmul.f32 v53, v50;
	_ =	sdelay $0x1  }
0xf8: {  	v45 =	vadd.f32 v49, v45;
	_ =	sdelay $0x1  }
0xf9: {  	vm6 =	veq.f32 v36, v38;
	v54 =	vsub.f32 $1.000000000e+00, v45  }
0xfa: {  	v51 =	vsel vm6, $0x3F800000, v8;
	v55 =	vsub.f32 $1.000000000e+00, v44  }
0xfb: {  	v50 =	vmul.f32 v54, v51  }
0xfc: {  	v41 =	vmul.f32 v62, v42;
	v42 =	vmul.f32 v55, v43;
	v56 =	vsub.f32 $1.000000000e+00, v46  }
0xfd: {  	v45 =	vadd.f32 v50, v45  }
0xfe: {  	v41 =	vsub.f32 v41, v40;
	v42 =	vsub.f32 v42, v44;
	v34 =	vmul.f32 v56, v34  }
0xff: {  	vm7 =	veq.f32 v39, v38;
	v57 =	vsub.f32 $1.000000000e+00, v47;
	v58 =	vsub.f32 $1.000000000e+00, v45  }
0x100: {  	v60 =	vsel vm7, $0x3F800000, v8;
	v34 =	vsub.f32 v34, v46;
	v59 =	vsub.f32 $1.000000000e+00, v48  }
0x101: {  	v35 =	vmul.f32 v57, v35;
	v61 =	vsub.f32 $1.000000000e+00, v49;
	v38 =	vmul.f32 v58, v60  }
0x102: {  	v63 =	vmax.f32 v41, v42;
	v33 =	vmul.f32 v59, v33;
	v62 =	vsub.f32 $1.000000000e+00, v50  }
0x103: {  	v35 =	vsub.f32 v35, v47;
	v37 =	vmul.f32 v61, v37;
	v45 =	vsub.f32 $1.000000000e+00, v38  }
0x104: {  	v0 =	vmax.f32 v63, v34;
	v33 =	vsub.f32 v33, v48;
	v36 =	vmul.f32 v62, v36  }
0x105: {  	v43 =	vmax.f32 v0, v35;
	v37 =	vsub.f32 v37, v49;
	v39 =	vmul.f32 v45, v39  }
0x106: {  	v43 =	vmax.f32 v43, v33;
	v36 =	vsub.f32 v36, v50  }
0x107: {  	v43 =	vmax.f32 v43, v37;
	v39 =	vsub.f32 v39, v38  }
0x108: {  	v43 =	vmax.f32 v43, v36  }
0x109: {  	v43 =	vmax.f32 v43, v39  }
0x10a: {  	vm8 =	veq.f32 v41, v43  }
0x10b: {  	v41 =	vsel vm8, $0x3F800000, v8  }
0x10c: {  	vm9 =	veq.f32 v42, v43;
	v51 =	vsub.f32 $1.000000000e+00, v41  }
0x10d: {  	v53 =	vsel vm9, $0x3F800000, v8  }
0x10e: {  	v42 =	vmul.f32 v51, v53;
	_ =	sdelay $0x1  }
0x10f: {  	v45 =	vadd.f32 v42, v41;
	_ =	sdelay $0x1  }
0x110: {  	vm10 =	veq.f32 v34, v43;
	v54 =	vsub.f32 $1.000000000e+00, v45  }
0x111: {  	v55 =	vsel vm10, $0x3F800000, v8  }
0x112: {  	v34 =	vmul.f32 v54, v55;
	_ =	sdelay $0x1  }
0x113: {  	v45 =	vadd.f32 v34, v45;
	_ =	sdelay $0x1  }
0x114: {  	v10 =	vadd.f32 $0.0e+00, v10;
	vm11 =	veq.f32 v35, v43;
	v56 =	vsub.f32 $1.000000000e+00, v45  }
0x115: {  	v11 =	vadd.f32 $0.0e+00, v11;
	v12 =	vadd.f32 $0.0e+00, v12;
	v57 =	vsel vm11, $0x3F800000, v8  }
0x116: {  	v13 =	vadd.f32 $0.0e+00, v13;
	v14 =	vadd.f32 $0.0e+00, v14;
	v35 =	vmul.f32 v56, v57  }
0x117: {  	v15 =	vadd.f32 $0.0e+00, v15;
	v16 =	vadd.f32 $0.0e+00, v16  }
0x118: {  	v2 =	vadd.f32 v17, v2;
	v45 =	vadd.f32 v35, v45  }
0x119: {  	v10 =	vadd.f32 v18, v10;
	v11 =	vadd.f32 v19, v11  }
0x11a: {  	v12 =	vadd.f32 v20, v12;
	vm12 =	veq.f32 v33, v43;
	v58 =	vsub.f32 $1.000000000e+00, v45  }
0x11b: {  	v13 =	vadd.f32 v21, v13;
	v14 =	vadd.f32 v22, v14;
	v59 =	vsel vm12, $0x3F800000, v8  }
0x11c: {  	v15 =	vadd.f32 v23, v15;
	v16 =	vadd.f32 v24, v16;
	v17 =	vmul.f32 v58, v59  }
0x11d: {  	v2 =	vadd.f32 v25, v2;
	v10 =	vadd.f32 v26, v10  }
0x11e: {  	v11 =	vadd.f32 v27, v11;
	v18 =	vadd.f32 v17, v45  }
0x11f: {  	v12 =	vadd.f32 v28, v12;
	v13 =	vadd.f32 v29, v13  }
0x120: {  	v14 =	vadd.f32 v30, v14;
	vm13 =	veq.f32 v37, v43;
	v60 =	vsub.f32 $1.000000000e+00, v18  }
0x121: {  	v2 =	vadd.f32 v40, v2;
	v10 =	vadd.f32 v44, v10;
	v61 =	vsel vm13, $0x3F800000, v8  }
0x122: {  	v15 =	vadd.f32 v31, v15;
	v11 =	vadd.f32 v46, v11;
	v19 =	vmul.f32 v60, v61  }
0x123: {  	v2 =	vadd.f32 v41, v2;
	v10 =	vadd.f32 v42, v10  }
0x124: {  	v29 =	vld [tilespmem:$0x10];
	v12 =	vadd.f32 v47, v12;
	vm14 =	veq.f32 v36, v43;
	v18 =	vadd.f32 v19, v18  }
0x125: {  	v30 =	vld [tilespmem:$0x50];
	v1 =	vmul.f32 v2, v1;
	v23 =	vmul.f32 v10, v9;
	v11 =	vadd.f32 v34, v11  }
0x126: {  	v24 =	vadd.f32 v48, v13;
	v63 =	vsel vm14, $0x3F800000, v8;
	v62 =	vsub.f32 $1.000000000e+00, v18  }
0x127: {  	v28 =	vadd.f32 v23, v1;
	v27 =	vmul.f32 v11, v3;
	v12 =	vadd.f32 v35, v12  }
0x128: {  	v16 =	vadd.f32 v32, v16;
	v32 =	vld [tilespmem:$0x90];
	v25 =	vadd.f32 v49, v14;
	v26 =	vmul.f32 v62, v63  }
0x129: {  	v11 =	vadd.f32 v27, v28;
	v31 =	vmul.f32 v12, v4;
	v9 =	vadd.f32 v17, v24  }
0x12a: {  	v44 =	vmax.f32 v29, v30;
	v15 =	vadd.f32 v50, v15;
	v34 =	vld [tilespmem:$0xD0];
	v18 =	vadd.f32 v26, v18  }
0x12b: {  	v16 =	vadd.f32 v38, v16;
	v37 =	vadd.f32 v31, v11;
	v36 =	vmul.f32 v9, v5  }
0x12c: {  	vm15 =	veq.f32 v39, v43;
	v39 =	vld [tilespmem:$0x110];
	v10 =	vadd.f32 v19, v25;
	v33 =	vsub.f32 $1.000000000e+00, v18  }
0x12d: {  	v41 =	vld [tilespmem:$0x150];
	v35 =	vsel vm15, $0x3F800000, v8;
	v9 =	vadd.f32 v36, v37;
	v19 =	vmax.f32 v44, v32  }
0x12e: {  	v43 =	vld [tilespmem:$0x190];
	v42 =	vmul.f32 v10, v6;
	v13 =	vadd.f32 v26, v15;
	v40 =	vmul.f32 v33, v35  }
0x12f: {  	v45 =	vld [tilespmem:$0x1D0];
	v47 =	vmax.f32 v19, v34  }
0x130: {  	v9 =	vadd.f32 v42, v9;
	v46 =	vmul.f32 v13, v7;
	v15 =	vadd.f32 v40, v16  }
0x131: {  	v13 =	vmax.f32 v47, v39  }
0x132: {  	v13 =	vmax.f32 v13, v41;
	v9 =	vadd.f32 v46, v9;
	v48 =	vmul.f32 v15, v52  }
0x133: {  	v13 =	vmax.f32 v13, v43  }
0x134: {  	v13 =	vmax.f32 v13, v45;
	v9 =	vadd.f32 v48, v9  }
0x135: {  	v14 =	vsub.f32 v29, v13  }
0x136: {  	v49 =	vsub.f32 v30, v13;
	v9 =	vadd.f32 $9.999999930e-09, v9  }
0x137: {  	v14 =	vmul.f32 $1.442695020e+00, v14  }
0x138: {  	v12 =	vsub.f32 v32, v13;
	v50 =	vmul.f32 $1.442695020e+00, v49;
	(erf) = vrcp.f32 v9  }
0x139: {  	(erf) = vpow2.f32 v14  }
0x13a: {  	v51 =	vmul.f32 $1.442695020e+00, v12;
	v52 =	vsub.f32 v34, v13;
	(erf) = vpow2.f32 v50;
	_ =	sdelay $0x1  }
0x13b: {  	v11 =	vsub.f32 v39, v13;
	v53 =	vmul.f32 $1.442695020e+00, v52;
	(erf) = vpow2.f32 v51;
	_ =	sdelay $0x1  }
0x13c: {  	v55 =	vsub.f32 v41, v13;
	v54 =	vmul.f32 $1.442695020e+00, v11;
	(erf) = vpow2.f32 v53;
	_ =	sdelay $0x1  }
0x13d: {  	v10 =	vsub.f32 v43, v13;
	v11 =	vmul.f32 $1.442695020e+00, v55;
	(erf) = vpow2.f32 v54  }
0x13e: {  	v56 =	vpop (erf)  }
0x13f: {  	v58 =	vsub.f32 v45, v13;
	v10 =	vmul.f32 $1.442695020e+00, v10;
	v57 =	vpop (erf);
	(erf) = vpow2.f32 v11  }
0x140: {  	v59 =	vpop (erf)  }
0x141: {  	v60 =	vmul.f32 $1.442695020e+00, v58;
	(erf) = vpow2.f32 v10;
	v61 =	vadd.f32 v59, v57  }
0x142: {  	v62 =	vpop (erf)  }
0x143: {  	(erf) = vpow2.f32 v60;
	v63 =	vadd.f32 v61, v62  }
0x144: {  	v0 =	vpop (erf)  }
0x145: {  	v10 =	vadd.f32 v63, v0  }
0x146: {  	[tilespmem:$0x1FF00] =	vst v1;
	v1 =	vpop (erf)  }
0x147: {  	v10 =	vadd.f32 v10, v1  }
0x148: {  	v2 =	vpop (erf)  }
0x149: {  	v10 =	vadd.f32 v10, v2  }
0x14a: {  	v3 =	vpop (erf)  }
0x14b: {  	v10 =	vadd.f32 v10, v3  }
0x14c: {  	v4 =	vpop (erf)  }
0x14d: {  	v10 =	vadd.f32 v10, v4;
	_ =	sdelay $0x1  }
0x14e: {  	(erf) = vrcp.f32 v10;
	_ =	sdelay $0x8  }
0x14f: {  	v5 =	vpop (erf)  }
0x150: {  	v10 =	vmul.f32 v5, v57;
	v18 =	vmul.f32 v5, v59  }
0x151: {  	v12 =	vmul.f32 v5, v62  }
0x152: {  	v13 =	vmul.f32 v5, v0;
	v6 =	vmax.f32 v10, v18  }
0x153: {  	v14 =	vmul.f32 v5, v1;
	v11 =	vmax.f32 v6, v12  }
0x154: {  	v15 =	vmul.f32 v5, v2;
	v11 =	vmax.f32 v11, v13  }
0x155: {  	v16 =	vmul.f32 v5, v3;
	v11 =	vmax.f32 v11, v14  }
0x156: {  	v17 =	vmul.f32 v5, v4;
	v11 =	vmax.f32 v11, v15  }
0x157: {  	v11 =	vmax.f32 v11, v16  }
0x158: {  	v7 =	vmax.f32 v11, v17  }
0x159: {  	vm4 =	veq.f32 v10, v7  }
0x15a: {  	v11 =	vsel vm4, $0x3F800000, v8  }
0x15b: {  	vm5 =	veq.f32 v18, v7;
	v33 =	vsub.f32 $1.000000000e+00, v11  }
0x15c: {  	v34 =	vsel vm5, $0x3F800000, v8  }
0x15d: {  	v19 =	vmul.f32 v33, v34;
	_ =	sdelay $0x1  }
0x15e: {  	v35 =	vadd.f32 v19, v11;
	_ =	sdelay $0x1  }
0x15f: {  	[tilespmem:$0x1FF50] =	vst v36;
	vm6 =	veq.f32 v12, v7;
	v36 =	vsub.f32 $1.000000000e+00, v35  }
0x160: {  	v37 =	vsel vm6, $0x3F800000, v8  }
0x161: {  	v20 =	vmul.f32 v36, v37;
	_ =	sdelay $0x1  }
0x162: {  	v22 =	vadd.f32 v20, v35;
	_ =	sdelay $0x1  }
0x163: {  	vm7 =	veq.f32 v13, v7;
	v21 =	vsub.f32 $1.000000000e+00, v22  }
0x164: {  	v38 =	vsel vm7, $0x3F800000, v8  }
0x165: {  	v21 =	vmul.f32 v21, v38;
	_ =	sdelay $0x1  }
0x166: {  	[tilespmem:$0x1FF20] =	vst v23;
	v23 =	vadd.f32 v21, v22;
	_ =	sdelay $0x1  }
0x167: {  	vm8 =	veq.f32 v14, v7;
	v22 =	vsub.f32 $1.000000000e+00, v23  }
0x168: {  	v39 =	vsel vm8, $0x3F800000, v8  }
0x169: {  	v22 =	vmul.f32 v22, v39;
	_ =	sdelay $0x1  }
0x16a: {  	v26 =	vadd.f32 v22, v23;
	_ =	sdelay $0x1  }
0x16b: {  	vm9 =	veq.f32 v15, v7;
	v23 =	vsub.f32 $1.000000000e+00, v26  }
0x16c: {  	v40 =	vsel vm9, $0x3F800000, v8  }
0x16d: {  	v23 =	vmul.f32 v23, v40;
	_ =	sdelay $0x1  }
0x16e: {  	v26 =	vadd.f32 v23, v26;
	_ =	sdelay $0x1  }
0x16f: {  	vm10 =	veq.f32 v16, v7;
	v41 =	vsub.f32 $1.000000000e+00, v26  }
0x170: {  	v44 =	vsel vm10, $0x3F800000, v8;
	v43 =	vsub.f32 $1.000000000e+00, v19  }
0x171: {  	[tilespmem:$0x1FF60] =	vst v42;
	v42 =	vmul.f32 v33, v10;
	v24 =	vmul.f32 v41, v44  }
0x172: {  	v52 =	vmul.f32 v43, v18  }
0x173: {  	v45 =	vsub.f32 v42, v11;
	v26 =	vadd.f32 v24, v26  }
0x174: {  	vm11 =	veq.f32 v17, v7;
	v33 =	vsub.f32 v52, v19;
	v53 =	vsub.f32 $1.000000000e+00, v20  }
0x175: {  	v58 =	vsel vm11, $0x3F800000, v8;
	v54 =	vsub.f32 $1.000000000e+00, v21;
	v55 =	vsub.f32 $1.000000000e+00, v26  }
0x176: {  	v63 =	vmax.f32 v45, v33;
	v28 =	vmul.f32 v53, v12;
	v57 =	vsub.f32 $1.000000000e+00, v22  }
0x177: {  	[tilespmem:$0x1FF10] =	vst v56;
	v56 =	vmul.f32 v54, v13;
	v59 =	vsub.f32 $1.000000000e+00, v23;
	v25 =	vmul.f32 v55, v58  }
0x178: {  	v34 =	vsub.f32 v28, v20;
	v61 =	vmul.f32 v57, v14;
	v62 =	vsub.f32 $1.000000000e+00, v24  }
0x179: {  	v60 =	vsub.f32 v56, v21;
	v28 =	vmul.f32 v59, v15;
	v29 =	vsub.f32 $1.000000000e+00, v25  }
0x17a: {  	v2 =	vmax.f32 v63, v34;
	v0 =	vsub.f32 v61, v22;
	v1 =	vmul.f32 v62, v16  }
0x17b: {  	[tilespmem:$0x1FF30] =	vst v27;
	v27 =	vmax.f32 v2, v60;
	v3 =	vsub.f32 v28, v23;
	v4 =	vmul.f32 v29, v17  }
0x17c: {  	v6 =	vmax.f32 v27, v0;
	v5 =	vsub.f32 v1, v24  }
0x17d: {  	v26 =	vmax.f32 v6, v3;
	v7 =	vsub.f32 v4, v25  }
0x17e: {  	v26 =	vmax.f32 v26, v5  }
0x17f: {  	v9 =	vmax.f32 v26, v7  }
0x180: {  	vm12 =	veq.f32 v45, v9  }
0x181: {  	v26 =	vsel vm12, $0x3F800000, v8  }
0x182: {  	[tilespmem:$0x1FF70] =	vst v46;
	vm13 =	veq.f32 v33, v9;
	v46 =	vsub.f32 $1.000000000e+00, v26  }
0x183: {  	v47 =	vsel vm13, $0x3F800000, v8  }
0x184: {  	v27 =	vmul.f32 v46, v47;
	_ =	sdelay $0x1  }
0x185: {  	[tilespmem:$0x1FF80] =	vst v48;
	v48 =	vadd.f32 v27, v26;
	_ =	sdelay $0x1  }
0x186: {  	vm14 =	veq.f32 v34, v9;
	v49 =	vsub.f32 $1.000000000e+00, v48  }
0x187: {  	v50 =	vsel vm14, $0x3F800000, v8  }
0x188: {  	v28 =	vmul.f32 v49, v50;
	_ =	sdelay $0x1  }
0x189: {  	v30 =	vadd.f32 v28, v48;
	_ =	sdelay $0x1  }
0x18a: {  	vm15 =	veq.f32 v60, v9;
	v29 =	vsub.f32 $1.000000000e+00, v30  }
0x18b: {  	v51 =	vsel vm15, $0x3F800000, v8  }
0x18c: {  	v29 =	vmul.f32 v29, v51;
	_ =	sdelay $0x1  }
0x18d: {  	[tilespmem:$0x1FF40] =	vst v31;
	v31 =	vadd.f32 v29, v30;
	_ =	sdelay $0x1  }
0x18e: {  	vm4 =	veq.f32 v0, v9;
	v30 =	vsub.f32 $1.000000000e+00, v31  }
0x18f: {  	v52 =	vsel vm4, $0x3F800000, v8  }
0x190: {  	v30 =	vmul.f32 v30, v52;
	_ =	sdelay $0x1  }
0x191: {  	v42 =	vadd.f32 v30, v31;
	_ =	sdelay $0x1  }
0x192: {  	vm5 =	veq.f32 v3, v9;
	v31 =	vsub.f32 $1.000000000e+00, v42  }
0x193: {  	v53 =	vsel vm5, $0x3F800000, v8  }
0x194: {  	v31 =	vmul.f32 v31, v53;
	_ =	sdelay $0x1  }
0x195: {  	v42 =	vadd.f32 v31, v42;
	_ =	sdelay $0x1  }
0x196: {  	vm6 =	veq.f32 v5, v9;
	v54 =	vsub.f32 $1.000000000e+00, v42  }
0x197: {  	v56 =	vsel vm6, $0x3F800000, v8  }
0x198: {  	v41 =	vmul.f32 v46, v45;
	v55 =	vsub.f32 $1.000000000e+00, v27;
	v32 =	vmul.f32 v54, v56;
	_ =	sdelay $0x1  }
0x199: {  	v41 =	vsub.f32 v41, v26;
	v33 =	vmul.f32 v55, v33;
	v42 =	vadd.f32 v32, v42  }
0x19a: {  	vm7 =	veq.f32 v7, v9;
	v57 =	vsub.f32 $1.000000000e+00, v28;
	v58 =	vsub.f32 $1.000000000e+00, v29  }
0x19b: {  	v61 =	vsel vm7, $0x3F800000, v8;
	v44 =	vsub.f32 v33, v27;
	v59 =	vsub.f32 $1.000000000e+00, v42  }
0x19c: {  	v34 =	vmul.f32 v57, v34;
	v35 =	vmul.f32 v58, v60;
	v60 =	vsub.f32 $1.000000000e+00, v30  }
0x19d: {  	v2 =	vmax.f32 v41, v44;
	v62 =	vsub.f32 $1.000000000e+00, v31;
	v33 =	vmul.f32 v59, v61  }
0x19e: {  	v43 =	vsub.f32 v34, v28;
	v63 =	vmul.f32 v60, v0;
	v0 =	vsub.f32 $1.000000000e+00, v32  }
0x19f: {  	v45 =	vsub.f32 v35, v29;
	v34 =	vmul.f32 v62, v3;
	v1 =	vsub.f32 $1.000000000e+00, v33  }
0x1a0: {  	v4 =	vmax.f32 v2, v43;
	v42 =	vsub.f32 v63, v30;
	v3 =	vmul.f32 v0, v5  }
0x1a1: {  	v36 =	vmax.f32 v4, v45;
	v46 =	vsub.f32 v34, v31;
	v5 =	vmul.f32 v1, v7  }
0x1a2: {  	v47 =	vsub.f32 v3, v32;
	v6 =	vmax.f32 v36, v42  }
0x1a3: {  	v7 =	vmax.f32 v6, v46;
	v48 =	vsub.f32 v5, v33  }
0x1a4: {  	v34 =	vmax.f32 v7, v47  }
0x1a5: {  	v9 =	vmax.f32 v34, v48  }
0x1a6: {  	vm8 =	veq.f32 v41, v9  }
0x1a7: {  	v34 =	vsel vm8, $0x3F800000, v8  }
0x1a8: {  	vm9 =	veq.f32 v44, v9;
	v54 =	vsub.f32 $1.000000000e+00, v34  }
0x1a9: {  	v55 =	vsel vm9, $0x3F800000, v8  }
0x1aa: {  	v35 =	vmul.f32 v54, v55;
	_ =	sdelay $0x1  }
0x1ab: {  	v56 =	vadd.f32 v35, v34;
	_ =	sdelay $0x1  }
0x1ac: {  	vm10 =	veq.f32 v43, v9;
	v57 =	vsub.f32 $1.000000000e+00, v56  }
0x1ad: {  	v58 =	vsel vm10, $0x3F800000, v8  }
0x1ae: {  	v36 =	vmul.f32 v57, v58;
	_ =	sdelay $0x1  }
0x1af: {  	v38 =	vadd.f32 v36, v56;
	_ =	sdelay $0x1  }
0x1b0: {  	vm11 =	veq.f32 v45, v9;
	v37 =	vsub.f32 $1.000000000e+00, v38  }
0x1b1: {  	v59 =	vsel vm11, $0x3F800000, v8  }
0x1b2: {  	v37 =	vmul.f32 v37, v59;
	_ =	sdelay $0x1  }
0x1b3: {  	v39 =	vadd.f32 v37, v38;
	_ =	sdelay $0x1  }
0x1b4: {  	vm12 =	veq.f32 v42, v9;
	v38 =	vsub.f32 $1.000000000e+00, v39  }
0x1b5: {  	v60 =	vsel vm12, $0x3F800000, v8  }
0x1b6: {  	v38 =	vmul.f32 v38, v60;
	_ =	sdelay $0x1  }
0x1b7: {  	v50 =	vadd.f32 v38, v39;
	_ =	sdelay $0x1  }
0x1b8: {  	vm13 =	veq.f32 v46, v9;
	v39 =	vsub.f32 $1.000000000e+00, v50  }
0x1b9: {  	v61 =	vsel vm13, $0x3F800000, v8  }
0x1ba: {  	v39 =	vmul.f32 v39, v61;
	_ =	sdelay $0x1  }
0x1bb: {  	v50 =	vadd.f32 v39, v50;
	_ =	sdelay $0x1  }
0x1bc: {  	vm14 =	veq.f32 v47, v9;
	v62 =	vsub.f32 $1.000000000e+00, v50  }
0x1bd: {  	v0 =	vsel vm14, $0x3F800000, v8;
	v63 =	vsub.f32 $1.000000000e+00, v35  }
0x1be: {  	v41 =	vmul.f32 v54, v41;
	v40 =	vmul.f32 v62, v0  }
0x1bf: {  	v1 =	vmul.f32 v63, v44  }
0x1c0: {  	v51 =	vsub.f32 v41, v34;
	v50 =	vadd.f32 v40, v50  }
0x1c1: {  	vm15 =	veq.f32 v48, v9;
	v52 =	vsub.f32 v1, v35;
	v2 =	vsub.f32 $1.000000000e+00, v36  }
0x1c2: {  	v6 =	vsel vm15, $0x3F800000, v8;
	v3 =	vsub.f32 $1.000000000e+00, v37;
	v4 =	vsub.f32 $1.000000000e+00, v50  }
0x1c3: {  	v58 =	vmax.f32 v51, v52;
	v43 =	vmul.f32 v2, v43;
	v5 =	vsub.f32 $1.000000000e+00, v38  }
0x1c4: {  	v45 =	vmul.f32 v3, v45;
	v7 =	vsub.f32 $1.000000000e+00, v39;
	v41 =	vmul.f32 v4, v6  }
0x1c5: {  	v43 =	vsub.f32 v43, v36;
	v42 =	vmul.f32 v5, v42;
	v56 =	vsub.f32 $1.000000000e+00, v40  }
0x1c6: {  	v9 =	vsub.f32 v45, v37;
	v46 =	vmul.f32 v7, v46;
	v57 =	vsub.f32 $1.000000000e+00, v41  }
0x1c7: {  	v59 =	vmax.f32 v58, v43;
	v42 =	vsub.f32 v42, v38;
	v45 =	vmul.f32 v56, v47  }
0x1c8: {  	v46 =	vsub.f32 v46, v39;
	v47 =	vmax.f32 v59, v9;
	v48 =	vmul.f32 v57, v48  }
0x1c9: {  	v47 =	vmax.f32 v47, v42;
	v45 =	vsub.f32 v45, v40  }
0x1ca: {  	v47 =	vmax.f32 v47, v46;
	v48 =	vsub.f32 v48, v41  }
0x1cb: {  	v47 =	vmax.f32 v47, v45  }
0x1cc: {  	v47 =	vmax.f32 v47, v48  }
0x1cd: {  	vm4 =	veq.f32 v51, v47  }
0x1ce: {  	v49 =	vsel vm4, $0x3F800000, v8  }
0x1cf: {  	vm5 =	veq.f32 v52, v47;
	v60 =	vsub.f32 $1.000000000e+00, v49  }
0x1d0: {  	v53 =	vsel vm5, $0x3F800000, v8  }
0x1d1: {  	v53 =	vmul.f32 v60, v53;
	_ =	sdelay $0x1  }
0x1d2: {  	v54 =	vadd.f32 v53, v49;
	_ =	sdelay $0x1  }
0x1d3: {  	vm6 =	veq.f32 v43, v47;
	v55 =	vsub.f32 $1.000000000e+00, v54  }
0x1d4: {  	v56 =	vsel vm6, $0x3F800000, v8  }
0x1d5: {  	v55 =	vmul.f32 v55, v56;
	_ =	sdelay $0x1  }
0x1d6: {  	v54 =	vadd.f32 v55, v54;
	_ =	sdelay $0x1  }
0x1d7: {  	vm7 =	veq.f32 v9, v47;
	v61 =	vsub.f32 $1.000000000e+00, v54  }
0x1d8: {  	v57 =	vsel vm7, $0x3F800000, v8  }
0x1d9: {  	v56 =	vmul.f32 v61, v57;
	_ =	sdelay $0x1  }
0x1da: {  	v54 =	vadd.f32 v56, v54;
	_ =	sdelay $0x1  }
0x1db: {  	vm8 =	veq.f32 v42, v47;
	v62 =	vsub.f32 $1.000000000e+00, v54  }
0x1dc: {  	v58 =	vsel vm8, $0x3F800000, v8  }
0x1dd: {  	v57 =	vmul.f32 v62, v58;
	_ =	sdelay $0x1  }
0x1de: {  	v54 =	vadd.f32 v57, v54;
	_ =	sdelay $0x1  }
0x1df: {  	vm9 =	veq.f32 v46, v47;
	v63 =	vsub.f32 $1.000000000e+00, v54  }
0x1e0: {  	v59 =	vsel vm9, $0x3F800000, v8  }
0x1e1: {  	v58 =	vmul.f32 v63, v59;
	_ =	sdelay $0x1  }
0x1e2: {  	v54 =	vadd.f32 v58, v54;
	_ =	sdelay $0x1  }
0x1e3: {  	vm10 =	veq.f32 v45, v47;
	v0 =	vsub.f32 $1.000000000e+00, v54  }
0x1e4: {  	v50 =	vmul.f32 v60, v51;
	v60 =	vsel vm10, $0x3F800000, v8  }
0x1e5: {  	v59 =	vmul.f32 v0, v60  }
0x1e6: {  	v1 =	vsub.f32 $1.000000000e+00, v53  }
0x1e7: {  	vm11 =	veq.f32 v48, v47;
	v2 =	vsub.f32 $1.000000000e+00, v55;
	v54 =	vadd.f32 v59, v54  }
0x1e8: {  	v6 =	vsel vm11, $0x3F800000, v8;
	v51 =	vmul.f32 v1, v52;
	v3 =	vsub.f32 $1.000000000e+00, v56  }
0x1e9: {  	v50 =	vsub.f32 v50, v49;
	v43 =	vmul.f32 v2, v43;
	v4 =	vsub.f32 $1.000000000e+00, v54  }
0x1ea: {  	v51 =	vsub.f32 v51, v53;
	v44 =	vmul.f32 v3, v9;
	v5 =	vsub.f32 $1.000000000e+00, v57  }
0x1eb: {  	v43 =	vsub.f32 v43, v55;
	v7 =	vsub.f32 $1.000000000e+00, v58;
	v47 =	vmul.f32 v4, v6  }
0x1ec: {  	v44 =	vsub.f32 v44, v56;
	v42 =	vmul.f32 v5, v42;
	v9 =	vsub.f32 $1.000000000e+00, v59  }
0x1ed: {  	v46 =	vmul.f32 v7, v46;
	v0 =	vmax.f32 v50, v51;
	v54 =	vsub.f32 $1.000000000e+00, v47  }
0x1ee: {  	v42 =	vsub.f32 v42, v57;
	v1 =	vmax.f32 v0, v43;
	v45 =	vmul.f32 v9, v45  }
0x1ef: {  	v46 =	vsub.f32 v46, v58;
	v52 =	vmax.f32 v1, v44;
	v48 =	vmul.f32 v54, v48  }
0x1f0: {  	v52 =	vmax.f32 v52, v42;
	v45 =	vsub.f32 v45, v59  }
0x1f1: {  	v52 =	vmax.f32 v52, v46;
	v48 =	vsub.f32 v48, v47  }
0x1f2: {  	v52 =	vmax.f32 v52, v45  }
0x1f3: {  	v52 =	vmax.f32 v52, v48  }
0x1f4: {  	vm12 =	veq.f32 v50, v52  }
0x1f5: {  	v50 =	vsel vm12, $0x3F800000, v8  }
0x1f6: {  	vm13 =	veq.f32 v51, v52;
	v2 =	vsub.f32 $1.000000000e+00, v50  }
0x1f7: {  	v3 =	vsel vm13, $0x3F800000, v8  }
0x1f8: {  	v51 =	vmul.f32 v2, v3;
	_ =	sdelay $0x1  }
0x1f9: {  	v54 =	vadd.f32 v51, v50;
	_ =	sdelay $0x1  }
0x1fa: {  	vm14 =	veq.f32 v43, v52;
	v4 =	vsub.f32 $1.000000000e+00, v54  }
0x1fb: {  	v5 =	vsel vm14, $0x3F800000, v8  }
0x1fc: {  	v43 =	vmul.f32 v4, v5;
	_ =	sdelay $0x1  }
0x1fd: {  	v54 =	vadd.f32 v43, v54;
	_ =	sdelay $0x1  }
0x1fe: {  	v19 =	vadd.f32 $0.0e+00, v19;
	vm15 =	veq.f32 v44, v52;
	v6 =	vsub.f32 $1.000000000e+00, v54  }
0x1ff: {  	v20 =	vadd.f32 $0.0e+00, v20;
	v21 =	vadd.f32 $0.0e+00, v21;
	v7 =	vsel vm15, $0x3F800000, v8  }
0x200: {  	v22 =	vadd.f32 $0.0e+00, v22;
	v23 =	vadd.f32 $0.0e+00, v23;
	v44 =	vmul.f32 v6, v7  }
0x201: {  	v24 =	vadd.f32 $0.0e+00, v24;
	v25 =	vadd.f32 $0.0e+00, v25  }
0x202: {  	v11 =	vadd.f32 v26, v11;
	v54 =	vadd.f32 v44, v54  }
0x203: {  	v19 =	vadd.f32 v27, v19;
	v20 =	vadd.f32 v28, v20  }
0x204: {  	v21 =	vadd.f32 v29, v21;
	vm4 =	veq.f32 v42, v52;
	v9 =	vsub.f32 $1.000000000e+00, v54  }
0x205: {  	v22 =	vadd.f32 v30, v22;
	v23 =	vadd.f32 v31, v23;
	v30 =	vsel vm4, $0x3F800000, v8  }
0x206: {  	v24 =	vadd.f32 v32, v24;
	v25 =	vadd.f32 v33, v25;
	v26 =	vmul.f32 v9, v30  }
0x207: {  	v11 =	vadd.f32 v34, v11;
	v19 =	vadd.f32 v35, v19  }
0x208: {  	v20 =	vadd.f32 v36, v20;
	v27 =	vadd.f32 v26, v54  }
0x209: {  	v21 =	vadd.f32 v37, v21;
	v11 =	vadd.f32 v49, v11  }
0x20a: {  	v19 =	vadd.f32 v53, v19;
	vm5 =	veq.f32 v46, v52;
	v42 =	vsub.f32 $1.000000000e+00, v27  }
0x20b: {  	v22 =	vadd.f32 v38, v22;
	v23 =	vadd.f32 v39, v23;
	v46 =	vsel vm5, $0x3F800000, v8  }
0x20c: {  	v11 =	vadd.f32 v50, v11;
	v19 =	vadd.f32 v51, v19;
	v28 =	vmul.f32 v42, v46  }
0x20d: {  	v20 =	vadd.f32 v55, v20;
	v21 =	vadd.f32 v56, v21  }
0x20e: {  	v61 =	vld [tilespmem:$0x60];
	v51 =	vmul.f32 v11, v10;
	v53 =	vmul.f32 v19, v18;
	v27 =	vadd.f32 v28, v27  }
0x20f: {  	v55 =	vadd.f32 v58, v23;
	v60 =	vld [tilespmem:$0x20];
	vm6 =	veq.f32 v45, v52;
	v20 =	vadd.f32 v43, v20  }
0x210: {  	v50 =	vsel vm6, $0x3F800000, v8;
	v58 =	vadd.f32 v53, v51;
	v49 =	vsub.f32 $1.000000000e+00, v27  }
0x211: {  	v21 =	vadd.f32 v44, v21;
	v54 =	vadd.f32 v57, v22;
	v57 =	vmul.f32 v20, v12  }
0x212: {  	v24 =	vadd.f32 v40, v24;
	v25 =	vadd.f32 v41, v25;
	v63 =	vld [tilespmem:$0xA0];
	v56 =	vmul.f32 v49, v50  }
0x213: {  	v62 =	vmul.f32 v21, v13;
	v18 =	vadd.f32 v26, v54;
	v20 =	vadd.f32 v57, v58  }
0x214: {  	v24 =	vadd.f32 v59, v24;
	v32 =	vmax.f32 v60, v61;
	v5 =	vld [tilespmem:$0xE0];
	v27 =	vadd.f32 v56, v27  }
0x215: {  	v25 =	vadd.f32 v47, v25;
	v7 =	vmul.f32 v18, v14;
	v9 =	vadd.f32 v62, v20  }
0x216: {  	vm7 =	veq.f32 v48, v52;
	v10 =	vld [tilespmem:$0x120];
	v19 =	vadd.f32 v28, v55;
	v4 =	vsub.f32 $1.000000000e+00, v27  }
0x217: {  	v6 =	vsel vm7, $0x3F800000, v8;
	v12 =	vld [tilespmem:$0x160];
	v18 =	vadd.f32 v7, v9;
	v28 =	vmax.f32 v32, v63  }
0x218: {  	v14 =	vld [tilespmem:$0x1A0];
	v13 =	vmul.f32 v19, v15;
	v22 =	vadd.f32 v56, v24;
	v11 =	vmul.f32 v4, v6  }
0x219: {  	v33 =	vld [tilespmem:$0x1E0];
	v35 =	vmax.f32 v28, v5  }
0x21a: {  	v18 =	vadd.f32 v13, v18;
	v34 =	vmul.f32 v22, v16;
	v24 =	vadd.f32 v11, v25  }
0x21b: {  	v22 =	vmax.f32 v35, v10  }
0x21c: {  	v22 =	vmax.f32 v22, v12;
	v18 =	vadd.f32 v34, v18;
	v17 =	vmul.f32 v24, v17  }
0x21d: {  	v22 =	vmax.f32 v22, v14  }
0x21e: {  	v22 =	vmax.f32 v22, v33;
	v18 =	vadd.f32 v17, v18  }
0x21f: {  	v23 =	vsub.f32 v60, v22  }
0x220: {  	v36 =	vsub.f32 v61, v22;
	v18 =	vadd.f32 $9.999999930e-09, v18  }
0x221: {  	v23 =	vmul.f32 $1.442695020e+00, v23  }
0x222: {  	v21 =	vsub.f32 v63, v22;
	v37 =	vmul.f32 $1.442695020e+00, v36;
	(erf) = vrcp.f32 v18  }
0x223: {  	(erf) = vpow2.f32 v23  }
0x224: {  	v39 =	vsub.f32 v5, v22;
	v38 =	vmul.f32 $1.442695020e+00, v21;
	(erf) = vpow2.f32 v37;
	_ =	sdelay $0x1  }
0x225: {  	v20 =	vsub.f32 v10, v22;
	v40 =	vmul.f32 $1.442695020e+00, v39;
	(erf) = vpow2.f32 v38;
	_ =	sdelay $0x1  }
0x226: {  	v42 =	vsub.f32 v12, v22;
	v41 =	vmul.f32 $1.442695020e+00, v20;
	(erf) = vpow2.f32 v40;
	_ =	sdelay $0x1  }
0x227: {  	v19 =	vsub.f32 v14, v22;
	v20 =	vmul.f32 $1.442695020e+00, v42;
	(erf) = vpow2.f32 v41  }
0x228: {  	v18 =	vpop (erf)  }
0x229: {  	v44 =	vsub.f32 v33, v22;
	v19 =	vmul.f32 $1.442695020e+00, v19;
	v43 =	vpop (erf);
	(erf) = vpow2.f32 v20  }
0x22a: {  	v45 =	vpop (erf)  }
0x22b: {  	v46 =	vmul.f32 $1.442695020e+00, v44;
	(erf) = vpow2.f32 v19;
	v47 =	vadd.f32 v45, v43  }
0x22c: {  	v48 =	vpop (erf)  }
0x22d: {  	(erf) = vpow2.f32 v46;
	v49 =	vadd.f32 v47, v48  }
0x22e: {  	v50 =	vpop (erf)  }
0x22f: {  	v19 =	vadd.f32 v49, v50  }
0x230: {  	[tilespmem:$0x1FF90] =	vst v51;
	v51 =	vpop (erf)  }
0x231: {  	v19 =	vadd.f32 v19, v51  }
0x232: {  	v52 =	vpop (erf)  }
0x233: {  	v19 =	vadd.f32 v19, v52  }
0x234: {  	[tilespmem:$0x1FFA0] =	vst v53;
	v53 =	vpop (erf)  }
0x235: {  	v19 =	vadd.f32 v19, v53  }
0x236: {  	v54 =	vpop (erf)  }
0x237: {  	v19 =	vadd.f32 v19, v54;
	_ =	sdelay $0x1  }
0x238: {  	(erf) = vrcp.f32 v19;
	_ =	sdelay $0x8  }
0x239: {  	v55 =	vpop (erf)  }
0x23a: {  	v19 =	vmul.f32 v55, v43;
	v27 =	vmul.f32 v55, v45  }
0x23b: {  	v21 =	vmul.f32 v55, v48  }
0x23c: {  	v22 =	vmul.f32 v55, v50;
	v56 =	vmax.f32 v19, v27  }
0x23d: {  	v23 =	vmul.f32 v55, v51;
	v20 =	vmax.f32 v56, v21  }
0x23e: {  	v24 =	vmul.f32 v55, v52;
	v20 =	vmax.f32 v20, v22  }
0x23f: {  	v25 =	vmul.f32 v55, v53;
	v20 =	vmax.f32 v20, v23  }
0x240: {  	v26 =	vmul.f32 v55, v54;
	v20 =	vmax.f32 v20, v24  }
0x241: {  	v20 =	vmax.f32 v20, v25  }
0x242: {  	[tilespmem:$0x1FFB0] =	vst v57;
	v57 =	vmax.f32 v20, v26  }
0x243: {  	vm8 =	veq.f32 v19, v57  }
0x244: {  	v20 =	vsel vm8, $0x3F800000, v8  }
0x245: {  	vm9 =	veq.f32 v27, v57;
	v58 =	vsub.f32 $1.000000000e+00, v20  }
0x246: {  	v59 =	vsel vm9, $0x3F800000, v8  }
0x247: {  	v28 =	vmul.f32 v58, v59;
	_ =	sdelay $0x1  }
0x248: {  	v60 =	vadd.f32 v28, v20;
	_ =	sdelay $0x1  }
0x249: {  	vm10 =	veq.f32 v21, v57;
	v61 =	vsub.f32 $1.000000000e+00, v60  }
0x24a: {  	[tilespmem:$0x1FFC0] =	vst v62;
	v62 =	vsel vm10, $0x3F800000, v8  }
0x24b: {  	v29 =	vmul.f32 v61, v62;
	_ =	sdelay $0x1  }
0x24c: {  	v31 =	vadd.f32 v29, v60;
	_ =	sdelay $0x1  }
0x24d: {  	vm11 =	veq.f32 v22, v57;
	v30 =	vsub.f32 $1.000000000e+00, v31  }
0x24e: {  	v63 =	vsel vm11, $0x3F800000, v8  }
0x24f: {  	v30 =	vmul.f32 v30, v63;
	_ =	sdelay $0x1  }
0x250: {  	v32 =	vadd.f32 v30, v31;
	_ =	sdelay $0x1  }
0x251: {  	vm12 =	veq.f32 v23, v57;
	v31 =	vsub.f32 $1.000000000e+00, v32  }
0x252: {  	v0 =	vsel vm12, $0x3F800000, v8  }
0x253: {  	v31 =	vmul.f32 v31, v0;
	_ =	sdelay $0x1  }
0x254: {  	v35 =	vadd.f32 v31, v32;
	_ =	sdelay $0x1  }
0x255: {  	vm13 =	veq.f32 v24, v57;
	v32 =	vsub.f32 $1.000000000e+00, v35  }
0x256: {  	v1 =	vsel vm13, $0x3F800000, v8  }
0x257: {  	v32 =	vmul.f32 v32, v1;
	_ =	sdelay $0x1  }
0x258: {  	v35 =	vadd.f32 v32, v35;
	_ =	sdelay $0x1  }
0x259: {  	vm14 =	veq.f32 v25, v57;
	v2 =	vsub.f32 $1.000000000e+00, v35  }
0x25a: {  	v5 =	vsel vm14, $0x3F800000, v8;
	v4 =	vsub.f32 $1.000000000e+00, v28  }
0x25b: {  	v3 =	vmul.f32 v58, v19;
	v33 =	vmul.f32 v2, v5  }
0x25c: {  	v6 =	vmul.f32 v4, v27  }
0x25d: {  	v41 =	vsub.f32 v3, v20;
	v35 =	vadd.f32 v33, v35  }
0x25e: {  	[tilespmem:$0x1FFD0] =	vst v7;
	vm15 =	veq.f32 v26, v57;
	v42 =	vsub.f32 v6, v28;
	v7 =	vsub.f32 $1.000000000e+00, v29  }
0x25f: {  	[tilespmem:$0x1FFE0] =	vst v13;
	v13 =	vsel vm15, $0x3F800000, v8;
	v9 =	vsub.f32 $1.000000000e+00, v30;
	v10 =	vsub.f32 $1.000000000e+00, v35  }
0x260: {  	v56 =	vmax.f32 v41, v42;
	v37 =	vmul.f32 v7, v21;
	v12 =	vsub.f32 $1.000000000e+00, v31  }
0x261: {  	[tilespmem:$0x1FFF0] =	vst v34;
	v11 =	vmul.f32 v9, v22;
	v15 =	vsub.f32 $1.000000000e+00, v32;
	v34 =	vmul.f32 v10, v13  }
0x262: {  	v14 =	vsub.f32 v37, v29;
	v54 =	vmul.f32 v12, v23;
	v55 =	vsub.f32 $1.000000000e+00, v33  }
0x263: {  	v16 =	vsub.f32 v11, v30;
	v37 =	vmul.f32 v15, v24;
	v38 =	vsub.f32 $1.000000000e+00, v34  }
0x264: {  	v58 =	vmax.f32 v56, v14;
	v45 =	vsub.f32 v54, v31;
	v57 =	vmul.f32 v55, v25  }
0x265: {  	v36 =	vmax.f32 v58, v16;
	v46 =	vsub.f32 v37, v32;
	v59 =	vmul.f32 v38, v26  }
0x266: {  	v60 =	vmax.f32 v36, v45;
	v47 =	vsub.f32 v57, v33  }
0x267: {  	v35 =	vmax.f32 v60, v46;
	v48 =	vsub.f32 v59, v34  }
0x268: {  	v35 =	vmax.f32 v35, v47  }
0x269: {  	v61 =	vmax.f32 v35, v48  }
0x26a: {  	vm4 =	veq.f32 v41, v61  }
0x26b: {  	v35 =	vsel vm4, $0x3F800000, v8  }
0x26c: {  	vm5 =	veq.f32 v42, v61;
	v62 =	vsub.f32 $1.000000000e+00, v35  }
0x26d: {  	v63 =	vsel vm5, $0x3F800000, v8  }
0x26e: {  	v36 =	vmul.f32 v62, v63;
	_ =	sdelay $0x1  }
0x26f: {  	v0 =	vadd.f32 v36, v35;
	_ =	sdelay $0x1  }
0x270: {  	vm6 =	veq.f32 v14, v61;
	v1 =	vsub.f32 $1.000000000e+00, v0  }
0x271: {  	v2 =	vsel vm6, $0x3F800000, v8  }
0x272: {  	v37 =	vmul.f32 v1, v2;
	_ =	sdelay $0x1  }
0x273: {  	v38 =	vadd.f32 v37, v0;
	_ =	sdelay $0x1  }
0x274: {  	vm7 =	veq.f32 v16, v61;
	v3 =	vsub.f32 $1.000000000e+00, v38  }
0x275: {  	v4 =	vsel vm7, $0x3F800000, v8  }
0x276: {  	v39 =	vmul.f32 v3, v4;
	_ =	sdelay $0x1  }
0x277: {  	v40 =	vadd.f32 v39, v38;
	_ =	sdelay $0x1  }
0x278: {  	vm8 =	veq.f32 v45, v61;
	v38 =	vsub.f32 $1.000000000e+00, v40  }
0x279: {  	v5 =	vsel vm8, $0x3F800000, v8  }
0x27a: {  	v38 =	vmul.f32 v38, v5;
	_ =	sdelay $0x1  }
0x27b: {  	v51 =	vadd.f32 v38, v40;
	_ =	sdelay $0x1  }
0x27c: {  	vm9 =	veq.f32 v46, v61;
	v40 =	vsub.f32 $1.000000000e+00, v51  }
0x27d: {  	v6 =	vsel vm9, $0x3F800000, v8  }
0x27e: {  	v40 =	vmul.f32 v40, v6;
	_ =	sdelay $0x1  }
0x27f: {  	v51 =	vadd.f32 v40, v51;
	_ =	sdelay $0x1  }
0x280: {  	vm10 =	veq.f32 v47, v61;
	v7 =	vsub.f32 $1.000000000e+00, v51  }
0x281: {  	v10 =	vsel vm10, $0x3F800000, v8;
	v9 =	vsub.f32 $1.000000000e+00, v36  }
0x282: {  	v50 =	vmul.f32 v62, v41;
	v41 =	vmul.f32 v7, v10  }
0x283: {  	v42 =	vmul.f32 v9, v42  }
0x284: {  	v50 =	vsub.f32 v50, v35;
	v51 =	vadd.f32 v41, v51  }
0x285: {  	vm11 =	veq.f32 v48, v61;
	v53 =	vsub.f32 v42, v36;
	v11 =	vsub.f32 $1.000000000e+00, v37  }
0x286: {  	v15 =	vsel vm11, $0x3F800000, v8;
	v12 =	vsub.f32 $1.000000000e+00, v39;
	v13 =	vsub.f32 $1.000000000e+00, v51  }
0x287: {  	v60 =	vmax.f32 v50, v53;
	v43 =	vmul.f32 v11, v14;
	v14 =	vsub.f32 $1.000000000e+00, v38  }
0x288: {  	v44 =	vmul.f32 v12, v16;
	v16 =	vsub.f32 $1.000000000e+00, v40;
	v42 =	vmul.f32 v13, v15  }
0x289: {  	v52 =	vsub.f32 v43, v37;
	v57 =	vmul.f32 v14, v45;
	v58 =	vsub.f32 $1.000000000e+00, v41  }
0x28a: {  	v54 =	vsub.f32 v44, v39;
	v43 =	vmul.f32 v16, v46;
	v59 =	vsub.f32 $1.000000000e+00, v42  }
0x28b: {  	v62 =	vmax.f32 v60, v52;
	v51 =	vsub.f32 v57, v38;
	v61 =	vmul.f32 v58, v47  }
0x28c: {  	v45 =	vmax.f32 v62, v54;
	v55 =	vsub.f32 v43, v40;
	v63 =	vmul.f32 v59, v48  }
0x28d: {  	v56 =	vsub.f32 v61, v41;
	v0 =	vmax.f32 v45, v51  }
0x28e: {  	v1 =	vmax.f32 v0, v55;
	v57 =	vsub.f32 v63, v42  }
0x28f: {  	v43 =	vmax.f32 v1, v56  }
0x290: {  	v2 =	vmax.f32 v43, v57  }
0x291: {  	vm12 =	veq.f32 v50, v2  }
0x292: {  	v43 =	vsel vm12, $0x3F800000, v8  }
0x293: {  	vm13 =	veq.f32 v53, v2;
	v3 =	vsub.f32 $1.000000000e+00, v43  }
0x294: {  	v4 =	vsel vm13, $0x3F800000, v8  }
0x295: {  	v44 =	vmul.f32 v3, v4;
	_ =	sdelay $0x1  }
0x296: {  	v5 =	vadd.f32 v44, v43;
	_ =	sdelay $0x1  }
0x297: {  	vm14 =	veq.f32 v52, v2;
	v6 =	vsub.f32 $1.000000000e+00, v5  }
0x298: {  	v7 =	vsel vm14, $0x3F800000, v8  }
0x299: {  	v45 =	vmul.f32 v6, v7;
	_ =	sdelay $0x1  }
0x29a: {  	v47 =	vadd.f32 v45, v5;
	_ =	sdelay $0x1  }
0x29b: {  	vm15 =	veq.f32 v54, v2;
	v46 =	vsub.f32 $1.000000000e+00, v47  }
0x29c: {  	v9 =	vsel vm15, $0x3F800000, v8  }
0x29d: {  	v46 =	vmul.f32 v46, v9;
	_ =	sdelay $0x1  }
0x29e: {  	v48 =	vadd.f32 v46, v47;
	_ =	sdelay $0x1  }
0x29f: {  	vm4 =	veq.f32 v51, v2;
	v47 =	vsub.f32 $1.000000000e+00, v48  }
0x2a0: {  	v10 =	vsel vm4, $0x3F800000, v8  }
0x2a1: {  	v47 =	vmul.f32 v47, v10;
	_ =	sdelay $0x1  }
0x2a2: {  	v59 =	vadd.f32 v47, v48;
	_ =	sdelay $0x1  }
0x2a3: {  	vm5 =	veq.f32 v55, v2;
	v48 =	vsub.f32 $1.000000000e+00, v59  }
0x2a4: {  	v11 =	vsel vm5, $0x3F800000, v8  }
0x2a5: {  	v48 =	vmul.f32 v48, v11;
	_ =	sdelay $0x1  }
0x2a6: {  	v59 =	vadd.f32 v48, v59;
	_ =	sdelay $0x1  }
0x2a7: {  	vm6 =	veq.f32 v56, v2;
	v12 =	vsub.f32 $1.000000000e+00, v59  }
0x2a8: {  	v13 =	vsel vm6, $0x3F800000, v8;
	v61 =	vsub.f32 $1.000000000e+00, v44  }
0x2a9: {  	v50 =	vmul.f32 v3, v50;
	v49 =	vmul.f32 v12, v13  }
0x2aa: {  	v14 =	vmul.f32 v61, v53  }
0x2ab: {  	v60 =	vsub.f32 v50, v43;
	v59 =	vadd.f32 v49, v59  }
0x2ac: {  	vm7 =	veq.f32 v57, v2;
	v61 =	vsub.f32 v14, v44;
	v15 =	vsub.f32 $1.000000000e+00, v45  }
0x2ad: {  	v0 =	vsel vm7, $0x3F800000, v8;
	v16 =	vsub.f32 $1.000000000e+00, v46;
	v62 =	vsub.f32 $1.000000000e+00, v59  }
0x2ae: {  	v4 =	vmax.f32 v60, v61;
	v52 =	vmul.f32 v15, v52;
	v63 =	vsub.f32 $1.000000000e+00, v47  }
0x2af: {  	v54 =	vmul.f32 v16, v54;
	v1 =	vsub.f32 $1.000000000e+00, v48;
	v50 =	vmul.f32 v62, v0  }
0x2b0: {  	v52 =	vsub.f32 v52, v45;
	v51 =	vmul.f32 v63, v51;
	v2 =	vsub.f32 $1.000000000e+00, v49  }
0x2b1: {  	v53 =	vsub.f32 v54, v46;
	v55 =	vmul.f32 v1, v55;
	v3 =	vsub.f32 $1.000000000e+00, v50  }
0x2b2: {  	v5 =	vmax.f32 v4, v52;
	v51 =	vsub.f32 v51, v47;
	v54 =	vmul.f32 v2, v56  }
0x2b3: {  	v55 =	vsub.f32 v55, v48;
	v56 =	vmax.f32 v5, v53;
	v57 =	vmul.f32 v3, v57  }
0x2b4: {  	v56 =	vmax.f32 v56, v51;
	v54 =	vsub.f32 v54, v49  }
0x2b5: {  	v56 =	vmax.f32 v56, v55;
	v57 =	vsub.f32 v57, v50  }
0x2b6: {  	v56 =	vmax.f32 v56, v54  }
0x2b7: {  	v56 =	vmax.f32 v56, v57  }
0x2b8: {  	vm8 =	veq.f32 v60, v56  }
0x2b9: {  	v58 =	vsel vm8, $0x3F800000, v8  }
0x2ba: {  	vm9 =	veq.f32 v61, v56;
	v59 =	vsub.f32 $1.000000000e+00, v58  }
0x2bb: {  	v62 =	vsel vm9, $0x3F800000, v8  }
0x2bc: {  	v62 =	vmul.f32 v59, v62;
	_ =	sdelay $0x1  }
0x2bd: {  	v63 =	vadd.f32 v62, v58;
	_ =	sdelay $0x1  }
0x2be: {  	vm10 =	veq.f32 v52, v56;
	v6 =	vsub.f32 $1.000000000e+00, v63  }
0x2bf: {  	v7 =	vsel vm10, $0x3F800000, v8  }
0x2c0: {  	v6 =	vmul.f32 v6, v7;
	_ =	sdelay $0x1  }
0x2c1: {  	v1 =	vadd.f32 v6, v63;
	_ =	sdelay $0x1  }
0x2c2: {  	vm11 =	veq.f32 v53, v56;
	v63 =	vsub.f32 $1.000000000e+00, v1  }
0x2c3: {  	v9 =	vsel vm11, $0x3F800000, v8  }
0x2c4: {  	v2 =	vmul.f32 v63, v9;
	_ =	sdelay $0x1  }
0x2c5: {  	v1 =	vadd.f32 v2, v1;
	_ =	sdelay $0x1  }
0x2c6: {  	vm12 =	veq.f32 v51, v56;
	v10 =	vsub.f32 $1.000000000e+00, v1  }
0x2c7: {  	v11 =	vsel vm12, $0x3F800000, v8  }
0x2c8: {  	v3 =	vmul.f32 v10, v11;
	_ =	sdelay $0x1  }
0x2c9: {  	v1 =	vadd.f32 v3, v1;
	_ =	sdelay $0x1  }
0x2ca: {  	vm13 =	veq.f32 v55, v56;
	v12 =	vsub.f32 $1.000000000e+00, v1  }
0x2cb: {  	v13 =	vsel vm13, $0x3F800000, v8  }
0x2cc: {  	v4 =	vmul.f32 v12, v13;
	_ =	sdelay $0x1  }
0x2cd: {  	v1 =	vadd.f32 v4, v1;
	_ =	sdelay $0x1  }
0x2ce: {  	vm14 =	veq.f32 v54, v56;
	v14 =	vsub.f32 $1.000000000e+00, v1  }
0x2cf: {  	v15 =	vsel vm14, $0x3F800000, v8  }
0x2d0: {  	v0 =	vsub.f32 $1.000000000e+00, v6;
	v5 =	vmul.f32 v14, v15  }
0x2d1: {  	vm15 =	veq.f32 v57, v56  }
0x2d2: {  	v16 =	vsub.f32 $1.000000000e+00, v62;
	v0 =	vmul.f32 v0, v52;
	v1 =	vadd.f32 v5, v1  }
0x2d3: {  	v56 =	vsel vm15, $0x3F800000, v8;
	v59 =	vmul.f32 v59, v60;
	v7 =	vsub.f32 $1.000000000e+00, v2  }
0x2d4: {  	v61 =	vmul.f32 v16, v61;
	v0 =	vsub.f32 v0, v6;
	v1 =	vsub.f32 $1.000000000e+00, v1  }
0x2d5: {  	v53 =	vmul.f32 v7, v53;
	v11 =	vsub.f32 v59, v58;
	v9 =	vsub.f32 $1.000000000e+00, v3  }
0x2d6: {  	v12 =	vsub.f32 v61, v62;
	v10 =	vsub.f32 $1.000000000e+00, v4;
	v1 =	vmul.f32 v1, v56  }
0x2d7: {  	v53 =	vsub.f32 v53, v2;
	v51 =	vmul.f32 v9, v51;
	v13 =	vsub.f32 $1.000000000e+00, v5  }
0x2d8: {  	v61 =	vmax.f32 v11, v12;
	v52 =	vmul.f32 v10, v55;
	v14 =	vsub.f32 $1.000000000e+00, v1  }
0x2d9: {  	v51 =	vsub.f32 v51, v3;
	v15 =	vmax.f32 v61, v0;
	v54 =	vmul.f32 v13, v54  }
0x2da: {  	v52 =	vsub.f32 v52, v4;
	v55 =	vmax.f32 v15, v53;
	v57 =	vmul.f32 v14, v57  }
0x2db: {  	v55 =	vmax.f32 v55, v51;
	v54 =	vsub.f32 v54, v5  }
0x2dc: {  	v55 =	vmax.f32 v55, v52;
	v57 =	vsub.f32 v57, v1  }
0x2dd: {  	v55 =	vmax.f32 v55, v54  }
0x2de: {  	v55 =	vmax.f32 v55, v57  }
0x2df: {  	vm4 =	veq.f32 v11, v55  }
0x2e0: {  	v56 =	vsel vm4, $0x3F800000, v8  }
0x2e1: {  	vm5 =	veq.f32 v12, v55;
	v16 =	vsub.f32 $1.000000000e+00, v56  }
0x2e2: {  	v7 =	vsel vm5, $0x3F800000, v8  }
0x2e3: {  	v59 =	vmul.f32 v16, v7;
	_ =	sdelay $0x1  }
0x2e4: {  	v60 =	vadd.f32 v59, v56;
	_ =	sdelay $0x1  }
0x2e5: {  	vm6 =	veq.f32 v0, v55;
	v9 =	vsub.f32 $1.000000000e+00, v60  }
0x2e6: {  	v10 =	vsel vm6, $0x3F800000, v8  }
0x2e7: {  	v0 =	vmul.f32 v9, v10;
	_ =	sdelay $0x1  }
0x2e8: {  	v60 =	vadd.f32 v0, v60  }
0x2e9: {  	v28 =	vadd.f32 $0.0e+00, v28  }
0x2ea: {  	v29 =	vadd.f32 $0.0e+00, v29;
	vm7 =	veq.f32 v53, v55;
	v11 =	vsub.f32 $1.000000000e+00, v60  }
0x2eb: {  	v30 =	vadd.f32 $0.0e+00, v30;
	v31 =	vadd.f32 $0.0e+00, v31;
	v12 =	vsel vm7, $0x3F800000, v8  }
0x2ec: {  	v32 =	vadd.f32 $0.0e+00, v32;
	v33 =	vadd.f32 $0.0e+00, v33;
	v13 =	vmul.f32 v11, v12  }
0x2ed: {  	v34 =	vadd.f32 $0.0e+00, v34;
	v20 =	vadd.f32 v35, v20  }
0x2ee: {  	v28 =	vadd.f32 v36, v28;
	v14 =	vadd.f32 v13, v60  }
0x2ef: {  	v29 =	vadd.f32 v37, v29;
	v30 =	vadd.f32 v39, v30  }
0x2f0: {  	v31 =	vadd.f32 v38, v31;
	vm8 =	veq.f32 v51, v55;
	v15 =	vsub.f32 $1.000000000e+00, v14  }
0x2f1: {  	v32 =	vadd.f32 v40, v32;
	v33 =	vadd.f32 v41, v33;
	v16 =	vsel vm8, $0x3F800000, v8  }
0x2f2: {  	v34 =	vadd.f32 v42, v34;
	v20 =	vadd.f32 v43, v20;
	v37 =	vmul.f32 v15, v16  }
0x2f3: {  	v28 =	vadd.f32 v44, v28;
	v29 =	vadd.f32 v45, v29  }
0x2f4: {  	v30 =	vadd.f32 v46, v30;
	v36 =	vadd.f32 v37, v14  }
0x2f5: {  	v31 =	vadd.f32 v47, v31;
	v32 =	vadd.f32 v48, v32  }
0x2f6: {  	v33 =	vadd.f32 v49, v33;
	vm9 =	veq.f32 v52, v55;
	v47 =	vsub.f32 $1.000000000e+00, v36  }
0x2f7: {  	v20 =	vadd.f32 v58, v20;
	v28 =	vadd.f32 v62, v28;
	v49 =	vsel vm9, $0x3F800000, v8  }
0x2f8: {  	v34 =	vadd.f32 v50, v34;
	v6 =	vadd.f32 v6, v29;
	v38 =	vmul.f32 v47, v49  }
0x2f9: {  	v20 =	vadd.f32 v56, v20;
	v28 =	vadd.f32 v59, v28  }
0x2fa: {  	v2 =	vadd.f32 v2, v30;
	vm10 =	veq.f32 v54, v55;
	v50 =	vadd.f32 v38, v36  }
0x2fb: {  	v20 =	vmul.f32 v20, v19;
	v19 =	vmul.f32 v28, v27;
	v0 =	vadd.f32 v0, v6  }
0x2fc: {  	v58 =	vld [tilespmem:$0x70];
	v3 =	vadd.f32 v3, v31;
	v52 =	vsel vm10, $0x3F800000, v8;
	v51 =	vsub.f32 $1.000000000e+00, v50  }
0x2fd: {  	v54 =	vld [tilespmem:$0x30];
	v53 =	vadd.f32 v19, v20;
	v21 =	vmul.f32 v0, v21;
	v2 =	vadd.f32 v13, v2  }
0x2fe: {  	v4 =	vadd.f32 v4, v32;
	v5 =	vadd.f32 v5, v33;
	v59 =	vld [tilespmem:$0xB0];
	v6 =	vmul.f32 v51, v52  }
0x2ff: {  	v0 =	vadd.f32 v21, v53;
	v22 =	vmul.f32 v2, v22;
	v3 =	vadd.f32 v37, v3  }
0x300: {  	v1 =	vadd.f32 v1, v34;
	v60 =	vld [tilespmem:$0xF0];
	v56 =	vadd.f32 v6, v50  }
0x301: {  	vm11 =	veq.f32 v57, v55;
	v0 =	vadd.f32 v22, v0;
	v23 =	vmul.f32 v3, v23  }
0x302: {  	v62 =	vld [tilespmem:$0x130];
	v11 =	vmax.f32 v54, v58;
	v4 =	vadd.f32 v38, v4;
	v28 =	vsub.f32 $1.000000000e+00, v56  }
0x303: {  	v61 =	vsel vm11, $0x3F800000, v8;
	v9 =	vld [tilespmem:$0x170];
	v31 =	vmax.f32 v11, v59;
	v0 =	vadd.f32 v23, v0  }
0x304: {  	v10 =	vld [tilespmem:$0x1B0];
	v24 =	vmul.f32 v4, v24;
	v5 =	vadd.f32 v6, v5;
	v63 =	vmul.f32 v28, v61  }
0x305: {  	v12 =	vld [tilespmem:$0x1F0];
	v13 =	vmax.f32 v31, v60  }
0x306: {  	v0 =	vadd.f32 v24, v0;
	v25 =	vmul.f32 v5, v25;
	v1 =	vadd.f32 v63, v1  }
0x307: {  	v5 =	vmax.f32 v13, v62  }
0x308: {  	v14 =	vmax.f32 v5, v9;
	v0 =	vadd.f32 v25, v0;
	v26 =	vmul.f32 v1, v26  }
0x309: {  	v1 =	vmax.f32 v14, v10  }
0x30a: {  	v1 =	vmax.f32 v1, v12;
	v0 =	vadd.f32 v26, v0  }
0x30b: {  	v15 =	vsub.f32 v54, v1  }
0x30c: {  	v16 =	vsub.f32 v58, v1;
	v0 =	vadd.f32 $9.999999930e-09, v0  }
0x30d: {  	v5 =	vmul.f32 $1.442695020e+00, v15  }
0x30e: {  	v2 =	vsub.f32 v59, v1;
	v31 =	vmul.f32 $1.442695020e+00, v16;
	(erf) = vrcp.f32 v0  }
0x30f: {  	(erf) = vpow2.f32 v5  }
0x310: {  	v33 =	vsub.f32 v60, v1;
	v32 =	vmul.f32 $1.442695020e+00, v2;
	(erf) = vpow2.f32 v31;
	_ =	sdelay $0x1  }
0x311: {  	v35 =	vsub.f32 v62, v1;
	v34 =	vmul.f32 $1.442695020e+00, v33;
	(erf) = vpow2.f32 v32;
	_ =	sdelay $0x1  }
0x312: {  	v37 =	vsub.f32 v9, v1;
	v36 =	vmul.f32 $1.442695020e+00, v35;
	(erf) = vpow2.f32 v34;
	_ =	sdelay $0x1  }
0x313: {  	v39 =	vsub.f32 v10, v1;
	v38 =	vmul.f32 $1.442695020e+00, v37;
	(erf) = vpow2.f32 v36  }
0x314: {  	v27 =	vpop (erf)  }
0x315: {  	v1 =	vsub.f32 v12, v1;
	v41 =	vmul.f32 $1.442695020e+00, v39;
	(erf) = vpow2.f32 v38;
	v40 =	vpop (erf)  }
0x316: {  	v42 =	vpop (erf)  }
0x317: {  	v43 =	vmul.f32 $1.442695020e+00, v1;
	(erf) = vpow2.f32 v41;
	v44 =	vadd.f32 v42, v40  }
0x318: {  	v45 =	vpop (erf)  }
0x319: {  	(erf) = vpow2.f32 v43;
	v46 =	vadd.f32 v44, v45  }
0x31a: {  	v47 =	vpop (erf)  }
0x31b: {  	v0 =	vadd.f32 v46, v47  }
0x31c: {  	v48 =	vpop (erf)  }
0x31d: {  	v0 =	vadd.f32 v0, v48  }
0x31e: {  	v49 =	vpop (erf)  }
0x31f: {  	v0 =	vadd.f32 v0, v49  }
0x320: {  	v50 =	vpop (erf)  }
0x321: {  	v0 =	vadd.f32 v0, v50  }
0x322: {  	v51 =	vpop (erf)  }
0x323: {  	v0 =	vadd.f32 v0, v51;
	_ =	sdelay $0x1  }
0x324: {  	(erf) = vrcp.f32 v0;
	_ =	sdelay $0x8  }
0x325: {  	v0 =	vpop (erf)  }
0x326: {  	v34 =	vmul.f32 v0, v40;
	v35 =	vmul.f32 v0, v42  }
0x327: {  	v33 =	vmul.f32 v0, v45  }
0x328: {  	v32 =	vmul.f32 v0, v47;
	v52 =	vmax.f32 v34, v35  }
0x329: {  	v31 =	vmul.f32 v0, v48;
	v1 =	vmax.f32 v52, v33  }
0x32a: {  	v30 =	vmul.f32 v0, v49;
	v1 =	vmax.f32 v1, v32  }
0x32b: {  	v29 =	vmul.f32 v0, v50;
	v1 =	vmax.f32 v1, v31  }
0x32c: {  	v28 =	vmul.f32 v0, v51;
	v53 =	vmax.f32 v1, v30  }
0x32d: {  	v0 =	vmax.f32 v53, v29  }
0x32e: {  	v0 =	vmax.f32 v0, v28  }
0x32f: {  	v54 =	vimm.f32 $0.0e+00;
	vm12 =	veq.f32 v34, v0  }
0x330: {  	v36 =	vsel vm12, $0x3F800000, v54  }
0x331: {  	vm13 =	veq.f32 v35, v0;
	v55 =	vsub.f32 $1.000000000e+00, v36  }
0x332: {  	v56 =	vsel vm13, $0x3F800000, v54  }
0x333: {  	v37 =	vmul.f32 v55, v56;
	_ =	sdelay $0x1  }
0x334: {  	v2 =	vadd.f32 v37, v36;
	_ =	sdelay $0x1  }
0x335: {  	vm14 =	veq.f32 v33, v0;
	v57 =	vsub.f32 $1.000000000e+00, v2  }
0x336: {  	v58 =	vsel vm14, $0x3F800000, v54  }
0x337: {  	v38 =	vmul.f32 v57, v58;
	_ =	sdelay $0x1  }
0x338: {  	v2 =	vadd.f32 v38, v2;
	_ =	sdelay $0x1  }
0x339: {  	vm15 =	veq.f32 v32, v0;
	v59 =	vsub.f32 $1.000000000e+00, v2  }
0x33a: {  	v60 =	vsel vm15, $0x3F800000, v54  }
0x33b: {  	v39 =	vmul.f32 v59, v60;
	_ =	sdelay $0x1  }
0x33c: {  	v2 =	vadd.f32 v39, v2;
	_ =	sdelay $0x1  }
0x33d: {  	vm4 =	veq.f32 v31, v0;
	v61 =	vsub.f32 $1.000000000e+00, v2  }
0x33e: {  	v62 =	vsel vm4, $0x3F800000, v54  }
0x33f: {  	v41 =	vmul.f32 v61, v62;
	_ =	sdelay $0x1  }
0x340: {  	v2 =	vadd.f32 v41, v2;
	_ =	sdelay $0x1  }
0x341: {  	vm5 =	veq.f32 v30, v0;
	v63 =	vsub.f32 $1.000000000e+00, v2  }
0x342: {  	v8 =	vsel vm5, $0x3F800000, v54  }
0x343: {  	v40 =	vmul.f32 v63, v8;
	_ =	sdelay $0x1  }
0x344: {  	v2 =	vadd.f32 v40, v2;
	_ =	sdelay $0x1  }
0x345: {  	v15 =	vimm.f32 $0.0e+00;
	vm6 =	veq.f32 v29, v0;
	v9 =	vsub.f32 $1.000000000e+00, v2  }
0x346: {  	v11 =	vsel vm6, $0x3F800000, v15;
	v10 =	vsub.f32 $1.000000000e+00, v37  }
0x347: {  	v1 =	vmul.f32 v55, v34;
	v42 =	vmul.f32 v9, v11  }
0x348: {  	v12 =	vmul.f32 v10, v35  }
0x349: {  	v1 =	vsub.f32 v1, v36;
	v2 =	vadd.f32 v42, v2  }
0x34a: {  	vm7 =	veq.f32 v28, v0;
	v3 =	vsub.f32 v12, v37;
	v13 =	vsub.f32 $1.000000000e+00, v38  }
0x34b: {  	v50 =	vsel vm7, $0x3F800000, v15;
	v14 =	vsub.f32 $1.000000000e+00, v39;
	v16 =	vsub.f32 $1.000000000e+00, v2  }
0x34c: {  	v56 =	vmax.f32 v1, v3;
	v4 =	vmul.f32 v13, v33;
	v49 =	vsub.f32 $1.000000000e+00, v41  }
0x34d: {  	v48 =	vmul.f32 v14, v32;
	v51 =	vsub.f32 $1.000000000e+00, v40;
	v43 =	vmul.f32 v16, v50  }
0x34e: {  	v4 =	vsub.f32 v4, v38;
	v52 =	vmul.f32 v49, v31;
	v53 =	vsub.f32 $1.000000000e+00, v42  }
0x34f: {  	v0 =	vsub.f32 v48, v39;
	v54 =	vmul.f32 v51, v30;
	v55 =	vsub.f32 $1.000000000e+00, v43  }
0x350: {  	v45 =	vmax.f32 v56, v4;
	v2 =	vsub.f32 v52, v41;
	v5 =	vmul.f32 v53, v29  }
0x351: {  	v45 =	vmax.f32 v45, v0;
	v6 =	vsub.f32 v54, v40;
	v44 =	vmul.f32 v55, v28  }
0x352: {  	v5 =	vsub.f32 v5, v42;
	v45 =	vmax.f32 v45, v2  }
0x353: {  	v57 =	vmax.f32 v45, v6;
	v52 =	vsub.f32 v44, v43  }
0x354: {  	v44 =	vmax.f32 v57, v5  }
0x355: {  	v58 =	vmax.f32 v44, v52  }
0x356: {  	vm8 =	veq.f32 v1, v58  }
0x357: {  	v45 =	vsel vm8, $0x3F800000, v15  }
0x358: {  	vm9 =	veq.f32 v3, v58;
	v59 =	vsub.f32 $1.000000000e+00, v45  }
0x359: {  	v60 =	vsel vm9, $0x3F800000, v15  }
0x35a: {  	v44 =	vmul.f32 v59, v60;
	_ =	sdelay $0x1  }
0x35b: {  	v61 =	vadd.f32 v44, v45;
	_ =	sdelay $0x1  }
0x35c: {  	vm10 =	veq.f32 v4, v58;
	v62 =	vsub.f32 $1.000000000e+00, v61  }
0x35d: {  	v63 =	vsel vm10, $0x3F800000, v15  }
0x35e: {  	v46 =	vmul.f32 v62, v63;
	_ =	sdelay $0x1  }
0x35f: {  	v48 =	vadd.f32 v46, v61;
	_ =	sdelay $0x1  }
0x360: {  	vm11 =	veq.f32 v0, v58;
	v47 =	vsub.f32 $1.000000000e+00, v48  }
0x361: {  	v7 =	vsel vm11, $0x3F800000, v15  }
0x362: {  	v47 =	vmul.f32 v47, v7;
	_ =	sdelay $0x1  }
0x363: {  	v49 =	vadd.f32 v47, v48;
	_ =	sdelay $0x1  }
0x364: {  	vm12 =	veq.f32 v2, v58;
	v48 =	vsub.f32 $1.000000000e+00, v49  }
0x365: {  	v8 =	vsel vm12, $0x3F800000, v15  }
0x366: {  	v48 =	vmul.f32 v48, v8;
	_ =	sdelay $0x1  }
0x367: {  	v53 =	vadd.f32 v48, v49;
	_ =	sdelay $0x1  }
0x368: {  	vm13 =	veq.f32 v6, v58;
	v49 =	vsub.f32 $1.000000000e+00, v53  }
0x369: {  	v9 =	vsel vm13, $0x3F800000, v15  }
0x36a: {  	v49 =	vmul.f32 v49, v9;
	_ =	sdelay $0x1  }
0x36b: {  	v53 =	vadd.f32 v49, v53;
	_ =	sdelay $0x1  }
0x36c: {  	vm14 =	veq.f32 v5, v58;
	v10 =	vsub.f32 $1.000000000e+00, v53  }
0x36d: {  	v12 =	vsel vm14, $0x3F800000, v15;
	v11 =	vsub.f32 $1.000000000e+00, v44  }
0x36e: {  	v50 =	vmul.f32 v10, v12  }
0x36f: {  	v1 =	vmul.f32 v59, v1;
	v3 =	vmul.f32 v11, v3;
	v13 =	vsub.f32 $1.000000000e+00, v46  }
0x370: {  	v53 =	vadd.f32 v50, v53  }
0x371: {  	v3 =	vsub.f32 v3, v44;
	v4 =	vmul.f32 v13, v4;
	v7 =	vsub.f32 v1, v45  }
0x372: {  	vm15 =	veq.f32 v52, v58;
	v14 =	vsub.f32 $1.000000000e+00, v47;
	v16 =	vsub.f32 $1.000000000e+00, v53  }
0x373: {  	v58 =	vsel vm15, $0x3F800000, v15;
	v4 =	vsub.f32 v4, v46;
	v57 =	vsub.f32 $1.000000000e+00, v48  }
0x374: {  	v0 =	vmul.f32 v14, v0;
	v59 =	vsub.f32 $1.000000000e+00, v49;
	v51 =	vmul.f32 v16, v58  }
0x375: {  	v61 =	vmax.f32 v7, v3;
	v2 =	vmul.f32 v57, v2;
	v60 =	vsub.f32 $1.000000000e+00, v50  }
0x376: {  	v1 =	vsub.f32 v0, v47;
	v6 =	vmul.f32 v59, v6;
	v54 =	vsub.f32 $1.000000000e+00, v51  }
0x377: {  	v62 =	vmax.f32 v61, v4;
	v2 =	vsub.f32 v2, v48;
	v5 =	vmul.f32 v60, v5  }
0x378: {  	v6 =	vsub.f32 v6, v49;
	v53 =	vmax.f32 v62, v1;
	v52 =	vmul.f32 v54, v52  }
0x379: {  	v53 =	vmax.f32 v53, v2;
	v5 =	vsub.f32 v5, v50  }
0x37a: {  	v63 =	vmax.f32 v53, v6;
	v60 =	vsub.f32 v52, v51  }
0x37b: {  	v52 =	vmax.f32 v63, v5  }
0x37c: {  	v59 =	vmax.f32 v52, v60  }
0x37d: {  	vm4 =	veq.f32 v7, v59  }
0x37e: {  	v52 =	vsel vm4, $0x3F800000, v15  }
0x37f: {  	vm5 =	veq.f32 v3, v59;
	v61 =	vsub.f32 $1.000000000e+00, v52  }
0x380: {  	v0 =	vsel vm5, $0x3F800000, v15  }
0x381: {  	v53 =	vmul.f32 v61, v0;
	_ =	sdelay $0x1  }
0x382: {  	v8 =	vadd.f32 v53, v52;
	_ =	sdelay $0x1  }
0x383: {  	vm6 =	veq.f32 v4, v59;
	v9 =	vsub.f32 $1.000000000e+00, v8  }
0x384: {  	v10 =	vsel vm6, $0x3F800000, v15  }
0x385: {  	v54 =	vmul.f32 v9, v10;
	_ =	sdelay $0x1  }
0x386: {  	v56 =	vadd.f32 v54, v8;
	_ =	sdelay $0x1  }
0x387: {  	vm7 =	veq.f32 v1, v59;
	v55 =	vsub.f32 $1.000000000e+00, v56  }
0x388: {  	v11 =	vsel vm7, $0x3F800000, v15  }
0x389: {  	v55 =	vmul.f32 v55, v11;
	_ =	sdelay $0x1  }
0x38a: {  	v57 =	vadd.f32 v55, v56;
	_ =	sdelay $0x1  }
0x38b: {  	vm8 =	veq.f32 v2, v59;
	v56 =	vsub.f32 $1.000000000e+00, v57  }
0x38c: {  	v12 =	vsel vm8, $0x3F800000, v15  }
0x38d: {  	v56 =	vmul.f32 v56, v12;
	_ =	sdelay $0x1  }
0x38e: {  	v58 =	vadd.f32 v56, v57;
	_ =	sdelay $0x1  }
0x38f: {  	vm9 =	veq.f32 v6, v59;
	v57 =	vsub.f32 $1.000000000e+00, v58  }
0x390: {  	v13 =	vsel vm9, $0x3F800000, v15  }
0x391: {  	v57 =	vmul.f32 v57, v13;
	_ =	sdelay $0x1  }
0x392: {  	v62 =	vadd.f32 v57, v58;
	_ =	sdelay $0x1  }
0x393: {  	vm10 =	veq.f32 v5, v59;
	v58 =	vsub.f32 $1.000000000e+00, v62  }
0x394: {  	v14 =	vsel vm10, $0x3F800000, v15;
	v16 =	vsub.f32 $1.000000000e+00, v53  }
0x395: {  	v58 =	vmul.f32 v58, v14  }
0x396: {  	v7 =	vmul.f32 v61, v7;
	v3 =	vmul.f32 v16, v3;
	v9 =	vsub.f32 $1.000000000e+00, v54  }
0x397: {  	v10 =	vadd.f32 v58, v62  }
0x398: {  	v7 =	vsub.f32 v7, v52;
	v0 =	vmul.f32 v9, v4;
	v9 =	vsub.f32 v3, v53  }
0x399: {  	vm11 =	veq.f32 v60, v59;
	v11 =	vsub.f32 $1.000000000e+00, v55;
	v13 =	vsub.f32 $1.000000000e+00, v10  }
0x39a: {  	v16 =	vsel vm11, $0x3F800000, v15;
	v3 =	vsub.f32 v0, v54;
	v12 =	vsub.f32 $1.000000000e+00, v56  }
0x39b: {  	v1 =	vmul.f32 v11, v1;
	v14 =	vsub.f32 $1.000000000e+00, v57;
	v59 =	vmul.f32 v13, v16  }
0x39c: {  	v11 =	vmax.f32 v7, v9;
	v2 =	vmul.f32 v12, v2;
	v0 =	vsub.f32 $1.000000000e+00, v58  }
0x39d: {  	v8 =	vsub.f32 v1, v55;
	v4 =	vmul.f32 v14, v6;
	v61 =	vsub.f32 $1.000000000e+00, v59  }
0x39e: {  	v12 =	vmax.f32 v11, v3;
	v2 =	vsub.f32 v2, v56;
	v5 =	vmul.f32 v0, v5  }
0x39f: {  	v6 =	vmax.f32 v12, v8;
	v4 =	vsub.f32 v4, v57;
	v60 =	vmul.f32 v61, v60  }
0x3a0: {  	v6 =	vmax.f32 v6, v2;
	v5 =	vsub.f32 v5, v58  }
0x3a1: {  	v6 =	vmax.f32 v6, v4;
	v60 =	vsub.f32 v60, v59  }
0x3a2: {  	v6 =	vmax.f32 v6, v5  }
0x3a3: {  	v6 =	vmax.f32 v6, v60  }
0x3a4: {  	vm12 =	veq.f32 v7, v6  }
0x3a5: {  	v61 =	vsel vm12, $0x3F800000, v15  }
0x3a6: {  	vm13 =	veq.f32 v9, v6;
	v62 =	vsub.f32 $1.000000000e+00, v61  }
0x3a7: {  	v13 =	vsel vm13, $0x3F800000, v15  }
0x3a8: {  	v63 =	vmul.f32 v62, v13;
	_ =	sdelay $0x1  }
0x3a9: {  	v14 =	vadd.f32 v63, v61;
	_ =	sdelay $0x1  }
0x3aa: {  	vm14 =	veq.f32 v3, v6;
	v16 =	vsub.f32 $1.000000000e+00, v14  }
0x3ab: {  	v12 =	vsel vm14, $0x3F800000, v15  }
0x3ac: {  	v16 =	vmul.f32 v16, v12;
	_ =	sdelay $0x1  }
0x3ad: {  	v0 =	vadd.f32 v16, v14;
	_ =	sdelay $0x1  }
0x3ae: {  	vm15 =	veq.f32 v8, v6;
	v13 =	vsub.f32 $1.000000000e+00, v0  }
0x3af: {  	v14 =	vsel vm15, $0x3F800000, v15  }
0x3b0: {  	v10 =	vmul.f32 v13, v14;
	_ =	sdelay $0x1  }
0x3b1: {  	v0 =	vadd.f32 v10, v0;
	_ =	sdelay $0x1  }
0x3b2: {  	vm4 =	veq.f32 v2, v6;
	v11 =	vsub.f32 $1.000000000e+00, v0  }
0x3b3: {  	v1 =	vsel vm4, $0x3F800000, v15  }
0x3b4: {  	v11 =	vmul.f32 v11, v1;
	_ =	sdelay $0x1  }
0x3b5: {  	v0 =	vadd.f32 v11, v0;
	_ =	sdelay $0x1  }
0x3b6: {  	vm5 =	veq.f32 v4, v6;
	v12 =	vsub.f32 $1.000000000e+00, v0  }
0x3b7: {  	v1 =	vsel vm5, $0x3F800000, v15  }
0x3b8: {  	v12 =	vmul.f32 v12, v1;
	_ =	sdelay $0x1  }
0x3b9: {  	v0 =	vadd.f32 v12, v0;
	_ =	sdelay $0x1  }
0x3ba: {  	vm6 =	veq.f32 v5, v6;
	v13 =	vsub.f32 $1.000000000e+00, v0  }
0x3bb: {  	v1 =	vsel vm6, $0x3F800000, v15  }
0x3bc: {  	v13 =	vmul.f32 v13, v1  }
0x3bd: {  	vm7 =	veq.f32 v60, v6;
	v14 =	vsub.f32 $1.000000000e+00, v63  }
0x3be: {  	v7 =	vmul.f32 v62, v7;
	v62 =	vsub.f32 $1.000000000e+00, v10;
	v0 =	vadd.f32 v13, v0  }
0x3bf: {  	v9 =	vmul.f32 v14, v9;
	v14 =	vsub.f32 $1.000000000e+00, v11;
	v1 =	vsub.f32 $1.000000000e+00, v16  }
0x3c0: {  	v6 =	vsel vm7, $0x3F800000, v15;
	v8 =	vmul.f32 v62, v8;
	v0 =	vsub.f32 $1.000000000e+00, v0  }
0x3c1: {  	v2 =	vmul.f32 v14, v2;
	v14 =	vsub.f32 $1.000000000e+00, v12;
	v1 =	vmul.f32 v1, v3  }
0x3c2: {  	v0 =	vmul.f32 v0, v6;
	v6 =	vsub.f32 v7, v61;
	v7 =	vsub.f32 v9, v63  }
0x3c3: {  	v3 =	vmul.f32 v14, v4;
	v4 =	vsub.f32 $1.000000000e+00, v13;
	v1 =	vsub.f32 v1, v16  }
0x3c4: {  	v8 =	vsub.f32 v8, v10;
	v9 =	vsub.f32 $1.000000000e+00, v0;
	v62 =	vmax.f32 v6, v7  }
0x3c5: {  	v2 =	vsub.f32 v2, v11;
	v4 =	vmul.f32 v4, v5;
	v14 =	vmax.f32 v62, v1  }
0x3c6: {  	v3 =	vsub.f32 v3, v12;
	v9 =	vmul.f32 v9, v60;
	v5 =	vmax.f32 v14, v8  }
0x3c7: {  	v4 =	vsub.f32 v4, v13;
	v5 =	vmax.f32 v5, v2  }
0x3c8: {  	v9 =	vsub.f32 v9, v0;
	v5 =	vmax.f32 v5, v3  }
0x3c9: {  	v5 =	vmax.f32 v5, v4  }
0x3ca: {  	v5 =	vmax.f32 v5, v9  }
0x3cb: {  	vm8 =	veq.f32 v6, v5  }
0x3cc: {  	v6 =	vsel vm8, $0x3F800000, v15  }
0x3cd: {  	vm9 =	veq.f32 v7, v5;
	v60 =	vsub.f32 $1.000000000e+00, v6  }
0x3ce: {  	v62 =	vsel vm9, $0x3F800000, v15  }
0x3cf: {  	v7 =	vmul.f32 v60, v62;
	_ =	sdelay $0x1  }
0x3d0: {  	v14 =	vadd.f32 v7, v6;
	_ =	sdelay $0x1  }
0x3d1: {  	vm10 =	veq.f32 v1, v5;
	v1 =	vsub.f32 $1.000000000e+00, v14  }
0x3d2: {  	v60 =	vsel vm10, $0x3F800000, v15  }
0x3d3: {  	v1 =	vmul.f32 v1, v60;
	_ =	sdelay $0x1  }
0x3d4: {  	v14 =	vadd.f32 v1, v14;
	_ =	sdelay $0x1  }
0x3d5: {  	v37 =	vadd.f32 $0.0e+00, v37;
	vm11 =	veq.f32 v8, v5;
	v60 =	vsub.f32 $1.000000000e+00, v14  }
0x3d6: {  	v39 =	vadd.f32 $0.0e+00, v39;
	v40 =	vadd.f32 $0.0e+00, v40;
	v62 =	vsel vm11, $0x3F800000, v15  }
0x3d7: {  	v41 =	vadd.f32 $0.0e+00, v41;
	v8 =	vadd.f32 $0.0e+00, v38;
	v38 =	vmul.f32 v60, v62  }
0x3d8: {  	v42 =	vadd.f32 $0.0e+00, v42;
	v43 =	vadd.f32 $0.0e+00, v43  }
0x3d9: {  	v36 =	vadd.f32 v45, v36;
	v14 =	vadd.f32 v38, v14  }
0x3da: {  	v37 =	vadd.f32 v44, v37;
	v39 =	vadd.f32 v47, v39  }
0x3db: {  	v40 =	vadd.f32 v49, v40;
	vm12 =	veq.f32 v2, v5;
	v49 =	vsub.f32 $1.000000000e+00, v14  }
0x3dc: {  	v41 =	vadd.f32 v48, v41;
	v43 =	vadd.f32 v51, v43;
	v51 =	vsel vm12, $0x3F800000, v15  }
0x3dd: {  	v42 =	vadd.f32 v50, v42;
	v36 =	vadd.f32 v52, v36;
	v2 =	vmul.f32 v49, v51  }
0x3de: {  	v37 =	vadd.f32 v53, v37;
	v39 =	vadd.f32 v55, v39  }
0x3df: {  	v50 =	vmul.f32 v27, v20;
	v8 =	vadd.f32 v46, v8;
	v14 =	vadd.f32 v2, v14  }
0x3e0: {  	v52 =	vmul.f32 v27, v21;
	v42 =	vadd.f32 v58, v42;
	v43 =	vadd.f32 v59, v43  }
0x3e1: {  	vm13 =	veq.f32 v3, v5;
	v8 =	vadd.f32 v54, v8;
	v58 =	vsub.f32 $1.000000000e+00, v14  }
0x3e2: {  	v36 =	vadd.f32 v61, v36;
	v37 =	vadd.f32 v63, v37;
	v59 =	vsel vm13, $0x3F800000, v15  }
0x3e3: {  	v41 =	vadd.f32 v56, v41;
	v8 =	vadd.f32 v16, v8;
	v3 =	vmul.f32 v58, v59  }
0x3e4: {  	v53 =	vmul.f32 v27, v22;
	v6 =	vadd.f32 v6, v36;
	v7 =	vadd.f32 v7, v37  }
0x3e5: {  	v10 =	vadd.f32 v10, v39;
	vm14 =	veq.f32 v4, v5;
	v14 =	vadd.f32 v3, v14  }
0x3e6: {  	v6 =	vmul.f32 v6, v34;
	v7 =	vmul.f32 v7, v35;
	v1 =	vadd.f32 v1, v8  }
0x3e7: {  	v11 =	vadd.f32 v11, v41;
	v61 =	vsel vm14, $0x3F800000, v15;
	v60 =	vsub.f32 $1.000000000e+00, v14  }
0x3e8: {  	v1 =	vmul.f32 v1, v33;
	v62 =	vadd.f32 v7, v6;
	v10 =	vadd.f32 v38, v10  }
0x3e9: {  	v55 =	vmul.f32 v27, v24;
	v40 =	vadd.f32 v57, v40;
	v4 =	vmul.f32 v60, v61  }
0x3ea: {  	v8 =	vadd.f32 v1, v62;
	v16 =	vmul.f32 v10, v32;
	v2 =	vadd.f32 v2, v11  }
0x3eb: {  	v56 =	vmul.f32 v27, v25;
	v12 =	vadd.f32 v12, v40;
	v63 =	vadd.f32 v4, v14  }
0x3ec: {  	v13 =	vadd.f32 v13, v42;
	v8 =	vadd.f32 v16, v8;
	v2 =	vmul.f32 v2, v31  }
0x3ed: {  	[tilespmem:$0x220] =	vst v50;
	vm15 =	veq.f32 v9, v5;
	v33 =	vld [tilespmem:$0x1FF10];
	v3 =	vadd.f32 v3, v12;
	v5 =	vsub.f32 $1.000000000e+00, v63  }
0x3ee: {  	[tilespmem:$0x2A0] =	vst v52;
	v0 =	vadd.f32 v0, v43;
	v36 =	vsel vm15, $0x3F800000, v15;
	v32 =	vld [tilespmem:$0x1FF00];
	v8 =	vadd.f32 v2, v8  }
0x3ef: {  	[tilespmem:$0x2E0] =	vst v53;
	v3 =	vmul.f32 v3, v30;
	v4 =	vadd.f32 v4, v13;
	v5 =	vmul.f32 v5, v36  }
0x3f0: {  	[tilespmem:$0x360] =	vst v55;
	v57 =	vmul.f32 v27, v26;
	v54 =	vmul.f32 v27, v23;
	v35 =	vld [tilespmem:$0x1FF30]  }
0x3f1: {  	[tilespmem:$0x3A0] =	vst v56;
	v34 =	vld [tilespmem:$0x1FF20];
	v8 =	vadd.f32 v3, v8;
	v4 =	vmul.f32 v4, v29;
	v0 =	vadd.f32 v5, v0  }
0x3f2: {  	[tilespmem:$0x3E0] =	vst v57;
	v38 =	vld [tilespmem:$0x1FF50];
	v49 =	vmul.f32 v18, v17  }
0x3f3: {  	v37 =	vld [tilespmem:$0x1FF40];
	[tilespmem:$0x320] =	vst v54;
	v10 =	vmul.f32 v33, v32;
	v8 =	vadd.f32 v4, v8;
	v0 =	vmul.f32 v0, v28  }
0x3f4: {  	v40 =	vld [tilespmem:$0x1FF70];
	v51 =	vmul.f32 v27, v19;
	[tilespmem:$0x3D0] =	vst v49  }
0x3f5: {  	v39 =	vld [tilespmem:$0x1FF60];
	[tilespmem:$0x200] =	vst v10;
	v10 =	vmul.f32 v33, v35;
	v8 =	vadd.f32 v0, v8  }
0x3f6: {  	v42 =	vld [tilespmem:$0x1FF90];
	v11 =	vmul.f32 v33, v34;
	[tilespmem:$0x260] =	vst v51  }
0x3f7: {  	v41 =	vld [tilespmem:$0x1FF80];
	[tilespmem:$0x280] =	vst v10;
	v10 =	vmul.f32 v33, v38;
	v8 =	vadd.f32 $9.999999930e-09, v8  }
0x3f8: {  	v44 =	vld [tilespmem:$0x1FFB0];
	[tilespmem:$0x240] =	vst v11;
	v11 =	vmul.f32 v33, v37  }
0x3f9: {  	v43 =	vld [tilespmem:$0x1FFA0];
	[tilespmem:$0x300] =	vst v10;
	v10 =	vmul.f32 v33, v40;
	(erf) = vrcp.f32 v8  }
0x3fa: {  	v46 =	vld [tilespmem:$0x1FFD0];
	[tilespmem:$0x2C0] =	vst v11;
	v5 =	vmul.f32 v33, v39  }
0x3fb: {  	v45 =	vld [tilespmem:$0x1FFC0];
	[tilespmem:$0x380] =	vst v10;
	v10 =	vmul.f32 v18, v42  }
0x3fc: {  	v48 =	vld [tilespmem:$0x1FFF0];
	[tilespmem:$0x340] =	vst v5;
	v5 =	vmul.f32 v33, v41  }
0x3fd: {  	v47 =	vld [tilespmem:$0x1FFE0];
	[tilespmem:$0x210] =	vst v10;
	v10 =	vmul.f32 v18, v44  }
0x3fe: {  	[tilespmem:$0x3C0] =	vst v5;
	v5 =	vmul.f32 v18, v43  }
0x3ff: {  	[tilespmem:$0x290] =	vst v10;
	v10 =	vmul.f32 v18, v46  }
0x400: {  	[tilespmem:$0x250] =	vst v5;
	v5 =	vmul.f32 v18, v45  }
0x401: {  	[tilespmem:$0x310] =	vst v10;
	v10 =	vmul.f32 v18, v48  }
0x402: {  	[tilespmem:$0x2D0] =	vst v5;
	v5 =	vmul.f32 v18, v47;
	v58 =	vpop (erf)  }
0x403: {  	[tilespmem:$0x390] =	vst v10;
	v6 =	vmul.f32 v58, v6  }
0x404: {  	[tilespmem:$0x350] =	vst v5;
	v59 =	vmul.f32 v58, v7  }
0x405: {  	v1 =	vmul.f32 v58, v1;
	[tilespmem:$0x230] =	vst v6  }
0x406: {  	v60 =	vmul.f32 v58, v16;
	[tilespmem:$0x270] =	vst v59  }
0x407: {  	v61 =	vmul.f32 v58, v2;
	[tilespmem:$0x2B0] =	vst v1  }
0x408: {  	v62 =	vmul.f32 v58, v3;
	[tilespmem:$0x2F0] =	vst v60  }
0x409: {  	v63 =	vmul.f32 v58, v4;
	[tilespmem:$0x330] =	vst v61  }
0x40a: {  	v0 =	vmul.f32 v58, v0;
	[tilespmem:$0x370] =	vst v62  }
0x40b: {  	[tilespmem:$0x3B0] =	vst v63  }
0x40c: {  	[tilespmem:$0x3F0] =	vst v0  }
0x40d: {  	[hbm4b:s6+s2] =	stream.linear.scatter [tilespmem:s23], [sflag:$0x2], $0x40, $0x38;
	[tilespmem:$0x400] =	vst v63  }
0x40e: {  	_ = 	snop  }
0x40f: {  	[hbm4b:s7+s2] =	stream.linear.scatter [tilespmem:s24], [sflag:$0x2], $0x40, $0x38;
	[tilespmem:$0x400] =	vst v63  }
0x410: {  	_ = 	snop  }
0x411: {  	[hbm4b:s8+s2] =	stream.linear.scatter [tilespmem:s25], [sflag:$0x2], $0x40, $0x38;
	[tilespmem:$0x400] =	vst v63  }
0x412: {  	_ = 	snop  }
0x413: {  	[hbm4b:s9+s2] =	stream.linear.scatter [tilespmem:s26], [sflag:$0x2], $0x40, $0x38;
	[tilespmem:$0x400] =	vst v63  }
0x414: {  	_ = 	snop  }
0x415: {  	[hbm4b:s10+s2] =	stream.linear.scatter [tilespmem:s28], [sflag:$0x2], $0x40, $0x38;
	[tilespmem:$0x400] =	vst v63  }
0x416: {  	_ = 	snop  }
0x417: {  	[hbm4b:s11+s2] =	stream.linear.scatter [tilespmem:s29], [sflag:$0x2], $0x40, $0x38;
	[tilespmem:$0x400] =	vst v63  }
0x418: {  	_ = 	snop  }
0x419: {  	[hbm4b:s12+s2] =	stream.linear.scatter [tilespmem:s30], [sflag:$0x2], $0x40, $0x38;
	[tilespmem:$0x400] =	vst v63  }
0x41a: {  	_ = 	snop  }
0x41b: {  	[hbm4b:s13+s2] =	stream.linear.scatter [tilespmem:s31], [sflag:$0x2], $0x40, $0x38;
	[tilespmem:$0x400] =	vst v63  }
0x41c: {  	_ =	swait.ge [sflag:s0], $0x40  }
0x41d: {  	[sflag:s0] =	ssyncset.done $0x0  }
0x41e: {  	[sflag:s0] =	ssyncadd.s32 $0xFFFFFFC0  }
0x41f: {  	_ =	swait.ge [sflag:s0], $0x40  }
0x420: {  	[sflag:s0] =	ssyncset.done $0x0  }
0x421: {  	[sflag:s0] =	ssyncadd.s32 $0xFFFFFFC0  }
0x422: {  	_ =	swait.ge [sflag:s0], $0x40  }
0x423: {  	[sflag:s0] =	ssyncset.done $0x0  }
0x424: {  	[sflag:s0] =	ssyncadd.s32 $0xFFFFFFC0  }
0x425: {  	_ =	swait.ge [sflag:s0], $0x40  }
0x426: {  	[sflag:s0] =	ssyncset.done $0x0  }
0x427: {  	[sflag:s0] =	ssyncadd.s32 $0xFFFFFFC0  }
0x428: {  	_ =	swait.ge [sflag:s0], $0x40  }
0x429: {  	[sflag:s0] =	ssyncset.done $0x0  }
0x42a: {  	[sflag:s0] =	ssyncadd.s32 $0xFFFFFFC0  }
0x42b: {  	_ =	swait.ge [sflag:s0], $0x40  }
0x42c: {  	[sflag:s0] =	ssyncset.done $0x0  }
0x42d: {  	[sflag:s0] =	ssyncadd.s32 $0xFFFFFFC0  }
0x42e: {  	p0 =	sne.s32 s14, $0x1;
	_ =	swait.ge [sflag:s0], $0x40  }
.Ltmp0:
0x42f: {  	[sflag:s0] =	ssyncset.done $0x0;
	(pc) =	sbr.rel @p0 .LBB2_1-.Ltmp0, $4  }
0x430: {  	[sflag:s0] =	ssyncadd.s32 $0xFFFFFFC0  }
0x431: {  	_ =	swait.ge [sflag:s0], $0x40  }
0x432: {  	[sflag:s0] =	ssyncset.done $0x0  }
0x433: {  	s14 =	sadd.s32 $0xFFFFFFFF, s14;
	[sflag:s0] =	ssyncadd.s32 $0xFFFFFFC0  }
0x434: {  	_ =	sfence.sel $0x180000  }
0x435: {  	[bflag:$0x0] =	sbarrier.arrive $0xFFFF  }
0x436: {  	_ =	strace $0x90000047  }
0x437: {  	s0 =	stileid.u32;
	[bflag:$0x2] =	sbarrier.arrive $0xFFFF  }
0x438: {  	p0 =	sne.s32 s0, $0x0;
	s0 =	rddreg [dreg:$0x2]  }
0x439: {  	s0 =	sadd.s32 @!p0 $0x100000, s0  }
0x43a: {  	[sflag:s0] =	ssyncadd.tile.s32 @!p0 $0x1;
	_ =	shalt  }
.Lfunc_end2:
_tile_overlayer_lowered:
.L_overlay_start_2:
0x43b: {  	(tag) =	ssettag $0x2  }
0x43c: {  	s0 =	rddreg [dreg:$0x0];
	s2 =	stileid.u32  }
0x43d: {  	s1 =	rddreg [dreg:$0x1];
	p0 =	sne.s32 s2, $0x0  }
0x43e: {  	s3 =	rddreg [dreg:$0x2];
	[bflag:$0x3] =	sbarrier.arrive $0xFFFF;
	s2 =	simm.s32 @!p0 $0x1C03  }
0x43f: {  	[timem:s3], [sflag:s2] =	dma.local @!p0 [hbm:s0], s1  }
0x440: {  	s0 =	simm.s32 @!p0 $0x3  }
0x441: {  	_ =	swait.ge @!p0 [sflag:s0], s1  }
0x442: {  	s1 =	ssub.s32 @!p0 $0x0, s1;
	[sflag:s0] =	ssyncset.done @!p0 $0x0  }
0x443: {  	[sflag:s0] =	ssyncadd.s32 @!p0 s1  }
0x444: {  	[bflag:$0x3] =	sbarrier.arrive $0xFFFF  }
0x445: {  	_ =	shalt  }

</sc_bundles>
